<compile_context>
chip_gen: v7x
topology: tpu7x:2x2x1
jax: 0.10.2.dev20260603
libtpu: 0.0.44.dev20260713+nightly
codegen_flags: <defaults>
</compile_context>

<pallas_src>
import functools

import jax
import jax.numpy as jnp
from jax import lax
from jax.experimental import pallas as pl
from jax.experimental.pallas import tpu as pltpu
from jax.experimental.pallas import tpu_sc as plsc

N_LEVELS = 8
D_MODEL = 2048

try:
    _info = plsc.get_sparse_core_info()
    _NC, _NS = _info.num_cores, _info.num_subcores
except Exception:
    _NC, _NS = 2, 16
_NW = _NC * _NS


@functools.lru_cache(maxsize=None)
def _build(B: int, D: int, V: int):
    b_per_w = B // _NW
    CH = 16
    n_chunks = b_per_w // CH
    mesh = plsc.VectorSubcoreMesh(core_axis_name="c", subcore_axis_name="s")

    @functools.partial(
        pl.kernel,
        mesh=mesh,
        compiler_params=pltpu.CompilerParams(needs_layout_passes=False),
        out_type=jax.ShapeDtypeStruct((B, 1, D), jnp.float32),
        scratch_types=[
            pltpu.VMEM((b_per_w,), jnp.int32),
            pltpu.VMEM((V * D,), jnp.float32),
            [pltpu.VMEM((CH, D), jnp.float32) for _ in range(2)],
            pltpu.VMEM((CH, 1, D), jnp.float32),
            [pltpu.SemaphoreType.DMA for _ in range(2)],
            [pltpu.SemaphoreType.DMA for _ in range(3)],
        ],
    )
    def lookup_kernel(idx_hbm, rep_hbm, repf_hbm, out_hbm,
                      idx_v, table_v, sbufs, vbuf, gsems, wsems):
        wid = lax.axis_index("s") * _NC + lax.axis_index("c")
        base = wid * b_per_w
        pltpu.sync_copy(idx_hbm.at[pl.ds(base, b_per_w)], idx_v)
        pltpu.sync_copy(repf_hbm.at[pl.ds(wid * V * D, V * D)], table_v)
        lanes = lax.iota(jnp.int32, 16)
        row_off = wid * V

        def start_stream(chunk, s, p):
            @pl.when(p >= 1)
            def _():
                pltpu.make_async_copy(
                    sbufs[s], out_hbm.at[pl.ds(base, CH), 0],
                    wsems[s]).wait()
            iv = idx_v[pl.ds(chunk * CH, CH)] + row_off
            pltpu.async_copy(rep_hbm.at[iv], sbufs[s], gsems[s])

        def finish_stream(chunk, s):
            pltpu.make_async_copy(
                rep_hbm.at[pl.ds(0, CH)], sbufs[s], gsems[s]).wait()
            pltpu.async_copy(
                sbufs[s], out_hbm.at[pl.ds(base + chunk * CH, CH), 0],
                wsems[s])

        def group_body(p, carry):
            start_stream(3 * p, 0, p)
            start_stream(3 * p + 1, 1, p)

            @pl.when(p >= 1)
            def _():
                pltpu.make_async_copy(
                    vbuf, out_hbm.at[pl.ds(base, CH)], wsems[2]).wait()
            rows = idx_v[pl.ds((3 * p + 2) * CH, CH)]

            @plsc.parallel_loop(0, CH, 1, unroll=2)
            def _(i):
                rsplat = rows.at[jnp.full((16,), 0, jnp.int32) + i].get(
                    mode="promise_in_bounds")
                rl = rsplat * D + lanes
                for k in range(D // 16):
                    val = plsc.load_gather(table_v, [rl + (k * 16)])
                    vbuf[i, 0, pl.ds(k * 16, 16)] = val

            pltpu.async_copy(
                vbuf, out_hbm.at[pl.ds(base + (3 * p + 2) * CH, CH)],
                wsems[2])
            finish_stream(3 * p, 0)
            finish_stream(3 * p + 1, 1)
            return carry

        n_full = n_chunks // 3
        lax.fori_loop(0, n_full, group_body, 0, unroll=False)
        for t, s in ((n_chunks - 2, 0), (n_chunks - 1, 1)):
            pltpu.make_async_copy(
                sbufs[s], out_hbm.at[pl.ds(base, CH), 0], wsems[s]).wait()
            iv = idx_v[pl.ds(t * CH, CH)] + row_off
            pltpu.async_copy(rep_hbm.at[iv], sbufs[s], gsems[s])
        for t, s in ((n_chunks - 2, 0), (n_chunks - 1, 1)):
            finish_stream(t, s)
        for s in range(2):
            pltpu.make_async_copy(
                sbufs[s], out_hbm.at[pl.ds(base, CH), 0], wsems[s]).wait()
        pltpu.make_async_copy(
            vbuf, out_hbm.at[pl.ds(base, CH)], wsems[2]).wait()

    return lookup_kernel


def kernel(level_idx, prefix_emb):
    B = level_idx.shape[0]
    V, D = prefix_emb.shape
    rep = jnp.broadcast_to(prefix_emb[None], (_NW, V, D))
    return _build(B, D, V)(
        level_idx, rep.reshape(_NW * V, D), rep.reshape(_NW * V * D))

# --- scband reference (transcript-rebuilt; emitter-appended) ---
"""Pipeline reference for scband-thinking-level-controller-32418413150472 (READ-ONLY COPY).

The authoritative reference and input builder live on the scoring server;
editing this copy changes nothing except your own understanding.
"""

import jax, jax.numpy as jnp
import numpy as np

N_LEVELS = 8
D_MODEL = 2048
BATCH = 16384


def setup_inputs(seed: int = 0) -> dict:
    key = jax.random.key(seed)
    k1, k2 = jax.random.split(key)
    level_idx = jax.random.randint(k1, (BATCH,), 0, N_LEVELS, dtype=jnp.int32)
    # learned parameter: prefix embedding table (nn.Embedding(n_levels, d_model))
    prefix_emb = jax.random.normal(k2, (N_LEVELS, D_MODEL), dtype=jnp.float32) * 0.02
    return {"level_idx": level_idx, "prefix_emb": prefix_emb}


def reference(level_idx, prefix_emb):
    # Faithful translation of ThinkingLevelController.get_prefix:
    #   if level_idx.dim() == 1: level_idx = level_idx.unsqueeze(1)
    #   return self.prefix_emb(level_idx)
    if level_idx.ndim == 1:
        level_idx = level_idx[:, None]
    out = jnp.take(prefix_emb, level_idx, axis=0)  # [B, 1, d_model]
    return out

if __name__ == "__main__":
    import jax
    _d = setup_inputs()
    print(jax.jit(kernel)(*tuple(_d.values())))

</pallas_src>

<mosaic_0001>
#map = affine_map<(d0, d1) -> (0)>
#map1 = affine_map<(d0, d1) -> (0, 0)>
#map2 = affine_map<(d0, d1) -> (0, 0, 0)>
module attributes {stable_mosaic.version = 14 : i64} {
  func.func @lookup_kernel(%arg0: i32, %arg1: i32, %arg2: memref<16384xi32, #tpu.memory_space<hbm>>, %arg3: memref<256x2048xf32, #tpu.memory_space<hbm>>, %arg4: memref<524288xf32, #tpu.memory_space<hbm>>, %arg5: memref<16384x1x2048xf32, #tpu.memory_space<hbm>>, %arg6: memref<512xi32, #tpu.memory_space<vmem>>, %arg7: memref<16384xf32, #tpu.memory_space<vmem>>, %arg8: memref<16x2048xf32, #tpu.memory_space<vmem>>, %arg9: memref<16x2048xf32, #tpu.memory_space<vmem>>, %arg10: memref<16x1x2048xf32, #tpu.memory_space<vmem>>, %arg11: memref<!tpu.dma_semaphore, #tpu.memory_space<semaphore_mem>>, %arg12: memref<!tpu.dma_semaphore, #tpu.memory_space<semaphore_mem>>, %arg13: memref<!tpu.dma_semaphore, #tpu.memory_space<semaphore_mem>>, %arg14: memref<!tpu.dma_semaphore, #tpu.memory_space<semaphore_mem>>, %arg15: memref<!tpu.dma_semaphore, #tpu.memory_space<semaphore_mem>>) attributes {dimension_semantics = [#tpu.dimension_semantics<core_parallel>, #tpu.dimension_semantics<subcore_parallel>], iteration_bounds = array<i64: 2, 16>, scalar_prefetch = 0 : i64, scratch_operands = 10 : i64, tpu.core_type = #tpu.core_type<sc_vector_subcore>, window_params = [{transform_indices = #map}, {transform_indices = #map1}, {transform_indices = #map}, {transform_indices = #map2}]} {
    %mul3A = arith.constant 2 : i32
    %mul3A_0 = arith.muli %arg1, %mul3A : i32
    %add3A = arith.addi %mul3A_0, %arg0 : i32
    %mul3A_1 = arith.constant 512 : i32
    %mul3A_2 = arith.muli %add3A, %mul3A_1 : i32
    "tpu.region"() ({
      %run_scoped3A = tpu.sem_alloc : memref<!tpu.dma_semaphore, #tpu.memory_space<semaphore_mem>>
      %dma_start3A_89 = tpu.memref_slice %arg2[%mul3A_2] : memref<16384xi32, #tpu.memory_space<hbm>> -> memref<512xi32, #tpu.memory_space<hbm>>
      %dma_start3A_90 = tpu.memref_slice %arg2[%mul3A_2] : memref<16384xi32, #tpu.memory_space<hbm>> -> memref<512xi32, #tpu.memory_space<hbm>>
      tpu.enqueue_dma source(%dma_start3A_90 : memref<512xi32, #tpu.memory_space<hbm>>) target(%arg6 : memref<512xi32, #tpu.memory_space<vmem>>) target_semaphore(%run_scoped3A : memref<!tpu.dma_semaphore, #tpu.memory_space<semaphore_mem>>)
      %dma_wait3A_91 = tpu.memref_slice %arg2[%mul3A_2] : memref<16384xi32, #tpu.memory_space<hbm>> -> memref<512xi32, #tpu.memory_space<hbm>>
      %dma_wait3A_92 = tpu.memref_slice %arg2[%mul3A_2] : memref<16384xi32, #tpu.memory_space<hbm>> -> memref<512xi32, #tpu.memory_space<hbm>>
      tpu.wait_dma2 semaphore(%run_scoped3A : memref<!tpu.dma_semaphore, #tpu.memory_space<semaphore_mem>>) src(%dma_wait3A_92 : memref<512xi32, #tpu.memory_space<hbm>>) dst(%arg6 : memref<512xi32, #tpu.memory_space<vmem>>)
      tpu.yield
    }) : () -> ()
    %mul3A_3 = arith.constant 8 : i32
    %mul3A_4 = arith.muli %add3A, %mul3A_3 : i32
    %mul3A_5 = arith.constant 2048 : i32
    %mul3A_6 = arith.muli %mul3A_4, %mul3A_5 : i32
    "tpu.region"() ({
      %run_scoped3A = tpu.sem_alloc : memref<!tpu.dma_semaphore, #tpu.memory_space<semaphore_mem>>
      %dma_start3A_89 = tpu.memref_slice %arg4[%mul3A_6] : memref<524288xf32, #tpu.memory_space<hbm>> -> memref<16384xf32, #tpu.memory_space<hbm>>
      %dma_start3A_90 = tpu.memref_slice %arg4[%mul3A_6] : memref<524288xf32, #tpu.memory_space<hbm>> -> memref<16384xf32, #tpu.memory_space<hbm>>
      tpu.enqueue_dma source(%dma_start3A_90 : memref<16384xf32, #tpu.memory_space<hbm>>) target(%arg7 : memref<16384xf32, #tpu.memory_space<vmem>>) target_semaphore(%run_scoped3A : memref<!tpu.dma_semaphore, #tpu.memory_space<semaphore_mem>>)
      %dma_wait3A_91 = tpu.memref_slice %arg4[%mul3A_6] : memref<524288xf32, #tpu.memory_space<hbm>> -> memref<16384xf32, #tpu.memory_space<hbm>>
      %dma_wait3A_92 = tpu.memref_slice %arg4[%mul3A_6] : memref<524288xf32, #tpu.memory_space<hbm>> -> memref<16384xf32, #tpu.memory_space<hbm>>
      tpu.wait_dma2 semaphore(%run_scoped3A : memref<!tpu.dma_semaphore, #tpu.memory_space<semaphore_mem>>) src(%dma_wait3A_92 : memref<16384xf32, #tpu.memory_space<hbm>>) dst(%arg7 : memref<16384xf32, #tpu.memory_space<vmem>>)
      tpu.yield
    }) : () -> ()
    %iota3A = tpu.iota {dimensions = array<i32: 0>} : vector<16xi32>
    %mul3A_7 = arith.constant 8 : i32
    %mul3A_8 = arith.muli %add3A, %mul3A_7 : i32
    %scan3A = arith.constant 0 : i32
    %scan3A_9 = arith.constant 0 : i32
    %scan3A_10 = arith.constant 10 : i32
    %scan3A_11 = arith.addi %scan3A_9, %scan3A_10 : i32
    %scan3A_12 = arith.constant 1 : i32
    scf.for %scan3A_89 = %scan3A_9 to %scan3A_11 step %scan3A_12  : i32 {
      %mul3A_90 = arith.constant 3 : i32
      %mul3A_91 = arith.muli %mul3A_90, %scan3A_89 : i32
      %ge3A = arith.constant 1 : i32
      %ge3A_92 = arith.cmpi sge, %scan3A_89, %ge3A : i32
      %convert_element_type3A = arith.extui %ge3A_92 : i1 to i32
      %cond3A = arith.constant 0 : i32
      %cond3A_93 = arith.cmpi ne, %convert_element_type3A, %cond3A : i32
      scf.if %cond3A_93 {
        %dma_wait3A_187 = arith.constant 0 : i32
        %dma_wait3A_188 = arith.constant 0 : i32
        %dma_wait3A_189 = tpu.memref_slice %arg5[%mul3A_2, %dma_wait3A_187, %dma_wait3A_188] : memref<16384x1x2048xf32, #tpu.memory_space<hbm>> -> memref<16x1x2048xf32, #tpu.memory_space<hbm>>
        %dma_wait3A_190 = tpu.memref_squeeze %dma_wait3A_189 : memref<16x1x2048xf32, #tpu.memory_space<hbm>> -> memref<16x2048xf32, #tpu.memory_space<hbm>>
        %dma_wait3A_191 = arith.constant 0 : i32
        %dma_wait3A_192 = tpu.memref_slice %arg5[%mul3A_2, %dma_wait3A_187, %dma_wait3A_191] : memref<16384x1x2048xf32, #tpu.memory_space<hbm>> -> memref<16x1x2048xf32, #tpu.memory_space<hbm>>
        %dma_wait3A_193 = tpu.memref_squeeze %dma_wait3A_192 : memref<16x1x2048xf32, #tpu.memory_space<hbm>> -> memref<16x2048xf32, #tpu.memory_space<hbm>>
        tpu.wait_dma2 semaphore(%arg13 : memref<!tpu.dma_semaphore, #tpu.memory_space<semaphore_mem>>) src(%arg8 : memref<16x2048xf32, #tpu.memory_space<vmem>>) dst(%dma_wait3A_193 : memref<16x2048xf32, #tpu.memory_space<hbm>>)
      } else {
      }
      %mul3A_94 = arith.constant 16 : i32
      %mul3A_95 = arith.muli %mul3A_91, %mul3A_94 : i32
      %get3A_96 = arith.index_cast %mul3A_95 : i32 to index
      %get3A_97 = tpu.vector_load %arg6[%get3A_96] {strides = array<i32>} : memref<512xi32, #tpu.memory_space<vmem>>, vector<16xi32>,
      %add3A_98 = vector.broadcast %mul3A_8 : i32 to vector<16xi32>
      %add3A_99 = arith.addi %get3A_97, %add3A_98 : vector<16xi32>
      %dma_start3A_100 = arith.constant 0 : i32
      %dma_start3A_101 = arith.constant 0 : i32
      %dma_start3A_102 = tpu.memref_slice %arg3[%dma_start3A_100, %dma_start3A_101] : memref<256x2048xf32, #tpu.memory_space<hbm>> -> memref<256x2048xf32, #tpu.memory_space<hbm>>
      tpu.enqueue_indirect_dma source(%dma_start3A_102 : memref<256x2048xf32, #tpu.memory_space<hbm>>) target(%arg8 : memref<16x2048xf32, #tpu.memory_space<vmem>>) offsets(%add3A_99 : vector<16xi32>) semaphore(%arg11 : memref<!tpu.dma_semaphore, #tpu.memory_space<semaphore_mem>>)
      %mul3A_103 = arith.constant 3 : i32
      %mul3A_104 = arith.muli %mul3A_103, %scan3A_89 : i32
      %add3A_105 = arith.constant 1 : i32
      %add3A_106 = arith.addi %mul3A_104, %add3A_105 : i32
      %ge3A_107 = arith.constant 1 : i32
      %ge3A_108 = arith.cmpi sge, %scan3A_89, %ge3A_107 : i32
      %convert_element_type3A_109 = arith.extui %ge3A_108 : i1 to i32
      %cond3A_110 = arith.constant 0 : i32
      %cond3A_111 = arith.cmpi ne, %convert_element_type3A_109, %cond3A_110 : i32
      scf.if %cond3A_111 {
        %dma_wait3A_187 = arith.constant 0 : i32
        %dma_wait3A_188 = arith.constant 0 : i32
        %dma_wait3A_189 = tpu.memref_slice %arg5[%mul3A_2, %dma_wait3A_187, %dma_wait3A_188] : memref<16384x1x2048xf32, #tpu.memory_space<hbm>> -> memref<16x1x2048xf32, #tpu.memory_space<hbm>>
        %dma_wait3A_190 = tpu.memref_squeeze %dma_wait3A_189 : memref<16x1x2048xf32, #tpu.memory_space<hbm>> -> memref<16x2048xf32, #tpu.memory_space<hbm>>
        %dma_wait3A_191 = arith.constant 0 : i32
        %dma_wait3A_192 = tpu.memref_slice %arg5[%mul3A_2, %dma_wait3A_187, %dma_wait3A_191] : memref<16384x1x2048xf32, #tpu.memory_space<hbm>> -> memref<16x1x2048xf32, #tpu.memory_space<hbm>>
        %dma_wait3A_193 = tpu.memref_squeeze %dma_wait3A_192 : memref<16x1x2048xf32, #tpu.memory_space<hbm>> -> memref<16x2048xf32, #tpu.memory_space<hbm>>
        tpu.wait_dma2 semaphore(%arg14 : memref<!tpu.dma_semaphore, #tpu.memory_space<semaphore_mem>>) src(%arg9 : memref<16x2048xf32, #tpu.memory_space<vmem>>) dst(%dma_wait3A_193 : memref<16x2048xf32, #tpu.memory_space<hbm>>)
      } else {
      }
      %mul3A_112 = arith.constant 16 : i32
      %mul3A_113 = arith.muli %add3A_106, %mul3A_112 : i32
      %get3A_114 = arith.index_cast %mul3A_113 : i32 to index
      %get3A_115 = tpu.vector_load %arg6[%get3A_114] {strides = array<i32>} : memref<512xi32, #tpu.memory_space<vmem>>, vector<16xi32>,
      %add3A_116 = vector.broadcast %mul3A_8 : i32 to vector<16xi32>
      %add3A_117 = arith.addi %get3A_115, %add3A_116 : vector<16xi32>
      %dma_start3A_118 = arith.constant 0 : i32
      %dma_start3A_119 = arith.constant 0 : i32
      %dma_start3A_120 = tpu.memref_slice %arg3[%dma_start3A_118, %dma_start3A_119] : memref<256x2048xf32, #tpu.memory_space<hbm>> -> memref<256x2048xf32, #tpu.memory_space<hbm>>
      tpu.enqueue_indirect_dma source(%dma_start3A_120 : memref<256x2048xf32, #tpu.memory_space<hbm>>) target(%arg9 : memref<16x2048xf32, #tpu.memory_space<vmem>>) offsets(%add3A_117 : vector<16xi32>) semaphore(%arg12 : memref<!tpu.dma_semaphore, #tpu.memory_space<semaphore_mem>>)
      %ge3A_121 = arith.constant 1 : i32
      %ge3A_122 = arith.cmpi sge, %scan3A_89, %ge3A_121 : i32
      %convert_element_type3A_123 = arith.extui %ge3A_122 : i1 to i32
      %cond3A_124 = arith.constant 0 : i32
      %cond3A_125 = arith.cmpi ne, %convert_element_type3A_123, %cond3A_124 : i32
      scf.if %cond3A_125 {
        %dma_wait3A_187 = arith.constant 0 : i32
        %dma_wait3A_188 = arith.constant 0 : i32
        %dma_wait3A_189 = tpu.memref_slice %arg5[%mul3A_2, %dma_wait3A_187, %dma_wait3A_188] : memref<16384x1x2048xf32, #tpu.memory_space<hbm>> -> memref<16x1x2048xf32, #tpu.memory_space<hbm>>
        %dma_wait3A_190 = arith.constant 0 : i32
        %dma_wait3A_191 = arith.constant 0 : i32
        %dma_wait3A_192 = tpu.memref_slice %arg5[%mul3A_2, %dma_wait3A_190, %dma_wait3A_191] : memref<16384x1x2048xf32, #tpu.memory_space<hbm>> -> memref<16x1x2048xf32, #tpu.memory_space<hbm>>
        tpu.wait_dma2 semaphore(%arg15 : memref<!tpu.dma_semaphore, #tpu.memory_space<semaphore_mem>>) src(%arg10 : memref<16x1x2048xf32, #tpu.memory_space<vmem>>) dst(%dma_wait3A_192 : memref<16x1x2048xf32, #tpu.memory_space<hbm>>)
      } else {
      }
      %mul3A_126 = arith.constant 3 : i32
      %mul3A_127 = arith.muli %mul3A_126, %scan3A_89 : i32
      %add3A_128 = arith.constant 2 : i32
      %add3A_129 = arith.addi %mul3A_127, %add3A_128 : i32
      %mul3A_130 = arith.constant 16 : i32
      %mul3A_131 = arith.muli %add3A_129, %mul3A_130 : i32
      %get3A_132 = arith.index_cast %mul3A_131 : i32 to index
      %get3A_133 = tpu.vector_load %arg6[%get3A_132] {strides = array<i32>} : memref<512xi32, #tpu.memory_space<vmem>>, vector<16xi32>,
      %parallel_loop3A = arith.constant 0 : i32
      %parallel_loop3A_134 = arith.constant 16 : i32
      %parallel_loop3A_135 = arith.constant 1 : i32
      scf.for %parallel_loop3A_187 = %parallel_loop3A to %parallel_loop3A_134 step %parallel_loop3A_135  : i32 {
        %parallel_loop3A_188 = arith.constant 0 : i32
        %parallel_loop3A_189 = vector.broadcast %parallel_loop3A_188 : i32 to vector<16xi32>
        %parallel_loop3A_190 = vector.broadcast %parallel_loop3A_187 : i32 to vector<16xi32>
        %parallel_loop3A_191 = arith.addi %parallel_loop3A_189, %parallel_loop3A_190 : vector<16xi32>
        %parallel_loop3A_192 = arith.constant 0 : i32
        %parallel_loop3A_193 = vector.broadcast %parallel_loop3A_192 : i32 to vector<16xi32>
        %parallel_loop3A_194 = arith.cmpi slt, %parallel_loop3A_191, %parallel_loop3A_193 : vector<16xi32>
        %parallel_loop3A_195 = arith.constant 16 : i32
        %parallel_loop3A_196 = vector.broadcast %parallel_loop3A_195 : i32 to vector<16xi32>
        %parallel_loop3A_197 = arith.addi %parallel_loop3A_191, %parallel_loop3A_196 : vector<16xi32>
        %parallel_loop3A_198 = arith.select %parallel_loop3A_194, %parallel_loop3A_197, %parallel_loop3A_191 : vector<16xi1>, vector<16xi32>
        %parallel_loop3A_199 = vector.shape_cast %parallel_loop3A_198 : vector<16xi32> to vector<16x1xi32>
        %parallel_loop3A_200 = vector.shape_cast %parallel_loop3A_199 : vector<16x1xi32> to vector<16xi32>
        %parallel_loop3A_201 = tpu.dynamic_gather %get3A_133[%parallel_loop3A_200] in [0] : vector<16xi32>, vector<16xi32> -> vector<16xi32>
        %parallel_loop3A_202 = arith.constant 2048 : i32
        %parallel_loop3A_203 = vector.broadcast %parallel_loop3A_202 : i32 to vector<16xi32>
        %parallel_loop3A_204 = arith.muli %parallel_loop3A_201, %parallel_loop3A_203 : vector<16xi32>
        %parallel_loop3A_205 = arith.addi %parallel_loop3A_204, %iota3A : vector<16xi32>
        %parallel_loop3A_206 = arith.constant 0 : i32
        %parallel_loop3A_207 = vector.broadcast %parallel_loop3A_206 : i32 to vector<16xi32>
        %parallel_loop3A_208 = arith.addi %parallel_loop3A_205, %parallel_loop3A_207 : vector<16xi32>
        %parallel_loop3A_209 = tpu.vector_load_idx %arg7[%parallel_loop3A_208] : memref<16384xf32, #tpu.memory_space<vmem>>[vector<16xi32>], vector<16xf32>,
        %parallel_loop3A_210 = arith.constant 0 : i32
        %parallel_loop3A_211 = arith.index_cast %parallel_loop3A_187 : i32 to index
        %parallel_loop3A_212 = arith.index_cast %parallel_loop3A_210 : i32 to index
        %parallel_loop3A_213 = arith.constant 0 : index
        %parallel_loop3A_214 = tpu.vector_load %arg10[%parallel_loop3A_211, %parallel_loop3A_212, %parallel_loop3A_213] {strides = array<i32>} : memref<16x1x2048xf32, #tpu.memory_space<vmem>>, vector<16xf32>,
        tpu.vector_store %arg10[%parallel_loop3A_211, %parallel_loop3A_212, %parallel_loop3A_213], %parallel_loop3A_209 {strides = array<i32>} : memref<16x1x2048xf32, #tpu.memory_space<vmem>>, vector<16xf32>,
        %parallel_loop3A_215 = arith.constant 16 : i32
        %parallel_loop3A_216 = vector.broadcast %parallel_loop3A_215 : i32 to vector<16xi32>
        %parallel_loop3A_217 = arith.addi %parallel_loop3A_205, %parallel_loop3A_216 : vector<16xi32>
        %parallel_loop3A_218 = tpu.vector_load_idx %arg7[%parallel_loop3A_217] : memref<16384xf32, #tpu.memory_space<vmem>>[vector<16xi32>], vector<16xf32>,
        %parallel_loop3A_219 = arith.constant 0 : i32
        %parallel_loop3A_220 = arith.index_cast %parallel_loop3A_187 : i32 to index
        %parallel_loop3A_221 = arith.index_cast %parallel_loop3A_219 : i32 to index
        %parallel_loop3A_222 = arith.constant 16 : index
        %parallel_loop3A_223 = tpu.vector_load %arg10[%parallel_loop3A_220, %parallel_loop3A_221, %parallel_loop3A_222] {strides = array<i32>} : memref<16x1x2048xf32, #tpu.memory_space<vmem>>, vector<16xf32>,
        tpu.vector_store %arg10[%parallel_loop3A_220, %parallel_loop3A_221, %parallel_loop3A_222], %parallel_loop3A_218 {strides = array<i32>} : memref<16x1x2048xf32, #tpu.memory_space<vmem>>, vector<16xf32>,
        %parallel_loop3A_224 = arith.constant 32 : i32
        %parallel_loop3A_225 = vector.broadcast %parallel_loop3A_224 : i32 to vector<16xi32>
        %parallel_loop3A_226 = arith.addi %parallel_loop3A_205, %parallel_loop3A_225 : vector<16xi32>
        %parallel_loop3A_227 = tpu.vector_load_idx %arg7[%parallel_loop3A_226] : memref<16384xf32, #tpu.memory_space<vmem>>[vector<16xi32>], vector<16xf32>,
        %parallel_loop3A_228 = arith.constant 0 : i32
        %parallel_loop3A_229 = arith.index_cast %parallel_loop3A_187 : i32 to index
        %parallel_loop3A_230 = arith.index_cast %parallel_loop3A_228 : i32 to index
        %parallel_loop3A_231 = arith.constant 32 : index
        %parallel_loop3A_232 = tpu.vector_load %arg10[%parallel_loop3A_229, %parallel_loop3A_230, %parallel_loop3A_231] {strides = array<i32>} : memref<16x1x2048xf32, #tpu.memory_space<vmem>>, vector<16xf32>,
        tpu.vector_store %arg10[%parallel_loop3A_229, %parallel_loop3A_230, %parallel_loop3A_231], %parallel_loop3A_227 {strides = array<i32>} : memref<16x1x2048xf32, #tpu.memory_space<vmem>>, vector<16xf32>,
        %parallel_loop3A_233 = arith.constant 48 : i32
        %parallel_loop3A_234 = vector.broadcast %parallel_loop3A_233 : i32 to vector<16xi32>
        %parallel_loop3A_235 = arith.addi %parallel_loop3A_205, %parallel_loop3A_234 : vector<16xi32>
        %parallel_loop3A_236 = tpu.vector_load_idx %arg7[%parallel_loop3A_235] : memref<16384xf32, #tpu.memory_space<vmem>>[vector<16xi32>], vector<16xf32>,
        %parallel_loop3A_237 = arith.constant 0 : i32
        %parallel_loop3A_238 = arith.index_cast %parallel_loop3A_187 : i32 to index
        %parallel_loop3A_239 = arith.index_cast %parallel_loop3A_237 : i32 to index
        %parallel_loop3A_240 = arith.constant 48 : index
        %parallel_loop3A_241 = tpu.vector_load %arg10[%parallel_loop3A_238, %parallel_loop3A_239, %parallel_loop3A_240] {strides = array<i32>} : memref<16x1x2048xf32, #tpu.memory_space<vmem>>, vector<16xf32>,
        tpu.vector_store %arg10[%parallel_loop3A_238, %parallel_loop3A_239, %parallel_loop3A_240], %parallel_loop3A_236 {strides = array<i32>} : memref<16x1x2048xf32, #tpu.memory_space<vmem>>, vector<16xf32>,
        %parallel_loop3A_242 = arith.constant 64 : i32
        %parallel_loop3A_243 = vector.broadcast %parallel_loop3A_242 : i32 to vector<16xi32>
        %parallel_loop3A_244 = arith.addi %parallel_loop3A_205, %parallel_loop3A_243 : vector<16xi32>
        %parallel_loop3A_245 = tpu.vector_load_idx %arg7[%parallel_loop3A_244] : memref<16384xf32, #tpu.memory_space<vmem>>[vector<16xi32>], vector<16xf32>,
        %parallel_loop3A_246 = arith.constant 0 : i32
        %parallel_loop3A_247 = arith.index_cast %parallel_loop3A_187 : i32 to index
        %parallel_loop3A_248 = arith.index_cast %parallel_loop3A_246 : i32 to index
        %parallel_loop3A_249 = arith.constant 64 : index
        %parallel_loop3A_250 = tpu.vector_load %arg10[%parallel_loop3A_247, %parallel_loop3A_248, %parallel_loop3A_249] {strides = array<i32>} : memref<16x1x2048xf32, #tpu.memory_space<vmem>>, vector<16xf32>,
        tpu.vector_store %arg10[%parallel_loop3A_247, %parallel_loop3A_248, %parallel_loop3A_249], %parallel_loop3A_245 {strides = array<i32>} : memref<16x1x2048xf32, #tpu.memory_space<vmem>>, vector<16xf32>,
        %parallel_loop3A_251 = arith.constant 80 : i32
        %parallel_loop3A_252 = vector.broadcast %parallel_loop3A_251 : i32 to vector<16xi32>
        %parallel_loop3A_253 = arith.addi %parallel_loop3A_205, %parallel_loop3A_252 : vector<16xi32>
        %parallel_loop3A_254 = tpu.vector_load_idx %arg7[%parallel_loop3A_253] : memref<16384xf32, #tpu.memory_space<vmem>>[vector<16xi32>], vector<16xf32>,
        %parallel_loop3A_255 = arith.constant 0 : i32
        %parallel_loop3A_256 = arith.index_cast %parallel_loop3A_187 : i32 to index
        %parallel_loop3A_257 = arith.index_cast %parallel_loop3A_255 : i32 to index
        %parallel_loop3A_258 = arith.constant 80 : index
        %parallel_loop3A_259 = tpu.vector_load %arg10[%parallel_loop3A_256, %parallel_loop3A_257, %parallel_loop3A_258] {strides = array<i32>} : memref<16x1x2048xf32, #tpu.memory_space<vmem>>, vector<16xf32>,
        tpu.vector_store %arg10[%parallel_loop3A_256, %parallel_loop3A_257, %parallel_loop3A_258], %parallel_loop3A_254 {strides = array<i32>} : memref<16x1x2048xf32, #tpu.memory_space<vmem>>, vector<16xf32>,
        %parallel_loop3A_260 = arith.constant 96 : i32
        %parallel_loop3A_261 = vector.broadcast %parallel_loop3A_260 : i32 to vector<16xi32>
        %parallel_loop3A_262 = arith.addi %parallel_loop3A_205, %parallel_loop3A_261 : vector<16xi32>
        %parallel_loop3A_263 = tpu.vector_load_idx %arg7[%parallel_loop3A_262] : memref<16384xf32, #tpu.memory_space<vmem>>[vector<16xi32>], vector<16xf32>,
        %parallel_loop3A_264 = arith.constant 0 : i32
        %parallel_loop3A_265 = arith.index_cast %parallel_loop3A_187 : i32 to index
        %parallel_loop3A_266 = arith.index_cast %parallel_loop3A_264 : i32 to index
        %parallel_loop3A_267 = arith.constant 96 : index
        %parallel_loop3A_268 = tpu.vector_load %arg10[%parallel_loop3A_265, %parallel_loop3A_266, %parallel_loop3A_267] {strides = array<i32>} : memref<16x1x2048xf32, #tpu.memory_space<vmem>>, vector<16xf32>,
        tpu.vector_store %arg10[%parallel_loop3A_265, %parallel_loop3A_266, %parallel_loop3A_267], %parallel_loop3A_263 {strides = array<i32>} : memref<16x1x2048xf32, #tpu.memory_space<vmem>>, vector<16xf32>,
        %parallel_loop3A_269 = arith.constant 112 : i32
        %parallel_loop3A_270 = vector.broadcast %parallel_loop3A_269 : i32 to vector<16xi32>
        %parallel_loop3A_271 = arith.addi %parallel_loop3A_205, %parallel_loop3A_270 : vector<16xi32>
        %parallel_loop3A_272 = tpu.vector_load_idx %arg7[%parallel_loop3A_271] : memref<16384xf32, #tpu.memory_space<vmem>>[vector<16xi32>], vector<16xf32>,
        %parallel_loop3A_273 = arith.constant 0 : i32
        %parallel_loop3A_274 = arith.index_cast %parallel_loop3A_187 : i32 to index
        %parallel_loop3A_275 = arith.index_cast %parallel_loop3A_273 : i32 to index
        %parallel_loop3A_276 = arith.constant 112 : index
        %parallel_loop3A_277 = tpu.vector_load %arg10[%parallel_loop3A_274, %parallel_loop3A_275, %parallel_loop3A_276] {strides = array<i32>} : memref<16x1x2048xf32, #tpu.memory_space<vmem>>, vector<16xf32>,
        tpu.vector_store %arg10[%parallel_loop3A_274, %parallel_loop3A_275, %parallel_loop3A_276], %parallel_loop3A_272 {strides = array<i32>} : memref<16x1x2048xf32, #tpu.memory_space<vmem>>, vector<16xf32>,
        %parallel_loop3A_278 = arith.constant 128 : i32
        %parallel_loop3A_279 = vector.broadcast %parallel_loop3A_278 : i32 to vector<16xi32>
        %parallel_loop3A_280 = arith.addi %parallel_loop3A_205, %parallel_loop3A_279 : vector<16xi32>
        %parallel_loop3A_281 = tpu.vector_load_idx %arg7[%parallel_loop3A_280] : memref<16384xf32, #tpu.memory_space<vmem>>[vector<16xi32>], vector<16xf32>,
        %parallel_loop3A_282 = arith.constant 0 : i32
        %parallel_loop3A_283 = arith.index_cast %parallel_loop3A_187 : i32 to index
        %parallel_loop3A_284 = arith.index_cast %parallel_loop3A_282 : i32 to index
        %parallel_loop3A_285 = arith.constant 128 : index
        %parallel_loop3A_286 = tpu.vector_load %arg10[%parallel_loop3A_283, %parallel_loop3A_284, %parallel_loop3A_285] {strides = array<i32>} : memref<16x1x2048xf32, #tpu.memory_space<vmem>>, vector<16xf32>,
        tpu.vector_store %arg10[%parallel_loop3A_283, %parallel_loop3A_284, %parallel_loop3A_285], %parallel_loop3A_281 {strides = array<i32>} : memref<16x1x2048xf32, #tpu.memory_space<vmem>>, vector<16xf32>,
        %parallel_loop3A_287 = arith.constant 144 : i32
        %parallel_loop3A_288 = vector.broadcast %parallel_loop3A_287 : i32 to vector<16xi32>
        %parallel_loop3A_289 = arith.addi %parallel_loop3A_205, %parallel_loop3A_288 : vector<16xi32>
        %parallel_loop3A_290 = tpu.vector_load_idx %arg7[%parallel_loop3A_289] : memref<16384xf32, #tpu.memory_space<vmem>>[vector<16xi32>], vector<16xf32>,
        %parallel_loop3A_291 = arith.constant 0 : i32
        %parallel_loop3A_292 = arith.index_cast %parallel_loop3A_187 : i32 to index
        %parallel_loop3A_293 = arith.index_cast %parallel_loop3A_291 : i32 to index
        %parallel_loop3A_294 = arith.constant 144 : index
        %parallel_loop3A_295 = tpu.vector_load %arg10[%parallel_loop3A_292, %parallel_loop3A_293, %parallel_loop3A_294] {strides = array<i32>} : memref<16x1x2048xf32, #tpu.memory_space<vmem>>, vector<16xf32>,
        tpu.vector_store %arg10[%parallel_loop3A_292, %parallel_loop3A_293, %parallel_loop3A_294], %parallel_loop3A_290 {strides = array<i32>} : memref<16x1x2048xf32, #tpu.memory_space<vmem>>, vector<16xf32>,
        %parallel_loop3A_296 = arith.constant 160 : i32
        %parallel_loop3A_297 = vector.broadcast %parallel_loop3A_296 : i32 to vector<16xi32>
        %parallel_loop3A_298 = arith.addi %parallel_loop3A_205, %parallel_loop3A_297 : vector<16xi32>
        %parallel_loop3A_299 = tpu.vector_load_idx %arg7[%parallel_loop3A_298] : memref<16384xf32, #tpu.memory_space<vmem>>[vector<16xi32>], vector<16xf32>,
        %parallel_loop3A_300 = arith.constant 0 : i32
        %parallel_loop3A_301 = arith.index_cast %parallel_loop3A_187 : i32 to index
        %parallel_loop3A_302 = arith.index_cast %parallel_loop3A_300 : i32 to index
        %parallel_loop3A_303 = arith.constant 160 : index
        %parallel_loop3A_304 = tpu.vector_load %arg10[%parallel_loop3A_301, %parallel_loop3A_302, %parallel_loop3A_303] {strides = array<i32>} : memref<16x1x2048xf32, #tpu.memory_space<vmem>>, vector<16xf32>,
        tpu.vector_store %arg10[%parallel_loop3A_301, %parallel_loop3A_302, %parallel_loop3A_303], %parallel_loop3A_299 {strides = array<i32>} : memref<16x1x2048xf32, #tpu.memory_space<vmem>>, vector<16xf32>,
        %parallel_loop3A_305 = arith.constant 176 : i32
        %parallel_loop3A_306 = vector.broadcast %parallel_loop3A_305 : i32 to vector<16xi32>
        %parallel_loop3A_307 = arith.addi %parallel_loop3A_205, %parallel_loop3A_306 : vector<16xi32>
        %parallel_loop3A_308 = tpu.vector_load_idx %arg7[%parallel_loop3A_307] : memref<16384xf32, #tpu.memory_space<vmem>>[vector<16xi32>], vector<16xf32>,
        %parallel_loop3A_309 = arith.constant 0 : i32
        %parallel_loop3A_310 = arith.index_cast %parallel_loop3A_187 : i32 to index
        %parallel_loop3A_311 = arith.index_cast %parallel_loop3A_309 : i32 to index
        %parallel_loop3A_312 = arith.constant 176 : index
        %parallel_loop3A_313 = tpu.vector_load %arg10[%parallel_loop3A_310, %parallel_loop3A_311, %parallel_loop3A_312] {strides = array<i32>} : memref<16x1x2048xf32, #tpu.memory_space<vmem>>, vector<16xf32>,
        tpu.vector_store %arg10[%parallel_loop3A_310, %parallel_loop3A_311, %parallel_loop3A_312], %parallel_loop3A_308 {strides = array<i32>} : memref<16x1x2048xf32, #tpu.memory_space<vmem>>, vector<16xf32>,
        %parallel_loop3A_314 = arith.constant 192 : i32
        %parallel_loop3A_315 = vector.broadcast %parallel_loop3A_314 : i32 to vector<16xi32>
        %parallel_loop3A_316 = arith.addi %parallel_loop3A_205, %parallel_loop3A_315 : vector<16xi32>
        %parallel_loop3A_317 = tpu.vector_load_idx %arg7[%parallel_loop3A_316] : memref<16384xf32, #tpu.memory_space<vmem>>[vector<16xi32>], vector<16xf32>,
        %parallel_loop3A_318 = arith.constant 0 : i32
        %parallel_loop3A_319 = arith.index_cast %parallel_loop3A_187 : i32 to index
        %parallel_loop3A_320 = arith.index_cast %parallel_loop3A_318 : i32 to index
        %parallel_loop3A_321 = arith.constant 192 : index
        %parallel_loop3A_322 = tpu.vector_load %arg10[%parallel_loop3A_319, %parallel_loop3A_320, %parallel_loop3A_321] {strides = array<i32>} : memref<16x1x2048xf32, #tpu.memory_space<vmem>>, vector<16xf32>,
        tpu.vector_store %arg10[%parallel_loop3A_319, %parallel_loop3A_320, %parallel_loop3A_321], %parallel_loop3A_317 {strides = array<i32>} : memref<16x1x2048xf32, #tpu.memory_space<vmem>>, vector<16xf32>,
        %parallel_loop3A_323 = arith.constant 208 : i32
        %parallel_loop3A_324 = vector.broadcast %parallel_loop3A_323 : i32 to vector<16xi32>
        %parallel_loop3A_325 = arith.addi %parallel_loop3A_205, %parallel_loop3A_324 : vector<16xi32>
        %parallel_loop3A_326 = tpu.vector_load_idx %arg7[%parallel_loop3A_325] : memref<16384xf32, #tpu.memory_space<vmem>>[vector<16xi32>], vector<16xf32>,
        %parallel_loop3A_327 = arith.constant 0 : i32
        %parallel_loop3A_328 = arith.index_cast %parallel_loop3A_187 : i32 to index
        %parallel_loop3A_329 = arith.index_cast %parallel_loop3A_327 : i32 to index
        %parallel_loop3A_330 = arith.constant 208 : index
        %parallel_loop3A_331 = tpu.vector_load %arg10[%parallel_loop3A_328, %parallel_loop3A_329, %parallel_loop3A_330] {strides = array<i32>} : memref<16x1x2048xf32, #tpu.memory_space<vmem>>, vector<16xf32>,
        tpu.vector_store %arg10[%parallel_loop3A_328, %parallel_loop3A_329, %parallel_loop3A_330], %parallel_loop3A_326 {strides = array<i32>} : memref<16x1x2048xf32, #tpu.memory_space<vmem>>, vector<16xf32>,
        %parallel_loop3A_332 = arith.constant 224 : i32
        %parallel_loop3A_333 = vector.broadcast %parallel_loop3A_332 : i32 to vector<16xi32>
        %parallel_loop3A_334 = arith.addi %parallel_loop3A_205, %parallel_loop3A_333 : vector<16xi32>
        %parallel_loop3A_335 = tpu.vector_load_idx %arg7[%parallel_loop3A_334] : memref<16384xf32, #tpu.memory_space<vmem>>[vector<16xi32>], vector<16xf32>,
        %parallel_loop3A_336 = arith.constant 0 : i32
        %parallel_loop3A_337 = arith.index_cast %parallel_loop3A_187 : i32 to index
        %parallel_loop3A_338 = arith.index_cast %parallel_loop3A_336 : i32 to index
        %parallel_loop3A_339 = arith.constant 224 : index
        %parallel_loop3A_340 = tpu.vector_load %arg10[%parallel_loop3A_337, %parallel_loop3A_338, %parallel_loop3A_339] {strides = array<i32>} : memref<16x1x2048xf32, #tpu.memory_space<vmem>>, vector<16xf32>,
        tpu.vector_store %arg10[%parallel_loop3A_337, %parallel_loop3A_338, %parallel_loop3A_339], %parallel_loop3A_335 {strides = array<i32>} : memref<16x1x2048xf32, #tpu.memory_space<vmem>>, vector<16xf32>,
        %parallel_loop3A_341 = arith.constant 240 : i32
        %parallel_loop3A_342 = vector.broadcast %parallel_loop3A_341 : i32 to vector<16xi32>
        %parallel_loop3A_343 = arith.addi %parallel_loop3A_205, %parallel_loop3A_342 : vector<16xi32>
        %parallel_loop3A_344 = tpu.vector_load_idx %arg7[%parallel_loop3A_343] : memref<16384xf32, #tpu.memory_space<vmem>>[vector<16xi32>], vector<16xf32>,
        %parallel_loop3A_345 = arith.constant 0 : i32
        %parallel_loop3A_346 = arith.index_cast %parallel_loop3A_187 : i32 to index
        %parallel_loop3A_347 = arith.index_cast %parallel_loop3A_345 : i32 to index
        %parallel_loop3A_348 = arith.constant 240 : index
        %parallel_loop3A_349 = tpu.vector_load %arg10[%parallel_loop3A_346, %parallel_loop3A_347, %parallel_loop3A_348] {strides = array<i32>} : memref<16x1x2048xf32, #tpu.memory_space<vmem>>, vector<16xf32>,
        tpu.vector_store %arg10[%parallel_loop3A_346, %parallel_loop3A_347, %parallel_loop3A_348], %parallel_loop3A_344 {strides = array<i32>} : memref<16x1x2048xf32, #tpu.memory_space<vmem>>, vector<16xf32>,
        %parallel_loop3A_350 = arith.constant 256 : i32
        %parallel_loop3A_351 = vector.broadcast %parallel_loop3A_350 : i32 to vector<16xi32>
        %parallel_loop3A_352 = arith.addi %parallel_loop3A_205, %parallel_loop3A_351 : vector<16xi32>
        %parallel_loop3A_353 = tpu.vector_load_idx %arg7[%parallel_loop3A_352] : memref<16384xf32, #tpu.memory_space<vmem>>[vector<16xi32>], vector<16xf32>,
        %parallel_loop3A_354 = arith.constant 0 : i32
        %parallel_loop3A_355 = arith.index_cast %parallel_loop3A_187 : i32 to index
        %parallel_loop3A_356 = arith.index_cast %parallel_loop3A_354 : i32 to index
        %parallel_loop3A_357 = arith.constant 256 : index
        %parallel_loop3A_358 = tpu.vector_load %arg10[%parallel_loop3A_355, %parallel_loop3A_356, %parallel_loop3A_357] {strides = array<i32>} : memref<16x1x2048xf32, #tpu.memory_space<vmem>>, vector<16xf32>,
        tpu.vector_store %arg10[%parallel_loop3A_355, %parallel_loop3A_356, %parallel_loop3A_357], %parallel_loop3A_353 {strides = array<i32>} : memref<16x1x2048xf32, #tpu.memory_space<vmem>>, vector<16xf32>,
        %parallel_loop3A_359 = arith.constant 272 : i32
        %parallel_loop3A_360 = vector.broadcast %parallel_loop3A_359 : i32 to vector<16xi32>
        %parallel_loop3A_361 = arith.addi %parallel_loop3A_205, %parallel_loop3A_360 : vector<16xi32>
        %parallel_loop3A_362 = tpu.vector_load_idx %arg7[%parallel_loop3A_361] : memref<16384xf32, #tpu.memory_space<vmem>>[vector<16xi32>], vector<16xf32>,
        %parallel_loop3A_363 = arith.constant 0 : i32
        %parallel_loop3A_364 = arith.index_cast %parallel_loop3A_187 : i32 to index
        %parallel_loop3A_365 = arith.index_cast %parallel_loop3A_363 : i32 to index
        %parallel_loop3A_366 = arith.constant 272 : index
        %parallel_loop3A_367 = tpu.vector_load %arg10[%parallel_loop3A_364, %parallel_loop3A_365, %parallel_loop3A_366] {strides = array<i32>} : memref<16x1x2048xf32, #tpu.memory_space<vmem>>, vector<16xf32>,
        tpu.vector_store %arg10[%parallel_loop3A_364, %parallel_loop3A_365, %parallel_loop3A_366], %parallel_loop3A_362 {strides = array<i32>} : memref<16x1x2048xf32, #tpu.memory_space<vmem>>, vector<16xf32>,
        %parallel_loop3A_368 = arith.constant 288 : i32
        %parallel_loop3A_369 = vector.broadcast %parallel_loop3A_368 : i32 to vector<16xi32>
        %parallel_loop3A_370 = arith.addi %parallel_loop3A_205, %parallel_loop3A_369 : vector<16xi32>
        %parallel_loop3A_371 = tpu.vector_load_idx %arg7[%parallel_loop3A_370] : memref<16384xf32, #tpu.memory_space<vmem>>[vector<16xi32>], vector<16xf32>,
        %parallel_loop3A_372 = arith.constant 0 : i32
        %parallel_loop3A_373 = arith.index_cast %parallel_loop3A_187 : i32 to index
        %parallel_loop3A_374 = arith.index_cast %parallel_loop3A_372 : i32 to index
        %parallel_loop3A_375 = arith.constant 288 : index
        %parallel_loop3A_376 = tpu.vector_load %arg10[%parallel_loop3A_373, %parallel_loop3A_374, %parallel_loop3A_375] {strides = array<i32>} : memref<16x1x2048xf32, #tpu.memory_space<vmem>>, vector<16xf32>,
        tpu.vector_store %arg10[%parallel_loop3A_373, %parallel_loop3A_374, %parallel_loop3A_375], %parallel_loop3A_371 {strides = array<i32>} : memref<16x1x2048xf32, #tpu.memory_space<vmem>>, vector<16xf32>,
        %parallel_loop3A_377 = arith.constant 304 : i32
        %parallel_loop3A_378 = vector.broadcast %parallel_loop3A_377 : i32 to vector<16xi32>
        %parallel_loop3A_379 = arith.addi %parallel_loop3A_205, %parallel_loop3A_378 : vector<16xi32>
        %parallel_loop3A_380 = tpu.vector_load_idx %arg7[%parallel_loop3A_379] : memref<16384xf32, #tpu.memory_space<vmem>>[vector<16xi32>], vector<16xf32>,
        %parallel_loop3A_381 = arith.constant 0 : i32
        %parallel_loop3A_382 = arith.index_cast %parallel_loop3A_187 : i32 to index
        %parallel_loop3A_383 = arith.index_cast %parallel_loop3A_381 : i32 to index
        %parallel_loop3A_384 = arith.constant 304 : index
        %parallel_loop3A_385 = tpu.vector_load %arg10[%parallel_loop3A_382, %parallel_loop3A_383, %parallel_loop3A_384] {strides = array<i32>} : memref<16x1x2048xf32, #tpu.memory_space<vmem>>, vector<16xf32>,
        tpu.vector_store %arg10[%parallel_loop3A_382, %parallel_loop3A_383, %parallel_loop3A_384], %parallel_loop3A_380 {strides = array<i32>} : memref<16x1x2048xf32, #tpu.memory_space<vmem>>, vector<16xf32>,
        %parallel_loop3A_386 = arith.constant 320 : i32
        %parallel_loop3A_387 = vector.broadcast %parallel_loop3A_386 : i32 to vector<16xi32>
        %parallel_loop3A_388 = arith.addi %parallel_loop3A_205, %parallel_loop3A_387 : vector<16xi32>
        %parallel_loop3A_389 = tpu.vector_load_idx %arg7[%parallel_loop3A_388] : memref<16384xf32, #tpu.memory_space<vmem>>[vector<16xi32>], vector<16xf32>,
        %parallel_loop3A_390 = arith.constant 0 : i32
        %parallel_loop3A_391 = arith.index_cast %parallel_loop3A_187 : i32 to index
        %parallel_loop3A_392 = arith.index_cast %parallel_loop3A_390 : i32 to index
        %parallel_loop3A_393 = arith.constant 320 : index
        %parallel_loop3A_394 = tpu.vector_load %arg10[%parallel_loop3A_391, %parallel_loop3A_392, %parallel_loop3A_393] {strides = array<i32>} : memref<16x1x2048xf32, #tpu.memory_space<vmem>>, vector<16xf32>,
        tpu.vector_store %arg10[%parallel_loop3A_391, %parallel_loop3A_392, %parallel_loop3A_393], %parallel_loop3A_389 {strides = array<i32>} : memref<16x1x2048xf32, #tpu.memory_space<vmem>>, vector<16xf32>,
        %parallel_loop3A_395 = arith.constant 336 : i32
        %parallel_loop3A_396 = vector.broadcast %parallel_loop3A_395 : i32 to vector<16xi32>
        %parallel_loop3A_397 = arith.addi %parallel_loop3A_205, %parallel_loop3A_396 : vector<16xi32>
        %parallel_loop3A_398 = tpu.vector_load_idx %arg7[%parallel_loop3A_397] : memref<16384xf32, #tpu.memory_space<vmem>>[vector<16xi32>], vector<16xf32>,
        %parallel_loop3A_399 = arith.constant 0 : i32
        %parallel_loop3A_400 = arith.index_cast %parallel_loop3A_187 : i32 to index
        %parallel_loop3A_401 = arith.index_cast %parallel_loop3A_399 : i32 to index
        %parallel_loop3A_402 = arith.constant 336 : index
        %parallel_loop3A_403 = tpu.vector_load %arg10[%parallel_loop3A_400, %parallel_loop3A_401, %parallel_loop3A_402] {strides = array<i32>} : memref<16x1x2048xf32, #tpu.memory_space<vmem>>, vector<16xf32>,
        tpu.vector_store %arg10[%parallel_loop3A_400, %parallel_loop3A_401, %parallel_loop3A_402], %parallel_loop3A_398 {strides = array<i32>} : memref<16x1x2048xf32, #tpu.memory_space<vmem>>, vector<16xf32>,
        %parallel_loop3A_404 = arith.constant 352 : i32
        %parallel_loop3A_405 = vector.broadcast %parallel_loop3A_404 : i32 to vector<16xi32>
        %parallel_loop3A_406 = arith.addi %parallel_loop3A_205, %parallel_loop3A_405 : vector<16xi32>
        %parallel_loop3A_407 = tpu.vector_load_idx %arg7[%parallel_loop3A_406] : memref<16384xf32, #tpu.memory_space<vmem>>[vector<16xi32>], vector<16xf32>,
        %parallel_loop3A_408 = arith.constant 0 : i32
        %parallel_loop3A_409 = arith.index_cast %parallel_loop3A_187 : i32 to index
        %parallel_loop3A_410 = arith.index_cast %parallel_loop3A_408 : i32 to index
        %parallel_loop3A_411 = arith.constant 352 : index
        %parallel_loop3A_412 = tpu.vector_load %arg10[%parallel_loop3A_409, %parallel_loop3A_410, %parallel_loop3A_411] {strides = array<i32>} : memref<16x1x2048xf32, #tpu.memory_space<vmem>>, vector<16xf32>,
        tpu.vector_store %arg10[%parallel_loop3A_409, %parallel_loop3A_410, %parallel_loop3A_411], %parallel_loop3A_407 {strides = array<i32>} : memref<16x1x2048xf32, #tpu.memory_space<vmem>>, vector<16xf32>,
        %parallel_loop3A_413 = arith.constant 368 : i32
        %parallel_loop3A_414 = vector.broadcast %parallel_loop3A_413 : i32 to vector<16xi32>
        %parallel_loop3A_415 = arith.addi %parallel_loop3A_205, %parallel_loop3A_414 : vector<16xi32>
        %parallel_loop3A_416 = tpu.vector_load_idx %arg7[%parallel_loop3A_415] : memref<16384xf32, #tpu.memory_space<vmem>>[vector<16xi32>], vector<16xf32>,
        %parallel_loop3A_417 = arith.constant 0 : i32
        %parallel_loop3A_418 = arith.index_cast %parallel_loop3A_187 : i32 to index
        %parallel_loop3A_419 = arith.index_cast %parallel_loop3A_417 : i32 to index
        %parallel_loop3A_420 = arith.constant 368 : index
        %parallel_loop3A_421 = tpu.vector_load %arg10[%parallel_loop3A_418, %parallel_loop3A_419, %parallel_loop3A_420] {strides = array<i32>} : memref<16x1x2048xf32, #tpu.memory_space<vmem>>, vector<16xf32>,
        tpu.vector_store %arg10[%parallel_loop3A_418, %parallel_loop3A_419, %parallel_loop3A_420], %parallel_loop3A_416 {strides = array<i32>} : memref<16x1x2048xf32, #tpu.memory_space<vmem>>, vector<16xf32>,
        %parallel_loop3A_422 = arith.constant 384 : i32
        %parallel_loop3A_423 = vector.broadcast %parallel_loop3A_422 : i32 to vector<16xi32>
        %parallel_loop3A_424 = arith.addi %parallel_loop3A_205, %parallel_loop3A_423 : vector<16xi32>
        %parallel_loop3A_425 = tpu.vector_load_idx %arg7[%parallel_loop3A_424] : memref<16384xf32, #tpu.memory_space<vmem>>[vector<16xi32>], vector<16xf32>,
        %parallel_loop3A_426 = arith.constant 0 : i32
        %parallel_loop3A_427 = arith.index_cast %parallel_loop3A_187 : i32 to index
        %parallel_loop3A_428 = arith.index_cast %parallel_loop3A_426 : i32 to index
        %parallel_loop3A_429 = arith.constant 384 : index
        %parallel_loop3A_430 = tpu.vector_load %arg10[%parallel_loop3A_427, %parallel_loop3A_428, %parallel_loop3A_429] {strides = array<i32>} : memref<16x1x2048xf32, #tpu.memory_space<vmem>>, vector<16xf32>,
        tpu.vector_store %arg10[%parallel_loop3A_427, %parallel_loop3A_428, %parallel_loop3A_429], %parallel_loop3A_425 {strides = array<i32>} : memref<16x1x2048xf32, #tpu.memory_space<vmem>>, vector<16xf32>,
        %parallel_loop3A_431 = arith.constant 400 : i32
        %parallel_loop3A_432 = vector.broadcast %parallel_loop3A_431 : i32 to vector<16xi32>
        %parallel_loop3A_433 = arith.addi %parallel_loop3A_205, %parallel_loop3A_432 : vector<16xi32>
        %parallel_loop3A_434 = tpu.vector_load_idx %arg7[%parallel_loop3A_433] : memref<16384xf32, #tpu.memory_space<vmem>>[vector<16xi32>], vector<16xf32>,
        %parallel_loop3A_435 = arith.constant 0 : i32
        %parallel_loop3A_436 = arith.index_cast %parallel_loop3A_187 : i32 to index
        %parallel_loop3A_437 = arith.index_cast %parallel_loop3A_435 : i32 to index
        %parallel_loop3A_438 = arith.constant 400 : index
        %parallel_loop3A_439 = tpu.vector_load %arg10[%parallel_loop3A_436, %parallel_loop3A_437, %parallel_loop3A_438] {strides = array<i32>} : memref<16x1x2048xf32, #tpu.memory_space<vmem>>, vector<16xf32>,
        tpu.vector_store %arg10[%parallel_loop3A_436, %parallel_loop3A_437, %parallel_loop3A_438], %parallel_loop3A_434 {strides = array<i32>} : memref<16x1x2048xf32, #tpu.memory_space<vmem>>, vector<16xf32>,
        %parallel_loop3A_440 = arith.constant 416 : i32
        %parallel_loop3A_441 = vector.broadcast %parallel_loop3A_440 : i32 to vector<16xi32>
        %parallel_loop3A_442 = arith.addi %parallel_loop3A_205, %parallel_loop3A_441 : vector<16xi32>
        %parallel_loop3A_443 = tpu.vector_load_idx %arg7[%parallel_loop3A_442] : memref<16384xf32, #tpu.memory_space<vmem>>[vector<16xi32>], vector<16xf32>,
        %parallel_loop3A_444 = arith.constant 0 : i32
        %parallel_loop3A_445 = arith.index_cast %parallel_loop3A_187 : i32 to index
        %parallel_loop3A_446 = arith.index_cast %parallel_loop3A_444 : i32 to index
        %parallel_loop3A_447 = arith.constant 416 : index
        %parallel_loop3A_448 = tpu.vector_load %arg10[%parallel_loop3A_445, %parallel_loop3A_446, %parallel_loop3A_447] {strides = array<i32>} : memref<16x1x2048xf32, #tpu.memory_space<vmem>>, vector<16xf32>,
        tpu.vector_store %arg10[%parallel_loop3A_445, %parallel_loop3A_446, %parallel_loop3A_447], %parallel_loop3A_443 {strides = array<i32>} : memref<16x1x2048xf32, #tpu.memory_space<vmem>>, vector<16xf32>,
        %parallel_loop3A_449 = arith.constant 432 : i32
        %parallel_loop3A_450 = vector.broadcast %parallel_loop3A_449 : i32 to vector<16xi32>
        %parallel_loop3A_451 = arith.addi %parallel_loop3A_205, %parallel_loop3A_450 : vector<16xi32>
        %parallel_loop3A_452 = tpu.vector_load_idx %arg7[%parallel_loop3A_451] : memref<16384xf32, #tpu.memory_space<vmem>>[vector<16xi32>], vector<16xf32>,
        %parallel_loop3A_453 = arith.constant 0 : i32
        %parallel_loop3A_454 = arith.index_cast %parallel_loop3A_187 : i32 to index
        %parallel_loop3A_455 = arith.index_cast %parallel_loop3A_453 : i32 to index
        %parallel_loop3A_456 = arith.constant 432 : index
        %parallel_loop3A_457 = tpu.vector_load %arg10[%parallel_loop3A_454, %parallel_loop3A_455, %parallel_loop3A_456] {strides = array<i32>} : memref<16x1x2048xf32, #tpu.memory_space<vmem>>, vector<16xf32>,
        tpu.vector_store %arg10[%parallel_loop3A_454, %parallel_loop3A_455, %parallel_loop3A_456], %parallel_loop3A_452 {strides = array<i32>} : memref<16x1x2048xf32, #tpu.memory_space<vmem>>, vector<16xf32>,
        %parallel_loop3A_458 = arith.constant 448 : i32
        %parallel_loop3A_459 = vector.broadcast %parallel_loop3A_458 : i32 to vector<16xi32>
        %parallel_loop3A_460 = arith.addi %parallel_loop3A_205, %parallel_loop3A_459 : vector<16xi32>
        %parallel_loop3A_461 = tpu.vector_load_idx %arg7[%parallel_loop3A_460] : memref<16384xf32, #tpu.memory_space<vmem>>[vector<16xi32>], vector<16xf32>,
        %parallel_loop3A_462 = arith.constant 0 : i32
        %parallel_loop3A_463 = arith.index_cast %parallel_loop3A_187 : i32 to index
        %parallel_loop3A_464 = arith.index_cast %parallel_loop3A_462 : i32 to index
        %parallel_loop3A_465 = arith.constant 448 : index
        %parallel_loop3A_466 = tpu.vector_load %arg10[%parallel_loop3A_463, %parallel_loop3A_464, %parallel_loop3A_465] {strides = array<i32>} : memref<16x1x2048xf32, #tpu.memory_space<vmem>>, vector<16xf32>,
        tpu.vector_store %arg10[%parallel_loop3A_463, %parallel_loop3A_464, %parallel_loop3A_465], %parallel_loop3A_461 {strides = array<i32>} : memref<16x1x2048xf32, #tpu.memory_space<vmem>>, vector<16xf32>,
        %parallel_loop3A_467 = arith.constant 464 : i32
        %parallel_loop3A_468 = vector.broadcast %parallel_loop3A_467 : i32 to vector<16xi32>
        %parallel_loop3A_469 = arith.addi %parallel_loop3A_205, %parallel_loop3A_468 : vector<16xi32>
        %parallel_loop3A_470 = tpu.vector_load_idx %arg7[%parallel_loop3A_469] : memref<16384xf32, #tpu.memory_space<vmem>>[vector<16xi32>], vector<16xf32>,
        %parallel_loop3A_471 = arith.constant 0 : i32
        %parallel_loop3A_472 = arith.index_cast %parallel_loop3A_187 : i32 to index
        %parallel_loop3A_473 = arith.index_cast %parallel_loop3A_471 : i32 to index
        %parallel_loop3A_474 = arith.constant 464 : index
        %parallel_loop3A_475 = tpu.vector_load %arg10[%parallel_loop3A_472, %parallel_loop3A_473, %parallel_loop3A_474] {strides = array<i32>} : memref<16x1x2048xf32, #tpu.memory_space<vmem>>, vector<16xf32>,
        tpu.vector_store %arg10[%parallel_loop3A_472, %parallel_loop3A_473, %parallel_loop3A_474], %parallel_loop3A_470 {strides = array<i32>} : memref<16x1x2048xf32, #tpu.memory_space<vmem>>, vector<16xf32>,
        %parallel_loop3A_476 = arith.constant 480 : i32
        %parallel_loop3A_477 = vector.broadcast %parallel_loop3A_476 : i32 to vector<16xi32>
        %parallel_loop3A_478 = arith.addi %parallel_loop3A_205, %parallel_loop3A_477 : vector<16xi32>
        %parallel_loop3A_479 = tpu.vector_load_idx %arg7[%parallel_loop3A_478] : memref<16384xf32, #tpu.memory_space<vmem>>[vector<16xi32>], vector<16xf32>,
        %parallel_loop3A_480 = arith.constant 0 : i32
        %parallel_loop3A_481 = arith.index_cast %parallel_loop3A_187 : i32 to index
        %parallel_loop3A_482 = arith.index_cast %parallel_loop3A_480 : i32 to index
        %parallel_loop3A_483 = arith.constant 480 : index
        %parallel_loop3A_484 = tpu.vector_load %arg10[%parallel_loop3A_481, %parallel_loop3A_482, %parallel_loop3A_483] {strides = array<i32>} : memref<16x1x2048xf32, #tpu.memory_space<vmem>>, vector<16xf32>,
        tpu.vector_store %arg10[%parallel_loop3A_481, %parallel_loop3A_482, %parallel_loop3A_483], %parallel_loop3A_479 {strides = array<i32>} : memref<16x1x2048xf32, #tpu.memory_space<vmem>>, vector<16xf32>,
        %parallel_loop3A_485 = arith.constant 496 : i32
        %parallel_loop3A_486 = vector.broadcast %parallel_loop3A_485 : i32 to vector<16xi32>
        %parallel_loop3A_487 = arith.addi %parallel_loop3A_205, %parallel_loop3A_486 : vector<16xi32>
        %parallel_loop3A_488 = tpu.vector_load_idx %arg7[%parallel_loop3A_487] : memref<16384xf32, #tpu.memory_space<vmem>>[vector<16xi32>], vector<16xf32>,
        %parallel_loop3A_489 = arith.constant 0 : i32
        %parallel_loop3A_490 = arith.index_cast %parallel_loop3A_187 : i32 to index
        %parallel_loop3A_491 = arith.index_cast %parallel_loop3A_489 : i32 to index
        %parallel_loop3A_492 = arith.constant 496 : index
        %parallel_loop3A_493 = tpu.vector_load %arg10[%parallel_loop3A_490, %parallel_loop3A_491, %parallel_loop3A_492] {strides = array<i32>} : memref<16x1x2048xf32, #tpu.memory_space<vmem>>, vector<16xf32>,
        tpu.vector_store %arg10[%parallel_loop3A_490, %parallel_loop3A_491, %parallel_loop3A_492], %parallel_loop3A_488 {strides = array<i32>} : memref<16x1x2048xf32, #tpu.memory_space<vmem>>, vector<16xf32>,
        %parallel_loop3A_494 = arith.constant 512 : i32
        %parallel_loop3A_495 = vector.broadcast %parallel_loop3A_494 : i32 to vector<16xi32>
        %parallel_loop3A_496 = arith.addi %parallel_loop3A_205, %parallel_loop3A_495 : vector<16xi32>
        %parallel_loop3A_497 = tpu.vector_load_idx %arg7[%parallel_loop3A_496] : memref<16384xf32, #tpu.memory_space<vmem>>[vector<16xi32>], vector<16xf32>,
        %parallel_loop3A_498 = arith.constant 0 : i32
        %parallel_loop3A_499 = arith.index_cast %parallel_loop3A_187 : i32 to index
        %parallel_loop3A_500 = arith.index_cast %parallel_loop3A_498 : i32 to index
        %parallel_loop3A_501 = arith.constant 512 : index
        %parallel_loop3A_502 = tpu.vector_load %arg10[%parallel_loop3A_499, %parallel_loop3A_500, %parallel_loop3A_501] {strides = array<i32>} : memref<16x1x2048xf32, #tpu.memory_space<vmem>>, vector<16xf32>,
        tpu.vector_store %arg10[%parallel_loop3A_499, %parallel_loop3A_500, %parallel_loop3A_501], %parallel_loop3A_497 {strides = array<i32>} : memref<16x1x2048xf32, #tpu.memory_space<vmem>>, vector<16xf32>,
        %parallel_loop3A_503 = arith.constant 528 : i32
        %parallel_loop3A_504 = vector.broadcast %parallel_loop3A_503 : i32 to vector<16xi32>
        %parallel_loop3A_505 = arith.addi %parallel_loop3A_205, %parallel_loop3A_504 : vector<16xi32>
        %parallel_loop3A_506 = tpu.vector_load_idx %arg7[%parallel_loop3A_505] : memref<16384xf32, #tpu.memory_space<vmem>>[vector<16xi32>], vector<16xf32>,
        %parallel_loop3A_507 = arith.constant 0 : i32
        %parallel_loop3A_508 = arith.index_cast %parallel_loop3A_187 : i32 to index
        %parallel_loop3A_509 = arith.index_cast %parallel_loop3A_507 : i32 to index
        %parallel_loop3A_510 = arith.constant 528 : index
        %parallel_loop3A_511 = tpu.vector_load %arg10[%parallel_loop3A_508, %parallel_loop3A_509, %parallel_loop3A_510] {strides = array<i32>} : memref<16x1x2048xf32, #tpu.memory_space<vmem>>, vector<16xf32>,
        tpu.vector_store %arg10[%parallel_loop3A_508, %parallel_loop3A_509, %parallel_loop3A_510], %parallel_loop3A_506 {strides = array<i32>} : memref<16x1x2048xf32, #tpu.memory_space<vmem>>, vector<16xf32>,
        %parallel_loop3A_512 = arith.constant 544 : i32
        %parallel_loop3A_513 = vector.broadcast %parallel_loop3A_512 : i32 to vector<16xi32>
        %parallel_loop3A_514 = arith.addi %parallel_loop3A_205, %parallel_loop3A_513 : vector<16xi32>
        %parallel_loop3A_515 = tpu.vector_load_idx %arg7[%parallel_loop3A_514] : memref<16384xf32, #tpu.memory_space<vmem>>[vector<16xi32>], vector<16xf32>,
        %parallel_loop3A_516 = arith.constant 0 : i32
        %parallel_loop3A_517 = arith.index_cast %parallel_loop3A_187 : i32 to index
        %parallel_loop3A_518 = arith.index_cast %parallel_loop3A_516 : i32 to index
        %parallel_loop3A_519 = arith.constant 544 : index
        %parallel_loop3A_520 = tpu.vector_load %arg10[%parallel_loop3A_517, %parallel_loop3A_518, %parallel_loop3A_519] {strides = array<i32>} : memref<16x1x2048xf32, #tpu.memory_space<vmem>>, vector<16xf32>,
        tpu.vector_store %arg10[%parallel_loop3A_517, %parallel_loop3A_518, %parallel_loop3A_519], %parallel_loop3A_515 {strides = array<i32>} : memref<16x1x2048xf32, #tpu.memory_space<vmem>>, vector<16xf32>,
        %parallel_loop3A_521 = arith.constant 560 : i32
        %parallel_loop3A_522 = vector.broadcast %parallel_loop3A_521 : i32 to vector<16xi32>
        %parallel_loop3A_523 = arith.addi %parallel_loop3A_205, %parallel_loop3A_522 : vector<16xi32>
        %parallel_loop3A_524 = tpu.vector_load_idx %arg7[%parallel_loop3A_523] : memref<16384xf32, #tpu.memory_space<vmem>>[vector<16xi32>], vector<16xf32>,
        %parallel_loop3A_525 = arith.constant 0 : i32
        %parallel_loop3A_526 = arith.index_cast %parallel_loop3A_187 : i32 to index
        %parallel_loop3A_527 = arith.index_cast %parallel_loop3A_525 : i32 to index
        %parallel_loop3A_528 = arith.constant 560 : index
        %parallel_loop3A_529 = tpu.vector_load %arg10[%parallel_loop3A_526, %parallel_loop3A_527, %parallel_loop3A_528] {strides = array<i32>} : memref<16x1x2048xf32, #tpu.memory_space<vmem>>, vector<16xf32>,
        tpu.vector_store %arg10[%parallel_loop3A_526, %parallel_loop3A_527, %parallel_loop3A_528], %parallel_loop3A_524 {strides = array<i32>} : memref<16x1x2048xf32, #tpu.memory_space<vmem>>, vector<16xf32>,
        %parallel_loop3A_530 = arith.constant 576 : i32
        %parallel_loop3A_531 = vector.broadcast %parallel_loop3A_530 : i32 to vector<16xi32>
        %parallel_loop3A_532 = arith.addi %parallel_loop3A_205, %parallel_loop3A_531 : vector<16xi32>
        %parallel_loop3A_533 = tpu.vector_load_idx %arg7[%parallel_loop3A_532] : memref<16384xf32, #tpu.memory_space<vmem>>[vector<16xi32>], vector<16xf32>,
        %parallel_loop3A_534 = arith.constant 0 : i32
        %parallel_loop3A_535 = arith.index_cast %parallel_loop3A_187 : i32 to index
        %parallel_loop3A_536 = arith.index_cast %parallel_loop3A_534 : i32 to index
        %parallel_loop3A_537 = arith.constant 576 : index
        %parallel_loop3A_538 = tpu.vector_load %arg10[%parallel_loop3A_535, %parallel_loop3A_536, %parallel_loop3A_537] {strides = array<i32>} : memref<16x1x2048xf32, #tpu.memory_space<vmem>>, vector<16xf32>,
        tpu.vector_store %arg10[%parallel_loop3A_535, %parallel_loop3A_536, %parallel_loop3A_537], %parallel_loop3A_533 {strides = array<i32>} : memref<16x1x2048xf32, #tpu.memory_space<vmem>>, vector<16xf32>,
        %parallel_loop3A_539 = arith.constant 592 : i32
        %parallel_loop3A_540 = vector.broadcast %parallel_loop3A_539 : i32 to vector<16xi32>
        %parallel_loop3A_541 = arith.addi %parallel_loop3A_205, %parallel_loop3A_540 : vector<16xi32>
        %parallel_loop3A_542 = tpu.vector_load_idx %arg7[%parallel_loop3A_541] : memref<16384xf32, #tpu.memory_space<vmem>>[vector<16xi32>], vector<16xf32>,
        %parallel_loop3A_543 = arith.constant 0 : i32
        %parallel_loop3A_544 = arith.index_cast %parallel_loop3A_187 : i32 to index
        %parallel_loop3A_545 = arith.index_cast %parallel_loop3A_543 : i32 to index
        %parallel_loop3A_546 = arith.constant 592 : index
        %parallel_loop3A_547 = tpu.vector_load %arg10[%parallel_loop3A_544, %parallel_loop3A_545, %parallel_loop3A_546] {strides = array<i32>} : memref<16x1x2048xf32, #tpu.memory_space<vmem>>, vector<16xf32>,
        tpu.vector_store %arg10[%parallel_loop3A_544, %parallel_loop3A_545, %parallel_loop3A_546], %parallel_loop3A_542 {strides = array<i32>} : memref<16x1x2048xf32, #tpu.memory_space<vmem>>, vector<16xf32>,
        %parallel_loop3A_548 = arith.constant 608 : i32
        %parallel_loop3A_549 = vector.broadcast %parallel_loop3A_548 : i32 to vector<16xi32>
        %parallel_loop3A_550 = arith.addi %parallel_loop3A_205, %parallel_loop3A_549 : vector<16xi32>
        %parallel_loop3A_551 = tpu.vector_load_idx %arg7[%parallel_loop3A_550] : memref<16384xf32, #tpu.memory_space<vmem>>[vector<16xi32>], vector<16xf32>,
        %parallel_loop3A_552 = arith.constant 0 : i32
        %parallel_loop3A_553 = arith.index_cast %parallel_loop3A_187 : i32 to index
        %parallel_loop3A_554 = arith.index_cast %parallel_loop3A_552 : i32 to index
        %parallel_loop3A_555 = arith.constant 608 : index
        %parallel_loop3A_556 = tpu.vector_load %arg10[%parallel_loop3A_553, %parallel_loop3A_554, %parallel_loop3A_555] {strides = array<i32>} : memref<16x1x2048xf32, #tpu.memory_space<vmem>>, vector<16xf32>,
        tpu.vector_store %arg10[%parallel_loop3A_553, %parallel_loop3A_554, %parallel_loop3A_555], %parallel_loop3A_551 {strides = array<i32>} : memref<16x1x2048xf32, #tpu.memory_space<vmem>>, vector<16xf32>,
        %parallel_loop3A_557 = arith.constant 624 : i32
        %parallel_loop3A_558 = vector.broadcast %parallel_loop3A_557 : i32 to vector<16xi32>
        %parallel_loop3A_559 = arith.addi %parallel_loop3A_205, %parallel_loop3A_558 : vector<16xi32>
        %parallel_loop3A_560 = tpu.vector_load_idx %arg7[%parallel_loop3A_559] : memref<16384xf32, #tpu.memory_space<vmem>>[vector<16xi32>], vector<16xf32>,
        %parallel_loop3A_561 = arith.constant 0 : i32
        %parallel_loop3A_562 = arith.index_cast %parallel_loop3A_187 : i32 to index
        %parallel_loop3A_563 = arith.index_cast %parallel_loop3A_561 : i32 to index
        %parallel_loop3A_564 = arith.constant 624 : index
        %parallel_loop3A_565 = tpu.vector_load %arg10[%parallel_loop3A_562, %parallel_loop3A_563, %parallel_loop3A_564] {strides = array<i32>} : memref<16x1x2048xf32, #tpu.memory_space<vmem>>, vector<16xf32>,
        tpu.vector_store %arg10[%parallel_loop3A_562, %parallel_loop3A_563, %parallel_loop3A_564], %parallel_loop3A_560 {strides = array<i32>} : memref<16x1x2048xf32, #tpu.memory_space<vmem>>, vector<16xf32>,
        %parallel_loop3A_566 = arith.constant 640 : i32
        %parallel_loop3A_567 = vector.broadcast %parallel_loop3A_566 : i32 to vector<16xi32>
        %parallel_loop3A_568 = arith.addi %parallel_loop3A_205, %parallel_loop3A_567 : vector<16xi32>
        %parallel_loop3A_569 = tpu.vector_load_idx %arg7[%parallel_loop3A_568] : memref<16384xf32, #tpu.memory_space<vmem>>[vector<16xi32>], vector<16xf32>,
        %parallel_loop3A_570 = arith.constant 0 : i32
        %parallel_loop3A_571 = arith.index_cast %parallel_loop3A_187 : i32 to index
        %parallel_loop3A_572 = arith.index_cast %parallel_loop3A_570 : i32 to index
        %parallel_loop3A_573 = arith.constant 640 : index
        %parallel_loop3A_574 = tpu.vector_load %arg10[%parallel_loop3A_571, %parallel_loop3A_572, %parallel_loop3A_573] {strides = array<i32>} : memref<16x1x2048xf32, #tpu.memory_space<vmem>>, vector<16xf32>,
        tpu.vector_store %arg10[%parallel_loop3A_571, %parallel_loop3A_572, %parallel_loop3A_573], %parallel_loop3A_569 {strides = array<i32>} : memref<16x1x2048xf32, #tpu.memory_space<vmem>>, vector<16xf32>,
        %parallel_loop3A_575 = arith.constant 656 : i32
        %parallel_loop3A_576 = vector.broadcast %parallel_loop3A_575 : i32 to vector<16xi32>
        %parallel_loop3A_577 = arith.addi %parallel_loop3A_205, %parallel_loop3A_576 : vector<16xi32>
        %parallel_loop3A_578 = tpu.vector_load_idx %arg7[%parallel_loop3A_577] : memref<16384xf32, #tpu.memory_space<vmem>>[vector<16xi32>], vector<16xf32>,
        %parallel_loop3A_579 = arith.constant 0 : i32
        %parallel_loop3A_580 = arith.index_cast %parallel_loop3A_187 : i32 to index
        %parallel_loop3A_581 = arith.index_cast %parallel_loop3A_579 : i32 to index
        %parallel_loop3A_582 = arith.constant 656 : index
        %parallel_loop3A_583 = tpu.vector_load %arg10[%parallel_loop3A_580, %parallel_loop3A_581, %parallel_loop3A_582] {strides = array<i32>} : memref<16x1x2048xf32, #tpu.memory_space<vmem>>, vector<16xf32>,
        tpu.vector_store %arg10[%parallel_loop3A_580, %parallel_loop3A_581, %parallel_loop3A_582], %parallel_loop3A_578 {strides = array<i32>} : memref<16x1x2048xf32, #tpu.memory_space<vmem>>, vector<16xf32>,
        %parallel_loop3A_584 = arith.constant 672 : i32
        %parallel_loop3A_585 = vector.broadcast %parallel_loop3A_584 : i32 to vector<16xi32>
        %parallel_loop3A_586 = arith.addi %parallel_loop3A_205, %parallel_loop3A_585 : vector<16xi32>
        %parallel_loop3A_587 = tpu.vector_load_idx %arg7[%parallel_loop3A_586] : memref<16384xf32, #tpu.memory_space<vmem>>[vector<16xi32>], vector<16xf32>,
        %parallel_loop3A_588 = arith.constant 0 : i32
        %parallel_loop3A_589 = arith.index_cast %parallel_loop3A_187 : i32 to index
        %parallel_loop3A_590 = arith.index_cast %parallel_loop3A_588 : i32 to index
        %parallel_loop3A_591 = arith.constant 672 : index
        %parallel_loop3A_592 = tpu.vector_load %arg10[%parallel_loop3A_589, %parallel_loop3A_590, %parallel_loop3A_591] {strides = array<i32>} : memref<16x1x2048xf32, #tpu.memory_space<vmem>>, vector<16xf32>,
        tpu.vector_store %arg10[%parallel_loop3A_589, %parallel_loop3A_590, %parallel_loop3A_591], %parallel_loop3A_587 {strides = array<i32>} : memref<16x1x2048xf32, #tpu.memory_space<vmem>>, vector<16xf32>,
        %parallel_loop3A_593 = arith.constant 688 : i32
        %parallel_loop3A_594 = vector.broadcast %parallel_loop3A_593 : i32 to vector<16xi32>
        %parallel_loop3A_595 = arith.addi %parallel_loop3A_205, %parallel_loop3A_594 : vector<16xi32>
        %parallel_loop3A_596 = tpu.vector_load_idx %arg7[%parallel_loop3A_595] : memref<16384xf32, #tpu.memory_space<vmem>>[vector<16xi32>], vector<16xf32>,
        %parallel_loop3A_597 = arith.constant 0 : i32
        %parallel_loop3A_598 = arith.index_cast %parallel_loop3A_187 : i32 to index
        %parallel_loop3A_599 = arith.index_cast %parallel_loop3A_597 : i32 to index
        %parallel_loop3A_600 = arith.constant 688 : index
        %parallel_loop3A_601 = tpu.vector_load %arg10[%parallel_loop3A_598, %parallel_loop3A_599, %parallel_loop3A_600] {strides = array<i32>} : memref<16x1x2048xf32, #tpu.memory_space<vmem>>, vector<16xf32>,
        tpu.vector_store %arg10[%parallel_loop3A_598, %parallel_loop3A_599, %parallel_loop3A_600], %parallel_loop3A_596 {strides = array<i32>} : memref<16x1x2048xf32, #tpu.memory_space<vmem>>, vector<16xf32>,
        %parallel_loop3A_602 = arith.constant 704 : i32
        %parallel_loop3A_603 = vector.broadcast %parallel_loop3A_602 : i32 to vector<16xi32>
        %parallel_loop3A_604 = arith.addi %parallel_loop3A_205, %parallel_loop3A_603 : vector<16xi32>
        %parallel_loop3A_605 = tpu.vector_load_idx %arg7[%parallel_loop3A_604] : memref<16384xf32, #tpu.memory_space<vmem>>[vector<16xi32>], vector<16xf32>,
        %parallel_loop3A_606 = arith.constant 0 : i32
        %parallel_loop3A_607 = arith.index_cast %parallel_loop3A_187 : i32 to index
        %parallel_loop3A_608 = arith.index_cast %parallel_loop3A_606 : i32 to index
        %parallel_loop3A_609 = arith.constant 704 : index
        %parallel_loop3A_610 = tpu.vector_load %arg10[%parallel_loop3A_607, %parallel_loop3A_608, %parallel_loop3A_609] {strides = array<i32>} : memref<16x1x2048xf32, #tpu.memory_space<vmem>>, vector<16xf32>,
        tpu.vector_store %arg10[%parallel_loop3A_607, %parallel_loop3A_608, %parallel_loop3A_609], %parallel_loop3A_605 {strides = array<i32>} : memref<16x1x2048xf32, #tpu.memory_space<vmem>>, vector<16xf32>,
        %parallel_loop3A_611 = arith.constant 720 : i32
        %parallel_loop3A_612 = vector.broadcast %parallel_loop3A_611 : i32 to vector<16xi32>
        %parallel_loop3A_613 = arith.addi %parallel_loop3A_205, %parallel_loop3A_612 : vector<16xi32>
        %parallel_loop3A_614 = tpu.vector_load_idx %arg7[%parallel_loop3A_613] : memref<16384xf32, #tpu.memory_space<vmem>>[vector<16xi32>], vector<16xf32>,
        %parallel_loop3A_615 = arith.constant 0 : i32
        %parallel_loop3A_616 = arith.index_cast %parallel_loop3A_187 : i32 to index
        %parallel_loop3A_617 = arith.index_cast %parallel_loop3A_615 : i32 to index
        %parallel_loop3A_618 = arith.constant 720 : index
        %parallel_loop3A_619 = tpu.vector_load %arg10[%parallel_loop3A_616, %parallel_loop3A_617, %parallel_loop3A_618] {strides = array<i32>} : memref<16x1x2048xf32, #tpu.memory_space<vmem>>, vector<16xf32>,
        tpu.vector_store %arg10[%parallel_loop3A_616, %parallel_loop3A_617, %parallel_loop3A_618], %parallel_loop3A_614 {strides = array<i32>} : memref<16x1x2048xf32, #tpu.memory_space<vmem>>, vector<16xf32>,
        %parallel_loop3A_620 = arith.constant 736 : i32
        %parallel_loop3A_621 = vector.broadcast %parallel_loop3A_620 : i32 to vector<16xi32>
        %parallel_loop3A_622 = arith.addi %parallel_loop3A_205, %parallel_loop3A_621 : vector<16xi32>
        %parallel_loop3A_623 = tpu.vector_load_idx %arg7[%parallel_loop3A_622] : memref<16384xf32, #tpu.memory_space<vmem>>[vector<16xi32>], vector<16xf32>,
        %parallel_loop3A_624 = arith.constant 0 : i32
        %parallel_loop3A_625 = arith.index_cast %parallel_loop3A_187 : i32 to index
        %parallel_loop3A_626 = arith.index_cast %parallel_loop3A_624 : i32 to index
        %parallel_loop3A_627 = arith.constant 736 : index
        %parallel_loop3A_628 = tpu.vector_load %arg10[%parallel_loop3A_625, %parallel_loop3A_626, %parallel_loop3A_627] {strides = array<i32>} : memref<16x1x2048xf32, #tpu.memory_space<vmem>>, vector<16xf32>,
        tpu.vector_store %arg10[%parallel_loop3A_625, %parallel_loop3A_626, %parallel_loop3A_627], %parallel_loop3A_623 {strides = array<i32>} : memref<16x1x2048xf32, #tpu.memory_space<vmem>>, vector<16xf32>,
        %parallel_loop3A_629 = arith.constant 752 : i32
        %parallel_loop3A_630 = vector.broadcast %parallel_loop3A_629 : i32 to vector<16xi32>
        %parallel_loop3A_631 = arith.addi %parallel_loop3A_205, %parallel_loop3A_630 : vector<16xi32>
        %parallel_loop3A_632 = tpu.vector_load_idx %arg7[%parallel_loop3A_631] : memref<16384xf32, #tpu.memory_space<vmem>>[vector<16xi32>], vector<16xf32>,
        %parallel_loop3A_633 = arith.constant 0 : i32
        %parallel_loop3A_634 = arith.index_cast %parallel_loop3A_187 : i32 to index
        %parallel_loop3A_635 = arith.index_cast %parallel_loop3A_633 : i32 to index
        %parallel_loop3A_636 = arith.constant 752 : index
        %parallel_loop3A_637 = tpu.vector_load %arg10[%parallel_loop3A_634, %parallel_loop3A_635, %parallel_loop3A_636] {strides = array<i32>} : memref<16x1x2048xf32, #tpu.memory_space<vmem>>, vector<16xf32>,
        tpu.vector_store %arg10[%parallel_loop3A_634, %parallel_loop3A_635, %parallel_loop3A_636], %parallel_loop3A_632 {strides = array<i32>} : memref<16x1x2048xf32, #tpu.memory_space<vmem>>, vector<16xf32>,
        %parallel_loop3A_638 = arith.constant 768 : i32
        %parallel_loop3A_639 = vector.broadcast %parallel_loop3A_638 : i32 to vector<16xi32>
        %parallel_loop3A_640 = arith.addi %parallel_loop3A_205, %parallel_loop3A_639 : vector<16xi32>
        %parallel_loop3A_641 = tpu.vector_load_idx %arg7[%parallel_loop3A_640] : memref<16384xf32, #tpu.memory_space<vmem>>[vector<16xi32>], vector<16xf32>,
        %parallel_loop3A_642 = arith.constant 0 : i32
        %parallel_loop3A_643 = arith.index_cast %parallel_loop3A_187 : i32 to index
        %parallel_loop3A_644 = arith.index_cast %parallel_loop3A_642 : i32 to index
        %parallel_loop3A_645 = arith.constant 768 : index
        %parallel_loop3A_646 = tpu.vector_load %arg10[%parallel_loop3A_643, %parallel_loop3A_644, %parallel_loop3A_645] {strides = array<i32>} : memref<16x1x2048xf32, #tpu.memory_space<vmem>>, vector<16xf32>,
        tpu.vector_store %arg10[%parallel_loop3A_643, %parallel_loop3A_644, %parallel_loop3A_645], %parallel_loop3A_641 {strides = array<i32>} : memref<16x1x2048xf32, #tpu.memory_space<vmem>>, vector<16xf32>,
        %parallel_loop3A_647 = arith.constant 784 : i32
        %parallel_loop3A_648 = vector.broadcast %parallel_loop3A_647 : i32 to vector<16xi32>
        %parallel_loop3A_649 = arith.addi %parallel_loop3A_205, %parallel_loop3A_648 : vector<16xi32>
        %parallel_loop3A_650 = tpu.vector_load_idx %arg7[%parallel_loop3A_649] : memref<16384xf32, #tpu.memory_space<vmem>>[vector<16xi32>], vector<16xf32>,
        %parallel_loop3A_651 = arith.constant 0 : i32
        %parallel_loop3A_652 = arith.index_cast %parallel_loop3A_187 : i32 to index
        %parallel_loop3A_653 = arith.index_cast %parallel_loop3A_651 : i32 to index
        %parallel_loop3A_654 = arith.constant 784 : index
        %parallel_loop3A_655 = tpu.vector_load %arg10[%parallel_loop3A_652, %parallel_loop3A_653, %parallel_loop3A_654] {strides = array<i32>} : memref<16x1x2048xf32, #tpu.memory_space<vmem>>, vector<16xf32>,
        tpu.vector_store %arg10[%parallel_loop3A_652, %parallel_loop3A_653, %parallel_loop3A_654], %parallel_loop3A_650 {strides = array<i32>} : memref<16x1x2048xf32, #tpu.memory_space<vmem>>, vector<16xf32>,
        %parallel_loop3A_656 = arith.constant 800 : i32
        %parallel_loop3A_657 = vector.broadcast %parallel_loop3A_656 : i32 to vector<16xi32>
        %parallel_loop3A_658 = arith.addi %parallel_loop3A_205, %parallel_loop3A_657 : vector<16xi32>
        %parallel_loop3A_659 = tpu.vector_load_idx %arg7[%parallel_loop3A_658] : memref<16384xf32, #tpu.memory_space<vmem>>[vector<16xi32>], vector<16xf32>,
        %parallel_loop3A_660 = arith.constant 0 : i32
        %parallel_loop3A_661 = arith.index_cast %parallel_loop3A_187 : i32 to index
        %parallel_loop3A_662 = arith.index_cast %parallel_loop3A_660 : i32 to index
        %parallel_loop3A_663 = arith.constant 800 : index
        %parallel_loop3A_664 = tpu.vector_load %arg10[%parallel_loop3A_661, %parallel_loop3A_662, %parallel_loop3A_663] {strides = array<i32>} : memref<16x1x2048xf32, #tpu.memory_space<vmem>>, vector<16xf32>,
        tpu.vector_store %arg10[%parallel_loop3A_661, %parallel_loop3A_662, %parallel_loop3A_663], %parallel_loop3A_659 {strides = array<i32>} : memref<16x1x2048xf32, #tpu.memory_space<vmem>>, vector<16xf32>,
        %parallel_loop3A_665 = arith.constant 816 : i32
        %parallel_loop3A_666 = vector.broadcast %parallel_loop3A_665 : i32 to vector<16xi32>
        %parallel_loop3A_667 = arith.addi %parallel_loop3A_205, %parallel_loop3A_666 : vector<16xi32>
        %parallel_loop3A_668 = tpu.vector_load_idx %arg7[%parallel_loop3A_667] : memref<16384xf32, #tpu.memory_space<vmem>>[vector<16xi32>], vector<16xf32>,
        %parallel_loop3A_669 = arith.constant 0 : i32
        %parallel_loop3A_670 = arith.index_cast %parallel_loop3A_187 : i32 to index
        %parallel_loop3A_671 = arith.index_cast %parallel_loop3A_669 : i32 to index
        %parallel_loop3A_672 = arith.constant 816 : index
        %parallel_loop3A_673 = tpu.vector_load %arg10[%parallel_loop3A_670, %parallel_loop3A_671, %parallel_loop3A_672] {strides = array<i32>} : memref<16x1x2048xf32, #tpu.memory_space<vmem>>, vector<16xf32>,
        tpu.vector_store %arg10[%parallel_loop3A_670, %parallel_loop3A_671, %parallel_loop3A_672], %parallel_loop3A_668 {strides = array<i32>} : memref<16x1x2048xf32, #tpu.memory_space<vmem>>, vector<16xf32>,
        %parallel_loop3A_674 = arith.constant 832 : i32
        %parallel_loop3A_675 = vector.broadcast %parallel_loop3A_674 : i32 to vector<16xi32>
        %parallel_loop3A_676 = arith.addi %parallel_loop3A_205, %parallel_loop3A_675 : vector<16xi32>
        %parallel_loop3A_677 = tpu.vector_load_idx %arg7[%parallel_loop3A_676] : memref<16384xf32, #tpu.memory_space<vmem>>[vector<16xi32>], vector<16xf32>,
        %parallel_loop3A_678 = arith.constant 0 : i32
        %parallel_loop3A_679 = arith.index_cast %parallel_loop3A_187 : i32 to index
        %parallel_loop3A_680 = arith.index_cast %parallel_loop3A_678 : i32 to index
        %parallel_loop3A_681 = arith.constant 832 : index
        %parallel_loop3A_682 = tpu.vector_load %arg10[%parallel_loop3A_679, %parallel_loop3A_680, %parallel_loop3A_681] {strides = array<i32>} : memref<16x1x2048xf32, #tpu.memory_space<vmem>>, vector<16xf32>,
        tpu.vector_store %arg10[%parallel_loop3A_679, %parallel_loop3A_680, %parallel_loop3A_681], %parallel_loop3A_677 {strides = array<i32>} : memref<16x1x2048xf32, #tpu.memory_space<vmem>>, vector<16xf32>,
        %parallel_loop3A_683 = arith.constant 848 : i32
        %parallel_loop3A_684 = vector.broadcast %parallel_loop3A_683 : i32 to vector<16xi32>
        %parallel_loop3A_685 = arith.addi %parallel_loop3A_205, %parallel_loop3A_684 : vector<16xi32>
        %parallel_loop3A_686 = tpu.vector_load_idx %arg7[%parallel_loop3A_685] : memref<16384xf32, #tpu.memory_space<vmem>>[vector<16xi32>], vector<16xf32>,
        %parallel_loop3A_687 = arith.constant 0 : i32
        %parallel_loop3A_688 = arith.index_cast %parallel_loop3A_187 : i32 to index
        %parallel_loop3A_689 = arith.index_cast %parallel_loop3A_687 : i32 to index
        %parallel_loop3A_690 = arith.constant 848 : index
        %parallel_loop3A_691 = tpu.vector_load %arg10[%parallel_loop3A_688, %parallel_loop3A_689, %parallel_loop3A_690] {strides = array<i32>} : memref<16x1x2048xf32, #tpu.memory_space<vmem>>, vector<16xf32>,
        tpu.vector_store %arg10[%parallel_loop3A_688, %parallel_loop3A_689, %parallel_loop3A_690], %parallel_loop3A_686 {strides = array<i32>} : memref<16x1x2048xf32, #tpu.memory_space<vmem>>, vector<16xf32>,
        %parallel_loop3A_692 = arith.constant 864 : i32
        %parallel_loop3A_693 = vector.broadcast %parallel_loop3A_692 : i32 to vector<16xi32>
        %parallel_loop3A_694 = arith.addi %parallel_loop3A_205, %parallel_loop3A_693 : vector<16xi32>
        %parallel_loop3A_695 = tpu.vector_load_idx %arg7[%parallel_loop3A_694] : memref<16384xf32, #tpu.memory_space<vmem>>[vector<16xi32>], vector<16xf32>,
        %parallel_loop3A_696 = arith.constant 0 : i32
        %parallel_loop3A_697 = arith.index_cast %parallel_loop3A_187 : i32 to index
        %parallel_loop3A_698 = arith.index_cast %parallel_loop3A_696 : i32 to index
        %parallel_loop3A_699 = arith.constant 864 : index
        %parallel_loop3A_700 = tpu.vector_load %arg10[%parallel_loop3A_697, %parallel_loop3A_698, %parallel_loop3A_699] {strides = array<i32>} : memref<16x1x2048xf32, #tpu.memory_space<vmem>>, vector<16xf32>,
        tpu.vector_store %arg10[%parallel_loop3A_697, %parallel_loop3A_698, %parallel_loop3A_699], %parallel_loop3A_695 {strides = array<i32>} : memref<16x1x2048xf32, #tpu.memory_space<vmem>>, vector<16xf32>,
        %parallel_loop3A_701 = arith.constant 880 : i32
        %parallel_loop3A_702 = vector.broadcast %parallel_loop3A_701 : i32 to vector<16xi32>
        %parallel_loop3A_703 = arith.addi %parallel_loop3A_205, %parallel_loop3A_702 : vector<16xi32>
        %parallel_loop3A_704 = tpu.vector_load_idx %arg7[%parallel_loop3A_703] : memref<16384xf32, #tpu.memory_space<vmem>>[vector<16xi32>], vector<16xf32>,
        %parallel_loop3A_705 = arith.constant 0 : i32
        %parallel_loop3A_706 = arith.index_cast %parallel_loop3A_187 : i32 to index
        %parallel_loop3A_707 = arith.index_cast %parallel_loop3A_705 : i32 to index
        %parallel_loop3A_708 = arith.constant 880 : index
        %parallel_loop3A_709 = tpu.vector_load %arg10[%parallel_loop3A_706, %parallel_loop3A_707, %parallel_loop3A_708] {strides = array<i32>} : memref<16x1x2048xf32, #tpu.memory_space<vmem>>, vector<16xf32>,
        tpu.vector_store %arg10[%parallel_loop3A_706, %parallel_loop3A_707, %parallel_loop3A_708], %parallel_loop3A_704 {strides = array<i32>} : memref<16x1x2048xf32, #tpu.memory_space<vmem>>, vector<16xf32>,
        %parallel_loop3A_710 = arith.constant 896 : i32
        %parallel_loop3A_711 = vector.broadcast %parallel_loop3A_710 : i32 to vector<16xi32>
        %parallel_loop3A_712 = arith.addi %parallel_loop3A_205, %parallel_loop3A_711 : vector<16xi32>
        %parallel_loop3A_713 = tpu.vector_load_idx %arg7[%parallel_loop3A_712] : memref<16384xf32, #tpu.memory_space<vmem>>[vector<16xi32>], vector<16xf32>,
        %parallel_loop3A_714 = arith.constant 0 : i32
        %parallel_loop3A_715 = arith.index_cast %parallel_loop3A_187 : i32 to index
        %parallel_loop3A_716 = arith.index_cast %parallel_loop3A_714 : i32 to index
        %parallel_loop3A_717 = arith.constant 896 : index
        %parallel_loop3A_718 = tpu.vector_load %arg10[%parallel_loop3A_715, %parallel_loop3A_716, %parallel_loop3A_717] {strides = array<i32>} : memref<16x1x2048xf32, #tpu.memory_space<vmem>>, vector<16xf32>,
        tpu.vector_store %arg10[%parallel_loop3A_715, %parallel_loop3A_716, %parallel_loop3A_717], %parallel_loop3A_713 {strides = array<i32>} : memref<16x1x2048xf32, #tpu.memory_space<vmem>>, vector<16xf32>,
        %parallel_loop3A_719 = arith.constant 912 : i32
        %parallel_loop3A_720 = vector.broadcast %parallel_loop3A_719 : i32 to vector<16xi32>
        %parallel_loop3A_721 = arith.addi %parallel_loop3A_205, %parallel_loop3A_720 : vector<16xi32>
        %parallel_loop3A_722 = tpu.vector_load_idx %arg7[%parallel_loop3A_721] : memref<16384xf32, #tpu.memory_space<vmem>>[vector<16xi32>], vector<16xf32>,
        %parallel_loop3A_723 = arith.constant 0 : i32
        %parallel_loop3A_724 = arith.index_cast %parallel_loop3A_187 : i32 to index
        %parallel_loop3A_725 = arith.index_cast %parallel_loop3A_723 : i32 to index
        %parallel_loop3A_726 = arith.constant 912 : index
        %parallel_loop3A_727 = tpu.vector_load %arg10[%parallel_loop3A_724, %parallel_loop3A_725, %parallel_loop3A_726] {strides = array<i32>} : memref<16x1x2048xf32, #tpu.memory_space<vmem>>, vector<16xf32>,
        tpu.vector_store %arg10[%parallel_loop3A_724, %parallel_loop3A_725, %parallel_loop3A_726], %parallel_loop3A_722 {strides = array<i32>} : memref<16x1x2048xf32, #tpu.memory_space<vmem>>, vector<16xf32>,
        %parallel_loop3A_728 = arith.constant 928 : i32
        %parallel_loop3A_729 = vector.broadcast %parallel_loop3A_728 : i32 to vector<16xi32>
        %parallel_loop3A_730 = arith.addi %parallel_loop3A_205, %parallel_loop3A_729 : vector<16xi32>
        %parallel_loop3A_731 = tpu.vector_load_idx %arg7[%parallel_loop3A_730] : memref<16384xf32, #tpu.memory_space<vmem>>[vector<16xi32>], vector<16xf32>,
        %parallel_loop3A_732 = arith.constant 0 : i32
        %parallel_loop3A_733 = arith.index_cast %parallel_loop3A_187 : i32 to index
        %parallel_loop3A_734 = arith.index_cast %parallel_loop3A_732 : i32 to index
        %parallel_loop3A_735 = arith.constant 928 : index
        %parallel_loop3A_736 = tpu.vector_load %arg10[%parallel_loop3A_733, %parallel_loop3A_734, %parallel_loop3A_735] {strides = array<i32>} : memref<16x1x2048xf32, #tpu.memory_space<vmem>>, vector<16xf32>,
        tpu.vector_store %arg10[%parallel_loop3A_733, %parallel_loop3A_734, %parallel_loop3A_735], %parallel_loop3A_731 {strides = array<i32>} : memref<16x1x2048xf32, #tpu.memory_space<vmem>>, vector<16xf32>,
        %parallel_loop3A_737 = arith.constant 944 : i32
        %parallel_loop3A_738 = vector.broadcast %parallel_loop3A_737 : i32 to vector<16xi32>
        %parallel_loop3A_739 = arith.addi %parallel_loop3A_205, %parallel_loop3A_738 : vector<16xi32>
        %parallel_loop3A_740 = tpu.vector_load_idx %arg7[%parallel_loop3A_739] : memref<16384xf32, #tpu.memory_space<vmem>>[vector<16xi32>], vector<16xf32>,
        %parallel_loop3A_741 = arith.constant 0 : i32
        %parallel_loop3A_742 = arith.index_cast %parallel_loop3A_187 : i32 to index
        %parallel_loop3A_743 = arith.index_cast %parallel_loop3A_741 : i32 to index
        %parallel_loop3A_744 = arith.constant 944 : index
        %parallel_loop3A_745 = tpu.vector_load %arg10[%parallel_loop3A_742, %parallel_loop3A_743, %parallel_loop3A_744] {strides = array<i32>} : memref<16x1x2048xf32, #tpu.memory_space<vmem>>, vector<16xf32>,
        tpu.vector_store %arg10[%parallel_loop3A_742, %parallel_loop3A_743, %parallel_loop3A_744], %parallel_loop3A_740 {strides = array<i32>} : memref<16x1x2048xf32, #tpu.memory_space<vmem>>, vector<16xf32>,
        %parallel_loop3A_746 = arith.constant 960 : i32
        %parallel_loop3A_747 = vector.broadcast %parallel_loop3A_746 : i32 to vector<16xi32>
        %parallel_loop3A_748 = arith.addi %parallel_loop3A_205, %parallel_loop3A_747 : vector<16xi32>
        %parallel_loop3A_749 = tpu.vector_load_idx %arg7[%parallel_loop3A_748] : memref<16384xf32, #tpu.memory_space<vmem>>[vector<16xi32>], vector<16xf32>,
        %parallel_loop3A_750 = arith.constant 0 : i32
        %parallel_loop3A_751 = arith.index_cast %parallel_loop3A_187 : i32 to index
        %parallel_loop3A_752 = arith.index_cast %parallel_loop3A_750 : i32 to index
        %parallel_loop3A_753 = arith.constant 960 : index
        %parallel_loop3A_754 = tpu.vector_load %arg10[%parallel_loop3A_751, %parallel_loop3A_752, %parallel_loop3A_753] {strides = array<i32>} : memref<16x1x2048xf32, #tpu.memory_space<vmem>>, vector<16xf32>,
        tpu.vector_store %arg10[%parallel_loop3A_751, %parallel_loop3A_752, %parallel_loop3A_753], %parallel_loop3A_749 {strides = array<i32>} : memref<16x1x2048xf32, #tpu.memory_space<vmem>>, vector<16xf32>,
        %parallel_loop3A_755 = arith.constant 976 : i32
        %parallel_loop3A_756 = vector.broadcast %parallel_loop3A_755 : i32 to vector<16xi32>
        %parallel_loop3A_757 = arith.addi %parallel_loop3A_205, %parallel_loop3A_756 : vector<16xi32>
        %parallel_loop3A_758 = tpu.vector_load_idx %arg7[%parallel_loop3A_757] : memref<16384xf32, #tpu.memory_space<vmem>>[vector<16xi32>], vector<16xf32>,
        %parallel_loop3A_759 = arith.constant 0 : i32
        %parallel_loop3A_760 = arith.index_cast %parallel_loop3A_187 : i32 to index
        %parallel_loop3A_761 = arith.index_cast %parallel_loop3A_759 : i32 to index
        %parallel_loop3A_762 = arith.constant 976 : index
        %parallel_loop3A_763 = tpu.vector_load %arg10[%parallel_loop3A_760, %parallel_loop3A_761, %parallel_loop3A_762] {strides = array<i32>} : memref<16x1x2048xf32, #tpu.memory_space<vmem>>, vector<16xf32>,
        tpu.vector_store %arg10[%parallel_loop3A_760, %parallel_loop3A_761, %parallel_loop3A_762], %parallel_loop3A_758 {strides = array<i32>} : memref<16x1x2048xf32, #tpu.memory_space<vmem>>, vector<16xf32>,
        %parallel_loop3A_764 = arith.constant 992 : i32
        %parallel_loop3A_765 = vector.broadcast %parallel_loop3A_764 : i32 to vector<16xi32>
        %parallel_loop3A_766 = arith.addi %parallel_loop3A_205, %parallel_loop3A_765 : vector<16xi32>
        %parallel_loop3A_767 = tpu.vector_load_idx %arg7[%parallel_loop3A_766] : memref<16384xf32, #tpu.memory_space<vmem>>[vector<16xi32>], vector<16xf32>,
        %parallel_loop3A_768 = arith.constant 0 : i32
        %parallel_loop3A_769 = arith.index_cast %parallel_loop3A_187 : i32 to index
        %parallel_loop3A_770 = arith.index_cast %parallel_loop3A_768 : i32 to index
        %parallel_loop3A_771 = arith.constant 992 : index
        %parallel_loop3A_772 = tpu.vector_load %arg10[%parallel_loop3A_769, %parallel_loop3A_770, %parallel_loop3A_771] {strides = array<i32>} : memref<16x1x2048xf32, #tpu.memory_space<vmem>>, vector<16xf32>,
        tpu.vector_store %arg10[%parallel_loop3A_769, %parallel_loop3A_770, %parallel_loop3A_771], %parallel_loop3A_767 {strides = array<i32>} : memref<16x1x2048xf32, #tpu.memory_space<vmem>>, vector<16xf32>,
        %parallel_loop3A_773 = arith.constant 1008 : i32
        %parallel_loop3A_774 = vector.broadcast %parallel_loop3A_773 : i32 to vector<16xi32>
        %parallel_loop3A_775 = arith.addi %parallel_loop3A_205, %parallel_loop3A_774 : vector<16xi32>
        %parallel_loop3A_776 = tpu.vector_load_idx %arg7[%parallel_loop3A_775] : memref<16384xf32, #tpu.memory_space<vmem>>[vector<16xi32>], vector<16xf32>,
        %parallel_loop3A_777 = arith.constant 0 : i32
        %parallel_loop3A_778 = arith.index_cast %parallel_loop3A_187 : i32 to index
        %parallel_loop3A_779 = arith.index_cast %parallel_loop3A_777 : i32 to index
        %parallel_loop3A_780 = arith.constant 1008 : index
        %parallel_loop3A_781 = tpu.vector_load %arg10[%parallel_loop3A_778, %parallel_loop3A_779, %parallel_loop3A_780] {strides = array<i32>} : memref<16x1x2048xf32, #tpu.memory_space<vmem>>, vector<16xf32>,
        tpu.vector_store %arg10[%parallel_loop3A_778, %parallel_loop3A_779, %parallel_loop3A_780], %parallel_loop3A_776 {strides = array<i32>} : memref<16x1x2048xf32, #tpu.memory_space<vmem>>, vector<16xf32>,
        %parallel_loop3A_782 = arith.constant 1024 : i32
        %parallel_loop3A_783 = vector.broadcast %parallel_loop3A_782 : i32 to vector<16xi32>
        %parallel_loop3A_784 = arith.addi %parallel_loop3A_205, %parallel_loop3A_783 : vector<16xi32>
        %parallel_loop3A_785 = tpu.vector_load_idx %arg7[%parallel_loop3A_784] : memref<16384xf32, #tpu.memory_space<vmem>>[vector<16xi32>], vector<16xf32>,
        %parallel_loop3A_786 = arith.constant 0 : i32
        %parallel_loop3A_787 = arith.index_cast %parallel_loop3A_187 : i32 to index
        %parallel_loop3A_788 = arith.index_cast %parallel_loop3A_786 : i32 to index
        %parallel_loop3A_789 = arith.constant 1024 : index
        %parallel_loop3A_790 = tpu.vector_load %arg10[%parallel_loop3A_787, %parallel_loop3A_788, %parallel_loop3A_789] {strides = array<i32>} : memref<16x1x2048xf32, #tpu.memory_space<vmem>>, vector<16xf32>,
        tpu.vector_store %arg10[%parallel_loop3A_787, %parallel_loop3A_788, %parallel_loop3A_789], %parallel_loop3A_785 {strides = array<i32>} : memref<16x1x2048xf32, #tpu.memory_space<vmem>>, vector<16xf32>,
        %parallel_loop3A_791 = arith.constant 1040 : i32
        %parallel_loop3A_792 = vector.broadcast %parallel_loop3A_791 : i32 to vector<16xi32>
        %parallel_loop3A_793 = arith.addi %parallel_loop3A_205, %parallel_loop3A_792 : vector<16xi32>
        %parallel_loop3A_794 = tpu.vector_load_idx %arg7[%parallel_loop3A_793] : memref<16384xf32, #tpu.memory_space<vmem>>[vector<16xi32>], vector<16xf32>,
        %parallel_loop3A_795 = arith.constant 0 : i32
        %parallel_loop3A_796 = arith.index_cast %parallel_loop3A_187 : i32 to index
        %parallel_loop3A_797 = arith.index_cast %parallel_loop3A_795 : i32 to index
        %parallel_loop3A_798 = arith.constant 1040 : index
        %parallel_loop3A_799 = tpu.vector_load %arg10[%parallel_loop3A_796, %parallel_loop3A_797, %parallel_loop3A_798] {strides = array<i32>} : memref<16x1x2048xf32, #tpu.memory_space<vmem>>, vector<16xf32>,
        tpu.vector_store %arg10[%parallel_loop3A_796, %parallel_loop3A_797, %parallel_loop3A_798], %parallel_loop3A_794 {strides = array<i32>} : memref<16x1x2048xf32, #tpu.memory_space<vmem>>, vector<16xf32>,
        %parallel_loop3A_800 = arith.constant 1056 : i32
        %parallel_loop3A_801 = vector.broadcast %parallel_loop3A_800 : i32 to vector<16xi32>
        %parallel_loop3A_802 = arith.addi %parallel_loop3A_205, %parallel_loop3A_801 : vector<16xi32>
        %parallel_loop3A_803 = tpu.vector_load_idx %arg7[%parallel_loop3A_802] : memref<16384xf32, #tpu.memory_space<vmem>>[vector<16xi32>], vector<16xf32>,
        %parallel_loop3A_804 = arith.constant 0 : i32
        %parallel_loop3A_805 = arith.index_cast %parallel_loop3A_187 : i32 to index
        %parallel_loop3A_806 = arith.index_cast %parallel_loop3A_804 : i32 to index
        %parallel_loop3A_807 = arith.constant 1056 : index
        %parallel_loop3A_808 = tpu.vector_load %arg10[%parallel_loop3A_805, %parallel_loop3A_806, %parallel_loop3A_807] {strides = array<i32>} : memref<16x1x2048xf32, #tpu.memory_space<vmem>>, vector<16xf32>,
        tpu.vector_store %arg10[%parallel_loop3A_805, %parallel_loop3A_806, %parallel_loop3A_807], %parallel_loop3A_803 {strides = array<i32>} : memref<16x1x2048xf32, #tpu.memory_space<vmem>>, vector<16xf32>,
        %parallel_loop3A_809 = arith.constant 1072 : i32
        %parallel_loop3A_810 = vector.broadcast %parallel_loop3A_809 : i32 to vector<16xi32>
        %parallel_loop3A_811 = arith.addi %parallel_loop3A_205, %parallel_loop3A_810 : vector<16xi32>
        %parallel_loop3A_812 = tpu.vector_load_idx %arg7[%parallel_loop3A_811] : memref<16384xf32, #tpu.memory_space<vmem>>[vector<16xi32>], vector<16xf32>,
        %parallel_loop3A_813 = arith.constant 0 : i32
        %parallel_loop3A_814 = arith.index_cast %parallel_loop3A_187 : i32 to index
        %parallel_loop3A_815 = arith.index_cast %parallel_loop3A_813 : i32 to index
        %parallel_loop3A_816 = arith.constant 1072 : index
        %parallel_loop3A_817 = tpu.vector_load %arg10[%parallel_loop3A_814, %parallel_loop3A_815, %parallel_loop3A_816] {strides = array<i32>} : memref<16x1x2048xf32, #tpu.memory_space<vmem>>, vector<16xf32>,
        tpu.vector_store %arg10[%parallel_loop3A_814, %parallel_loop3A_815, %parallel_loop3A_816], %parallel_loop3A_812 {strides = array<i32>} : memref<16x1x2048xf32, #tpu.memory_space<vmem>>, vector<16xf32>,
        %parallel_loop3A_818 = arith.constant 1088 : i32
        %parallel_loop3A_819 = vector.broadcast %parallel_loop3A_818 : i32 to vector<16xi32>
        %parallel_loop3A_820 = arith.addi %parallel_loop3A_205, %parallel_loop3A_819 : vector<16xi32>
        %parallel_loop3A_821 = tpu.vector_load_idx %arg7[%parallel_loop3A_820] : memref<16384xf32, #tpu.memory_space<vmem>>[vector<16xi32>], vector<16xf32>,
        %parallel_loop3A_822 = arith.constant 0 : i32
        %parallel_loop3A_823 = arith.index_cast %parallel_loop3A_187 : i32 to index
        %parallel_loop3A_824 = arith.index_cast %parallel_loop3A_822 : i32 to index
        %parallel_loop3A_825 = arith.constant 1088 : index
        %parallel_loop3A_826 = tpu.vector_load %arg10[%parallel_loop3A_823, %parallel_loop3A_824, %parallel_loop3A_825] {strides = array<i32>} : memref<16x1x2048xf32, #tpu.memory_space<vmem>>, vector<16xf32>,
        tpu.vector_store %arg10[%parallel_loop3A_823, %parallel_loop3A_824, %parallel_loop3A_825], %parallel_loop3A_821 {strides = array<i32>} : memref<16x1x2048xf32, #tpu.memory_space<vmem>>, vector<16xf32>,
        %parallel_loop3A_827 = arith.constant 1104 : i32
        %parallel_loop3A_828 = vector.broadcast %parallel_loop3A_827 : i32 to vector<16xi32>
        %parallel_loop3A_829 = arith.addi %parallel_loop3A_205, %parallel_loop3A_828 : vector<16xi32>
        %parallel_loop3A_830 = tpu.vector_load_idx %arg7[%parallel_loop3A_829] : memref<16384xf32, #tpu.memory_space<vmem>>[vector<16xi32>], vector<16xf32>,
        %parallel_loop3A_831 = arith.constant 0 : i32
        %parallel_loop3A_832 = arith.index_cast %parallel_loop3A_187 : i32 to index
        %parallel_loop3A_833 = arith.index_cast %parallel_loop3A_831 : i32 to index
        %parallel_loop3A_834 = arith.constant 1104 : index
        %parallel_loop3A_835 = tpu.vector_load %arg10[%parallel_loop3A_832, %parallel_loop3A_833, %parallel_loop3A_834] {strides = array<i32>} : memref<16x1x2048xf32, #tpu.memory_space<vmem>>, vector<16xf32>,
        tpu.vector_store %arg10[%parallel_loop3A_832, %parallel_loop3A_833, %parallel_loop3A_834], %parallel_loop3A_830 {strides = array<i32>} : memref<16x1x2048xf32, #tpu.memory_space<vmem>>, vector<16xf32>,
        %parallel_loop3A_836 = arith.constant 1120 : i32
        %parallel_loop3A_837 = vector.broadcast %parallel_loop3A_836 : i32 to vector<16xi32>
        %parallel_loop3A_838 = arith.addi %parallel_loop3A_205, %parallel_loop3A_837 : vector<16xi32>
        %parallel_loop3A_839 = tpu.vector_load_idx %arg7[%parallel_loop3A_838] : memref<16384xf32, #tpu.memory_space<vmem>>[vector<16xi32>], vector<16xf32>,
        %parallel_loop3A_840 = arith.constant 0 : i32
        %parallel_loop3A_841 = arith.index_cast %parallel_loop3A_187 : i32 to index
        %parallel_loop3A_842 = arith.index_cast %parallel_loop3A_840 : i32 to index
        %parallel_loop3A_843 = arith.constant 1120 : index
        %parallel_loop3A_844 = tpu.vector_load %arg10[%parallel_loop3A_841, %parallel_loop3A_842, %parallel_loop3A_843] {strides = array<i32>} : memref<16x1x2048xf32, #tpu.memory_space<vmem>>, vector<16xf32>,
        tpu.vector_store %arg10[%parallel_loop3A_841, %parallel_loop3A_842, %parallel_loop3A_843], %parallel_loop3A_839 {strides = array<i32>} : memref<16x1x2048xf32, #tpu.memory_space<vmem>>, vector<16xf32>,
        %parallel_loop3A_845 = arith.constant 1136 : i32
        %parallel_loop3A_846 = vector.broadcast %parallel_loop3A_845 : i32 to vector<16xi32>
        %parallel_loop3A_847 = arith.addi %parallel_loop3A_205, %parallel_loop3A_846 : vector<16xi32>
        %parallel_loop3A_848 = tpu.vector_load_idx %arg7[%parallel_loop3A_847] : memref<16384xf32, #tpu.memory_space<vmem>>[vector<16xi32>], vector<16xf32>,
        %parallel_loop3A_849 = arith.constant 0 : i32
        %parallel_loop3A_850 = arith.index_cast %parallel_loop3A_187 : i32 to index
        %parallel_loop3A_851 = arith.index_cast %parallel_loop3A_849 : i32 to index
        %parallel_loop3A_852 = arith.constant 1136 : index
        %parallel_loop3A_853 = tpu.vector_load %arg10[%parallel_loop3A_850, %parallel_loop3A_851, %parallel_loop3A_852] {strides = array<i32>} : memref<16x1x2048xf32, #tpu.memory_space<vmem>>, vector<16xf32>,
        tpu.vector_store %arg10[%parallel_loop3A_850, %parallel_loop3A_851, %parallel_loop3A_852], %parallel_loop3A_848 {strides = array<i32>} : memref<16x1x2048xf32, #tpu.memory_space<vmem>>, vector<16xf32>,
        %parallel_loop3A_854 = arith.constant 1152 : i32
        %parallel_loop3A_855 = vector.broadcast %parallel_loop3A_854 : i32 to vector<16xi32>
        %parallel_loop3A_856 = arith.addi %parallel_loop3A_205, %parallel_loop3A_855 : vector<16xi32>
        %parallel_loop3A_857 = tpu.vector_load_idx %arg7[%parallel_loop3A_856] : memref<16384xf32, #tpu.memory_space<vmem>>[vector<16xi32>], vector<16xf32>,
        %parallel_loop3A_858 = arith.constant 0 : i32
        %parallel_loop3A_859 = arith.index_cast %parallel_loop3A_187 : i32 to index
        %parallel_loop3A_860 = arith.index_cast %parallel_loop3A_858 : i32 to index
        %parallel_loop3A_861 = arith.constant 1152 : index
        %parallel_loop3A_862 = tpu.vector_load %arg10[%parallel_loop3A_859, %parallel_loop3A_860, %parallel_loop3A_861] {strides = array<i32>} : memref<16x1x2048xf32, #tpu.memory_space<vmem>>, vector<16xf32>,
        tpu.vector_store %arg10[%parallel_loop3A_859, %parallel_loop3A_860, %parallel_loop3A_861], %parallel_loop3A_857 {strides = array<i32>} : memref<16x1x2048xf32, #tpu.memory_space<vmem>>, vector<16xf32>,
        %parallel_loop3A_863 = arith.constant 1168 : i32
        %parallel_loop3A_864 = vector.broadcast %parallel_loop3A_863 : i32 to vector<16xi32>
        %parallel_loop3A_865 = arith.addi %parallel_loop3A_205, %parallel_loop3A_864 : vector<16xi32>
        %parallel_loop3A_866 = tpu.vector_load_idx %arg7[%parallel_loop3A_865] : memref<16384xf32, #tpu.memory_space<vmem>>[vector<16xi32>], vector<16xf32>,
        %parallel_loop3A_867 = arith.constant 0 : i32
        %parallel_loop3A_868 = arith.index_cast %parallel_loop3A_187 : i32 to index
        %parallel_loop3A_869 = arith.index_cast %parallel_loop3A_867 : i32 to index
        %parallel_loop3A_870 = arith.constant 1168 : index
        %parallel_loop3A_871 = tpu.vector_load %arg10[%parallel_loop3A_868, %parallel_loop3A_869, %parallel_loop3A_870] {strides = array<i32>} : memref<16x1x2048xf32, #tpu.memory_space<vmem>>, vector<16xf32>,
        tpu.vector_store %arg10[%parallel_loop3A_868, %parallel_loop3A_869, %parallel_loop3A_870], %parallel_loop3A_866 {strides = array<i32>} : memref<16x1x2048xf32, #tpu.memory_space<vmem>>, vector<16xf32>,
        %parallel_loop3A_872 = arith.constant 1184 : i32
        %parallel_loop3A_873 = vector.broadcast %parallel_loop3A_872 : i32 to vector<16xi32>
        %parallel_loop3A_874 = arith.addi %parallel_loop3A_205, %parallel_loop3A_873 : vector<16xi32>
        %parallel_loop3A_875 = tpu.vector_load_idx %arg7[%parallel_loop3A_874] : memref<16384xf32, #tpu.memory_space<vmem>>[vector<16xi32>], vector<16xf32>,
        %parallel_loop3A_876 = arith.constant 0 : i32
        %parallel_loop3A_877 = arith.index_cast %parallel_loop3A_187 : i32 to index
        %parallel_loop3A_878 = arith.index_cast %parallel_loop3A_876 : i32 to index
        %parallel_loop3A_879 = arith.constant 1184 : index
        %parallel_loop3A_880 = tpu.vector_load %arg10[%parallel_loop3A_877, %parallel_loop3A_878, %parallel_loop3A_879] {strides = array<i32>} : memref<16x1x2048xf32, #tpu.memory_space<vmem>>, vector<16xf32>,
        tpu.vector_store %arg10[%parallel_loop3A_877, %parallel_loop3A_878, %parallel_loop3A_879], %parallel_loop3A_875 {strides = array<i32>} : memref<16x1x2048xf32, #tpu.memory_space<vmem>>, vector<16xf32>,
        %parallel_loop3A_881 = arith.constant 1200 : i32
        %parallel_loop3A_882 = vector.broadcast %parallel_loop3A_881 : i32 to vector<16xi32>
        %parallel_loop3A_883 = arith.addi %parallel_loop3A_205, %parallel_loop3A_882 : vector<16xi32>
        %parallel_loop3A_884 = tpu.vector_load_idx %arg7[%parallel_loop3A_883] : memref<16384xf32, #tpu.memory_space<vmem>>[vector<16xi32>], vector<16xf32>,
        %parallel_loop3A_885 = arith.constant 0 : i32
        %parallel_loop3A_886 = arith.index_cast %parallel_loop3A_187 : i32 to index
        %parallel_loop3A_887 = arith.index_cast %parallel_loop3A_885 : i32 to index
        %parallel_loop3A_888 = arith.constant 1200 : index
        %parallel_loop3A_889 = tpu.vector_load %arg10[%parallel_loop3A_886, %parallel_loop3A_887, %parallel_loop3A_888] {strides = array<i32>} : memref<16x1x2048xf32, #tpu.memory_space<vmem>>, vector<16xf32>,
        tpu.vector_store %arg10[%parallel_loop3A_886, %parallel_loop3A_887, %parallel_loop3A_888], %parallel_loop3A_884 {strides = array<i32>} : memref<16x1x2048xf32, #tpu.memory_space<vmem>>, vector<16xf32>,
        %parallel_loop3A_890 = arith.constant 1216 : i32
        %parallel_loop3A_891 = vector.broadcast %parallel_loop3A_890 : i32 to vector<16xi32>
        %parallel_loop3A_892 = arith.addi %parallel_loop3A_205, %parallel_loop3A_891 : vector<16xi32>
        %parallel_loop3A_893 = tpu.vector_load_idx %arg7[%parallel_loop3A_892] : memref<16384xf32, #tpu.memory_space<vmem>>[vector<16xi32>], vector<16xf32>,
        %parallel_loop3A_894 = arith.constant 0 : i32
        %parallel_loop3A_895 = arith.index_cast %parallel_loop3A_187 : i32 to index
        %parallel_loop3A_896 = arith.index_cast %parallel_loop3A_894 : i32 to index
        %parallel_loop3A_897 = arith.constant 1216 : index
        %parallel_loop3A_898 = tpu.vector_load %arg10[%parallel_loop3A_895, %parallel_loop3A_896, %parallel_loop3A_897] {strides = array<i32>} : memref<16x1x2048xf32, #tpu.memory_space<vmem>>, vector<16xf32>,
        tpu.vector_store %arg10[%parallel_loop3A_895, %parallel_loop3A_896, %parallel_loop3A_897], %parallel_loop3A_893 {strides = array<i32>} : memref<16x1x2048xf32, #tpu.memory_space<vmem>>, vector<16xf32>,
        %parallel_loop3A_899 = arith.constant 1232 : i32
        %parallel_loop3A_900 = vector.broadcast %parallel_loop3A_899 : i32 to vector<16xi32>
        %parallel_loop3A_901 = arith.addi %parallel_loop3A_205, %parallel_loop3A_900 : vector<16xi32>
        %parallel_loop3A_902 = tpu.vector_load_idx %arg7[%parallel_loop3A_901] : memref<16384xf32, #tpu.memory_space<vmem>>[vector<16xi32>], vector<16xf32>,
        %parallel_loop3A_903 = arith.constant 0 : i32
        %parallel_loop3A_904 = arith.index_cast %parallel_loop3A_187 : i32 to index
        %parallel_loop3A_905 = arith.index_cast %parallel_loop3A_903 : i32 to index
        %parallel_loop3A_906 = arith.constant 1232 : index
        %parallel_loop3A_907 = tpu.vector_load %arg10[%parallel_loop3A_904, %parallel_loop3A_905, %parallel_loop3A_906] {strides = array<i32>} : memref<16x1x2048xf32, #tpu.memory_space<vmem>>, vector<16xf32>,
        tpu.vector_store %arg10[%parallel_loop3A_904, %parallel_loop3A_905, %parallel_loop3A_906], %parallel_loop3A_902 {strides = array<i32>} : memref<16x1x2048xf32, #tpu.memory_space<vmem>>, vector<16xf32>,
        %parallel_loop3A_908 = arith.constant 1248 : i32
        %parallel_loop3A_909 = vector.broadcast %parallel_loop3A_908 : i32 to vector<16xi32>
        %parallel_loop3A_910 = arith.addi %parallel_loop3A_205, %parallel_loop3A_909 : vector<16xi32>
        %parallel_loop3A_911 = tpu.vector_load_idx %arg7[%parallel_loop3A_910] : memref<16384xf32, #tpu.memory_space<vmem>>[vector<16xi32>], vector<16xf32>,
        %parallel_loop3A_912 = arith.constant 0 : i32
        %parallel_loop3A_913 = arith.index_cast %parallel_loop3A_187 : i32 to index
        %parallel_loop3A_914 = arith.index_cast %parallel_loop3A_912 : i32 to index
        %parallel_loop3A_915 = arith.constant 1248 : index
        %parallel_loop3A_916 = tpu.vector_load %arg10[%parallel_loop3A_913, %parallel_loop3A_914, %parallel_loop3A_915] {strides = array<i32>} : memref<16x1x2048xf32, #tpu.memory_space<vmem>>, vector<16xf32>,
        tpu.vector_store %arg10[%parallel_loop3A_913, %parallel_loop3A_914, %parallel_loop3A_915], %parallel_loop3A_911 {strides = array<i32>} : memref<16x1x2048xf32, #tpu.memory_space<vmem>>, vector<16xf32>,
        %parallel_loop3A_917 = arith.constant 1264 : i32
        %parallel_loop3A_918 = vector.broadcast %parallel_loop3A_917 : i32 to vector<16xi32>
        %parallel_loop3A_919 = arith.addi %parallel_loop3A_205, %parallel_loop3A_918 : vector<16xi32>
        %parallel_loop3A_920 = tpu.vector_load_idx %arg7[%parallel_loop3A_919] : memref<16384xf32, #tpu.memory_space<vmem>>[vector<16xi32>], vector<16xf32>,
        %parallel_loop3A_921 = arith.constant 0 : i32
        %parallel_loop3A_922 = arith.index_cast %parallel_loop3A_187 : i32 to index
        %parallel_loop3A_923 = arith.index_cast %parallel_loop3A_921 : i32 to index
        %parallel_loop3A_924 = arith.constant 1264 : index
        %parallel_loop3A_925 = tpu.vector_load %arg10[%parallel_loop3A_922, %parallel_loop3A_923, %parallel_loop3A_924] {strides = array<i32>} : memref<16x1x2048xf32, #tpu.memory_space<vmem>>, vector<16xf32>,
        tpu.vector_store %arg10[%parallel_loop3A_922, %parallel_loop3A_923, %parallel_loop3A_924], %parallel_loop3A_920 {strides = array<i32>} : memref<16x1x2048xf32, #tpu.memory_space<vmem>>, vector<16xf32>,
        %parallel_loop3A_926 = arith.constant 1280 : i32
        %parallel_loop3A_927 = vector.broadcast %parallel_loop3A_926 : i32 to vector<16xi32>
        %parallel_loop3A_928 = arith.addi %parallel_loop3A_205, %parallel_loop3A_927 : vector<16xi32>
        %parallel_loop3A_929 = tpu.vector_load_idx %arg7[%parallel_loop3A_928] : memref<16384xf32, #tpu.memory_space<vmem>>[vector<16xi32>], vector<16xf32>,
        %parallel_loop3A_930 = arith.constant 0 : i32
        %parallel_loop3A_931 = arith.index_cast %parallel_loop3A_187 : i32 to index
        %parallel_loop3A_932 = arith.index_cast %parallel_loop3A_930 : i32 to index
        %parallel_loop3A_933 = arith.constant 1280 : index
        %parallel_loop3A_934 = tpu.vector_load %arg10[%parallel_loop3A_931, %parallel_loop3A_932, %parallel_loop3A_933] {strides = array<i32>} : memref<16x1x2048xf32, #tpu.memory_space<vmem>>, vector<16xf32>,
        tpu.vector_store %arg10[%parallel_loop3A_931, %parallel_loop3A_932, %parallel_loop3A_933], %parallel_loop3A_929 {strides = array<i32>} : memref<16x1x2048xf32, #tpu.memory_space<vmem>>, vector<16xf32>,
        %parallel_loop3A_935 = arith.constant 1296 : i32
        %parallel_loop3A_936 = vector.broadcast %parallel_loop3A_935 : i32 to vector<16xi32>
        %parallel_loop3A_937 = arith.addi %parallel_loop3A_205, %parallel_loop3A_936 : vector<16xi32>
        %parallel_loop3A_938 = tpu.vector_load_idx %arg7[%parallel_loop3A_937] : memref<16384xf32, #tpu.memory_space<vmem>>[vector<16xi32>], vector<16xf32>,
        %parallel_loop3A_939 = arith.constant 0 : i32
        %parallel_loop3A_940 = arith.index_cast %parallel_loop3A_187 : i32 to index
        %parallel_loop3A_941 = arith.index_cast %parallel_loop3A_939 : i32 to index
        %parallel_loop3A_942 = arith.constant 1296 : index
        %parallel_loop3A_943 = tpu.vector_load %arg10[%parallel_loop3A_940, %parallel_loop3A_941, %parallel_loop3A_942] {strides = array<i32>} : memref<16x1x2048xf32, #tpu.memory_space<vmem>>, vector<16xf32>,
        tpu.vector_store %arg10[%parallel_loop3A_940, %parallel_loop3A_941, %parallel_loop3A_942], %parallel_loop3A_938 {strides = array<i32>} : memref<16x1x2048xf32, #tpu.memory_space<vmem>>, vector<16xf32>,
        %parallel_loop3A_944 = arith.constant 1312 : i32
        %parallel_loop3A_945 = vector.broadcast %parallel_loop3A_944 : i32 to vector<16xi32>
        %parallel_loop3A_946 = arith.addi %parallel_loop3A_205, %parallel_loop3A_945 : vector<16xi32>
        %parallel_loop3A_947 = tpu.vector_load_idx %arg7[%parallel_loop3A_946] : memref<16384xf32, #tpu.memory_space<vmem>>[vector<16xi32>], vector<16xf32>,
        %parallel_loop3A_948 = arith.constant 0 : i32
        %parallel_loop3A_949 = arith.index_cast %parallel_loop3A_187 : i32 to index
        %parallel_loop3A_950 = arith.index_cast %parallel_loop3A_948 : i32 to index
        %parallel_loop3A_951 = arith.constant 1312 : index
        %parallel_loop3A_952 = tpu.vector_load %arg10[%parallel_loop3A_949, %parallel_loop3A_950, %parallel_loop3A_951] {strides = array<i32>} : memref<16x1x2048xf32, #tpu.memory_space<vmem>>, vector<16xf32>,
        tpu.vector_store %arg10[%parallel_loop3A_949, %parallel_loop3A_950, %parallel_loop3A_951], %parallel_loop3A_947 {strides = array<i32>} : memref<16x1x2048xf32, #tpu.memory_space<vmem>>, vector<16xf32>,
        %parallel_loop3A_953 = arith.constant 1328 : i32
        %parallel_loop3A_954 = vector.broadcast %parallel_loop3A_953 : i32 to vector<16xi32>
        %parallel_loop3A_955 = arith.addi %parallel_loop3A_205, %parallel_loop3A_954 : vector<16xi32>
        %parallel_loop3A_956 = tpu.vector_load_idx %arg7[%parallel_loop3A_955] : memref<16384xf32, #tpu.memory_space<vmem>>[vector<16xi32>], vector<16xf32>,
        %parallel_loop3A_957 = arith.constant 0 : i32
        %parallel_loop3A_958 = arith.index_cast %parallel_loop3A_187 : i32 to index
        %parallel_loop3A_959 = arith.index_cast %parallel_loop3A_957 : i32 to index
        %parallel_loop3A_960 = arith.constant 1328 : index
        %parallel_loop3A_961 = tpu.vector_load %arg10[%parallel_loop3A_958, %parallel_loop3A_959, %parallel_loop3A_960] {strides = array<i32>} : memref<16x1x2048xf32, #tpu.memory_space<vmem>>, vector<16xf32>,
        tpu.vector_store %arg10[%parallel_loop3A_958, %parallel_loop3A_959, %parallel_loop3A_960], %parallel_loop3A_956 {strides = array<i32>} : memref<16x1x2048xf32, #tpu.memory_space<vmem>>, vector<16xf32>,
        %parallel_loop3A_962 = arith.constant 1344 : i32
        %parallel_loop3A_963 = vector.broadcast %parallel_loop3A_962 : i32 to vector<16xi32>
        %parallel_loop3A_964 = arith.addi %parallel_loop3A_205, %parallel_loop3A_963 : vector<16xi32>
        %parallel_loop3A_965 = tpu.vector_load_idx %arg7[%parallel_loop3A_964] : memref<16384xf32, #tpu.memory_space<vmem>>[vector<16xi32>], vector<16xf32>,
        %parallel_loop3A_966 = arith.constant 0 : i32
        %parallel_loop3A_967 = arith.index_cast %parallel_loop3A_187 : i32 to index
        %parallel_loop3A_968 = arith.index_cast %parallel_loop3A_966 : i32 to index
        %parallel_loop3A_969 = arith.constant 1344 : index
        %parallel_loop3A_970 = tpu.vector_load %arg10[%parallel_loop3A_967, %parallel_loop3A_968, %parallel_loop3A_969] {strides = array<i32>} : memref<16x1x2048xf32, #tpu.memory_space<vmem>>, vector<16xf32>,
        tpu.vector_store %arg10[%parallel_loop3A_967, %parallel_loop3A_968, %parallel_loop3A_969], %parallel_loop3A_965 {strides = array<i32>} : memref<16x1x2048xf32, #tpu.memory_space<vmem>>, vector<16xf32>,
        %parallel_loop3A_971 = arith.constant 1360 : i32
        %parallel_loop3A_972 = vector.broadcast %parallel_loop3A_971 : i32 to vector<16xi32>
        %parallel_loop3A_973 = arith.addi %parallel_loop3A_205, %parallel_loop3A_972 : vector<16xi32>
        %parallel_loop3A_974 = tpu.vector_load_idx %arg7[%parallel_loop3A_973] : memref<16384xf32, #tpu.memory_space<vmem>>[vector<16xi32>], vector<16xf32>,
        %parallel_loop3A_975 = arith.constant 0 : i32
        %parallel_loop3A_976 = arith.index_cast %parallel_loop3A_187 : i32 to index
        %parallel_loop3A_977 = arith.index_cast %parallel_loop3A_975 : i32 to index
        %parallel_loop3A_978 = arith.constant 1360 : index
        %parallel_loop3A_979 = tpu.vector_load %arg10[%parallel_loop3A_976, %parallel_loop3A_977, %parallel_loop3A_978] {strides = array<i32>} : memref<16x1x2048xf32, #tpu.memory_space<vmem>>, vector<16xf32>,
        tpu.vector_store %arg10[%parallel_loop3A_976, %parallel_loop3A_977, %parallel_loop3A_978], %parallel_loop3A_974 {strides = array<i32>} : memref<16x1x2048xf32, #tpu.memory_space<vmem>>, vector<16xf32>,
        %parallel_loop3A_980 = arith.constant 1376 : i32
        %parallel_loop3A_981 = vector.broadcast %parallel_loop3A_980 : i32 to vector<16xi32>
        %parallel_loop3A_982 = arith.addi %parallel_loop3A_205, %parallel_loop3A_981 : vector<16xi32>
        %parallel_loop3A_983 = tpu.vector_load_idx %arg7[%parallel_loop3A_982] : memref<16384xf32, #tpu.memory_space<vmem>>[vector<16xi32>], vector<16xf32>,
        %parallel_loop3A_984 = arith.constant 0 : i32
        %parallel_loop3A_985 = arith.index_cast %parallel_loop3A_187 : i32 to index
        %parallel_loop3A_986 = arith.index_cast %parallel_loop3A_984 : i32 to index
        %parallel_loop3A_987 = arith.constant 1376 : index
        %parallel_loop3A_988 = tpu.vector_load %arg10[%parallel_loop3A_985, %parallel_loop3A_986, %parallel_loop3A_987] {strides = array<i32>} : memref<16x1x2048xf32, #tpu.memory_space<vmem>>, vector<16xf32>,
        tpu.vector_store %arg10[%parallel_loop3A_985, %parallel_loop3A_986, %parallel_loop3A_987], %parallel_loop3A_983 {strides = array<i32>} : memref<16x1x2048xf32, #tpu.memory_space<vmem>>, vector<16xf32>,
        %parallel_loop3A_989 = arith.constant 1392 : i32
        %parallel_loop3A_990 = vector.broadcast %parallel_loop3A_989 : i32 to vector<16xi32>
        %parallel_loop3A_991 = arith.addi %parallel_loop3A_205, %parallel_loop3A_990 : vector<16xi32>
        %parallel_loop3A_992 = tpu.vector_load_idx %arg7[%parallel_loop3A_991] : memref<16384xf32, #tpu.memory_space<vmem>>[vector<16xi32>], vector<16xf32>,
        %parallel_loop3A_993 = arith.constant 0 : i32
        %parallel_loop3A_994 = arith.index_cast %parallel_loop3A_187 : i32 to index
        %parallel_loop3A_995 = arith.index_cast %parallel_loop3A_993 : i32 to index
        %parallel_loop3A_996 = arith.constant 1392 : index
        %parallel_loop3A_997 = tpu.vector_load %arg10[%parallel_loop3A_994, %parallel_loop3A_995, %parallel_loop3A_996] {strides = array<i32>} : memref<16x1x2048xf32, #tpu.memory_space<vmem>>, vector<16xf32>,
        tpu.vector_store %arg10[%parallel_loop3A_994, %parallel_loop3A_995, %parallel_loop3A_996], %parallel_loop3A_992 {strides = array<i32>} : memref<16x1x2048xf32, #tpu.memory_space<vmem>>, vector<16xf32>,
        %parallel_loop3A_998 = arith.constant 1408 : i32
        %parallel_loop3A_999 = vector.broadcast %parallel_loop3A_998 : i32 to vector<16xi32>
        %parallel_loop3A_1000 = arith.addi %parallel_loop3A_205, %parallel_loop3A_999 : vector<16xi32>
        %parallel_loop3A_1001 = tpu.vector_load_idx %arg7[%parallel_loop3A_1000] : memref<16384xf32, #tpu.memory_space<vmem>>[vector<16xi32>], vector<16xf32>,
        %parallel_loop3A_1002 = arith.constant 0 : i32
        %parallel_loop3A_1003 = arith.index_cast %parallel_loop3A_187 : i32 to index
        %parallel_loop3A_1004 = arith.index_cast %parallel_loop3A_1002 : i32 to index
        %parallel_loop3A_1005 = arith.constant 1408 : index
        %parallel_loop3A_1006 = tpu.vector_load %arg10[%parallel_loop3A_1003, %parallel_loop3A_1004, %parallel_loop3A_1005] {strides = array<i32>} : memref<16x1x2048xf32, #tpu.memory_space<vmem>>, vector<16xf32>,
        tpu.vector_store %arg10[%parallel_loop3A_1003, %parallel_loop3A_1004, %parallel_loop3A_1005], %parallel_loop3A_1001 {strides = array<i32>} : memref<16x1x2048xf32, #tpu.memory_space<vmem>>, vector<16xf32>,
        %parallel_loop3A_1007 = arith.constant 1424 : i32
        %parallel_loop3A_1008 = vector.broadcast %parallel_loop3A_1007 : i32 to vector<16xi32>
        %parallel_loop3A_1009 = arith.addi %parallel_loop3A_205, %parallel_loop3A_1008 : vector<16xi32>
        %parallel_loop3A_1010 = tpu.vector_load_idx %arg7[%parallel_loop3A_1009] : memref<16384xf32, #tpu.memory_space<vmem>>[vector<16xi32>], vector<16xf32>,
        %parallel_loop3A_1011 = arith.constant 0 : i32
        %parallel_loop3A_1012 = arith.index_cast %parallel_loop3A_187 : i32 to index
        %parallel_loop3A_1013 = arith.index_cast %parallel_loop3A_1011 : i32 to index
        %parallel_loop3A_1014 = arith.constant 1424 : index
        %parallel_loop3A_1015 = tpu.vector_load %arg10[%parallel_loop3A_1012, %parallel_loop3A_1013, %parallel_loop3A_1014] {strides = array<i32>} : memref<16x1x2048xf32, #tpu.memory_space<vmem>>, vector<16xf32>,
        tpu.vector_store %arg10[%parallel_loop3A_1012, %parallel_loop3A_1013, %parallel_loop3A_1014], %parallel_loop3A_1010 {strides = array<i32>} : memref<16x1x2048xf32, #tpu.memory_space<vmem>>, vector<16xf32>,
        %parallel_loop3A_1016 = arith.constant 1440 : i32
        %parallel_loop3A_1017 = vector.broadcast %parallel_loop3A_1016 : i32 to vector<16xi32>
        %parallel_loop3A_1018 = arith.addi %parallel_loop3A_205, %parallel_loop3A_1017 : vector<16xi32>
        %parallel_loop3A_1019 = tpu.vector_load_idx %arg7[%parallel_loop3A_1018] : memref<16384xf32, #tpu.memory_space<vmem>>[vector<16xi32>], vector<16xf32>,
        %parallel_loop3A_1020 = arith.constant 0 : i32
        %parallel_loop3A_1021 = arith.index_cast %parallel_loop3A_187 : i32 to index
        %parallel_loop3A_1022 = arith.index_cast %parallel_loop3A_1020 : i32 to index
        %parallel_loop3A_1023 = arith.constant 1440 : index
        %parallel_loop3A_1024 = tpu.vector_load %arg10[%parallel_loop3A_1021, %parallel_loop3A_1022, %parallel_loop3A_1023] {strides = array<i32>} : memref<16x1x2048xf32, #tpu.memory_space<vmem>>, vector<16xf32>,
        tpu.vector_store %arg10[%parallel_loop3A_1021, %parallel_loop3A_1022, %parallel_loop3A_1023], %parallel_loop3A_1019 {strides = array<i32>} : memref<16x1x2048xf32, #tpu.memory_space<vmem>>, vector<16xf32>,
        %parallel_loop3A_1025 = arith.constant 1456 : i32
        %parallel_loop3A_1026 = vector.broadcast %parallel_loop3A_1025 : i32 to vector<16xi32>
        %parallel_loop3A_1027 = arith.addi %parallel_loop3A_205, %parallel_loop3A_1026 : vector<16xi32>
        %parallel_loop3A_1028 = tpu.vector_load_idx %arg7[%parallel_loop3A_1027] : memref<16384xf32, #tpu.memory_space<vmem>>[vector<16xi32>], vector<16xf32>,
        %parallel_loop3A_1029 = arith.constant 0 : i32
        %parallel_loop3A_1030 = arith.index_cast %parallel_loop3A_187 : i32 to index
        %parallel_loop3A_1031 = arith.index_cast %parallel_loop3A_1029 : i32 to index
        %parallel_loop3A_1032 = arith.constant 1456 : index
        %parallel_loop3A_1033 = tpu.vector_load %arg10[%parallel_loop3A_1030, %parallel_loop3A_1031, %parallel_loop3A_1032] {strides = array<i32>} : memref<16x1x2048xf32, #tpu.memory_space<vmem>>, vector<16xf32>,
        tpu.vector_store %arg10[%parallel_loop3A_1030, %parallel_loop3A_1031, %parallel_loop3A_1032], %parallel_loop3A_1028 {strides = array<i32>} : memref<16x1x2048xf32, #tpu.memory_space<vmem>>, vector<16xf32>,
        %parallel_loop3A_1034 = arith.constant 1472 : i32
        %parallel_loop3A_1035 = vector.broadcast %parallel_loop3A_1034 : i32 to vector<16xi32>
        %parallel_loop3A_1036 = arith.addi %parallel_loop3A_205, %parallel_loop3A_1035 : vector<16xi32>
        %parallel_loop3A_1037 = tpu.vector_load_idx %arg7[%parallel_loop3A_1036] : memref<16384xf32, #tpu.memory_space<vmem>>[vector<16xi32>], vector<16xf32>,
        %parallel_loop3A_1038 = arith.constant 0 : i32
        %parallel_loop3A_1039 = arith.index_cast %parallel_loop3A_187 : i32 to index
        %parallel_loop3A_1040 = arith.index_cast %parallel_loop3A_1038 : i32 to index
        %parallel_loop3A_1041 = arith.constant 1472 : index
        %parallel_loop3A_1042 = tpu.vector_load %arg10[%parallel_loop3A_1039, %parallel_loop3A_1040, %parallel_loop3A_1041] {strides = array<i32>} : memref<16x1x2048xf32, #tpu.memory_space<vmem>>, vector<16xf32>,
        tpu.vector_store %arg10[%parallel_loop3A_1039, %parallel_loop3A_1040, %parallel_loop3A_1041], %parallel_loop3A_1037 {strides = array<i32>} : memref<16x1x2048xf32, #tpu.memory_space<vmem>>, vector<16xf32>,
        %parallel_loop3A_1043 = arith.constant 1488 : i32
        %parallel_loop3A_1044 = vector.broadcast %parallel_loop3A_1043 : i32 to vector<16xi32>
        %parallel_loop3A_1045 = arith.addi %parallel_loop3A_205, %parallel_loop3A_1044 : vector<16xi32>
        %parallel_loop3A_1046 = tpu.vector_load_idx %arg7[%parallel_loop3A_1045] : memref<16384xf32, #tpu.memory_space<vmem>>[vector<16xi32>], vector<16xf32>,
        %parallel_loop3A_1047 = arith.constant 0 : i32
        %parallel_loop3A_1048 = arith.index_cast %parallel_loop3A_187 : i32 to index
        %parallel_loop3A_1049 = arith.index_cast %parallel_loop3A_1047 : i32 to index
        %parallel_loop3A_1050 = arith.constant 1488 : index
        %parallel_loop3A_1051 = tpu.vector_load %arg10[%parallel_loop3A_1048, %parallel_loop3A_1049, %parallel_loop3A_1050] {strides = array<i32>} : memref<16x1x2048xf32, #tpu.memory_space<vmem>>, vector<16xf32>,
        tpu.vector_store %arg10[%parallel_loop3A_1048, %parallel_loop3A_1049, %parallel_loop3A_1050], %parallel_loop3A_1046 {strides = array<i32>} : memref<16x1x2048xf32, #tpu.memory_space<vmem>>, vector<16xf32>,
        %parallel_loop3A_1052 = arith.constant 1504 : i32
        %parallel_loop3A_1053 = vector.broadcast %parallel_loop3A_1052 : i32 to vector<16xi32>
        %parallel_loop3A_1054 = arith.addi %parallel_loop3A_205, %parallel_loop3A_1053 : vector<16xi32>
        %parallel_loop3A_1055 = tpu.vector_load_idx %arg7[%parallel_loop3A_1054] : memref<16384xf32, #tpu.memory_space<vmem>>[vector<16xi32>], vector<16xf32>,
        %parallel_loop3A_1056 = arith.constant 0 : i32
        %parallel_loop3A_1057 = arith.index_cast %parallel_loop3A_187 : i32 to index
        %parallel_loop3A_1058 = arith.index_cast %parallel_loop3A_1056 : i32 to index
        %parallel_loop3A_1059 = arith.constant 1504 : index
        %parallel_loop3A_1060 = tpu.vector_load %arg10[%parallel_loop3A_1057, %parallel_loop3A_1058, %parallel_loop3A_1059] {strides = array<i32>} : memref<16x1x2048xf32, #tpu.memory_space<vmem>>, vector<16xf32>,
        tpu.vector_store %arg10[%parallel_loop3A_1057, %parallel_loop3A_1058, %parallel_loop3A_1059], %parallel_loop3A_1055 {strides = array<i32>} : memref<16x1x2048xf32, #tpu.memory_space<vmem>>, vector<16xf32>,
        %parallel_loop3A_1061 = arith.constant 1520 : i32
        %parallel_loop3A_1062 = vector.broadcast %parallel_loop3A_1061 : i32 to vector<16xi32>
        %parallel_loop3A_1063 = arith.addi %parallel_loop3A_205, %parallel_loop3A_1062 : vector<16xi32>
        %parallel_loop3A_1064 = tpu.vector_load_idx %arg7[%parallel_loop3A_1063] : memref<16384xf32, #tpu.memory_space<vmem>>[vector<16xi32>], vector<16xf32>,
        %parallel_loop3A_1065 = arith.constant 0 : i32
        %parallel_loop3A_1066 = arith.index_cast %parallel_loop3A_187 : i32 to index
        %parallel_loop3A_1067 = arith.index_cast %parallel_loop3A_1065 : i32 to index
        %parallel_loop3A_1068 = arith.constant 1520 : index
        %parallel_loop3A_1069 = tpu.vector_load %arg10[%parallel_loop3A_1066, %parallel_loop3A_1067, %parallel_loop3A_1068] {strides = array<i32>} : memref<16x1x2048xf32, #tpu.memory_space<vmem>>, vector<16xf32>,
        tpu.vector_store %arg10[%parallel_loop3A_1066, %parallel_loop3A_1067, %parallel_loop3A_1068], %parallel_loop3A_1064 {strides = array<i32>} : memref<16x1x2048xf32, #tpu.memory_space<vmem>>, vector<16xf32>,
        %parallel_loop3A_1070 = arith.constant 1536 : i32
        %parallel_loop3A_1071 = vector.broadcast %parallel_loop3A_1070 : i32 to vector<16xi32>
        %parallel_loop3A_1072 = arith.addi %parallel_loop3A_205, %parallel_loop3A_1071 : vector<16xi32>
        %parallel_loop3A_1073 = tpu.vector_load_idx %arg7[%parallel_loop3A_1072] : memref<16384xf32, #tpu.memory_space<vmem>>[vector<16xi32>], vector<16xf32>,
        %parallel_loop3A_1074 = arith.constant 0 : i32
        %parallel_loop3A_1075 = arith.index_cast %parallel_loop3A_187 : i32 to index
        %parallel_loop3A_1076 = arith.index_cast %parallel_loop3A_1074 : i32 to index
        %parallel_loop3A_1077 = arith.constant 1536 : index
        %parallel_loop3A_1078 = tpu.vector_load %arg10[%parallel_loop3A_1075, %parallel_loop3A_1076, %parallel_loop3A_1077] {strides = array<i32>} : memref<16x1x2048xf32, #tpu.memory_space<vmem>>, vector<16xf32>,
        tpu.vector_store %arg10[%parallel_loop3A_1075, %parallel_loop3A_1076, %parallel_loop3A_1077], %parallel_loop3A_1073 {strides = array<i32>} : memref<16x1x2048xf32, #tpu.memory_space<vmem>>, vector<16xf32>,
        %parallel_loop3A_1079 = arith.constant 1552 : i32
        %parallel_loop3A_1080 = vector.broadcast %parallel_loop3A_1079 : i32 to vector<16xi32>
        %parallel_loop3A_1081 = arith.addi %parallel_loop3A_205, %parallel_loop3A_1080 : vector<16xi32>
        %parallel_loop3A_1082 = tpu.vector_load_idx %arg7[%parallel_loop3A_1081] : memref<16384xf32, #tpu.memory_space<vmem>>[vector<16xi32>], vector<16xf32>,
        %parallel_loop3A_1083 = arith.constant 0 : i32
        %parallel_loop3A_1084 = arith.index_cast %parallel_loop3A_187 : i32 to index
        %parallel_loop3A_1085 = arith.index_cast %parallel_loop3A_1083 : i32 to index
        %parallel_loop3A_1086 = arith.constant 1552 : index
        %parallel_loop3A_1087 = tpu.vector_load %arg10[%parallel_loop3A_1084, %parallel_loop3A_1085, %parallel_loop3A_1086] {strides = array<i32>} : memref<16x1x2048xf32, #tpu.memory_space<vmem>>, vector<16xf32>,
        tpu.vector_store %arg10[%parallel_loop3A_1084, %parallel_loop3A_1085, %parallel_loop3A_1086], %parallel_loop3A_1082 {strides = array<i32>} : memref<16x1x2048xf32, #tpu.memory_space<vmem>>, vector<16xf32>,
        %parallel_loop3A_1088 = arith.constant 1568 : i32
        %parallel_loop3A_1089 = vector.broadcast %parallel_loop3A_1088 : i32 to vector<16xi32>
        %parallel_loop3A_1090 = arith.addi %parallel_loop3A_205, %parallel_loop3A_1089 : vector<16xi32>
        %parallel_loop3A_1091 = tpu.vector_load_idx %arg7[%parallel_loop3A_1090] : memref<16384xf32, #tpu.memory_space<vmem>>[vector<16xi32>], vector<16xf32>,
        %parallel_loop3A_1092 = arith.constant 0 : i32
        %parallel_loop3A_1093 = arith.index_cast %parallel_loop3A_187 : i32 to index
        %parallel_loop3A_1094 = arith.index_cast %parallel_loop3A_1092 : i32 to index
        %parallel_loop3A_1095 = arith.constant 1568 : index
        %parallel_loop3A_1096 = tpu.vector_load %arg10[%parallel_loop3A_1093, %parallel_loop3A_1094, %parallel_loop3A_1095] {strides = array<i32>} : memref<16x1x2048xf32, #tpu.memory_space<vmem>>, vector<16xf32>,
        tpu.vector_store %arg10[%parallel_loop3A_1093, %parallel_loop3A_1094, %parallel_loop3A_1095], %parallel_loop3A_1091 {strides = array<i32>} : memref<16x1x2048xf32, #tpu.memory_space<vmem>>, vector<16xf32>,
        %parallel_loop3A_1097 = arith.constant 1584 : i32
        %parallel_loop3A_1098 = vector.broadcast %parallel_loop3A_1097 : i32 to vector<16xi32>
        %parallel_loop3A_1099 = arith.addi %parallel_loop3A_205, %parallel_loop3A_1098 : vector<16xi32>
        %parallel_loop3A_1100 = tpu.vector_load_idx %arg7[%parallel_loop3A_1099] : memref<16384xf32, #tpu.memory_space<vmem>>[vector<16xi32>], vector<16xf32>,
        %parallel_loop3A_1101 = arith.constant 0 : i32
        %parallel_loop3A_1102 = arith.index_cast %parallel_loop3A_187 : i32 to index
        %parallel_loop3A_1103 = arith.index_cast %parallel_loop3A_1101 : i32 to index
        %parallel_loop3A_1104 = arith.constant 1584 : index
        %parallel_loop3A_1105 = tpu.vector_load %arg10[%parallel_loop3A_1102, %parallel_loop3A_1103, %parallel_loop3A_1104] {strides = array<i32>} : memref<16x1x2048xf32, #tpu.memory_space<vmem>>, vector<16xf32>,
        tpu.vector_store %arg10[%parallel_loop3A_1102, %parallel_loop3A_1103, %parallel_loop3A_1104], %parallel_loop3A_1100 {strides = array<i32>} : memref<16x1x2048xf32, #tpu.memory_space<vmem>>, vector<16xf32>,
        %parallel_loop3A_1106 = arith.constant 1600 : i32
        %parallel_loop3A_1107 = vector.broadcast %parallel_loop3A_1106 : i32 to vector<16xi32>
        %parallel_loop3A_1108 = arith.addi %parallel_loop3A_205, %parallel_loop3A_1107 : vector<16xi32>
        %parallel_loop3A_1109 = tpu.vector_load_idx %arg7[%parallel_loop3A_1108] : memref<16384xf32, #tpu.memory_space<vmem>>[vector<16xi32>], vector<16xf32>,
        %parallel_loop3A_1110 = arith.constant 0 : i32
        %parallel_loop3A_1111 = arith.index_cast %parallel_loop3A_187 : i32 to index
        %parallel_loop3A_1112 = arith.index_cast %parallel_loop3A_1110 : i32 to index
        %parallel_loop3A_1113 = arith.constant 1600 : index
        %parallel_loop3A_1114 = tpu.vector_load %arg10[%parallel_loop3A_1111, %parallel_loop3A_1112, %parallel_loop3A_1113] {strides = array<i32>} : memref<16x1x2048xf32, #tpu.memory_space<vmem>>, vector<16xf32>,
        tpu.vector_store %arg10[%parallel_loop3A_1111, %parallel_loop3A_1112, %parallel_loop3A_1113], %parallel_loop3A_1109 {strides = array<i32>} : memref<16x1x2048xf32, #tpu.memory_space<vmem>>, vector<16xf32>,
        %parallel_loop3A_1115 = arith.constant 1616 : i32
        %parallel_loop3A_1116 = vector.broadcast %parallel_loop3A_1115 : i32 to vector<16xi32>
        %parallel_loop3A_1117 = arith.addi %parallel_loop3A_205, %parallel_loop3A_1116 : vector<16xi32>
        %parallel_loop3A_1118 = tpu.vector_load_idx %arg7[%parallel_loop3A_1117] : memref<16384xf32, #tpu.memory_space<vmem>>[vector<16xi32>], vector<16xf32>,
        %parallel_loop3A_1119 = arith.constant 0 : i32
        %parallel_loop3A_1120 = arith.index_cast %parallel_loop3A_187 : i32 to index
        %parallel_loop3A_1121 = arith.index_cast %parallel_loop3A_1119 : i32 to index
        %parallel_loop3A_1122 = arith.constant 1616 : index
        %parallel_loop3A_1123 = tpu.vector_load %arg10[%parallel_loop3A_1120, %parallel_loop3A_1121, %parallel_loop3A_1122] {strides = array<i32>} : memref<16x1x2048xf32, #tpu.memory_space<vmem>>, vector<16xf32>,
        tpu.vector_store %arg10[%parallel_loop3A_1120, %parallel_loop3A_1121, %parallel_loop3A_1122], %parallel_loop3A_1118 {strides = array<i32>} : memref<16x1x2048xf32, #tpu.memory_space<vmem>>, vector<16xf32>,
        %parallel_loop3A_1124 = arith.constant 1632 : i32
        %parallel_loop3A_1125 = vector.broadcast %parallel_loop3A_1124 : i32 to vector<16xi32>
        %parallel_loop3A_1126 = arith.addi %parallel_loop3A_205, %parallel_loop3A_1125 : vector<16xi32>
        %parallel_loop3A_1127 = tpu.vector_load_idx %arg7[%parallel_loop3A_1126] : memref<16384xf32, #tpu.memory_space<vmem>>[vector<16xi32>], vector<16xf32>,
        %parallel_loop3A_1128 = arith.constant 0 : i32
        %parallel_loop3A_1129 = arith.index_cast %parallel_loop3A_187 : i32 to index
        %parallel_loop3A_1130 = arith.index_cast %parallel_loop3A_1128 : i32 to index
        %parallel_loop3A_1131 = arith.constant 1632 : index
        %parallel_loop3A_1132 = tpu.vector_load %arg10[%parallel_loop3A_1129, %parallel_loop3A_1130, %parallel_loop3A_1131] {strides = array<i32>} : memref<16x1x2048xf32, #tpu.memory_space<vmem>>, vector<16xf32>,
        tpu.vector_store %arg10[%parallel_loop3A_1129, %parallel_loop3A_1130, %parallel_loop3A_1131], %parallel_loop3A_1127 {strides = array<i32>} : memref<16x1x2048xf32, #tpu.memory_space<vmem>>, vector<16xf32>,
        %parallel_loop3A_1133 = arith.constant 1648 : i32
        %parallel_loop3A_1134 = vector.broadcast %parallel_loop3A_1133 : i32 to vector<16xi32>
        %parallel_loop3A_1135 = arith.addi %parallel_loop3A_205, %parallel_loop3A_1134 : vector<16xi32>
        %parallel_loop3A_1136 = tpu.vector_load_idx %arg7[%parallel_loop3A_1135] : memref<16384xf32, #tpu.memory_space<vmem>>[vector<16xi32>], vector<16xf32>,
        %parallel_loop3A_1137 = arith.constant 0 : i32
        %parallel_loop3A_1138 = arith.index_cast %parallel_loop3A_187 : i32 to index
        %parallel_loop3A_1139 = arith.index_cast %parallel_loop3A_1137 : i32 to index
        %parallel_loop3A_1140 = arith.constant 1648 : index
        %parallel_loop3A_1141 = tpu.vector_load %arg10[%parallel_loop3A_1138, %parallel_loop3A_1139, %parallel_loop3A_1140] {strides = array<i32>} : memref<16x1x2048xf32, #tpu.memory_space<vmem>>, vector<16xf32>,
        tpu.vector_store %arg10[%parallel_loop3A_1138, %parallel_loop3A_1139, %parallel_loop3A_1140], %parallel_loop3A_1136 {strides = array<i32>} : memref<16x1x2048xf32, #tpu.memory_space<vmem>>, vector<16xf32>,
        %parallel_loop3A_1142 = arith.constant 1664 : i32
        %parallel_loop3A_1143 = vector.broadcast %parallel_loop3A_1142 : i32 to vector<16xi32>
        %parallel_loop3A_1144 = arith.addi %parallel_loop3A_205, %parallel_loop3A_1143 : vector<16xi32>
        %parallel_loop3A_1145 = tpu.vector_load_idx %arg7[%parallel_loop3A_1144] : memref<16384xf32, #tpu.memory_space<vmem>>[vector<16xi32>], vector<16xf32>,
        %parallel_loop3A_1146 = arith.constant 0 : i32
        %parallel_loop3A_1147 = arith.index_cast %parallel_loop3A_187 : i32 to index
        %parallel_loop3A_1148 = arith.index_cast %parallel_loop3A_1146 : i32 to index
        %parallel_loop3A_1149 = arith.constant 1664 : index
        %parallel_loop3A_1150 = tpu.vector_load %arg10[%parallel_loop3A_1147, %parallel_loop3A_1148, %parallel_loop3A_1149] {strides = array<i32>} : memref<16x1x2048xf32, #tpu.memory_space<vmem>>, vector<16xf32>,
        tpu.vector_store %arg10[%parallel_loop3A_1147, %parallel_loop3A_1148, %parallel_loop3A_1149], %parallel_loop3A_1145 {strides = array<i32>} : memref<16x1x2048xf32, #tpu.memory_space<vmem>>, vector<16xf32>,
        %parallel_loop3A_1151 = arith.constant 1680 : i32
        %parallel_loop3A_1152 = vector.broadcast %parallel_loop3A_1151 : i32 to vector<16xi32>
        %parallel_loop3A_1153 = arith.addi %parallel_loop3A_205, %parallel_loop3A_1152 : vector<16xi32>
        %parallel_loop3A_1154 = tpu.vector_load_idx %arg7[%parallel_loop3A_1153] : memref<16384xf32, #tpu.memory_space<vmem>>[vector<16xi32>], vector<16xf32>,
        %parallel_loop3A_1155 = arith.constant 0 : i32
        %parallel_loop3A_1156 = arith.index_cast %parallel_loop3A_187 : i32 to index
        %parallel_loop3A_1157 = arith.index_cast %parallel_loop3A_1155 : i32 to index
        %parallel_loop3A_1158 = arith.constant 1680 : index
        %parallel_loop3A_1159 = tpu.vector_load %arg10[%parallel_loop3A_1156, %parallel_loop3A_1157, %parallel_loop3A_1158] {strides = array<i32>} : memref<16x1x2048xf32, #tpu.memory_space<vmem>>, vector<16xf32>,
        tpu.vector_store %arg10[%parallel_loop3A_1156, %parallel_loop3A_1157, %parallel_loop3A_1158], %parallel_loop3A_1154 {strides = array<i32>} : memref<16x1x2048xf32, #tpu.memory_space<vmem>>, vector<16xf32>,
        %parallel_loop3A_1160 = arith.constant 1696 : i32
        %parallel_loop3A_1161 = vector.broadcast %parallel_loop3A_1160 : i32 to vector<16xi32>
        %parallel_loop3A_1162 = arith.addi %parallel_loop3A_205, %parallel_loop3A_1161 : vector<16xi32>
        %parallel_loop3A_1163 = tpu.vector_load_idx %arg7[%parallel_loop3A_1162] : memref<16384xf32, #tpu.memory_space<vmem>>[vector<16xi32>], vector<16xf32>,
        %parallel_loop3A_1164 = arith.constant 0 : i32
        %parallel_loop3A_1165 = arith.index_cast %parallel_loop3A_187 : i32 to index
        %parallel_loop3A_1166 = arith.index_cast %parallel_loop3A_1164 : i32 to index
        %parallel_loop3A_1167 = arith.constant 1696 : index
        %parallel_loop3A_1168 = tpu.vector_load %arg10[%parallel_loop3A_1165, %parallel_loop3A_1166, %parallel_loop3A_1167] {strides = array<i32>} : memref<16x1x2048xf32, #tpu.memory_space<vmem>>, vector<16xf32>,
        tpu.vector_store %arg10[%parallel_loop3A_1165, %parallel_loop3A_1166, %parallel_loop3A_1167], %parallel_loop3A_1163 {strides = array<i32>} : memref<16x1x2048xf32, #tpu.memory_space<vmem>>, vector<16xf32>,
        %parallel_loop3A_1169 = arith.constant 1712 : i32
        %parallel_loop3A_1170 = vector.broadcast %parallel_loop3A_1169 : i32 to vector<16xi32>
        %parallel_loop3A_1171 = arith.addi %parallel_loop3A_205, %parallel_loop3A_1170 : vector<16xi32>
        %parallel_loop3A_1172 = tpu.vector_load_idx %arg7[%parallel_loop3A_1171] : memref<16384xf32, #tpu.memory_space<vmem>>[vector<16xi32>], vector<16xf32>,
        %parallel_loop3A_1173 = arith.constant 0 : i32
        %parallel_loop3A_1174 = arith.index_cast %parallel_loop3A_187 : i32 to index
        %parallel_loop3A_1175 = arith.index_cast %parallel_loop3A_1173 : i32 to index
        %parallel_loop3A_1176 = arith.constant 1712 : index
        %parallel_loop3A_1177 = tpu.vector_load %arg10[%parallel_loop3A_1174, %parallel_loop3A_1175, %parallel_loop3A_1176] {strides = array<i32>} : memref<16x1x2048xf32, #tpu.memory_space<vmem>>, vector<16xf32>,
        tpu.vector_store %arg10[%parallel_loop3A_1174, %parallel_loop3A_1175, %parallel_loop3A_1176], %parallel_loop3A_1172 {strides = array<i32>} : memref<16x1x2048xf32, #tpu.memory_space<vmem>>, vector<16xf32>,
        %parallel_loop3A_1178 = arith.constant 1728 : i32
        %parallel_loop3A_1179 = vector.broadcast %parallel_loop3A_1178 : i32 to vector<16xi32>
        %parallel_loop3A_1180 = arith.addi %parallel_loop3A_205, %parallel_loop3A_1179 : vector<16xi32>
        %parallel_loop3A_1181 = tpu.vector_load_idx %arg7[%parallel_loop3A_1180] : memref<16384xf32, #tpu.memory_space<vmem>>[vector<16xi32>], vector<16xf32>,
        %parallel_loop3A_1182 = arith.constant 0 : i32
        %parallel_loop3A_1183 = arith.index_cast %parallel_loop3A_187 : i32 to index
        %parallel_loop3A_1184 = arith.index_cast %parallel_loop3A_1182 : i32 to index
        %parallel_loop3A_1185 = arith.constant 1728 : index
        %parallel_loop3A_1186 = tpu.vector_load %arg10[%parallel_loop3A_1183, %parallel_loop3A_1184, %parallel_loop3A_1185] {strides = array<i32>} : memref<16x1x2048xf32, #tpu.memory_space<vmem>>, vector<16xf32>,
        tpu.vector_store %arg10[%parallel_loop3A_1183, %parallel_loop3A_1184, %parallel_loop3A_1185], %parallel_loop3A_1181 {strides = array<i32>} : memref<16x1x2048xf32, #tpu.memory_space<vmem>>, vector<16xf32>,
        %parallel_loop3A_1187 = arith.constant 1744 : i32
        %parallel_loop3A_1188 = vector.broadcast %parallel_loop3A_1187 : i32 to vector<16xi32>
        %parallel_loop3A_1189 = arith.addi %parallel_loop3A_205, %parallel_loop3A_1188 : vector<16xi32>
        %parallel_loop3A_1190 = tpu.vector_load_idx %arg7[%parallel_loop3A_1189] : memref<16384xf32, #tpu.memory_space<vmem>>[vector<16xi32>], vector<16xf32>,
        %parallel_loop3A_1191 = arith.constant 0 : i32
        %parallel_loop3A_1192 = arith.index_cast %parallel_loop3A_187 : i32 to index
        %parallel_loop3A_1193 = arith.index_cast %parallel_loop3A_1191 : i32 to index
        %parallel_loop3A_1194 = arith.constant 1744 : index
        %parallel_loop3A_1195 = tpu.vector_load %arg10[%parallel_loop3A_1192, %parallel_loop3A_1193, %parallel_loop3A_1194] {strides = array<i32>} : memref<16x1x2048xf32, #tpu.memory_space<vmem>>, vector<16xf32>,
        tpu.vector_store %arg10[%parallel_loop3A_1192, %parallel_loop3A_1193, %parallel_loop3A_1194], %parallel_loop3A_1190 {strides = array<i32>} : memref<16x1x2048xf32, #tpu.memory_space<vmem>>, vector<16xf32>,
        %parallel_loop3A_1196 = arith.constant 1760 : i32
        %parallel_loop3A_1197 = vector.broadcast %parallel_loop3A_1196 : i32 to vector<16xi32>
        %parallel_loop3A_1198 = arith.addi %parallel_loop3A_205, %parallel_loop3A_1197 : vector<16xi32>
        %parallel_loop3A_1199 = tpu.vector_load_idx %arg7[%parallel_loop3A_1198] : memref<16384xf32, #tpu.memory_space<vmem>>[vector<16xi32>], vector<16xf32>,
        %parallel_loop3A_1200 = arith.constant 0 : i32
        %parallel_loop3A_1201 = arith.index_cast %parallel_loop3A_187 : i32 to index
        %parallel_loop3A_1202 = arith.index_cast %parallel_loop3A_1200 : i32 to index
        %parallel_loop3A_1203 = arith.constant 1760 : index
        %parallel_loop3A_1204 = tpu.vector_load %arg10[%parallel_loop3A_1201, %parallel_loop3A_1202, %parallel_loop3A_1203] {strides = array<i32>} : memref<16x1x2048xf32, #tpu.memory_space<vmem>>, vector<16xf32>,
        tpu.vector_store %arg10[%parallel_loop3A_1201, %parallel_loop3A_1202, %parallel_loop3A_1203], %parallel_loop3A_1199 {strides = array<i32>} : memref<16x1x2048xf32, #tpu.memory_space<vmem>>, vector<16xf32>,
        %parallel_loop3A_1205 = arith.constant 1776 : i32
        %parallel_loop3A_1206 = vector.broadcast %parallel_loop3A_1205 : i32 to vector<16xi32>
        %parallel_loop3A_1207 = arith.addi %parallel_loop3A_205, %parallel_loop3A_1206 : vector<16xi32>
        %parallel_loop3A_1208 = tpu.vector_load_idx %arg7[%parallel_loop3A_1207] : memref<16384xf32, #tpu.memory_space<vmem>>[vector<16xi32>], vector<16xf32>,
        %parallel_loop3A_1209 = arith.constant 0 : i32
        %parallel_loop3A_1210 = arith.index_cast %parallel_loop3A_187 : i32 to index
        %parallel_loop3A_1211 = arith.index_cast %parallel_loop3A_1209 : i32 to index
        %parallel_loop3A_1212 = arith.constant 1776 : index
        %parallel_loop3A_1213 = tpu.vector_load %arg10[%parallel_loop3A_1210, %parallel_loop3A_1211, %parallel_loop3A_1212] {strides = array<i32>} : memref<16x1x2048xf32, #tpu.memory_space<vmem>>, vector<16xf32>,
        tpu.vector_store %arg10[%parallel_loop3A_1210, %parallel_loop3A_1211, %parallel_loop3A_1212], %parallel_loop3A_1208 {strides = array<i32>} : memref<16x1x2048xf32, #tpu.memory_space<vmem>>, vector<16xf32>,
        %parallel_loop3A_1214 = arith.constant 1792 : i32
        %parallel_loop3A_1215 = vector.broadcast %parallel_loop3A_1214 : i32 to vector<16xi32>
        %parallel_loop3A_1216 = arith.addi %parallel_loop3A_205, %parallel_loop3A_1215 : vector<16xi32>
        %parallel_loop3A_1217 = tpu.vector_load_idx %arg7[%parallel_loop3A_1216] : memref<16384xf32, #tpu.memory_space<vmem>>[vector<16xi32>], vector<16xf32>,
        %parallel_loop3A_1218 = arith.constant 0 : i32
        %parallel_loop3A_1219 = arith.index_cast %parallel_loop3A_187 : i32 to index
        %parallel_loop3A_1220 = arith.index_cast %parallel_loop3A_1218 : i32 to index
        %parallel_loop3A_1221 = arith.constant 1792 : index
        %parallel_loop3A_1222 = tpu.vector_load %arg10[%parallel_loop3A_1219, %parallel_loop3A_1220, %parallel_loop3A_1221] {strides = array<i32>} : memref<16x1x2048xf32, #tpu.memory_space<vmem>>, vector<16xf32>,
        tpu.vector_store %arg10[%parallel_loop3A_1219, %parallel_loop3A_1220, %parallel_loop3A_1221], %parallel_loop3A_1217 {strides = array<i32>} : memref<16x1x2048xf32, #tpu.memory_space<vmem>>, vector<16xf32>,
        %parallel_loop3A_1223 = arith.constant 1808 : i32
        %parallel_loop3A_1224 = vector.broadcast %parallel_loop3A_1223 : i32 to vector<16xi32>
        %parallel_loop3A_1225 = arith.addi %parallel_loop3A_205, %parallel_loop3A_1224 : vector<16xi32>
        %parallel_loop3A_1226 = tpu.vector_load_idx %arg7[%parallel_loop3A_1225] : memref<16384xf32, #tpu.memory_space<vmem>>[vector<16xi32>], vector<16xf32>,
        %parallel_loop3A_1227 = arith.constant 0 : i32
        %parallel_loop3A_1228 = arith.index_cast %parallel_loop3A_187 : i32 to index
        %parallel_loop3A_1229 = arith.index_cast %parallel_loop3A_1227 : i32 to index
        %parallel_loop3A_1230 = arith.constant 1808 : index
        %parallel_loop3A_1231 = tpu.vector_load %arg10[%parallel_loop3A_1228, %parallel_loop3A_1229, %parallel_loop3A_1230] {strides = array<i32>} : memref<16x1x2048xf32, #tpu.memory_space<vmem>>, vector<16xf32>,
        tpu.vector_store %arg10[%parallel_loop3A_1228, %parallel_loop3A_1229, %parallel_loop3A_1230], %parallel_loop3A_1226 {strides = array<i32>} : memref<16x1x2048xf32, #tpu.memory_space<vmem>>, vector<16xf32>,
        %parallel_loop3A_1232 = arith.constant 1824 : i32
        %parallel_loop3A_1233 = vector.broadcast %parallel_loop3A_1232 : i32 to vector<16xi32>
        %parallel_loop3A_1234 = arith.addi %parallel_loop3A_205, %parallel_loop3A_1233 : vector<16xi32>
        %parallel_loop3A_1235 = tpu.vector_load_idx %arg7[%parallel_loop3A_1234] : memref<16384xf32, #tpu.memory_space<vmem>>[vector<16xi32>], vector<16xf32>,
        %parallel_loop3A_1236 = arith.constant 0 : i32
        %parallel_loop3A_1237 = arith.index_cast %parallel_loop3A_187 : i32 to index
        %parallel_loop3A_1238 = arith.index_cast %parallel_loop3A_1236 : i32 to index
        %parallel_loop3A_1239 = arith.constant 1824 : index
        %parallel_loop3A_1240 = tpu.vector_load %arg10[%parallel_loop3A_1237, %parallel_loop3A_1238, %parallel_loop3A_1239] {strides = array<i32>} : memref<16x1x2048xf32, #tpu.memory_space<vmem>>, vector<16xf32>,
        tpu.vector_store %arg10[%parallel_loop3A_1237, %parallel_loop3A_1238, %parallel_loop3A_1239], %parallel_loop3A_1235 {strides = array<i32>} : memref<16x1x2048xf32, #tpu.memory_space<vmem>>, vector<16xf32>,
        %parallel_loop3A_1241 = arith.constant 1840 : i32
        %parallel_loop3A_1242 = vector.broadcast %parallel_loop3A_1241 : i32 to vector<16xi32>
        %parallel_loop3A_1243 = arith.addi %parallel_loop3A_205, %parallel_loop3A_1242 : vector<16xi32>
        %parallel_loop3A_1244 = tpu.vector_load_idx %arg7[%parallel_loop3A_1243] : memref<16384xf32, #tpu.memory_space<vmem>>[vector<16xi32>], vector<16xf32>,
        %parallel_loop3A_1245 = arith.constant 0 : i32
        %parallel_loop3A_1246 = arith.index_cast %parallel_loop3A_187 : i32 to index
        %parallel_loop3A_1247 = arith.index_cast %parallel_loop3A_1245 : i32 to index
        %parallel_loop3A_1248 = arith.constant 1840 : index
        %parallel_loop3A_1249 = tpu.vector_load %arg10[%parallel_loop3A_1246, %parallel_loop3A_1247, %parallel_loop3A_1248] {strides = array<i32>} : memref<16x1x2048xf32, #tpu.memory_space<vmem>>, vector<16xf32>,
        tpu.vector_store %arg10[%parallel_loop3A_1246, %parallel_loop3A_1247, %parallel_loop3A_1248], %parallel_loop3A_1244 {strides = array<i32>} : memref<16x1x2048xf32, #tpu.memory_space<vmem>>, vector<16xf32>,
        %parallel_loop3A_1250 = arith.constant 1856 : i32
        %parallel_loop3A_1251 = vector.broadcast %parallel_loop3A_1250 : i32 to vector<16xi32>
        %parallel_loop3A_1252 = arith.addi %parallel_loop3A_205, %parallel_loop3A_1251 : vector<16xi32>
        %parallel_loop3A_1253 = tpu.vector_load_idx %arg7[%parallel_loop3A_1252] : memref<16384xf32, #tpu.memory_space<vmem>>[vector<16xi32>], vector<16xf32>,
        %parallel_loop3A_1254 = arith.constant 0 : i32
        %parallel_loop3A_1255 = arith.index_cast %parallel_loop3A_187 : i32 to index
        %parallel_loop3A_1256 = arith.index_cast %parallel_loop3A_1254 : i32 to index
        %parallel_loop3A_1257 = arith.constant 1856 : index
        %parallel_loop3A_1258 = tpu.vector_load %arg10[%parallel_loop3A_1255, %parallel_loop3A_1256, %parallel_loop3A_1257] {strides = array<i32>} : memref<16x1x2048xf32, #tpu.memory_space<vmem>>, vector<16xf32>,
        tpu.vector_store %arg10[%parallel_loop3A_1255, %parallel_loop3A_1256, %parallel_loop3A_1257], %parallel_loop3A_1253 {strides = array<i32>} : memref<16x1x2048xf32, #tpu.memory_space<vmem>>, vector<16xf32>,
        %parallel_loop3A_1259 = arith.constant 1872 : i32
        %parallel_loop3A_1260 = vector.broadcast %parallel_loop3A_1259 : i32 to vector<16xi32>
        %parallel_loop3A_1261 = arith.addi %parallel_loop3A_205, %parallel_loop3A_1260 : vector<16xi32>
        %parallel_loop3A_1262 = tpu.vector_load_idx %arg7[%parallel_loop3A_1261] : memref<16384xf32, #tpu.memory_space<vmem>>[vector<16xi32>], vector<16xf32>,
        %parallel_loop3A_1263 = arith.constant 0 : i32
        %parallel_loop3A_1264 = arith.index_cast %parallel_loop3A_187 : i32 to index
        %parallel_loop3A_1265 = arith.index_cast %parallel_loop3A_1263 : i32 to index
        %parallel_loop3A_1266 = arith.constant 1872 : index
        %parallel_loop3A_1267 = tpu.vector_load %arg10[%parallel_loop3A_1264, %parallel_loop3A_1265, %parallel_loop3A_1266] {strides = array<i32>} : memref<16x1x2048xf32, #tpu.memory_space<vmem>>, vector<16xf32>,
        tpu.vector_store %arg10[%parallel_loop3A_1264, %parallel_loop3A_1265, %parallel_loop3A_1266], %parallel_loop3A_1262 {strides = array<i32>} : memref<16x1x2048xf32, #tpu.memory_space<vmem>>, vector<16xf32>,
        %parallel_loop3A_1268 = arith.constant 1888 : i32
        %parallel_loop3A_1269 = vector.broadcast %parallel_loop3A_1268 : i32 to vector<16xi32>
        %parallel_loop3A_1270 = arith.addi %parallel_loop3A_205, %parallel_loop3A_1269 : vector<16xi32>
        %parallel_loop3A_1271 = tpu.vector_load_idx %arg7[%parallel_loop3A_1270] : memref<16384xf32, #tpu.memory_space<vmem>>[vector<16xi32>], vector<16xf32>,
        %parallel_loop3A_1272 = arith.constant 0 : i32
        %parallel_loop3A_1273 = arith.index_cast %parallel_loop3A_187 : i32 to index
        %parallel_loop3A_1274 = arith.index_cast %parallel_loop3A_1272 : i32 to index
        %parallel_loop3A_1275 = arith.constant 1888 : index
        %parallel_loop3A_1276 = tpu.vector_load %arg10[%parallel_loop3A_1273, %parallel_loop3A_1274, %parallel_loop3A_1275] {strides = array<i32>} : memref<16x1x2048xf32, #tpu.memory_space<vmem>>, vector<16xf32>,
        tpu.vector_store %arg10[%parallel_loop3A_1273, %parallel_loop3A_1274, %parallel_loop3A_1275], %parallel_loop3A_1271 {strides = array<i32>} : memref<16x1x2048xf32, #tpu.memory_space<vmem>>, vector<16xf32>,
        %parallel_loop3A_1277 = arith.constant 1904 : i32
        %parallel_loop3A_1278 = vector.broadcast %parallel_loop3A_1277 : i32 to vector<16xi32>
        %parallel_loop3A_1279 = arith.addi %parallel_loop3A_205, %parallel_loop3A_1278 : vector<16xi32>
        %parallel_loop3A_1280 = tpu.vector_load_idx %arg7[%parallel_loop3A_1279] : memref<16384xf32, #tpu.memory_space<vmem>>[vector<16xi32>], vector<16xf32>,
        %parallel_loop3A_1281 = arith.constant 0 : i32
        %parallel_loop3A_1282 = arith.index_cast %parallel_loop3A_187 : i32 to index
        %parallel_loop3A_1283 = arith.index_cast %parallel_loop3A_1281 : i32 to index
        %parallel_loop3A_1284 = arith.constant 1904 : index
        %parallel_loop3A_1285 = tpu.vector_load %arg10[%parallel_loop3A_1282, %parallel_loop3A_1283, %parallel_loop3A_1284] {strides = array<i32>} : memref<16x1x2048xf32, #tpu.memory_space<vmem>>, vector<16xf32>,
        tpu.vector_store %arg10[%parallel_loop3A_1282, %parallel_loop3A_1283, %parallel_loop3A_1284], %parallel_loop3A_1280 {strides = array<i32>} : memref<16x1x2048xf32, #tpu.memory_space<vmem>>, vector<16xf32>,
        %parallel_loop3A_1286 = arith.constant 1920 : i32
        %parallel_loop3A_1287 = vector.broadcast %parallel_loop3A_1286 : i32 to vector<16xi32>
        %parallel_loop3A_1288 = arith.addi %parallel_loop3A_205, %parallel_loop3A_1287 : vector<16xi32>
        %parallel_loop3A_1289 = tpu.vector_load_idx %arg7[%parallel_loop3A_1288] : memref<16384xf32, #tpu.memory_space<vmem>>[vector<16xi32>], vector<16xf32>,
        %parallel_loop3A_1290 = arith.constant 0 : i32
        %parallel_loop3A_1291 = arith.index_cast %parallel_loop3A_187 : i32 to index
        %parallel_loop3A_1292 = arith.index_cast %parallel_loop3A_1290 : i32 to index
        %parallel_loop3A_1293 = arith.constant 1920 : index
        %parallel_loop3A_1294 = tpu.vector_load %arg10[%parallel_loop3A_1291, %parallel_loop3A_1292, %parallel_loop3A_1293] {strides = array<i32>} : memref<16x1x2048xf32, #tpu.memory_space<vmem>>, vector<16xf32>,
        tpu.vector_store %arg10[%parallel_loop3A_1291, %parallel_loop3A_1292, %parallel_loop3A_1293], %parallel_loop3A_1289 {strides = array<i32>} : memref<16x1x2048xf32, #tpu.memory_space<vmem>>, vector<16xf32>,
        %parallel_loop3A_1295 = arith.constant 1936 : i32
        %parallel_loop3A_1296 = vector.broadcast %parallel_loop3A_1295 : i32 to vector<16xi32>
        %parallel_loop3A_1297 = arith.addi %parallel_loop3A_205, %parallel_loop3A_1296 : vector<16xi32>
        %parallel_loop3A_1298 = tpu.vector_load_idx %arg7[%parallel_loop3A_1297] : memref<16384xf32, #tpu.memory_space<vmem>>[vector<16xi32>], vector<16xf32>,
        %parallel_loop3A_1299 = arith.constant 0 : i32
        %parallel_loop3A_1300 = arith.index_cast %parallel_loop3A_187 : i32 to index
        %parallel_loop3A_1301 = arith.index_cast %parallel_loop3A_1299 : i32 to index
        %parallel_loop3A_1302 = arith.constant 1936 : index
        %parallel_loop3A_1303 = tpu.vector_load %arg10[%parallel_loop3A_1300, %parallel_loop3A_1301, %parallel_loop3A_1302] {strides = array<i32>} : memref<16x1x2048xf32, #tpu.memory_space<vmem>>, vector<16xf32>,
        tpu.vector_store %arg10[%parallel_loop3A_1300, %parallel_loop3A_1301, %parallel_loop3A_1302], %parallel_loop3A_1298 {strides = array<i32>} : memref<16x1x2048xf32, #tpu.memory_space<vmem>>, vector<16xf32>,
        %parallel_loop3A_1304 = arith.constant 1952 : i32
        %parallel_loop3A_1305 = vector.broadcast %parallel_loop3A_1304 : i32 to vector<16xi32>
        %parallel_loop3A_1306 = arith.addi %parallel_loop3A_205, %parallel_loop3A_1305 : vector<16xi32>
        %parallel_loop3A_1307 = tpu.vector_load_idx %arg7[%parallel_loop3A_1306] : memref<16384xf32, #tpu.memory_space<vmem>>[vector<16xi32>], vector<16xf32>,
        %parallel_loop3A_1308 = arith.constant 0 : i32
        %parallel_loop3A_1309 = arith.index_cast %parallel_loop3A_187 : i32 to index
        %parallel_loop3A_1310 = arith.index_cast %parallel_loop3A_1308 : i32 to index
        %parallel_loop3A_1311 = arith.constant 1952 : index
        %parallel_loop3A_1312 = tpu.vector_load %arg10[%parallel_loop3A_1309, %parallel_loop3A_1310, %parallel_loop3A_1311] {strides = array<i32>} : memref<16x1x2048xf32, #tpu.memory_space<vmem>>, vector<16xf32>,
        tpu.vector_store %arg10[%parallel_loop3A_1309, %parallel_loop3A_1310, %parallel_loop3A_1311], %parallel_loop3A_1307 {strides = array<i32>} : memref<16x1x2048xf32, #tpu.memory_space<vmem>>, vector<16xf32>,
        %parallel_loop3A_1313 = arith.constant 1968 : i32
        %parallel_loop3A_1314 = vector.broadcast %parallel_loop3A_1313 : i32 to vector<16xi32>
        %parallel_loop3A_1315 = arith.addi %parallel_loop3A_205, %parallel_loop3A_1314 : vector<16xi32>
        %parallel_loop3A_1316 = tpu.vector_load_idx %arg7[%parallel_loop3A_1315] : memref<16384xf32, #tpu.memory_space<vmem>>[vector<16xi32>], vector<16xf32>,
        %parallel_loop3A_1317 = arith.constant 0 : i32
        %parallel_loop3A_1318 = arith.index_cast %parallel_loop3A_187 : i32 to index
        %parallel_loop3A_1319 = arith.index_cast %parallel_loop3A_1317 : i32 to index
        %parallel_loop3A_1320 = arith.constant 1968 : index
        %parallel_loop3A_1321 = tpu.vector_load %arg10[%parallel_loop3A_1318, %parallel_loop3A_1319, %parallel_loop3A_1320] {strides = array<i32>} : memref<16x1x2048xf32, #tpu.memory_space<vmem>>, vector<16xf32>,
        tpu.vector_store %arg10[%parallel_loop3A_1318, %parallel_loop3A_1319, %parallel_loop3A_1320], %parallel_loop3A_1316 {strides = array<i32>} : memref<16x1x2048xf32, #tpu.memory_space<vmem>>, vector<16xf32>,
        %parallel_loop3A_1322 = arith.constant 1984 : i32
        %parallel_loop3A_1323 = vector.broadcast %parallel_loop3A_1322 : i32 to vector<16xi32>
        %parallel_loop3A_1324 = arith.addi %parallel_loop3A_205, %parallel_loop3A_1323 : vector<16xi32>
        %parallel_loop3A_1325 = tpu.vector_load_idx %arg7[%parallel_loop3A_1324] : memref<16384xf32, #tpu.memory_space<vmem>>[vector<16xi32>], vector<16xf32>,
        %parallel_loop3A_1326 = arith.constant 0 : i32
        %parallel_loop3A_1327 = arith.index_cast %parallel_loop3A_187 : i32 to index
        %parallel_loop3A_1328 = arith.index_cast %parallel_loop3A_1326 : i32 to index
        %parallel_loop3A_1329 = arith.constant 1984 : index
        %parallel_loop3A_1330 = tpu.vector_load %arg10[%parallel_loop3A_1327, %parallel_loop3A_1328, %parallel_loop3A_1329] {strides = array<i32>} : memref<16x1x2048xf32, #tpu.memory_space<vmem>>, vector<16xf32>,
        tpu.vector_store %arg10[%parallel_loop3A_1327, %parallel_loop3A_1328, %parallel_loop3A_1329], %parallel_loop3A_1325 {strides = array<i32>} : memref<16x1x2048xf32, #tpu.memory_space<vmem>>, vector<16xf32>,
        %parallel_loop3A_1331 = arith.constant 2000 : i32
        %parallel_loop3A_1332 = vector.broadcast %parallel_loop3A_1331 : i32 to vector<16xi32>
        %parallel_loop3A_1333 = arith.addi %parallel_loop3A_205, %parallel_loop3A_1332 : vector<16xi32>
        %parallel_loop3A_1334 = tpu.vector_load_idx %arg7[%parallel_loop3A_1333] : memref<16384xf32, #tpu.memory_space<vmem>>[vector<16xi32>], vector<16xf32>,
        %parallel_loop3A_1335 = arith.constant 0 : i32
        %parallel_loop3A_1336 = arith.index_cast %parallel_loop3A_187 : i32 to index
        %parallel_loop3A_1337 = arith.index_cast %parallel_loop3A_1335 : i32 to index
        %parallel_loop3A_1338 = arith.constant 2000 : index
        %parallel_loop3A_1339 = tpu.vector_load %arg10[%parallel_loop3A_1336, %parallel_loop3A_1337, %parallel_loop3A_1338] {strides = array<i32>} : memref<16x1x2048xf32, #tpu.memory_space<vmem>>, vector<16xf32>,
        tpu.vector_store %arg10[%parallel_loop3A_1336, %parallel_loop3A_1337, %parallel_loop3A_1338], %parallel_loop3A_1334 {strides = array<i32>} : memref<16x1x2048xf32, #tpu.memory_space<vmem>>, vector<16xf32>,
        %parallel_loop3A_1340 = arith.constant 2016 : i32
        %parallel_loop3A_1341 = vector.broadcast %parallel_loop3A_1340 : i32 to vector<16xi32>
        %parallel_loop3A_1342 = arith.addi %parallel_loop3A_205, %parallel_loop3A_1341 : vector<16xi32>
        %parallel_loop3A_1343 = tpu.vector_load_idx %arg7[%parallel_loop3A_1342] : memref<16384xf32, #tpu.memory_space<vmem>>[vector<16xi32>], vector<16xf32>,
        %parallel_loop3A_1344 = arith.constant 0 : i32
        %parallel_loop3A_1345 = arith.index_cast %parallel_loop3A_187 : i32 to index
        %parallel_loop3A_1346 = arith.index_cast %parallel_loop3A_1344 : i32 to index
        %parallel_loop3A_1347 = arith.constant 2016 : index
        %parallel_loop3A_1348 = tpu.vector_load %arg10[%parallel_loop3A_1345, %parallel_loop3A_1346, %parallel_loop3A_1347] {strides = array<i32>} : memref<16x1x2048xf32, #tpu.memory_space<vmem>>, vector<16xf32>,
        tpu.vector_store %arg10[%parallel_loop3A_1345, %parallel_loop3A_1346, %parallel_loop3A_1347], %parallel_loop3A_1343 {strides = array<i32>} : memref<16x1x2048xf32, #tpu.memory_space<vmem>>, vector<16xf32>,
        %parallel_loop3A_1349 = arith.constant 2032 : i32
        %parallel_loop3A_1350 = vector.broadcast %parallel_loop3A_1349 : i32 to vector<16xi32>
        %parallel_loop3A_1351 = arith.addi %parallel_loop3A_205, %parallel_loop3A_1350 : vector<16xi32>
        %parallel_loop3A_1352 = tpu.vector_load_idx %arg7[%parallel_loop3A_1351] : memref<16384xf32, #tpu.memory_space<vmem>>[vector<16xi32>], vector<16xf32>,
        %parallel_loop3A_1353 = arith.constant 0 : i32
        %parallel_loop3A_1354 = arith.index_cast %parallel_loop3A_187 : i32 to index
        %parallel_loop3A_1355 = arith.index_cast %parallel_loop3A_1353 : i32 to index
        %parallel_loop3A_1356 = arith.constant 2032 : index
        %parallel_loop3A_1357 = tpu.vector_load %arg10[%parallel_loop3A_1354, %parallel_loop3A_1355, %parallel_loop3A_1356] {strides = array<i32>} : memref<16x1x2048xf32, #tpu.memory_space<vmem>>, vector<16xf32>,
        tpu.vector_store %arg10[%parallel_loop3A_1354, %parallel_loop3A_1355, %parallel_loop3A_1356], %parallel_loop3A_1352 {strides = array<i32>} : memref<16x1x2048xf32, #tpu.memory_space<vmem>>, vector<16xf32>,
      } {sc.loop_unroll_factor = 2 : i64, sc.parallel_access}
      %mul3A_136 = arith.constant 3 : i32
      %mul3A_137 = arith.muli %mul3A_136, %scan3A_89 : i32
      %add3A_138 = arith.constant 2 : i32
      %add3A_139 = arith.addi %mul3A_137, %add3A_138 : i32
      %mul3A_140 = arith.constant 16 : i32
      %mul3A_141 = arith.muli %add3A_139, %mul3A_140 : i32
      %add3A_142 = arith.addi %mul3A_2, %mul3A_141 : i32
      %dma_start3A_143 = arith.constant 0 : i32
      %dma_start3A_144 = arith.constant 0 : i32
      %dma_start3A_145 = tpu.memref_slice %arg5[%add3A_142, %dma_start3A_143, %dma_start3A_144] : memref<16384x1x2048xf32, #tpu.memory_space<hbm>> -> memref<16x1x2048xf32, #tpu.memory_space<hbm>>
      %dma_start3A_146 = arith.constant 0 : i32
      %dma_start3A_147 = arith.constant 0 : i32
      %dma_start3A_148 = tpu.memref_slice %arg5[%add3A_142, %dma_start3A_146, %dma_start3A_147] : memref<16384x1x2048xf32, #tpu.memory_space<hbm>> -> memref<16x1x2048xf32, #tpu.memory_space<hbm>>
      tpu.enqueue_dma source(%arg10 : memref<16x1x2048xf32, #tpu.memory_space<vmem>>) target(%dma_start3A_148 : memref<16x1x2048xf32, #tpu.memory_space<hbm>>) target_semaphore(%arg15 : memref<!tpu.dma_semaphore, #tpu.memory_space<semaphore_mem>>)
      %mul3A_149 = arith.constant 3 : i32
      %mul3A_150 = arith.muli %mul3A_149, %scan3A_89 : i32
      %dma_wait3A_151 = arith.constant 0 : i32
      %dma_wait3A_152 = arith.constant 0 : i32
      %dma_wait3A_153 = tpu.memref_slice %arg3[%dma_wait3A_151, %dma_wait3A_152] : memref<256x2048xf32, #tpu.memory_space<hbm>> -> memref<16x2048xf32, #tpu.memory_space<hbm>>
      %dma_wait3A_154 = arith.constant 0 : i32
      %dma_wait3A_155 = arith.constant 0 : i32
      %dma_wait3A_156 = tpu.memref_slice %arg3[%dma_wait3A_154, %dma_wait3A_155] : memref<256x2048xf32, #tpu.memory_space<hbm>> -> memref<16x2048xf32, #tpu.memory_space<hbm>>
      tpu.wait_dma2 semaphore(%arg11 : memref<!tpu.dma_semaphore, #tpu.memory_space<semaphore_mem>>) src(%dma_wait3A_156 : memref<16x2048xf32, #tpu.memory_space<hbm>>) dst(%arg8 : memref<16x2048xf32, #tpu.memory_space<vmem>>)
      %mul3A_157 = arith.constant 16 : i32
      %mul3A_158 = arith.muli %mul3A_150, %mul3A_157 : i32
      %add3A_159 = arith.addi %mul3A_2, %mul3A_158 : i32
      %dma_start3A_160 = arith.constant 0 : i32
      %dma_start3A_161 = arith.constant 0 : i32
      %dma_start3A_162 = tpu.memref_slice %arg5[%add3A_159, %dma_start3A_160, %dma_start3A_161] : memref<16384x1x2048xf32, #tpu.memory_space<hbm>> -> memref<16x1x2048xf32, #tpu.memory_space<hbm>>
      %dma_start3A_163 = tpu.memref_squeeze %dma_start3A_162 : memref<16x1x2048xf32, #tpu.memory_space<hbm>> -> memref<16x2048xf32, #tpu.memory_space<hbm>>
      %dma_start3A_164 = arith.constant 0 : i32
      %dma_start3A_165 = tpu.memref_slice %arg5[%add3A_159, %dma_start3A_160, %dma_start3A_164] : memref<16384x1x2048xf32, #tpu.memory_space<hbm>> -> memref<16x1x2048xf32, #tpu.memory_space<hbm>>
      %dma_start3A_166 = tpu.memref_squeeze %dma_start3A_165 : memref<16x1x2048xf32, #tpu.memory_space<hbm>> -> memref<16x2048xf32, #tpu.memory_space<hbm>>
      tpu.enqueue_dma source(%arg8 : memref<16x2048xf32, #tpu.memory_space<vmem>>) target(%dma_start3A_166 : memref<16x2048xf32, #tpu.memory_space<hbm>>) target_semaphore(%arg13 : memref<!tpu.dma_semaphore, #tpu.memory_space<semaphore_mem>>)
      %mul3A_167 = arith.constant 3 : i32
      %mul3A_168 = arith.muli %mul3A_167, %scan3A_89 : i32
      %add3A_169 = arith.constant 1 : i32
      %add3A_170 = arith.addi %mul3A_168, %add3A_169 : i32
      %dma_wait3A_171 = arith.constant 0 : i32
      %dma_wait3A_172 = arith.constant 0 : i32
      %dma_wait3A_173 = tpu.memref_slice %arg3[%dma_wait3A_171, %dma_wait3A_172] : memref<256x2048xf32, #tpu.memory_space<hbm>> -> memref<16x2048xf32, #tpu.memory_space<hbm>>
      %dma_wait3A_174 = arith.constant 0 : i32
      %dma_wait3A_175 = arith.constant 0 : i32
      %dma_wait3A_176 = tpu.memref_slice %arg3[%dma_wait3A_174, %dma_wait3A_175] : memref<256x2048xf32, #tpu.memory_space<hbm>> -> memref<16x2048xf32, #tpu.memory_space<hbm>>
      tpu.wait_dma2 semaphore(%arg12 : memref<!tpu.dma_semaphore, #tpu.memory_space<semaphore_mem>>) src(%dma_wait3A_176 : memref<16x2048xf32, #tpu.memory_space<hbm>>) dst(%arg9 : memref<16x2048xf32, #tpu.memory_space<vmem>>)
      %mul3A_177 = arith.constant 16 : i32
      %mul3A_178 = arith.muli %add3A_170, %mul3A_177 : i32
      %add3A_179 = arith.addi %mul3A_2, %mul3A_178 : i32
      %dma_start3A_180 = arith.constant 0 : i32
      %dma_start3A_181 = arith.constant 0 : i32
      %dma_start3A_182 = tpu.memref_slice %arg5[%add3A_179, %dma_start3A_180, %dma_start3A_181] : memref<16384x1x2048xf32, #tpu.memory_space<hbm>> -> memref<16x1x2048xf32, #tpu.memory_space<hbm>>
      %dma_start3A_183 = tpu.memref_squeeze %dma_start3A_182 : memref<16x1x2048xf32, #tpu.memory_space<hbm>> -> memref<16x2048xf32, #tpu.memory_space<hbm>>
      %dma_start3A_184 = arith.constant 0 : i32
      %dma_start3A_185 = tpu.memref_slice %arg5[%add3A_179, %dma_start3A_180, %dma_start3A_184] : memref<16384x1x2048xf32, #tpu.memory_space<hbm>> -> memref<16x1x2048xf32, #tpu.memory_space<hbm>>
      %dma_start3A_186 = tpu.memref_squeeze %dma_start3A_185 : memref<16x1x2048xf32, #tpu.memory_space<hbm>> -> memref<16x2048xf32, #tpu.memory_space<hbm>>
      tpu.enqueue_dma source(%arg9 : memref<16x2048xf32, #tpu.memory_space<vmem>>) target(%dma_start3A_186 : memref<16x2048xf32, #tpu.memory_space<hbm>>) target_semaphore(%arg14 : memref<!tpu.dma_semaphore, #tpu.memory_space<semaphore_mem>>)
    }
    %scan3A_13 = arith.constant 10 : i32
    %dma_wait3A = arith.constant 0 : i32
    %dma_wait3A_14 = arith.constant 0 : i32
    %dma_wait3A_15 = tpu.memref_slice %arg5[%mul3A_2, %dma_wait3A, %dma_wait3A_14] : memref<16384x1x2048xf32, #tpu.memory_space<hbm>> -> memref<16x1x2048xf32, #tpu.memory_space<hbm>>
    %dma_wait3A_16 = tpu.memref_squeeze %dma_wait3A_15 : memref<16x1x2048xf32, #tpu.memory_space<hbm>> -> memref<16x2048xf32, #tpu.memory_space<hbm>>
    %dma_wait3A_17 = arith.constant 0 : i32
    %dma_wait3A_18 = tpu.memref_slice %arg5[%mul3A_2, %dma_wait3A, %dma_wait3A_17] : memref<16384x1x2048xf32, #tpu.memory_space<hbm>> -> memref<16x1x2048xf32, #tpu.memory_space<hbm>>
    %dma_wait3A_19 = tpu.memref_squeeze %dma_wait3A_18 : memref<16x1x2048xf32, #tpu.memory_space<hbm>> -> memref<16x2048xf32, #tpu.memory_space<hbm>>
    tpu.wait_dma2 semaphore(%arg13 : memref<!tpu.dma_semaphore, #tpu.memory_space<semaphore_mem>>) src(%arg8 : memref<16x2048xf32, #tpu.memory_space<vmem>>) dst(%dma_wait3A_19 : memref<16x2048xf32, #tpu.memory_space<hbm>>)
    %get3A = arith.constant 480 : index
    %get3A_20 = tpu.vector_load %arg6[%get3A] {strides = array<i32>} : memref<512xi32, #tpu.memory_space<vmem>>, vector<16xi32>,
    %add3A_21 = vector.broadcast %mul3A_8 : i32 to vector<16xi32>
    %add3A_22 = arith.addi %get3A_20, %add3A_21 : vector<16xi32>
    %dma_start3A = arith.constant 0 : i32
    %dma_start3A_23 = arith.constant 0 : i32
    %dma_start3A_24 = tpu.memref_slice %arg3[%dma_start3A, %dma_start3A_23] : memref<256x2048xf32, #tpu.memory_space<hbm>> -> memref<256x2048xf32, #tpu.memory_space<hbm>>
    tpu.enqueue_indirect_dma source(%dma_start3A_24 : memref<256x2048xf32, #tpu.memory_space<hbm>>) target(%arg8 : memref<16x2048xf32, #tpu.memory_space<vmem>>) offsets(%add3A_22 : vector<16xi32>) semaphore(%arg11 : memref<!tpu.dma_semaphore, #tpu.memory_space<semaphore_mem>>)
    %dma_wait3A_25 = arith.constant 0 : i32
    %dma_wait3A_26 = arith.constant 0 : i32
    %dma_wait3A_27 = tpu.memref_slice %arg5[%mul3A_2, %dma_wait3A_25, %dma_wait3A_26] : memref<16384x1x2048xf32, #tpu.memory_space<hbm>> -> memref<16x1x2048xf32, #tpu.memory_space<hbm>>
    %dma_wait3A_28 = tpu.memref_squeeze %dma_wait3A_27 : memref<16x1x2048xf32, #tpu.memory_space<hbm>> -> memref<16x2048xf32, #tpu.memory_space<hbm>>
    %dma_wait3A_29 = arith.constant 0 : i32
    %dma_wait3A_30 = tpu.memref_slice %arg5[%mul3A_2, %dma_wait3A_25, %dma_wait3A_29] : memref<16384x1x2048xf32, #tpu.memory_space<hbm>> -> memref<16x1x2048xf32, #tpu.memory_space<hbm>>
    %dma_wait3A_31 = tpu.memref_squeeze %dma_wait3A_30 : memref<16x1x2048xf32, #tpu.memory_space<hbm>> -> memref<16x2048xf32, #tpu.memory_space<hbm>>
    tpu.wait_dma2 semaphore(%arg14 : memref<!tpu.dma_semaphore, #tpu.memory_space<semaphore_mem>>) src(%arg9 : memref<16x2048xf32, #tpu.memory_space<vmem>>) dst(%dma_wait3A_31 : memref<16x2048xf32, #tpu.memory_space<hbm>>)
    %get3A_32 = arith.constant 496 : index
    %get3A_33 = tpu.vector_load %arg6[%get3A_32] {strides = array<i32>} : memref<512xi32, #tpu.memory_space<vmem>>, vector<16xi32>,
    %add3A_34 = vector.broadcast %mul3A_8 : i32 to vector<16xi32>
    %add3A_35 = arith.addi %get3A_33, %add3A_34 : vector<16xi32>
    %dma_start3A_36 = arith.constant 0 : i32
    %dma_start3A_37 = arith.constant 0 : i32
    %dma_start3A_38 = tpu.memref_slice %arg3[%dma_start3A_36, %dma_start3A_37] : memref<256x2048xf32, #tpu.memory_space<hbm>> -> memref<256x2048xf32, #tpu.memory_space<hbm>>
    tpu.enqueue_indirect_dma source(%dma_start3A_38 : memref<256x2048xf32, #tpu.memory_space<hbm>>) target(%arg9 : memref<16x2048xf32, #tpu.memory_space<vmem>>) offsets(%add3A_35 : vector<16xi32>) semaphore(%arg12 : memref<!tpu.dma_semaphore, #tpu.memory_space<semaphore_mem>>)
    %dma_wait3A_39 = arith.constant 0 : i32
    %dma_wait3A_40 = arith.constant 0 : i32
    %dma_wait3A_41 = tpu.memref_slice %arg3[%dma_wait3A_39, %dma_wait3A_40] : memref<256x2048xf32, #tpu.memory_space<hbm>> -> memref<16x2048xf32, #tpu.memory_space<hbm>>
    %dma_wait3A_42 = arith.constant 0 : i32
    %dma_wait3A_43 = arith.constant 0 : i32
    %dma_wait3A_44 = tpu.memref_slice %arg3[%dma_wait3A_42, %dma_wait3A_43] : memref<256x2048xf32, #tpu.memory_space<hbm>> -> memref<16x2048xf32, #tpu.memory_space<hbm>>
    tpu.wait_dma2 semaphore(%arg11 : memref<!tpu.dma_semaphore, #tpu.memory_space<semaphore_mem>>) src(%dma_wait3A_44 : memref<16x2048xf32, #tpu.memory_space<hbm>>) dst(%arg8 : memref<16x2048xf32, #tpu.memory_space<vmem>>)
    %add3A_45 = arith.constant 480 : i32
    %add3A_46 = arith.addi %mul3A_2, %add3A_45 : i32
    %dma_start3A_47 = arith.constant 0 : i32
    %dma_start3A_48 = arith.constant 0 : i32
    %dma_start3A_49 = tpu.memref_slice %arg5[%add3A_46, %dma_start3A_47, %dma_start3A_48] : memref<16384x1x2048xf32, #tpu.memory_space<hbm>> -> memref<16x1x2048xf32, #tpu.memory_space<hbm>>
    %dma_start3A_50 = tpu.memref_squeeze %dma_start3A_49 : memref<16x1x2048xf32, #tpu.memory_space<hbm>> -> memref<16x2048xf32, #tpu.memory_space<hbm>>
    %dma_start3A_51 = arith.constant 0 : i32
    %dma_start3A_52 = tpu.memref_slice %arg5[%add3A_46, %dma_start3A_47, %dma_start3A_51] : memref<16384x1x2048xf32, #tpu.memory_space<hbm>> -> memref<16x1x2048xf32, #tpu.memory_space<hbm>>
    %dma_start3A_53 = tpu.memref_squeeze %dma_start3A_52 : memref<16x1x2048xf32, #tpu.memory_space<hbm>> -> memref<16x2048xf32, #tpu.memory_space<hbm>>
    tpu.enqueue_dma source(%arg8 : memref<16x2048xf32, #tpu.memory_space<vmem>>) target(%dma_start3A_53 : memref<16x2048xf32, #tpu.memory_space<hbm>>) target_semaphore(%arg13 : memref<!tpu.dma_semaphore, #tpu.memory_space<semaphore_mem>>)
    %dma_wait3A_54 = arith.constant 0 : i32
    %dma_wait3A_55 = arith.constant 0 : i32
    %dma_wait3A_56 = tpu.memref_slice %arg3[%dma_wait3A_54, %dma_wait3A_55] : memref<256x2048xf32, #tpu.memory_space<hbm>> -> memref<16x2048xf32, #tpu.memory_space<hbm>>
    %dma_wait3A_57 = arith.constant 0 : i32
    %dma_wait3A_58 = arith.constant 0 : i32
    %dma_wait3A_59 = tpu.memref_slice %arg3[%dma_wait3A_57, %dma_wait3A_58] : memref<256x2048xf32, #tpu.memory_space<hbm>> -> memref<16x2048xf32, #tpu.memory_space<hbm>>
    tpu.wait_dma2 semaphore(%arg12 : memref<!tpu.dma_semaphore, #tpu.memory_space<semaphore_mem>>) src(%dma_wait3A_59 : memref<16x2048xf32, #tpu.memory_space<hbm>>) dst(%arg9 : memref<16x2048xf32, #tpu.memory_space<vmem>>)
    %add3A_60 = arith.constant 496 : i32
    %add3A_61 = arith.addi %mul3A_2, %add3A_60 : i32
    %dma_start3A_62 = arith.constant 0 : i32
    %dma_start3A_63 = arith.constant 0 : i32
    %dma_start3A_64 = tpu.memref_slice %arg5[%add3A_61, %dma_start3A_62, %dma_start3A_63] : memref<16384x1x2048xf32, #tpu.memory_space<hbm>> -> memref<16x1x2048xf32, #tpu.memory_space<hbm>>
    %dma_start3A_65 = tpu.memref_squeeze %dma_start3A_64 : memref<16x1x2048xf32, #tpu.memory_space<hbm>> -> memref<16x2048xf32, #tpu.memory_space<hbm>>
    %dma_start3A_66 = arith.constant 0 : i32
    %dma_start3A_67 = tpu.memref_slice %arg5[%add3A_61, %dma_start3A_62, %dma_start3A_66] : memref<16384x1x2048xf32, #tpu.memory_space<hbm>> -> memref<16x1x2048xf32, #tpu.memory_space<hbm>>
    %dma_start3A_68 = tpu.memref_squeeze %dma_start3A_67 : memref<16x1x2048xf32, #tpu.memory_space<hbm>> -> memref<16x2048xf32, #tpu.memory_space<hbm>>
    tpu.enqueue_dma source(%arg9 : memref<16x2048xf32, #tpu.memory_space<vmem>>) target(%dma_start3A_68 : memref<16x2048xf32, #tpu.memory_space<hbm>>) target_semaphore(%arg14 : memref<!tpu.dma_semaphore, #tpu.memory_space<semaphore_mem>>)
    %dma_wait3A_69 = arith.constant 0 : i32
    %dma_wait3A_70 = arith.constant 0 : i32
    %dma_wait3A_71 = tpu.memref_slice %arg5[%mul3A_2, %dma_wait3A_69, %dma_wait3A_70] : memref<16384x1x2048xf32, #tpu.memory_space<hbm>> -> memref<16x1x2048xf32, #tpu.memory_space<hbm>>
    %dma_wait3A_72 = tpu.memref_squeeze %dma_wait3A_71 : memref<16x1x2048xf32, #tpu.memory_space<hbm>> -> memref<16x2048xf32, #tpu.memory_space<hbm>>
    %dma_wait3A_73 = arith.constant 0 : i32
    %dma_wait3A_74 = tpu.memref_slice %arg5[%mul3A_2, %dma_wait3A_69, %dma_wait3A_73] : memref<16384x1x2048xf32, #tpu.memory_space<hbm>> -> memref<16x1x2048xf32, #tpu.memory_space<hbm>>
    %dma_wait3A_75 = tpu.memref_squeeze %dma_wait3A_74 : memref<16x1x2048xf32, #tpu.memory_space<hbm>> -> memref<16x2048xf32, #tpu.memory_space<hbm>>
    tpu.wait_dma2 semaphore(%arg13 : memref<!tpu.dma_semaphore, #tpu.memory_space<semaphore_mem>>) src(%arg8 : memref<16x2048xf32, #tpu.memory_space<vmem>>) dst(%dma_wait3A_75 : memref<16x2048xf32, #tpu.memory_space<hbm>>)
    %dma_wait3A_76 = arith.constant 0 : i32
    %dma_wait3A_77 = arith.constant 0 : i32
    %dma_wait3A_78 = tpu.memref_slice %arg5[%mul3A_2, %dma_wait3A_76, %dma_wait3A_77] : memref<16384x1x2048xf32, #tpu.memory_space<hbm>> -> memref<16x1x2048xf32, #tpu.memory_space<hbm>>
    %dma_wait3A_79 = tpu.memref_squeeze %dma_wait3A_78 : memref<16x1x2048xf32, #tpu.memory_space<hbm>> -> memref<16x2048xf32, #tpu.memory_space<hbm>>
    %dma_wait3A_80 = arith.constant 0 : i32
    %dma_wait3A_81 = tpu.memref_slice %arg5[%mul3A_2, %dma_wait3A_76, %dma_wait3A_80] : memref<16384x1x2048xf32, #tpu.memory_space<hbm>> -> memref<16x1x2048xf32, #tpu.memory_space<hbm>>
    %dma_wait3A_82 = tpu.memref_squeeze %dma_wait3A_81 : memref<16x1x2048xf32, #tpu.memory_space<hbm>> -> memref<16x2048xf32, #tpu.memory_space<hbm>>
    tpu.wait_dma2 semaphore(%arg14 : memref<!tpu.dma_semaphore, #tpu.memory_space<semaphore_mem>>) src(%arg9 : memref<16x2048xf32, #tpu.memory_space<vmem>>) dst(%dma_wait3A_82 : memref<16x2048xf32, #tpu.memory_space<hbm>>)
    %dma_wait3A_83 = arith.constant 0 : i32
    %dma_wait3A_84 = arith.constant 0 : i32
    %dma_wait3A_85 = tpu.memref_slice %arg5[%mul3A_2, %dma_wait3A_83, %dma_wait3A_84] : memref<16384x1x2048xf32, #tpu.memory_space<hbm>> -> memref<16x1x2048xf32, #tpu.memory_space<hbm>>
    %dma_wait3A_86 = arith.constant 0 : i32
    %dma_wait3A_87 = arith.constant 0 : i32
    %dma_wait3A_88 = tpu.memref_slice %arg5[%mul3A_2, %dma_wait3A_86, %dma_wait3A_87] : memref<16384x1x2048xf32, #tpu.memory_space<hbm>> -> memref<16x1x2048xf32, #tpu.memory_space<hbm>>
    tpu.wait_dma2 semaphore(%arg15 : memref<!tpu.dma_semaphore, #tpu.memory_space<semaphore_mem>>) src(%arg10 : memref<16x1x2048xf32, #tpu.memory_space<vmem>>) dst(%dma_wait3A_88 : memref<16x1x2048xf32, #tpu.memory_space<hbm>>)
    return
  }
}

</mosaic_0001>

<sc_bundles>
// kernel: kernel.3.cloned.1.call-start
scs
__scs_entry_jumppad:
0x0: {  	(pc) =	sbr.rel $0x88, $3  }
0x1: {  	(tag) =	ssettag $0x0;
	lr =	simm.s32 $0x1  }
0x2: {  	[smem:$0x3F9F] =	sst lr;
	_ =	strace $0xD0000000  }
0x3: {  	_ = 	snop  }
0x4: {  	_ = 	snop  }
0x5: {  	_ = 	snop  }
0x6: {  	_ = 	snop  }
0x7: {  	_ = 	snop  }
__scs_overlays_trampoline_lowered:
0x8: {  	[smem:$0x3FAE] =	sst s0  }
0x9: {  	[smem:$0x3FAF] =	sst s1  }
0xa: {  	[smem:$0x3FB0] =	sst s2  }
0xb: {  	[smem:$0x3FB1] =	sst s3  }
0xc: {  	[smem:$0x3FB2] =	sst s4  }
0xd: {  	[smem:$0x3FB3] =	sst s5  }
0xe: {  	[smem:$0x3FB4] =	sst s6  }
0xf: {  	[smem:$0x3FB5] =	sst s7  }
0x10: {  	[smem:$0x3FB6] =	sst s8  }
0x11: {  	[smem:$0x3FB7] =	sst s9;
	s0 =	simm.s32 @!p0 $0x0  }
0x12: {  	s1 =	sld [smem:$0x3F9D];
	s0 =	simm.s32 @p0 $0x1  }
0x13: {  	[smem:$0x3FB8] =	sst s0;
	s0 =	simm.s32 @!p1 $0x0  }
0x14: {  	s2 =	sld [smem:$0x3F9C];
	s0 =	simm.s32 @p1 $0x1  }
0x15: {  	[smem:$0x3FB9] =	sst s0;
	s0 =	simm.s32 @!p2 $0x0  }
0x16: {  	s3 =	sld [smem:$0x3FDB];
	s0 =	simm.s32 @p2 $0x1  }
0x17: {  	s4 =	simm.s32 $0x1BF5;
	[smem:$0x3FBB] =	sst s0  }
0x18: {  	s0 =	sld [smem:$0x3F9E];
	_ =	swait.ge [sflag:s4], $0x0  }
0x19: {  	s7 =	sld [smem:$0x3F9F]  }
0x1a: {  	s8 =	sadd.s32 $0xFFFFE003, lr  }
0x1b: {  	s9 =	sadd.s32 $0xFFFFFEF7, lr;
	s5 =	simm.s32 $0xFFFFFFFF;
	p2 =	slt.u32 s8, $0xFFFFF086  }
0x1c: {  	p1 =	slt.u32 s9, $0xF7A;
	s5 =	simm.s32 @!p2 $0x0  }
0x1d: {  	s5 =	simm.s32 @p1 $0x1;
	p0 =	seq.s32 s7, s2  }
0x1e: {  	s7 =	smul.u32 @!p0 $0xF7A, s2;
	p2 =	seq.s32 @!p0 s5, $0x0  }
0x1f: {  	s9 =	smul.u32 $0xF7A, s1;
	s8 =	simm.s32 @!p0 $0x1BF5;
	p2 =	por !p2, p0  }
0x20: {  	[sflag:s8] =	ssyncset.s32 @!p0 $0xFFFFF086;
	s6 =	sadd.s32 @!p0 s3, s7;
	s7 =	simm.s32 @!p0 $0x108  }
0x21: {  	s3 =	sadd.s32 s3, s9;
	s6 =	sadd.s32 @!p0 $0x88, s6;
	s7 =	simm.s32 @p2 $0x1082  }
0x22: {  	[simem:s7], [sflag:s8] =	dma.local @!p0 [hbm:s6], $0xF7A  }
0x23: {  	s9 =	sor.u32 $0xD0000000, s2;
	s6 =	simm.s32 $0x108;
	_ =	swait.ge @!p0 [sflag:s8], $0x0  }
0x24: {  	s3 =	sadd.s32 $0x88, s3;
	s6 =	simm.s32 @!p1 $0x1082;
	[sflag:s4] =	ssyncset.s32 $0xFFFFF086  }
0x25: {  	[simem:s6], [sflag:s4] =	dma.local [hbm:s3], $0xF7A  }
0x26: {  	[smem:$0x3F9F] =	sst s1;
	(tag) =	ssettag s2;
	_ =	strace s9  }
0x27: {  	s1 =	sld [smem:$0x3FAF]  }
0x28: {  	s2 =	sld [smem:$0x3FB0]  }
0x29: {  	s4 =	sld [smem:$0x3FB2]  }
0x2a: {  	p0 =	seq.s32 s5, $0x0;
	s5 =	sld [smem:$0x3FB3]  }
0x2b: {  	s6 =	sld [smem:$0x3FB4]  }
0x2c: {  	s7 =	sld [smem:$0x3FB5]  }
0x2d: {  	s3 =	simm.s32 $0x108;
	s8 =	sld [smem:$0x3FB6]  }
0x2e: {  	s3 =	simm.s32 @!p0 $0x1082;
	s9 =	sld [smem:$0x3FB7]  }
0x2f: {  	lr =	sadd.s32 s0, s3;
	s0 =	sld [smem:$0x3FAE]  }
0x30: {  	s3 =	sld [smem:$0x3FB1]  }
0x31: {  	[smem:$0x3FBA] =	sst s10  }
0x32: {  	s10 =	sld [smem:$0x3FB8];
	_ =	sdelay $0x3  }
0x33: {  	p0 =	seq.s32 s10, $0x1;
	s10 =	sld [smem:$0x3FBA];
	_ =	sdelay $0x3  }
0x34: {  	[smem:$0x3FBA] =	sst s10  }
0x35: {  	s10 =	sld [smem:$0x3FB9];
	_ =	sdelay $0x3  }
0x36: {  	p1 =	seq.s32 s10, $0x1;
	s10 =	sld [smem:$0x3FBA];
	_ =	sdelay $0x3  }
0x37: {  	[smem:$0x3FBA] =	sst s10  }
0x38: {  	s10 =	sld [smem:$0x3FBB]  }
0x39: {  	_ = 	snop;
	(pc) =	sbr.ind lr, $3  }
0x3a: {  	_ = 	snop  }
0x3b: {  	_ = 	snop  }
0x3c: {  	p2 =	seq.s32 s10, $0x1;
	s10 =	sld [smem:$0x3FBA]  }
0x3d: {  	_ =	shalt  }
0x3e: {  	_ =	shalt  }
0x3f: {  	_ =	shalt  }
0x40: {  	_ =	shalt  }
0x41: {  	_ =	shalt  }
0x42: {  	_ =	shalt  }
0x43: {  	_ =	shalt  }
0x44: {  	_ =	shalt  }
0x45: {  	_ =	shalt  }
0x46: {  	_ =	shalt  }
0x47: {  	_ =	shalt  }
0x48: {  	_ =	shalt  }
0x49: {  	_ =	shalt  }
0x4a: {  	_ =	shalt  }
0x4b: {  	_ =	shalt  }
0x4c: {  	_ =	shalt  }
0x4d: {  	_ =	shalt  }
0x4e: {  	_ =	shalt  }
0x4f: {  	_ =	shalt  }
0x50: {  	_ =	shalt  }
0x51: {  	_ =	shalt  }
0x52: {  	_ =	shalt  }
0x53: {  	_ =	shalt  }
0x54: {  	_ =	shalt  }
0x55: {  	_ =	shalt  }
0x56: {  	_ =	shalt  }
0x57: {  	_ =	shalt  }
0x58: {  	_ =	shalt  }
0x59: {  	_ =	shalt  }
0x5a: {  	_ =	shalt  }
0x5b: {  	_ =	shalt  }
0x5c: {  	_ =	shalt  }
0x5d: {  	_ =	shalt  }
0x5e: {  	_ =	shalt  }
0x5f: {  	_ =	shalt  }
0x60: {  	_ =	shalt  }
0x61: {  	_ =	shalt  }
0x62: {  	_ =	shalt  }
0x63: {  	_ =	shalt  }
0x64: {  	_ =	shalt  }
0x65: {  	_ =	shalt  }
0x66: {  	_ =	shalt  }
0x67: {  	_ =	shalt  }
0x68: {  	_ =	shalt  }
0x69: {  	_ =	shalt  }
0x6a: {  	_ =	shalt  }
0x6b: {  	_ =	shalt  }
0x6c: {  	_ =	shalt  }
0x6d: {  	_ =	shalt  }
0x6e: {  	_ =	shalt  }
0x6f: {  	_ =	shalt  }
0x70: {  	_ =	shalt  }
0x71: {  	_ =	shalt  }
0x72: {  	_ =	shalt  }
0x73: {  	_ =	shalt  }
0x74: {  	_ =	shalt  }
0x75: {  	_ =	shalt  }
0x76: {  	_ =	shalt  }
0x77: {  	_ =	shalt  }
0x78: {  	_ =	shalt  }
0x79: {  	_ =	shalt  }
0x7a: {  	_ =	shalt  }
0x7b: {  	_ =	shalt  }
0x7c: {  	_ =	shalt  }
0x7d: {  	_ =	shalt  }
0x7e: {  	_ =	shalt  }
0x7f: {  	_ =	shalt  }
0x80: {  	_ =	shalt  }
0x81: {  	_ =	shalt  }
0x82: {  	_ =	shalt  }
0x83: {  	_ =	shalt  }
0x84: {  	_ =	shalt  }
0x85: {  	_ =	shalt  }
0x86: {  	_ =	shalt  }
0x87: {  	_ =	shalt  }
.Lfunc_end0:
.L_simem_size_0:
called_computation_lowered:
.L_overlay_start_0:
0x88: {  	s2 =	sld [smem:$0x3FD9]  }
0x89: {  	s3 =	sld [smem:$0x3FFE];
	_ =	sdelay $0x1  }
0x8a: {  	s1 =	srdreg.scid  }
0x8b: {  	s0 =	sand.u32 $0x1, s1  }
0x8c: {  	s17 =	sshll.u32 s0, $0xA;
	s2 =	sadd.s32 s3, s2  }
0x8d: {  	s2 =	sadd.s32 s2, s17  }
0x8e: {  	[smem:$0x3FC6] =	sst s2  }
0x8f: {  	_ = 	snop  }
0x90: {  	s2 =	sld [smem:$0x3FC9]  }
0x91: {  	s18 =	sld [smem:$0x3FD0];
	(tm) =	ssettm $0x1  }
0x92: {  	s4 =	sld [smem:$0x3FFB];
	_ =	sdelay $0x3  }
0x93: {  	_ =	strace s4  }
0x94: {  	s4 =	sld [smem:$0x3FFC];
	_ =	sdelay $0x3  }
0x95: {  	_ =	strace s4  }
0x96: {  	s4 =	sld [smem:$0x3FFD];
	_ =	sdelay $0x3  }
0x97: {  	_ =	strace s4  }
0x98: {  	_ =	strace $0x8FFFFFFF  }
0x99: {  	s19 =	sld [smem:$0x3FDB];
	_ =	sdelay $0x1  }
0x9a: {  	s5 =	simm.s32 $_scs_section_size  }
0x9b: {  	s6 =	simm.s32 $_size__tile_overlayer_lowered;
	s7 =	simm.s32 $_tile_overlayer_lowered  }
0x9c: {  	s22 =	simm.s32 $0x1BFF;
	s21 =	sshll.u32 s7, $0x1;
	s4 =	sadd.s32 s5, s19  }
0x9d: {  	s8 =	simm.s32 $0x0;
	s20 =	sshll.u32 s6, $0x1;
	s6 =	sadd.s32 s21, s4  }
0x9e: {  	[timem:s8], [sflag:s22] =	dma.local [hbm:s6], s20  }
0x9f: {  	_ =	swait.ge [sflag:s22], s20  }
0xa0: {  	s5 =	ssub.s32 $0x0, s20;
	[sflag:s22] =	ssyncset.done $0x0  }
0xa1: {  	[sflag:s22] =	ssyncadd.s32 s5;
	_ =	sdelay $0x1  }
0xa2: {  	s23 =	simm.s32 $0x1B8B  }
0xa3: {  	_ =	swait.ge [sflag:s23], $0x1  }
0xa4: {  	[sflag:s23] =	ssyncset.done $0x0  }
0xa5: {  	s25 =	simm.s32 $0x1B8E;
	s24 =	sld [smem:$0x3FFE];
	[sflag:s23] =	ssyncadd.s32 $0xFFFFFFFF  }
0xa6: {  	s26 =	simm.s32 $execute0_lowered;
	[smem:$0x3FD2] =	sst s25  }
0xa7: {  	s6 =	sshll.u32 s26, $0x1;
	_ =	strace $0x80000046;
	[dreg:$0x1] =	wrdreg $0xFFFFFFFF  }
0xa8: {  	s28 =	simm.s32 $_size_execute0_lowered;
	s4 =	sadd.s32 s4, s6;
	[dreg:$0x0] =	wrdreg $0x0  }
0xa9: {  	s6 =	sshll.u32 s28, $0x1;
	[dreg:$0x2] =	wrdreg s4  }
0xaa: {  	[dreg:$0x3] =	wrdreg s6  }
0xab: {  	[dreg:$0x4] =	wrdreg $0xC0  }
0xac: {  	_ =	task [dreg:s8], $0x5FFFF  }
0xad: {  	[dreg:$0x1] =	wrdreg $0xFFFFFFFF  }
0xae: {  	[dreg:$0x0] =	wrdreg $0x60  }
0xaf: {  	[dreg:$0x2] =	wrdreg s2  }
0xb0: {  	[dreg:$0x3] =	wrdreg s24  }
0xb1: {  	[dreg:$0x4] =	wrdreg s18  }
0xb2: {  	[dreg:$0x5] =	wrdreg $0x9  }
0xb3: {  	_ =	task.clear_ibuf [dreg:s8], $0x6FFFF;
	_ =	strace $0x90000046  }
0xb4: {  	s29 =	simm.s32 $0x9;
	_ =	strace $0x80000048  }
0xb5: {  	_ =	swait.ge [sflag:s29], $0x1  }
0xb6: {  	[sflag:s29] =	ssyncadd.s32 $0xFFFFFFFF  }
0xb7: {  	_ =	strace $0x90000048  }
0xb8: {  	_ =	sfence  }
0xb9: {  	s30 =	sld [smem:$0x0];
	_ =	sdelay $0x2  }
0xba: {  	s31 =	sshll.u32 s1, $0xD;
	s1 =	sshrl.u32 s1, $0x2  }
0xbb: {  	s3 =	sand.u32 $0x4000, s31;
	s1 =	sadd.s32 s1, s30  }
0xbc: {  	s0 =	sor.u32 s3, s0;
	s1 =	sshll.u32 s1, $0x11  }
0xbd: {  	s0 =	sor.u32 s1, s0  }
0xbe: {  	s0 =	sadd.s32 $0x8F2B, s0  }
0xbf: {  	[sflag:s0] =	ssyncadd.remote.s32 $0x1  }
0xc0: {  	_ =	sfence.sel $0xFFFF  }
0xc1: {  	[dreg:$0x0] =	wrdreg $0xFFFFFFFF;
	(pc) =	sbr.abs _section_cstart, $3  }
0xc2: {  	[dreg:$0x1] =	wrdreg $0xFFFFFFFF  }
0xc3: {  	_ =	task.clear_ibuf [dreg:s8], $0x2FFFF;
	_ =	strace $0x9FFFFFFF  }
0xc4: {  	(tm) =	ssettm $0x7FFFFFFF  }
0xc5: {  	_ =	shalt  }
tec
execute0_lowered:
.L_overlay_start_1:
0x0: {  	(tag) =	ssettag $0x1  }
0x1: {  	s0 =	rddreg [dreg:$0x0]  }
0x2: {  	s1 =	rddreg [dreg:$0x1];
	s3 =	simm.s32 $0x0;
	v19 =	vlaneseq.u32  }
0x3: {  	[smem:$0x7FF] =	sst s3;
	v47 =	vand.u32 $0x7, v19  }
0x4: {  	s2 =	rddreg [dreg:$0x2];
	v48 =	vor.u32 $0x8, v19;
	_ =	strace $0x80000047;
	[tilespmem:$0x1FC90] =	vst v47  }
0x5: {  	v49 =	vor.u32 $0x290, v19;
	[tilespmem:$0x1FCB0] =	vst v48  }
0x6: {  	v53 =	vor.u32 $0x2A0, v19;
	[tilespmem:$0x1FCC0] =	vst v49  }
0x7: {  	v56 =	vor.u32 $0x2B0, v19;
	[tilespmem:$0x1FCD0] =	vst v53  }
0x8: {  	v59 =	vor.u32 $0x2C0, v19;
	[tilespmem:$0x1FCE0] =	vst v56  }
0x9: {  	v60 =	vor.u32 $0x2D0, v19;
	[tilespmem:$0x1FCF0] =	vst v59  }
0xa: {  	v52 =	vor.u32 $0x30, v19;
	[tilespmem:$0x1FD00] =	vst v60  }
0xb: {  	v11 =	vor.u32 $0x40, v19;
	[tilespmem:$0x1FD10] =	vst v52  }
0xc: {  	v20 =	vor.u32 $0x50, v19;
	[tilespmem:$0x1FD20] =	vst v11  }
0xd: {  	v31 =	vor.u32 $0x60, v19;
	[tilespmem:$0x1FD30] =	vst v20  }
0xe: {  	v25 =	vor.u32 $0x70, v19;
	[tilespmem:$0x1FD40] =	vst v31  }
0xf: {  	v28 =	vor.u32 $0x80, v19;
	[tilespmem:$0x1FD50] =	vst v25  }
0x10: {  	v29 =	vor.u32 $0x90, v19;
	[tilespmem:$0x1FD60] =	vst v28  }
0x11: {  	v23 =	vor.u32 $0xA0, v19;
	[tilespmem:$0x1FD70] =	vst v29  }
0x12: {  	v17 =	vor.u32 $0xB0, v19;
	[tilespmem:$0x1FD80] =	vst v23  }
0x13: {  	v18 =	vor.u32 $0xD0, v19;
	[tilespmem:$0x1FD90] =	vst v17  }
0x14: {  	v16 =	vor.u32 $0xE0, v19;
	[tilespmem:$0x1FDB0] =	vst v18  }
0x15: {  	v40 =	vor.u32 $0xF0, v19;
	[tilespmem:$0x1FDC0] =	vst v16  }
0x16: {  	v12 =	vor.u32 $0x100, v19;
	[tilespmem:$0x1FDD0] =	vst v40  }
0x17: {  	v33 =	vor.u32 $0x110, v19;
	[tilespmem:$0x1FDE0] =	vst v12  }
0x18: {  	v22 =	vor.u32 $0x120, v19;
	[tilespmem:$0x1FDF0] =	vst v33  }
0x19: {  	v55 =	vor.u32 $0x130, v19;
	[tilespmem:$0x1FE00] =	vst v22  }
0x1a: {  	v24 =	vor.u32 $0x140, v19;
	[tilespmem:$0x1FE10] =	vst v55  }
0x1b: {  	v30 =	vor.u32 $0x150, v19;
	[tilespmem:$0x1FE20] =	vst v24  }
0x1c: {  	v62 =	vor.u32 $0x160, v19;
	[tilespmem:$0x1FE30] =	vst v30  }
0x1d: {  	v43 =	vor.u32 $0x170, v19;
	[tilespmem:$0x1FE40] =	vst v62  }
0x1e: {  	v26 =	vor.u32 $0x180, v19;
	[tilespmem:$0x1FE50] =	vst v43  }
0x1f: {  	v35 =	vor.u32 $0x1A0, v19;
	[tilespmem:$0x1FE60] =	vst v26  }
0x20: {  	v27 =	vor.u32 $0x1B0, v19;
	[tilespmem:$0x1FE80] =	vst v35  }
0x21: {  	v57 =	vor.u32 $0x1C0, v19;
	[tilespmem:$0x1FE90] =	vst v27  }
0x22: {  	v41 =	vor.u32 $0x1D0, v19;
	[tilespmem:$0x1FEA0] =	vst v57  }
0x23: {  	v32 =	vor.u32 $0x1E0, v19;
	[tilespmem:$0x1FEB0] =	vst v41  }
0x24: {  	v63 =	vor.u32 $0x340, v19;
	[tilespmem:$0x1FEC0] =	vst v32  }
0x25: {  	v15 =	vor.u32 $0x330, v19;
	[tilespmem:$0x1FED0] =	vst v63  }
0x26: {  	v14 =	vor.u32 $0x320, v19;
	[tilespmem:$0x1FEE0] =	vst v15  }
0x27: {  	v8 =	vor.u32 $0x310, v19;
	[tilespmem:$0x1FEF0] =	vst v14  }
0x28: {  	v21 =	vor.u32 $0x2E0, v19;
	[tilespmem:$0x1FF20] =	vst v8  }
0x29: {  	v36 =	vor.u32 $0x240, v19;
	[tilespmem:$0x1FF30] =	vst v21  }
0x2a: {  	v44 =	vor.u32 $0x20, v19;
	[tilespmem:$0x1FF40] =	vst v36  }
0x2b: {  	v42 =	vor.u32 $0x10, v19;
	[tilespmem:$0x1FF50] =	vst v44  }
0x2c: {  	v10 =	vor.u32 $0x280, v19;
	[tilespmem:$0x1FF60] =	vst v42  }
0x2d: {  	v9 =	vor.u32 $0x260, v19;
	[tilespmem:$0x1FF70] =	vst v10  }
0x2e: {  	v61 =	vor.u32 $0x230, v19;
	[tilespmem:$0x1FF80] =	vst v9  }
0x2f: {  	s4 =	srdreg.scid;
	s5 =	stileid.u32;
	v54 =	vor.u32 $0x270, v19;
	[tilespmem:$0x1FF90] =	vst v61  }
0x30: {  	s19 =	simm.s32 $0x200;
	s17 =	simm.s32 $0x1;
	s18 =	simm.s32 $0x80;
	v58 =	vor.u32 $0x220, v19;
	[tilespmem:$0x1FFA0] =	vst v54  }
0x31: {  	s20 =	simm.s32 $0x800;
	s21 =	simm.s32 $0x2;
	s4 =	sand.u32 $0x1, s4;
	v50 =	vor.u32 $0x250, v19;
	[tilespmem:$0x1FFB0] =	vst v58  }
0x32: {  	s5 =	sshll.u32 s5, $0x1;
	s10 =	sadd.s32 $0x900, s1;
	s11 =	sadd.s32 $0xA00, s1;
	v45 =	vor.u32 $0x200, v19;
	[tilespmem:$0x1FFC0] =	vst v50  }
0x33: {  	s12 =	sadd.s32 $0xB00, s1;
	s13 =	sadd.s32 $0xC00, s1;
	s14 =	sadd.s32 $0xD00, s1;
	v13 =	vor.u32 $0x210, v19;
	[tilespmem:$0x1FFD0] =	vst v45  }
0x34: {  	v51 =	vor.u32 $0x1F0, v19;
	s6 =	sor.u32 s4, s5;
	s26 =	ssub.s32 $0x2, s4;
	s4 =	sadd.s32 $0x600, s1;
	[tilespmem:$0x1FFE0] =	vst v13  }
0x35: {  	v47 =	vor.u32 $0xC0, v19;
	[tilespmem:$0x1FFF0] =	vst v51;
	s7 =	sshll.u32 s6, $0xB;
	s8 =	sshrl.u32 s26, $0x1;
	s5 =	sshll.u32 s6, $0x9  }
0x36: {  	v48 =	vor.u32 $0x190, v19;
	s28 =	sshll.u32 s6, $0x6;
	s9 =	sshll.u32 s6, $0x3;
	s30 =	sshll.u32 s6, $0x11;
	[tilespmem:$0x1FDA0] =	vst v47  }
0x37: {  	v0 =	vshrl.u32 v19, $0x3;
	v56 =	vor.u32 $0x2F0, v19;
	s6 =	simm.s32 $0x0;
	[tilespmem:$0x1FE70] =	vst v48;
	s7 =	sadd.s32 s7, s1;
	s0 =	sadd.s32 s0, s28  }
0x38: {  	v0 =	vmul.u32 $0x8, v0;
	v59 =	vor.u32 $0x300, v19;
	[tilespmem:$0x1FF00] =	vst v56;
	s15 =	ssub.s32 s26, s8;
	[dreg:$0x4] =	wrdreg s0;
	s29 =	sadd.s32 $0x10600, s7  }
0x39: {  	[tilespmem:$0x1FF10] =	vst v59;
	s0 =	sadd.s32 s30, s2;
	s31 =	smax.u32 s15, $0x1;
	[dreg:$0x5] =	wrdreg s29  }
0x3a: {  	v1 =	vmov s9;
	s8 =	sadd.s32 $0x700, s1;
	[tilespmem:$0x1FCA0] =	vst v0;
	s22 =	sadd.s32 $0x1E000, s0;
	[dreg:$0x7] =	wrdreg s31  }
0x3b: {  	vm0 =	vmmov $0xffff;
	s9 =	sadd.s32 $0x800, s1;
	[tilespmem:$0x1FC80] =	vst v1;
	s16 =	sadd.s32 $0x1F000, s0;
	[dreg:$0x6] =	wrdreg s22  }
.LBB2_1:
0x3c: {  	[dreg:$0x8] =	wrdreg s6  }
0x3d: {  	s0 =	rddreg [dreg:$0x4];
	s1 =	simm.s32 $0x6  }
0x3e: {  	[tilespmem:s3], [sflag:$0x6] =	stream.linear.gather [hbm4b:s0+s3], $0x200, $0x38;
	[tilespmem:$0x1C200] =	vst v63  }
0x3f: {  	_ =	swait.ge [sflag:s1], $0x200  }
0x40: {  	[sflag:s1] =	ssyncset.done $0x0  }
0x41: {  	s31 =	rddreg [dreg:$0x5];
	[sflag:s1] =	ssyncadd.s32 $0xFFFFFE00  }
0x42: {  	[tilespmem:s19], [sflag:$0x6] =	stream.linear.gather [hbm4b:s31+s3], $0x4000, $0x38;
	[tilespmem:$0x1C200] =	vst v63  }
0x43: {  	_ =	swait.ge [sflag:s1], $0x4000  }
0x44: {  	[sflag:s1] =	ssyncset.done $0x0  }
0x45: {  	s22 =	simm.s32 $0x0;
	[sflag:s1] =	ssyncadd.s32 $0xFFFFC000  }
.LBB2_2:
0x46: {  	p0 =	seq.s32 s22, $0x0  }
0x47: {  	s0 =	simm.s32 @!p0 $0x3  }
0x48: {  	_ =	swait.ge @!p0 [sflag:s0], $0x8000  }
0x49: {  	s23 =	smul.u32 $0x30, s22;
	[sflag:s0] =	ssyncset.done @!p0 $0x0  }
0x4a: {  	v2 =	vld [tilespmem:$0x1FC80];
	[sflag:s0] =	ssyncadd.s32 @!p0 $0xFFFF8000  }
0x4b: {  	v0 =	vld [tilespmem:s23+$0x0];
	_ =	sdelay $0x3  }
0x4c: {  	v3 =	vld [tilespmem:$0x1FC90]  }
0x4d: {  	v1 =	vadd.s32 v2, v0  }
0x4e: {  	v4 =	vld [tilespmem:$0x1FCA0];
	v1 =	vshll.u32 v1, $0x4  }
0x4f: {  	v0 =	vand.u32 $0x7, v0;
	v1 =	vand.u32 $0xFFFFFF80, v1  }
0x50: {  	v0 =	vor.u32 v0, v1  }
0x51: {  	v1 =	vperm.xlane v0, v3;
	_ =	sdelay $0x1  }
0x52: {  	v1 =	vadd.s32 v4, v1;
	_ =	sdelay $0x3  }
0x53: {  	s24 =	simm.s32 $0x4200  }
0x54: {  	[tilespmem:s24], [sflag:$0x1] =	stream.indirect_vreg.gather [hbm4b:s4+s3], $0x80, v1, vm0, $0xb8;
	[tilespmem:$0x1C200] =	vst v63  }
0x55: {  	s25 =	simm.s32 $0x4A00  }
0x56: {  	[tilespmem:s25], [sflag:$0x1] =	stream.indirect_vreg.gather [hbm4b:s8+s3], $0x80, v1, vm0, $0xb8;
	[tilespmem:$0x1C200] =	vst v63  }
0x57: {  	s26 =	simm.s32 $0x5200  }
0x58: {  	v5 =	vld [tilespmem:$0x1FCB0];
	[tilespmem:s26], [sflag:$0x1] =	stream.indirect_vreg.gather [hbm4b:s9+s3], $0x80, v1, vm0, $0xb8  }
0x59: {  	s1 =	simm.s32 $0x5A00  }
0x5a: {  	[tilespmem:s1], [sflag:$0x1] =	stream.indirect_vreg.gather [hbm4b:s10+s3], $0x80, v1, vm0, $0xb8;
	[tilespmem:$0x1C200] =	vst v63  }
0x5b: {  	s6 =	simm.s32 $0x6200  }
0x5c: {  	[tilespmem:s6], [sflag:$0x1] =	stream.indirect_vreg.gather [hbm4b:s11+s3], $0x80, v1, vm0, $0xb8;
	[tilespmem:$0x1C200] =	vst v63  }
0x5d: {  	s7 =	simm.s32 $0x6A00;
	v0 =	vperm.xlane v0, v5  }
0x5e: {  	[tilespmem:s7], [sflag:$0x1] =	stream.indirect_vreg.gather [hbm4b:s12+s3], $0x80, v1, vm0, $0xb8;
	[tilespmem:$0x1C200] =	vst v63  }
0x5f: {  	s15 =	simm.s32 $0x7200;
	v0 =	vadd.s32 v4, v0  }
0x60: {  	[tilespmem:s15], [sflag:$0x1] =	stream.indirect_vreg.gather [hbm4b:s13+s3], $0x80, v1, vm0, $0xb8;
	[tilespmem:$0x1C200] =	vst v63  }
0x61: {  	s24 =	simm.s32 $0x7A00  }
0x62: {  	[tilespmem:s24], [sflag:$0x1] =	stream.indirect_vreg.gather [hbm4b:s14+s3], $0x80, v1, vm0, $0xb8;
	[tilespmem:$0x1C200] =	vst v63  }
0x63: {  	s25 =	simm.s32 $0x8200  }
0x64: {  	[tilespmem:s25], [sflag:$0x1] =	stream.indirect_vreg.gather [hbm4b:s4+s3], $0x80, v0, vm0, $0xb8;
	[tilespmem:$0x1C200] =	vst v63  }
0x65: {  	s26 =	simm.s32 $0x8A00  }
0x66: {  	[tilespmem:s26], [sflag:$0x1] =	stream.indirect_vreg.gather [hbm4b:s8+s3], $0x80, v0, vm0, $0xb8;
	[tilespmem:$0x1C200] =	vst v63  }
0x67: {  	s1 =	simm.s32 $0x9200  }
0x68: {  	[tilespmem:s1], [sflag:$0x1] =	stream.indirect_vreg.gather [hbm4b:s9+s3], $0x80, v0, vm0, $0xb8;
	[tilespmem:$0x1C200] =	vst v63  }
0x69: {  	s6 =	simm.s32 $0x9A00  }
0x6a: {  	[tilespmem:s6], [sflag:$0x1] =	stream.indirect_vreg.gather [hbm4b:s10+s3], $0x80, v0, vm0, $0xb8;
	[tilespmem:$0x1C200] =	vst v63  }
0x6b: {  	s7 =	simm.s32 $0xA200  }
0x6c: {  	[tilespmem:s7], [sflag:$0x1] =	stream.indirect_vreg.gather [hbm4b:s11+s3], $0x80, v0, vm0, $0xb8;
	[tilespmem:$0x1C200] =	vst v63  }
0x6d: {  	s15 =	simm.s32 $0xAA00  }
0x6e: {  	[tilespmem:s15], [sflag:$0x1] =	stream.indirect_vreg.gather [hbm4b:s12+s3], $0x80, v0, vm0, $0xb8;
	[tilespmem:$0x1C200] =	vst v63  }
0x6f: {  	s24 =	simm.s32 $0xB200  }
0x70: {  	[tilespmem:s24], [sflag:$0x1] =	stream.indirect_vreg.gather [hbm4b:s13+s3], $0x80, v0, vm0, $0xb8;
	[tilespmem:$0x1C200] =	vst v63  }
0x71: {  	s0 =	simm.s32 @!p0 $0x4;
	s25 =	simm.s32 $0xBA00  }
0x72: {  	[tilespmem:s25], [sflag:$0x1] =	stream.indirect_vreg.gather [hbm4b:s14+s3], $0x80, v0, vm0, $0xb8;
	[tilespmem:$0x1C200] =	vst v63  }
0x73: {  	_ =	swait.ge @!p0 [sflag:s0], $0x8000  }
0x74: {  	[sflag:s0] =	ssyncset.done @!p0 $0x0  }
0x75: {  	[sflag:s0] =	ssyncadd.s32 @!p0 $0xFFFF8000  }
0x76: {  	v0 =	vld [tilespmem:s23+$0x10];
	_ =	sdelay $0x4  }
0x77: {  	v1 =	vadd.s32 v2, v0  }
0x78: {  	v1 =	vshll.u32 v1, $0x4  }
0x79: {  	v0 =	vand.u32 $0x7, v0;
	v1 =	vand.u32 $0xFFFFFF80, v1  }
0x7a: {  	v0 =	vor.u32 v0, v1  }
0x7b: {  	v1 =	vperm.xlane v0, v3;
	_ =	sdelay $0x1  }
0x7c: {  	v1 =	vadd.s32 v4, v1;
	_ =	sdelay $0x3  }
0x7d: {  	s26 =	simm.s32 $0xC200  }
0x7e: {  	[tilespmem:s26], [sflag:$0x2] =	stream.indirect_vreg.gather [hbm4b:s4+s3], $0x80, v1, vm0, $0xb8;
	[tilespmem:$0x1C200] =	vst v63  }
0x7f: {  	s1 =	simm.s32 $0xCA00  }
0x80: {  	[tilespmem:s1], [sflag:$0x2] =	stream.indirect_vreg.gather [hbm4b:s8+s3], $0x80, v1, vm0, $0xb8;
	[tilespmem:$0x1C200] =	vst v63  }
0x81: {  	s6 =	simm.s32 $0xD200  }
0x82: {  	[tilespmem:s6], [sflag:$0x2] =	stream.indirect_vreg.gather [hbm4b:s9+s3], $0x80, v1, vm0, $0xb8;
	[tilespmem:$0x1C200] =	vst v63  }
0x83: {  	s7 =	simm.s32 $0xDA00  }
0x84: {  	[tilespmem:s7], [sflag:$0x2] =	stream.indirect_vreg.gather [hbm4b:s10+s3], $0x80, v1, vm0, $0xb8;
	[tilespmem:$0x1C200] =	vst v63  }
0x85: {  	s15 =	simm.s32 $0xE200  }
0x86: {  	[tilespmem:s15], [sflag:$0x2] =	stream.indirect_vreg.gather [hbm4b:s11+s3], $0x80, v1, vm0, $0xb8;
	[tilespmem:$0x1C200] =	vst v63  }
0x87: {  	s24 =	simm.s32 $0xEA00;
	v0 =	vperm.xlane v0, v5  }
0x88: {  	[tilespmem:s24], [sflag:$0x2] =	stream.indirect_vreg.gather [hbm4b:s12+s3], $0x80, v1, vm0, $0xb8;
	[tilespmem:$0x1C200] =	vst v63  }
0x89: {  	s25 =	simm.s32 $0xF200;
	v0 =	vadd.s32 v4, v0  }
0x8a: {  	[tilespmem:s25], [sflag:$0x2] =	stream.indirect_vreg.gather [hbm4b:s13+s3], $0x80, v1, vm0, $0xb8;
	[tilespmem:$0x1C200] =	vst v63  }
0x8b: {  	s26 =	simm.s32 $0xFA00  }
0x8c: {  	[tilespmem:s26], [sflag:$0x2] =	stream.indirect_vreg.gather [hbm4b:s14+s3], $0x80, v1, vm0, $0xb8;
	[tilespmem:$0x1C200] =	vst v63  }
0x8d: {  	s1 =	simm.s32 $0x10200  }
0x8e: {  	[tilespmem:s1], [sflag:$0x2] =	stream.indirect_vreg.gather [hbm4b:s4+s3], $0x80, v0, vm0, $0xb8;
	[tilespmem:$0x1C200] =	vst v63  }
0x8f: {  	s6 =	simm.s32 $0x10A00  }
0x90: {  	[tilespmem:s6], [sflag:$0x2] =	stream.indirect_vreg.gather [hbm4b:s8+s3], $0x80, v0, vm0, $0xb8;
	[tilespmem:$0x1C200] =	vst v63  }
0x91: {  	s7 =	simm.s32 $0x11200  }
0x92: {  	[tilespmem:s7], [sflag:$0x2] =	stream.indirect_vreg.gather [hbm4b:s9+s3], $0x80, v0, vm0, $0xb8;
	[tilespmem:$0x1C200] =	vst v63  }
0x93: {  	s15 =	simm.s32 $0x11A00  }
0x94: {  	[tilespmem:s15], [sflag:$0x2] =	stream.indirect_vreg.gather [hbm4b:s10+s3], $0x80, v0, vm0, $0xb8;
	[tilespmem:$0x1C200] =	vst v63  }
0x95: {  	s24 =	simm.s32 $0x12200  }
0x96: {  	[tilespmem:s24], [sflag:$0x2] =	stream.indirect_vreg.gather [hbm4b:s11+s3], $0x80, v0, vm0, $0xb8;
	[tilespmem:$0x1C200] =	vst v63  }
0x97: {  	s25 =	simm.s32 $0x12A00  }
0x98: {  	[tilespmem:s25], [sflag:$0x2] =	stream.indirect_vreg.gather [hbm4b:s12+s3], $0x80, v0, vm0, $0xb8;
	[tilespmem:$0x1C200] =	vst v63  }
0x99: {  	s26 =	simm.s32 $0x13200  }
0x9a: {  	[tilespmem:s26], [sflag:$0x2] =	stream.indirect_vreg.gather [hbm4b:s13+s3], $0x80, v0, vm0, $0xb8;
	[tilespmem:$0x1C200] =	vst v63  }
0x9b: {  	s0 =	simm.s32 @!p0 $0x5;
	s1 =	simm.s32 $0x13A00  }
0x9c: {  	[tilespmem:s1], [sflag:$0x2] =	stream.indirect_vreg.gather [hbm4b:s14+s3], $0x80, v0, vm0, $0xb8;
	[tilespmem:$0x1C200] =	vst v63  }
0x9d: {  	_ =	swait.ge @!p0 [sflag:s0], $0x8000  }
0x9e: {  	[sflag:s0] =	ssyncset.done @!p0 $0x0  }
0x9f: {  	[sflag:s0] =	ssyncadd.s32 @!p0 $0xFFFF8000  }
0xa0: {  	v5 =	vld [tilespmem:s23+$0x20];
	_ =	sdelay $0x2  }
0xa1: {  	s1 =	simm.s32 $0x0  }
0xa2: {  	v0 =	vmov s1  }
0xa3: {  	v0 =	vperm.xlane v5, v0;
	_ =	sdelay $0x1  }
0xa4: {  	v49 =	vmov v15;
	v15 =	vshll.u32 v0, $0xB  }
0xa5: {  	v0 =	vor.u32 v19, v15;
	_ =	sdelay $0x4  }
0xa6: {  	v0 =	vld.idx.msk [tilespmem:v0+s19+$0x0], $0xffff  }
0xa7: {  	v1 =	vor.u32 v42, v15;
	_ =	sdelay $0x1  }
0xa8: {  	s6 =	simm.s32 $0x0  }
0xa9: {  	s0 =	sand.u32 $0x3FFFF800, s6  }
0xaa: {  	[tilespmem:s0+$0x14200] =	vst v0  }
0xab: {  	v0 =	vld.idx.msk [tilespmem:v1+s19+$0x0], $0xffff  }
0xac: {  	v1 =	vor.u32 v44, v15;
	_ =	sdelay $0x3  }
0xad: {  	[tilespmem:s0+$0x14210] =	vst v0  }
0xae: {  	v0 =	vld.idx.msk [tilespmem:v1+s19+$0x0], $0xffff  }
0xaf: {  	v1 =	vor.u32 v52, v15;
	_ =	sdelay $0x3  }
0xb0: {  	[tilespmem:s0+$0x14220] =	vst v0  }
0xb1: {  	v0 =	vld.idx.msk [tilespmem:v1+s19+$0x0], $0xffff  }
0xb2: {  	v1 =	vor.u32 v11, v15;
	_ =	sdelay $0x3  }
0xb3: {  	[tilespmem:s0+$0x14230] =	vst v0  }
0xb4: {  	v0 =	vld.idx.msk [tilespmem:v1+s19+$0x0], $0xffff  }
0xb5: {  	v1 =	vor.u32 v20, v15;
	_ =	sdelay $0x3  }
0xb6: {  	[tilespmem:s0+$0x14240] =	vst v0  }
0xb7: {  	v0 =	vld.idx.msk [tilespmem:v1+s19+$0x0], $0xffff  }
0xb8: {  	v1 =	vor.u32 v31, v15;
	_ =	sdelay $0x3  }
0xb9: {  	[tilespmem:s0+$0x14250] =	vst v0  }
0xba: {  	v0 =	vld.idx.msk [tilespmem:v1+s19+$0x0], $0xffff  }
0xbb: {  	v1 =	vor.u32 v25, v15;
	_ =	sdelay $0x3  }
0xbc: {  	[tilespmem:s0+$0x14260] =	vst v0  }
0xbd: {  	v0 =	vld.idx.msk [tilespmem:v1+s19+$0x0], $0xffff  }
0xbe: {  	v1 =	vor.u32 v28, v15;
	_ =	sdelay $0x3  }
0xbf: {  	[tilespmem:s0+$0x14270] =	vst v0  }
0xc0: {  	v0 =	vld.idx.msk [tilespmem:v1+s19+$0x0], $0xffff  }
0xc1: {  	v1 =	vor.u32 v29, v15;
	_ =	sdelay $0x3  }
0xc2: {  	[tilespmem:s0+$0x14280] =	vst v0  }
0xc3: {  	v0 =	vld.idx.msk [tilespmem:v1+s19+$0x0], $0xffff  }
0xc4: {  	v1 =	vor.u32 v23, v15;
	_ =	sdelay $0x3  }
0xc5: {  	[tilespmem:s0+$0x14290] =	vst v0  }
0xc6: {  	v0 =	vld.idx.msk [tilespmem:v1+s19+$0x0], $0xffff  }
0xc7: {  	v1 =	vor.u32 v17, v15;
	_ =	sdelay $0x3  }
0xc8: {  	[tilespmem:s0+$0x142A0] =	vst v0  }
0xc9: {  	v0 =	vld.idx.msk [tilespmem:v1+s19+$0x0], $0xffff  }
0xca: {  	v1 =	vor.u32 v47, v15;
	_ =	sdelay $0x3  }
0xcb: {  	[tilespmem:s0+$0x142B0] =	vst v0  }
0xcc: {  	v0 =	vld.idx.msk [tilespmem:v1+s19+$0x0], $0xffff  }
0xcd: {  	v1 =	vor.u32 v18, v15;
	_ =	sdelay $0x3  }
0xce: {  	[tilespmem:s0+$0x142C0] =	vst v0  }
0xcf: {  	v0 =	vld.idx.msk [tilespmem:v1+s19+$0x0], $0xffff  }
0xd0: {  	v1 =	vor.u32 v16, v15;
	_ =	sdelay $0x3  }
0xd1: {  	[tilespmem:s0+$0x142D0] =	vst v0  }
0xd2: {  	v0 =	vld.idx.msk [tilespmem:v1+s19+$0x0], $0xffff  }
0xd3: {  	v1 =	vor.u32 v40, v15;
	_ =	sdelay $0x3  }
0xd4: {  	[tilespmem:s0+$0x142E0] =	vst v0  }
0xd5: {  	v0 =	vld.idx.msk [tilespmem:v1+s19+$0x0], $0xffff  }
0xd6: {  	v1 =	vor.u32 v12, v15;
	_ =	sdelay $0x3  }
0xd7: {  	[tilespmem:s0+$0x142F0] =	vst v0  }
0xd8: {  	v0 =	vld.idx.msk [tilespmem:v1+s19+$0x0], $0xffff  }
0xd9: {  	v1 =	vor.u32 v33, v15;
	_ =	sdelay $0x3  }
0xda: {  	[tilespmem:s0+$0x14300] =	vst v0  }
0xdb: {  	v0 =	vld.idx.msk [tilespmem:v1+s19+$0x0], $0xffff  }
0xdc: {  	v1 =	vor.u32 v22, v15;
	_ =	sdelay $0x3  }
0xdd: {  	[tilespmem:s0+$0x14310] =	vst v0  }
0xde: {  	v0 =	vld.idx.msk [tilespmem:v1+s19+$0x0], $0xffff  }
0xdf: {  	v1 =	vor.u32 v55, v15;
	_ =	sdelay $0x3  }
0xe0: {  	[tilespmem:s0+$0x14320] =	vst v0  }
0xe1: {  	v0 =	vld.idx.msk [tilespmem:v1+s19+$0x0], $0xffff  }
0xe2: {  	v1 =	vor.u32 v24, v15;
	_ =	sdelay $0x3  }
0xe3: {  	[tilespmem:s0+$0x14330] =	vst v0  }
0xe4: {  	v0 =	vld.idx.msk [tilespmem:v1+s19+$0x0], $0xffff  }
0xe5: {  	v1 =	vor.u32 v30, v15;
	_ =	sdelay $0x3  }
0xe6: {  	[tilespmem:s0+$0x14340] =	vst v0  }
0xe7: {  	v0 =	vld.idx.msk [tilespmem:v1+s19+$0x0], $0xffff  }
0xe8: {  	v1 =	vor.u32 v62, v15;
	_ =	sdelay $0x1  }
0xe9: {  	s1 =	sor.u32 $0x1, s1  }
0xea: {  	v2 =	vmov s1  }
0xeb: {  	v2 =	vperm.xlane v5, v2;
	[tilespmem:s0+$0x14350] =	vst v0  }
0xec: {  	v0 =	vld.idx.msk [tilespmem:v1+s19+$0x0], $0xffff  }
0xed: {  	v63 =	vmov v14;
	v14 =	vshll.u32 v2, $0xB;
	v1 =	vor.u32 v43, v15  }
0xee: {  	v2 =	vor.u32 v19, v14;
	_ =	sdelay $0x2  }
0xef: {  	[tilespmem:s0+$0x14360] =	vst v0  }
0xf0: {  	v0 =	vld.idx.msk [tilespmem:v1+s19+$0x0], $0xffff  }
0xf1: {  	v1 =	vld.idx.msk [tilespmem:v2+s19+$0x0], $0xffff;
	v2 =	vor.u32 v26, v15  }
0xf2: {  	v3 =	vor.u32 v42, v14;
	_ =	sdelay $0x1  }
0xf3: {  	s1 =	sshll.u32 s1, $0xB  }
0xf4: {  	s29 =	sand.u32 $0x3FFFF800, s1;
	[tilespmem:s0+$0x14370] =	vst v0  }
0xf5: {  	[tilespmem:s29+$0x14200] =	vst v1;
	v0 =	vld.idx.msk [tilespmem:v2+s19+$0x0], $0xffff  }
0xf6: {  	v1 =	vld.idx.msk [tilespmem:v3+s19+$0x0], $0xffff;
	v2 =	vor.u32 v48, v15  }
0xf7: {  	v3 =	vor.u32 v44, v14;
	_ =	sdelay $0x2  }
0xf8: {  	[tilespmem:s0+$0x14380] =	vst v0  }
0xf9: {  	[tilespmem:s29+$0x14210] =	vst v1;
	v0 =	vld.idx.msk [tilespmem:v2+s19+$0x0], $0xffff  }
0xfa: {  	v1 =	vld.idx.msk [tilespmem:v3+s19+$0x0], $0xffff;
	v2 =	vor.u32 v35, v15  }
0xfb: {  	v3 =	vor.u32 v52, v14;
	_ =	sdelay $0x2  }
0xfc: {  	[tilespmem:s0+$0x14390] =	vst v0  }
0xfd: {  	[tilespmem:s29+$0x14220] =	vst v1;
	v0 =	vld.idx.msk [tilespmem:v2+s19+$0x0], $0xffff  }
0xfe: {  	v1 =	vld.idx.msk [tilespmem:v3+s19+$0x0], $0xffff;
	v2 =	vor.u32 v27, v15  }
0xff: {  	v3 =	vor.u32 v11, v14;
	_ =	sdelay $0x2  }
0x100: {  	[tilespmem:s0+$0x143A0] =	vst v0  }
0x101: {  	[tilespmem:s29+$0x14230] =	vst v1;
	v0 =	vld.idx.msk [tilespmem:v2+s19+$0x0], $0xffff  }
0x102: {  	v1 =	vld.idx.msk [tilespmem:v3+s19+$0x0], $0xffff;
	v2 =	vor.u32 v57, v15  }
0x103: {  	v3 =	vor.u32 v20, v14;
	_ =	sdelay $0x2  }
0x104: {  	[tilespmem:s0+$0x143B0] =	vst v0  }
0x105: {  	[tilespmem:s29+$0x14240] =	vst v1;
	v0 =	vld.idx.msk [tilespmem:v2+s19+$0x0], $0xffff  }
0x106: {  	v37 =	vmov v31;
	v1 =	vld.idx.msk [tilespmem:v3+s19+$0x0], $0xffff;
	v2 =	vor.u32 v41, v15  }
0x107: {  	v3 =	vor.u32 v37, v14;
	_ =	sdelay $0x2  }
0x108: {  	[tilespmem:s0+$0x143C0] =	vst v0  }
0x109: {  	[tilespmem:s29+$0x14250] =	vst v1;
	v0 =	vld.idx.msk [tilespmem:v2+s19+$0x0], $0xffff  }
0x10a: {  	v1 =	vld.idx.msk [tilespmem:v3+s19+$0x0], $0xffff;
	v2 =	vor.u32 v32, v15  }
0x10b: {  	v3 =	vor.u32 v25, v14;
	_ =	sdelay $0x2  }
0x10c: {  	[tilespmem:s0+$0x143D0] =	vst v0  }
0x10d: {  	[tilespmem:s29+$0x14260] =	vst v1;
	v0 =	vld.idx.msk [tilespmem:v2+s19+$0x0], $0xffff  }
0x10e: {  	v1 =	vld.idx.msk [tilespmem:v3+s19+$0x0], $0xffff;
	v2 =	vor.u32 v51, v15  }
0x10f: {  	v3 =	vor.u32 v28, v14;
	_ =	sdelay $0x2  }
0x110: {  	[tilespmem:s0+$0x143E0] =	vst v0  }
0x111: {  	[tilespmem:s29+$0x14270] =	vst v1;
	v0 =	vld.idx.msk [tilespmem:v2+s19+$0x0], $0xffff  }
0x112: {  	v1 =	vld.idx.msk [tilespmem:v3+s19+$0x0], $0xffff;
	v2 =	vor.u32 v45, v15  }
0x113: {  	v3 =	vor.u32 v29, v14;
	_ =	sdelay $0x2  }
0x114: {  	[tilespmem:s0+$0x143F0] =	vst v0  }
0x115: {  	[tilespmem:s29+$0x14280] =	vst v1;
	v0 =	vld.idx.msk [tilespmem:v2+s19+$0x0], $0xffff  }
0x116: {  	v39 =	vmov v23;
	v1 =	vld.idx.msk [tilespmem:v3+s19+$0x0], $0xffff;
	v2 =	vor.u32 v13, v15  }
0x117: {  	v3 =	vor.u32 v39, v14;
	_ =	sdelay $0x2  }
0x118: {  	[tilespmem:s0+$0x14400] =	vst v0  }
0x119: {  	[tilespmem:s29+$0x14290] =	vst v1;
	v0 =	vld.idx.msk [tilespmem:v2+s19+$0x0], $0xffff  }
0x11a: {  	v1 =	vld.idx.msk [tilespmem:v3+s19+$0x0], $0xffff;
	v2 =	vor.u32 v58, v15  }
0x11b: {  	v3 =	vor.u32 v17, v14;
	_ =	sdelay $0x2  }
0x11c: {  	[tilespmem:s0+$0x14410] =	vst v0  }
0x11d: {  	[tilespmem:s29+$0x142A0] =	vst v1;
	v0 =	vld.idx.msk [tilespmem:v2+s19+$0x0], $0xffff  }
0x11e: {  	v1 =	vld.idx.msk [tilespmem:v3+s19+$0x0], $0xffff;
	v2 =	vor.u32 v61, v15  }
0x11f: {  	v3 =	vor.u32 v47, v14;
	_ =	sdelay $0x2  }
0x120: {  	[tilespmem:s0+$0x14420] =	vst v0  }
0x121: {  	[tilespmem:s29+$0x142B0] =	vst v1;
	v0 =	vld.idx.msk [tilespmem:v2+s19+$0x0], $0xffff  }
0x122: {  	v1 =	vld.idx.msk [tilespmem:v3+s19+$0x0], $0xffff;
	v2 =	vor.u32 v36, v15  }
0x123: {  	v3 =	vor.u32 v18, v14;
	_ =	sdelay $0x2  }
0x124: {  	[tilespmem:s0+$0x14430] =	vst v0  }
0x125: {  	[tilespmem:s29+$0x142C0] =	vst v1;
	v0 =	vld.idx.msk [tilespmem:v2+s19+$0x0], $0xffff  }
0x126: {  	s7 =	simm.s32 $0x2;
	v1 =	vld.idx.msk [tilespmem:v3+s19+$0x0], $0xffff;
	v2 =	vor.u32 v50, v15  }
0x127: {  	v4 =	vor.u32 v16, v14;
	v3 =	vmov s7  }
0x128: {  	v3 =	vperm.xlane v5, v3  }
0x129: {  	[tilespmem:$0x1F6B0] =	vst v5  }
0x12a: {  	v60 =	vshll.u32 v3, $0xB;
	[tilespmem:s0+$0x14440] =	vst v0  }
0x12b: {  	v0 =	vor.u32 v19, v60;
	[tilespmem:s29+$0x142D0] =	vst v1;
	v1 =	vld.idx.msk [tilespmem:v2+s19+$0x0], $0xffff  }
0x12c: {  	v3 =	vor.u32 v9, v15;
	v2 =	vld.idx.msk [tilespmem:v4+s19+$0x0], $0xffff  }
0x12d: {  	v4 =	vor.u32 v40, v14;
	_ =	sdelay $0x2  }
0x12e: {  	v0 =	vld.idx.msk [tilespmem:v0+s19+$0x0], $0xffff;
	[tilespmem:s0+$0x14450] =	vst v1  }
0x12f: {  	v1 =	vor.u32 v42, v60;
	[tilespmem:s29+$0x142E0] =	vst v2;
	v2 =	vld.idx.msk [tilespmem:v3+s19+$0x0], $0xffff  }
0x130: {  	v3 =	vld.idx.msk [tilespmem:v4+s19+$0x0], $0xffff;
	v4 =	vor.u32 v54, v15  }
0x131: {  	s6 =	simm.s32 $0x1000;
	v7 =	vmov v5;
	v5 =	vor.u32 v12, v14  }
0x132: {  	s28 =	sand.u32 $0x3FFFF800, s6  }
0x133: {  	[tilespmem:s28+$0x14200] =	vst v0  }
0x134: {  	v0 =	vld.idx.msk [tilespmem:v1+s19+$0x0], $0xffff;
	[tilespmem:s0+$0x14460] =	vst v2  }
0x135: {  	[tilespmem:s29+$0x142F0] =	vst v3;
	v2 =	vld.idx.msk [tilespmem:v4+s19+$0x0], $0xffff  }
0x136: {  	v3 =	vld.idx.msk [tilespmem:v5+s19+$0x0], $0xffff;
	_ =	sdelay $0x2  }
0x137: {  	[tilespmem:s28+$0x14210] =	vst v0  }
0x138: {  	v1 =	vor.u32 v44, v60;
	[tilespmem:s0+$0x14470] =	vst v2  }
0x139: {  	v4 =	vor.u32 v10, v15;
	[tilespmem:s29+$0x14300] =	vst v3  }
0x13a: {  	v5 =	vor.u32 v33, v14;
	v38 =	vld [tilespmem:$0x1FCC0];
	_ =	sdelay $0x2  }
0x13b: {  	v0 =	vld.idx.msk [tilespmem:v1+s19+$0x0], $0xffff  }
0x13c: {  	v2 =	vld.idx.msk [tilespmem:v4+s19+$0x0], $0xffff  }
0x13d: {  	v3 =	vld.idx.msk [tilespmem:v5+s19+$0x0], $0xffff;
	v4 =	vor.u32 v38, v15;
	_ =	sdelay $0x2  }
0x13e: {  	[tilespmem:s28+$0x14220] =	vst v0  }
0x13f: {  	v1 =	vor.u32 v52, v60;
	[tilespmem:s0+$0x14480] =	vst v2  }
0x140: {  	[tilespmem:s29+$0x14310] =	vst v3;
	v2 =	vld.idx.msk [tilespmem:v4+s19+$0x0], $0xffff  }
0x141: {  	v5 =	vor.u32 v22, v14;
	v4 =	vld [tilespmem:$0x1FCD0];
	_ =	sdelay $0x2  }
0x142: {  	v0 =	vld.idx.msk [tilespmem:v1+s19+$0x0], $0xffff  }
0x143: {  	v1 =	vor.u32 v11, v60  }
0x144: {  	v3 =	vld.idx.msk [tilespmem:v5+s19+$0x0], $0xffff;
	v4 =	vor.u32 v4, v15  }
0x145: {  	v5 =	vor.u32 v55, v14;
	_ =	sdelay $0x1  }
0x146: {  	[tilespmem:s28+$0x14230] =	vst v0  }
0x147: {  	v0 =	vld.idx.msk [tilespmem:v1+s19+$0x0], $0xffff;
	[tilespmem:s0+$0x14490] =	vst v2  }
0x148: {  	[tilespmem:s29+$0x14320] =	vst v3;
	v3 =	vld.idx.msk [tilespmem:v4+s19+$0x0], $0xffff  }
0x149: {  	v4 =	vld.idx.msk [tilespmem:v5+s19+$0x0], $0xffff  }
0x14a: {  	v5 =	vld [tilespmem:$0x1FCE0];
	_ =	sdelay $0x1  }
0x14b: {  	v34 =	vmov v20  }
0x14c: {  	v1 =	vor.u32 v34, v60  }
0x14d: {  	v6 =	vor.u32 v24, v14  }
0x14e: {  	v5 =	vor.u32 v5, v15;
	_ =	sdelay $0x1  }
0x14f: {  	[tilespmem:s28+$0x14240] =	vst v0  }
0x150: {  	v0 =	vld.idx.msk [tilespmem:v1+s19+$0x0], $0xffff;
	[tilespmem:s29+$0x14330] =	vst v4  }
0x151: {  	s1 =	sor.u32 $0x1, s7;
	[tilespmem:s0+$0x144A0] =	vst v3;
	v4 =	vld.idx.msk [tilespmem:v6+s19+$0x0], $0xffff  }
0x152: {  	v2 =	vmov s1;
	v3 =	vld.idx.msk [tilespmem:v5+s19+$0x0], $0xffff  }
0x153: {  	v2 =	vperm.xlane v7, v2;
	v5 =	vld [tilespmem:$0x1FCF0];
	_ =	sdelay $0x1  }
0x154: {  	v20 =	vmovc v58;
	v58 =	vmov v9;
	v9 =	vmov v57;
	v57 =	vshll.u32 v2, $0xB  }
0x155: {  	v1 =	vor.u32 v19, v57;
	[tilespmem:s28+$0x14250] =	vst v0  }
0x156: {  	v2 =	vor.u32 v37, v60;
	[tilespmem:s29+$0x14340] =	vst v4  }
0x157: {  	v31 =	vmov v30;
	v5 =	vor.u32 v5, v15;
	[tilespmem:s0+$0x144B0] =	vst v3  }
0x158: {  	v6 =	vor.u32 v31, v14;
	v46 =	vld [tilespmem:$0x1FD00];
	_ =	sdelay $0x1  }
0x159: {  	v0 =	vld.idx.msk [tilespmem:v1+s19+$0x0], $0xffff  }
0x15a: {  	v1 =	vld.idx.msk [tilespmem:v2+s19+$0x0], $0xffff;
	v2 =	vor.u32 v42, v57  }
0x15b: {  	v3 =	vor.u32 v25, v60;
	v4 =	vld.idx.msk [tilespmem:v5+s19+$0x0], $0xffff  }
0x15c: {  	s1 =	sshll.u32 s1, $0xB;
	v5 =	vld.idx.msk [tilespmem:v6+s19+$0x0], $0xffff;
	v6 =	vor.u32 v46, v15  }
0x15d: {  	s24 =	sand.u32 $0x3FFFF800, s1;
	v7 =	vor.u32 v62, v14  }
0x15e: {  	[tilespmem:s24+$0x14200] =	vst v0  }
0x15f: {  	[tilespmem:s28+$0x14260] =	vst v1;
	v0 =	vld.idx.msk [tilespmem:v2+s19+$0x0], $0xffff  }
0x160: {  	v2 =	vor.u32 v44, v57;
	v1 =	vld.idx.msk [tilespmem:v3+s19+$0x0], $0xffff;
	[tilespmem:s0+$0x144C0] =	vst v4  }
0x161: {  	v3 =	vor.u32 v28, v60;
	[tilespmem:s29+$0x14350] =	vst v5;
	v4 =	vld.idx.msk [tilespmem:v6+s19+$0x0], $0xffff  }
0x162: {  	v5 =	vld.idx.msk [tilespmem:v7+s19+$0x0], $0xffff;
	v6 =	vor.u32 v21, v15  }
0x163: {  	v7 =	vor.u32 v43, v14  }
0x164: {  	[tilespmem:s24+$0x14210] =	vst v0  }
0x165: {  	v0 =	vld.idx.msk [tilespmem:v2+s19+$0x0], $0xffff;
	[tilespmem:s28+$0x14270] =	vst v1  }
0x166: {  	v2 =	vor.u32 v52, v57;
	v1 =	vld.idx.msk [tilespmem:v3+s19+$0x0], $0xffff;
	[tilespmem:s0+$0x144D0] =	vst v4  }
0x167: {  	v3 =	vor.u32 v29, v60;
	[tilespmem:s29+$0x14360] =	vst v5;
	v4 =	vld.idx.msk [tilespmem:v6+s19+$0x0], $0xffff  }
0x168: {  	v5 =	vld.idx.msk [tilespmem:v7+s19+$0x0], $0xffff;
	v6 =	vor.u32 v56, v15  }
0x169: {  	v7 =	vor.u32 v26, v14  }
0x16a: {  	[tilespmem:s24+$0x14220] =	vst v0  }
0x16b: {  	v0 =	vld.idx.msk [tilespmem:v2+s19+$0x0], $0xffff;
	[tilespmem:s28+$0x14280] =	vst v1  }
0x16c: {  	v2 =	vor.u32 v11, v57;
	v1 =	vld.idx.msk [tilespmem:v3+s19+$0x0], $0xffff;
	[tilespmem:s0+$0x144E0] =	vst v4  }
0x16d: {  	v3 =	vor.u32 v39, v60;
	[tilespmem:s29+$0x14370] =	vst v5;
	v4 =	vld.idx.msk [tilespmem:v6+s19+$0x0], $0xffff  }
0x16e: {  	v5 =	vld.idx.msk [tilespmem:v7+s19+$0x0], $0xffff;
	v6 =	vor.u32 v59, v15  }
0x16f: {  	v7 =	vor.u32 v48, v14  }
0x170: {  	[tilespmem:s24+$0x14230] =	vst v0  }
0x171: {  	v0 =	vld.idx.msk [tilespmem:v2+s19+$0x0], $0xffff;
	[tilespmem:s28+$0x14290] =	vst v1  }
0x172: {  	v2 =	vor.u32 v34, v57;
	v1 =	vld.idx.msk [tilespmem:v3+s19+$0x0], $0xffff;
	[tilespmem:s0+$0x144F0] =	vst v4  }
0x173: {  	v3 =	vor.u32 v17, v60;
	[tilespmem:s29+$0x14380] =	vst v5;
	v4 =	vld.idx.msk [tilespmem:v6+s19+$0x0], $0xffff  }
0x174: {  	v5 =	vld.idx.msk [tilespmem:v7+s19+$0x0], $0xffff;
	v6 =	vor.u32 v8, v15  }
0x175: {  	v7 =	vor.u32 v35, v14  }
0x176: {  	[tilespmem:s24+$0x14240] =	vst v0  }
0x177: {  	v0 =	vld.idx.msk [tilespmem:v2+s19+$0x0], $0xffff;
	[tilespmem:s28+$0x142A0] =	vst v1  }
0x178: {  	v2 =	vor.u32 v37, v57;
	v1 =	vld.idx.msk [tilespmem:v3+s19+$0x0], $0xffff;
	[tilespmem:s0+$0x14500] =	vst v4  }
0x179: {  	v3 =	vor.u32 v47, v60;
	[tilespmem:s29+$0x14390] =	vst v5;
	v4 =	vld.idx.msk [tilespmem:v6+s19+$0x0], $0xffff  }
0x17a: {  	v30 =	vmov v27;
	v5 =	vld.idx.msk [tilespmem:v7+s19+$0x0], $0xffff;
	v6 =	vor.u32 v63, v15  }
0x17b: {  	v7 =	vor.u32 v30, v14  }
0x17c: {  	[tilespmem:s24+$0x14250] =	vst v0  }
0x17d: {  	v0 =	vld.idx.msk [tilespmem:v2+s19+$0x0], $0xffff;
	[tilespmem:s28+$0x142B0] =	vst v1  }
0x17e: {  	v1 =	vld.idx.msk [tilespmem:v3+s19+$0x0], $0xffff;
	[tilespmem:s0+$0x14510] =	vst v4  }
0x17f: {  	[tilespmem:s29+$0x143A0] =	vst v5;
	v4 =	vld.idx.msk [tilespmem:v6+s19+$0x0], $0xffff  }
0x180: {  	v5 =	vld.idx.msk [tilespmem:v7+s19+$0x0], $0xffff;
	_ =	sdelay $0x1  }
0x181: {  	v2 =	vor.u32 v25, v57;
	[tilespmem:s24+$0x14260] =	vst v0  }
0x182: {  	v3 =	vor.u32 v18, v60;
	[tilespmem:s28+$0x142C0] =	vst v1  }
0x183: {  	[tilespmem:s0+$0x14520] =	vst v4  }
0x184: {  	v6 =	vor.u32 v49, v15;
	[tilespmem:s29+$0x143B0] =	vst v5  }
0x185: {  	v27 =	vmov v61;
	v7 =	vor.u32 v9, v14;
	v61 =	vld [tilespmem:$0x1FED0]  }
0x186: {  	v23 =	vmov v28;
	v0 =	vld.idx.msk [tilespmem:v2+s19+$0x0], $0xffff  }
0x187: {  	v2 =	vor.u32 v23, v57;
	v1 =	vld.idx.msk [tilespmem:v3+s19+$0x0], $0xffff  }
0x188: {  	v3 =	vor.u32 v16, v60  }
0x189: {  	v4 =	vld.idx.msk [tilespmem:v6+s19+$0x0], $0xffff  }
0x18a: {  	v5 =	vld.idx.msk [tilespmem:v7+s19+$0x0], $0xffff;
	v6 =	vor.u32 v61, v15  }
0x18b: {  	v7 =	vor.u32 v41, v14;
	[tilespmem:s24+$0x14270] =	vst v0  }
0x18c: {  	v53 =	vmov v12;
	v12 =	vmov v29;
	[tilespmem:s28+$0x142D0] =	vst v1;
	v0 =	vld.idx.msk [tilespmem:v2+s19+$0x0], $0xffff  }
0x18d: {  	v1 =	vld.idx.msk [tilespmem:v3+s19+$0x0], $0xffff;
	v2 =	vor.u32 v12, v57  }
0x18e: {  	v3 =	vor.u32 v40, v60;
	[tilespmem:s0+$0x14530] =	vst v4  }
0x18f: {  	v28 =	vmovc v59;
	v59 =	vmovc v8;
	v8 =	vmov v49;
	v49 =	vmov v9;
	v9 =	vor.u32 $0x350, v19;
	[tilespmem:s29+$0x143C0] =	vst v5;
	v4 =	vld.idx.msk [tilespmem:v6+s19+$0x0], $0xffff  }
0x190: {  	v5 =	vld.idx.msk [tilespmem:v7+s19+$0x0], $0xffff;
	v6 =	vor.u32 v9, v15  }
0x191: {  	v7 =	vor.u32 v32, v14;
	[tilespmem:s24+$0x14280] =	vst v0  }
0x192: {  	[tilespmem:s28+$0x142E0] =	vst v1;
	v0 =	vld.idx.msk [tilespmem:v2+s19+$0x0], $0xffff  }
0x193: {  	v1 =	vld.idx.msk [tilespmem:v3+s19+$0x0], $0xffff;
	v2 =	vor.u32 v39, v57  }
0x194: {  	v3 =	vor.u32 v53, v60;
	[tilespmem:s0+$0x14540] =	vst v4  }
0x195: {  	v10 =	vor.u32 $0x360, v19;
	[tilespmem:s29+$0x143D0] =	vst v5;
	v4 =	vld.idx.msk [tilespmem:v6+s19+$0x0], $0xffff  }
0x196: {  	v5 =	vld.idx.msk [tilespmem:v7+s19+$0x0], $0xffff;
	v6 =	vor.u32 v10, v15  }
0x197: {  	[tilespmem:s24+$0x14290] =	vst v0;
	v0 =	vor.u32 v51, v14  }
0x198: {  	[tilespmem:s28+$0x142F0] =	vst v1;
	v1 =	vld.idx.msk [tilespmem:v2+s19+$0x0], $0xffff  }
0x199: {  	v2 =	vld.idx.msk [tilespmem:v3+s19+$0x0], $0xffff;
	v3 =	vor.u32 v17, v57  }
0x19a: {  	[tilespmem:s0+$0x14550] =	vst v4;
	v4 =	vor.u32 v33, v60  }
0x19b: {  	v39 =	vor.u32 $0x370, v19;
	[tilespmem:s29+$0x143E0] =	vst v5;
	v5 =	vld.idx.msk [tilespmem:v6+s19+$0x0], $0xffff  }
0x19c: {  	v0 =	vld.idx.msk [tilespmem:v0+s19+$0x0], $0xffff;
	v6 =	vor.u32 v39, v15  }
0x19d: {  	[tilespmem:s24+$0x142A0] =	vst v1;
	v1 =	vor.u32 v45, v14  }
0x19e: {  	[tilespmem:s28+$0x14300] =	vst v2;
	v2 =	vld.idx.msk [tilespmem:v3+s19+$0x0], $0xffff  }
0x19f: {  	v3 =	vld.idx.msk [tilespmem:v4+s19+$0x0], $0xffff;
	v4 =	vor.u32 v47, v57  }
0x1a0: {  	[tilespmem:s0+$0x14560] =	vst v5;
	v5 =	vor.u32 v22, v60  }
0x1a1: {  	v25 =	vmov v45;
	v45 =	vor.u32 $0x380, v19;
	[tilespmem:s29+$0x143F0] =	vst v0;
	v6 =	vld.idx.msk [tilespmem:v6+s19+$0x0], $0xffff  }
0x1a2: {  	v0 =	vor.u32 v45, v15;
	v1 =	vld.idx.msk [tilespmem:v1+s19+$0x0], $0xffff  }
0x1a3: {  	[tilespmem:s24+$0x142B0] =	vst v2;
	v2 =	vor.u32 v13, v14  }
0x1a4: {  	v4 =	vld.idx.msk [tilespmem:v4+s19+$0x0], $0xffff;
	[tilespmem:s28+$0x14310] =	vst v3  }
0x1a5: {  	v3 =	vld.idx.msk [tilespmem:v5+s19+$0x0], $0xffff;
	v5 =	vor.u32 v18, v57  }
0x1a6: {  	[tilespmem:s0+$0x14570] =	vst v6;
	v6 =	vor.u32 v55, v60  }
0x1a7: {  	v23 =	vor.u32 $0x390, v19;
	[tilespmem:s29+$0x14400] =	vst v1;
	v0 =	vld.idx.msk [tilespmem:v0+s19+$0x0], $0xffff  }
0x1a8: {  	v1 =	vor.u32 v23, v15;
	v2 =	vld.idx.msk [tilespmem:v2+s19+$0x0], $0xffff  }
0x1a9: {  	[tilespmem:s24+$0x142C0] =	vst v4  }
0x1aa: {  	v4 =	vor.u32 v20, v14;
	v5 =	vld.idx.msk [tilespmem:v5+s19+$0x0], $0xffff;
	[tilespmem:s28+$0x14320] =	vst v3  }
0x1ab: {  	v3 =	vld.idx.msk [tilespmem:v6+s19+$0x0], $0xffff;
	v6 =	vor.u32 v16, v57  }
0x1ac: {  	[tilespmem:s0+$0x14580] =	vst v0;
	v0 =	vor.u32 v24, v60  }
0x1ad: {  	v17 =	vor.u32 $0x3A0, v19;
	[tilespmem:s29+$0x14410] =	vst v2;
	v1 =	vld.idx.msk [tilespmem:v1+s19+$0x0], $0xffff  }
0x1ae: {  	v2 =	vor.u32 v17, v15;
	[tilespmem:$0x1FB30] =	vst v17  }
0x1af: {  	v4 =	vld.idx.msk [tilespmem:v4+s19+$0x0], $0xffff;
	[tilespmem:s24+$0x142D0] =	vst v5  }
0x1b0: {  	v5 =	vor.u32 v27, v14;
	v6 =	vld.idx.msk [tilespmem:v6+s19+$0x0], $0xffff;
	[tilespmem:s28+$0x14330] =	vst v3  }
0x1b1: {  	v3 =	vor.u32 v40, v57;
	v0 =	vld.idx.msk [tilespmem:v0+s19+$0x0], $0xffff  }
0x1b2: {  	[tilespmem:s0+$0x14590] =	vst v1;
	v1 =	vor.u32 v31, v60  }
0x1b3: {  	v2 =	vld.idx.msk [tilespmem:v2+s19+$0x0], $0xffff  }
0x1b4: {  	v29 =	vmov v30;
	v30 =	vor.u32 $0x3B0, v19;
	[tilespmem:s29+$0x14420] =	vst v4  }
0x1b5: {  	v4 =	vor.u32 v30, v15;
	v5 =	vld.idx.msk [tilespmem:v5+s19+$0x0], $0xffff;
	[tilespmem:s24+$0x142E0] =	vst v6  }
0x1b6: {  	v6 =	vor.u32 v36, v14;
	v3 =	vld.idx.msk [tilespmem:v3+s19+$0x0], $0xffff;
	[tilespmem:s28+$0x14340] =	vst v0  }
0x1b7: {  	v0 =	vld.idx.msk [tilespmem:v1+s19+$0x0], $0xffff;
	v1 =	vor.u32 v53, v57  }
0x1b8: {  	[tilespmem:s0+$0x145A0] =	vst v2;
	v2 =	vor.u32 v62, v60;
	_ =	sdelay $0x1  }
0x1b9: {  	v12 =	vmov v51;
	v51 =	vor.u32 $0x3C0, v19;
	v4 =	vld.idx.msk [tilespmem:v4+s19+$0x0], $0xffff;
	[tilespmem:s29+$0x14430] =	vst v5  }
0x1ba: {  	v5 =	vor.u32 v51, v15;
	v6 =	vld.idx.msk [tilespmem:v6+s19+$0x0], $0xffff;
	[tilespmem:s24+$0x142F0] =	vst v3  }
0x1bb: {  	v11 =	vmov v33;
	v3 =	vor.u32 v50, v14;
	v1 =	vld.idx.msk [tilespmem:v1+s19+$0x0], $0xffff;
	[tilespmem:s28+$0x14350] =	vst v0  }
0x1bc: {  	v0 =	vld.idx.msk [tilespmem:v2+s19+$0x0], $0xffff;
	v2 =	vor.u32 v11, v57;
	_ =	sdelay $0x1  }
0x1bd: {  	[tilespmem:s0+$0x145B0] =	vst v4;
	v4 =	vor.u32 v43, v60  }
0x1be: {  	v34 =	vor.u32 $0x3D0, v19;
	v5 =	vld.idx.msk [tilespmem:v5+s19+$0x0], $0xffff;
	[tilespmem:s29+$0x14440] =	vst v6  }
0x1bf: {  	v6 =	vor.u32 v34, v15;
	v3 =	vld.idx.msk [tilespmem:v3+s19+$0x0], $0xffff;
	[tilespmem:s24+$0x14300] =	vst v1  }
0x1c0: {  	v1 =	vor.u32 v58, v14;
	v2 =	vld.idx.msk [tilespmem:v2+s19+$0x0], $0xffff  }
0x1c1: {  	[tilespmem:s28+$0x14360] =	vst v0  }
0x1c2: {  	v0 =	vld.idx.msk [tilespmem:v4+s19+$0x0], $0xffff;
	v4 =	vor.u32 v22, v57  }
0x1c3: {  	[tilespmem:s0+$0x145C0] =	vst v5  }
0x1c4: {  	v53 =	vor.u32 $0x3E0, v19;
	v5 =	vor.u32 v26, v60;
	v6 =	vld.idx.msk [tilespmem:v6+s19+$0x0], $0xffff;
	[tilespmem:s29+$0x14450] =	vst v3  }
0x1c5: {  	v3 =	vor.u32 v53, v15;
	v1 =	vld.idx.msk [tilespmem:v1+s19+$0x0], $0xffff;
	[tilespmem:s24+$0x14310] =	vst v2  }
0x1c6: {  	v11 =	vld [tilespmem:$0x1FFA0]  }
0x1c7: {  	v4 =	vld.idx.msk [tilespmem:v4+s19+$0x0], $0xffff  }
0x1c8: {  	[tilespmem:s28+$0x14370] =	vst v0  }
0x1c9: {  	v7 =	vor.u32 $0x3F0, v19;
	v0 =	vld.idx.msk [tilespmem:v5+s19+$0x0], $0xffff;
	[tilespmem:s0+$0x145D0] =	vst v6  }
0x1ca: {  	v3 =	vld.idx.msk [tilespmem:v3+s19+$0x0], $0xffff;
	[tilespmem:$0x1F720] =	vst v7  }
0x1cb: {  	[tilespmem:s29+$0x14460] =	vst v1  }
0x1cc: {  	v2 =	vor.u32 v11, v14;
	[tilespmem:s24+$0x14320] =	vst v4  }
0x1cd: {  	v5 =	vor.u32 v55, v57;
	v55 =	vld [tilespmem:$0x1FF70];
	_ =	sdelay $0x1  }
0x1ce: {  	v6 =	vor.u32 v48, v60;
	_ =	sdelay $0x1  }
0x1cf: {  	v1 =	vor.u32 v7, v15;
	v2 =	vld.idx.msk [tilespmem:v2+s19+$0x0], $0xffff  }
0x1d0: {  	v4 =	vor.u32 v55, v14  }
0x1d1: {  	v5 =	vld.idx.msk [tilespmem:v5+s19+$0x0], $0xffff;
	[tilespmem:s28+$0x14380] =	vst v0  }
0x1d2: {  	v6 =	vld.idx.msk [tilespmem:v6+s19+$0x0], $0xffff  }
0x1d3: {  	v0 =	vor.u32 v24, v57;
	[tilespmem:s0+$0x145E0] =	vst v3  }
0x1d4: {  	v1 =	vld.idx.msk [tilespmem:v1+s19+$0x0], $0xffff;
	[tilespmem:s29+$0x14470] =	vst v2  }
0x1d5: {  	v2 =	vld.idx.msk [tilespmem:v4+s19+$0x0], $0xffff  }
0x1d6: {  	[tilespmem:s24+$0x14330] =	vst v5  }
0x1d7: {  	v18 =	vor.u32 $0x400, v19;
	v3 =	vor.u32 v35, v60;
	[tilespmem:s28+$0x14390] =	vst v6  }
0x1d8: {  	v5 =	vor.u32 v18, v15;
	v16 =	vld.idx.msk [tilespmem:v0+s19+$0x0], $0xffff;
	[tilespmem:$0x1F8B0] =	vst v18  }
0x1d9: {  	v4 =	vor.u32 v38, v14;
	[tilespmem:s0+$0x145F0] =	vst v1  }
0x1da: {  	[tilespmem:s29+$0x14480] =	vst v2  }
0x1db: {  	v33 =	vmov v27;
	v27 =	vld [tilespmem:$0x1FCD0]  }
0x1dc: {  	v3 =	vld.idx.msk [tilespmem:v3+s19+$0x0], $0xffff  }
0x1dd: {  	v24 =	vor.u32 $0x410, v19;
	v5 =	vld.idx.msk [tilespmem:v5+s19+$0x0], $0xffff  }
0x1de: {  	v6 =	vor.u32 v24, v15;
	v1 =	vld.idx.msk [tilespmem:v4+s19+$0x0], $0xffff;
	_ =	sdelay $0x1  }
0x1df: {  	[tilespmem:$0x1F8E0] =	vst v24;
	v2 =	vor.u32 v27, v14  }
0x1e0: {  	v4 =	vor.u32 v29, v60;
	[tilespmem:s28+$0x143A0] =	vst v3  }
0x1e1: {  	[tilespmem:s0+$0x14600] =	vst v5  }
0x1e2: {  	v5 =	vld.idx.msk [tilespmem:v6+s19+$0x0], $0xffff;
	[tilespmem:s29+$0x14490] =	vst v1  }
0x1e3: {  	v29 =	vld [tilespmem:$0x1FCE0]  }
0x1e4: {  	v1 =	vld.idx.msk [tilespmem:v2+s19+$0x0], $0xffff  }
0x1e5: {  	v2 =	vld.idx.msk [tilespmem:v4+s19+$0x0], $0xffff;
	_ =	sdelay $0x2  }
0x1e6: {  	v31 =	vmov v38;
	v38 =	vor.u32 $0x420, v19;
	[tilespmem:s0+$0x14610] =	vst v5;
	v4 =	vor.u32 v49, v60  }
0x1e7: {  	v6 =	vor.u32 v38, v15;
	[tilespmem:s29+$0x144A0] =	vst v1  }
0x1e8: {  	v3 =	vor.u32 v29, v14;
	[tilespmem:s28+$0x143B0] =	vst v2  }
0x1e9: {  	v26 =	vld [tilespmem:$0x1FCF0];
	_ =	sdelay $0x1  }
0x1ea: {  	v2 =	vld.idx.msk [tilespmem:v4+s19+$0x0], $0xffff  }
0x1eb: {  	v21 =	vmovc v13;
	v13 =	vmovc v50;
	v50 =	vmov v49;
	v5 =	vld.idx.msk [tilespmem:v6+s19+$0x0], $0xffff;
	v49 =	vor.u32 $0x430, v19;
	v4 =	vor.u32 v41, v60  }
0x1ec: {  	v6 =	vor.u32 v49, v15;
	v1 =	vld.idx.msk [tilespmem:v3+s19+$0x0], $0xffff  }
0x1ed: {  	v3 =	vor.u32 v26, v14;
	_ =	sdelay $0x1  }
0x1ee: {  	[tilespmem:s28+$0x143C0] =	vst v2  }
0x1ef: {  	[tilespmem:s0+$0x14620] =	vst v5;
	v2 =	vld.idx.msk [tilespmem:v4+s19+$0x0], $0xffff  }
0x1f0: {  	v5 =	vld.idx.msk [tilespmem:v6+s19+$0x0], $0xffff;
	[tilespmem:s29+$0x144B0] =	vst v1  }
0x1f1: {  	v1 =	vld.idx.msk [tilespmem:v3+s19+$0x0], $0xffff  }
0x1f2: {  	v0 =	vor.u32 $0x440, v19  }
0x1f3: {  	[tilespmem:$0x1F790] =	vst v0  }
0x1f4: {  	[tilespmem:s28+$0x143D0] =	vst v2  }
0x1f5: {  	v4 =	vor.u32 v32, v60;
	[tilespmem:s0+$0x14630] =	vst v5  }
0x1f6: {  	v3 =	vor.u32 v46, v14;
	[tilespmem:s29+$0x144C0] =	vst v1  }
0x1f7: {  	v6 =	vor.u32 v0, v15;
	v0 =	vld [tilespmem:$0x1FF30];
	_ =	sdelay $0x2  }
0x1f8: {  	v2 =	vld.idx.msk [tilespmem:v4+s19+$0x0], $0xffff  }
0x1f9: {  	v4 =	vor.u32 v12, v60;
	v1 =	vld.idx.msk [tilespmem:v3+s19+$0x0], $0xffff  }
0x1fa: {  	v5 =	vld.idx.msk [tilespmem:v6+s19+$0x0], $0xffff;
	v6 =	vor.u32 $0x450, v19;
	v3 =	vor.u32 v0, v14  }
0x1fb: {  	[tilespmem:$0x1F7B0] =	vst v6;
	v6 =	vor.u32 v6, v15;
	_ =	sdelay $0x1  }
0x1fc: {  	[tilespmem:s28+$0x143E0] =	vst v2  }
0x1fd: {  	v2 =	vld.idx.msk [tilespmem:v4+s19+$0x0], $0xffff;
	[tilespmem:s29+$0x144D0] =	vst v1  }
0x1fe: {  	v54 =	vmov v56;
	[tilespmem:s0+$0x14640] =	vst v5;
	v4 =	vor.u32 v25, v60;
	v1 =	vld.idx.msk [tilespmem:v3+s19+$0x0], $0xffff  }
0x1ff: {  	v5 =	vld.idx.msk [tilespmem:v6+s19+$0x0], $0xffff;
	v6 =	vor.u32 $0x460, v19;
	v3 =	vor.u32 v54, v14  }
0x200: {  	[tilespmem:$0x1F7D0] =	vst v6;
	v6 =	vor.u32 v6, v15;
	_ =	sdelay $0x1  }
0x201: {  	[tilespmem:s28+$0x143F0] =	vst v2  }
0x202: {  	v2 =	vld.idx.msk [tilespmem:v4+s19+$0x0], $0xffff;
	[tilespmem:s29+$0x144E0] =	vst v1  }
0x203: {  	[tilespmem:s0+$0x14650] =	vst v5;
	v4 =	vor.u32 v21, v60;
	v1 =	vld.idx.msk [tilespmem:v3+s19+$0x0], $0xffff  }
0x204: {  	v5 =	vld.idx.msk [tilespmem:v6+s19+$0x0], $0xffff;
	v6 =	vor.u32 $0x470, v19;
	v3 =	vor.u32 v28, v14  }
0x205: {  	[tilespmem:$0x1F7F0] =	vst v6;
	v6 =	vor.u32 v6, v15;
	_ =	sdelay $0x1  }
0x206: {  	[tilespmem:s28+$0x14400] =	vst v2  }
0x207: {  	v56 =	vmov v44;
	v44 =	vmov v20;
	v2 =	vld.idx.msk [tilespmem:v4+s19+$0x0], $0xffff;
	[tilespmem:s29+$0x144F0] =	vst v1  }
0x208: {  	v4 =	vor.u32 v44, v60;
	[tilespmem:s0+$0x14660] =	vst v5;
	v1 =	vld.idx.msk [tilespmem:v3+s19+$0x0], $0xffff  }
0x209: {  	v5 =	vld.idx.msk [tilespmem:v6+s19+$0x0], $0xffff;
	v6 =	vor.u32 $0x480, v19;
	v3 =	vor.u32 v59, v14  }
0x20a: {  	[tilespmem:$0x1F810] =	vst v6;
	v6 =	vor.u32 v6, v15;
	_ =	sdelay $0x1  }
0x20b: {  	[tilespmem:s28+$0x14410] =	vst v2  }
0x20c: {  	v2 =	vld.idx.msk [tilespmem:v4+s19+$0x0], $0xffff;
	[tilespmem:s29+$0x14500] =	vst v1  }
0x20d: {  	v4 =	vor.u32 v33, v60;
	[tilespmem:s0+$0x14670] =	vst v5;
	v1 =	vld.idx.msk [tilespmem:v3+s19+$0x0], $0xffff  }
0x20e: {  	v5 =	vld.idx.msk [tilespmem:v6+s19+$0x0], $0xffff;
	v6 =	vor.u32 $0x490, v19;
	v3 =	vor.u32 v63, v14  }
0x20f: {  	[tilespmem:$0x1F820] =	vst v6;
	v6 =	vor.u32 v6, v15;
	_ =	sdelay $0x1  }
0x210: {  	[tilespmem:s28+$0x14420] =	vst v2  }
0x211: {  	v2 =	vld.idx.msk [tilespmem:v4+s19+$0x0], $0xffff;
	[tilespmem:s29+$0x14510] =	vst v1  }
0x212: {  	v4 =	vor.u32 v36, v60;
	[tilespmem:s0+$0x14680] =	vst v5;
	v1 =	vld.idx.msk [tilespmem:v3+s19+$0x0], $0xffff  }
0x213: {  	v5 =	vld.idx.msk [tilespmem:v6+s19+$0x0], $0xffff;
	v3 =	vor.u32 v8, v14  }
0x214: {  	v6 =	vor.u32 $0x4A0, v19  }
0x215: {  	[tilespmem:$0x1FBC0] =	vst v6  }
0x216: {  	[tilespmem:s28+$0x14430] =	vst v2  }
0x217: {  	v6 =	vor.u32 v6, v15;
	v2 =	vld.idx.msk [tilespmem:v4+s19+$0x0], $0xffff;
	[tilespmem:s29+$0x14520] =	vst v1  }
0x218: {  	[tilespmem:s0+$0x14690] =	vst v5;
	v1 =	vld.idx.msk [tilespmem:v3+s19+$0x0], $0xffff  }
0x219: {  	v5 =	vor.u32 v13, v60;
	v13 =	vld [tilespmem:$0x1F6B0]  }
0x21a: {  	v4 =	vor.u32 v61, v14  }
0x21b: {  	v7 =	vor.u32 $0x4B0, v19  }
0x21c: {  	s15 =	simm.s32 $0x4;
	v6 =	vld.idx.msk [tilespmem:v6+s19+$0x0], $0xffff;
	[tilespmem:$0x1FC70] =	vst v7  }
0x21d: {  	v3 =	vmov s15;
	v7 =	vor.u32 v7, v15;
	[tilespmem:s28+$0x14440] =	vst v2  }
0x21e: {  	v3 =	vperm.xlane v13, v3;
	[tilespmem:s29+$0x14530] =	vst v1  }
0x21f: {  	v1 =	vld.idx.msk [tilespmem:v4+s19+$0x0], $0xffff;
	[tilespmem:$0x1FA90] =	vst v9  }
0x220: {  	v20 =	vmov v58;
	v2 =	vor.u32 v9, v14;
	v58 =	vshll.u32 v3, $0xB;
	v4 =	vld.idx.msk [tilespmem:v5+s19+$0x0], $0xffff  }
0x221: {  	[tilespmem:s0+$0x146A0] =	vst v6;
	v3 =	vor.u32 v19, v58  }
0x222: {  	v6 =	vor.u32 v20, v60;
	v5 =	vld.idx.msk [tilespmem:v7+s19+$0x0], $0xffff;
	v7 =	vor.u32 $0x4C0, v19  }
0x223: {  	[tilespmem:$0x1F840] =	vst v7;
	v7 =	vor.u32 v7, v15  }
0x224: {  	[tilespmem:s29+$0x14540] =	vst v1  }
0x225: {  	[tilespmem:s28+$0x14450] =	vst v4;
	v1 =	vld.idx.msk [tilespmem:v2+s19+$0x0], $0xffff  }
0x226: {  	v3 =	vld.idx.msk [tilespmem:v3+s19+$0x0], $0xffff;
	[tilespmem:$0x1FAB0] =	vst v10  }
0x227: {  	v44 =	vmov v8;
	v8 =	vor.u32 v42, v58;
	[tilespmem:s0+$0x146B0] =	vst v5;
	v4 =	vld.idx.msk [tilespmem:v6+s19+$0x0], $0xffff  }
0x228: {  	v2 =	vor.u32 v10, v14;
	v5 =	vld.idx.msk [tilespmem:v7+s19+$0x0], $0xffff;
	v7 =	vor.u32 $0x4D0, v19  }
0x229: {  	s26 =	simm.s32 $0x2000;
	v6 =	vor.u32 v11, v60;
	[tilespmem:$0x1F860] =	vst v7  }
0x22a: {  	s25 =	sand.u32 $0x3FFFF800, s26;
	v7 =	vor.u32 v7, v15;
	[tilespmem:s29+$0x14550] =	vst v1  }
0x22b: {  	[tilespmem:s25+$0x14200] =	vst v3  }
0x22c: {  	v3 =	vld.idx.msk [tilespmem:v8+s19+$0x0], $0xffff;
	[tilespmem:s28+$0x14460] =	vst v4  }
0x22d: {  	v1 =	vld.idx.msk [tilespmem:v2+s19+$0x0], $0xffff;
	[tilespmem:$0x1FAD0] =	vst v39  }
0x22e: {  	v8 =	vor.u32 v56, v58;
	v4 =	vld.idx.msk [tilespmem:v6+s19+$0x0], $0xffff;
	[tilespmem:s0+$0x146C0] =	vst v5  }
0x22f: {  	v2 =	vor.u32 v39, v14;
	v5 =	vld.idx.msk [tilespmem:v7+s19+$0x0], $0xffff;
	v7 =	vor.u32 $0x4E0, v19  }
0x230: {  	v6 =	vor.u32 v55, v60;
	[tilespmem:$0x1F880] =	vst v7  }
0x231: {  	v7 =	vor.u32 v7, v15;
	[tilespmem:s25+$0x14210] =	vst v3  }
0x232: {  	[tilespmem:s29+$0x14560] =	vst v1  }
0x233: {  	v3 =	vld.idx.msk [tilespmem:v8+s19+$0x0], $0xffff;
	[tilespmem:s28+$0x14470] =	vst v4  }
0x234: {  	v1 =	vld.idx.msk [tilespmem:v2+s19+$0x0], $0xffff;
	[tilespmem:$0x1FAF0] =	vst v45  }
0x235: {  	v8 =	vor.u32 v52, v58;
	v4 =	vld.idx.msk [tilespmem:v6+s19+$0x0], $0xffff;
	[tilespmem:s0+$0x146D0] =	vst v5  }
0x236: {  	v2 =	vor.u32 v45, v14;
	v5 =	vld.idx.msk [tilespmem:v7+s19+$0x0], $0xffff;
	v7 =	vor.u32 $0x4F0, v19  }
0x237: {  	[tilespmem:$0x1F8A0] =	vst v7  }
0x238: {  	v7 =	vor.u32 v7, v15;
	[tilespmem:s25+$0x14220] =	vst v3  }
0x239: {  	v6 =	vor.u32 v31, v60;
	v11 =	vld [tilespmem:$0x1FD20];
	[tilespmem:s29+$0x14570] =	vst v1  }
0x23a: {  	v3 =	vld.idx.msk [tilespmem:v8+s19+$0x0], $0xffff;
	[tilespmem:s28+$0x14480] =	vst v4  }
0x23b: {  	v1 =	vld.idx.msk [tilespmem:v2+s19+$0x0], $0xffff;
	[tilespmem:$0x1FB10] =	vst v23  }
0x23c: {  	[tilespmem:s0+$0x146E0] =	vst v5  }
0x23d: {  	v5 =	vld.idx.msk [tilespmem:v7+s19+$0x0], $0xffff;
	v7 =	vor.u32 $0x500, v19  }
0x23e: {  	v4 =	vld.idx.msk [tilespmem:v6+s19+$0x0], $0xffff;
	[tilespmem:$0x1F8D0] =	vst v7  }
0x23f: {  	v8 =	vor.u32 v11, v58;
	[tilespmem:s25+$0x14230] =	vst v3  }
0x240: {  	v2 =	vor.u32 v23, v14;
	v20 =	vld [tilespmem:$0x1FD30]  }
0x241: {  	v6 =	vor.u32 v27, v60;
	_ =	sdelay $0x1  }
0x242: {  	v7 =	vor.u32 v7, v15  }
0x243: {  	[tilespmem:s29+$0x14580] =	vst v1;
	v3 =	vld.idx.msk [tilespmem:v8+s19+$0x0], $0xffff  }
0x244: {  	[tilespmem:s28+$0x14490] =	vst v4;
	v1 =	vld.idx.msk [tilespmem:v2+s19+$0x0], $0xffff;
	v8 =	vor.u32 v20, v58  }
0x245: {  	v4 =	vld.idx.msk [tilespmem:v6+s19+$0x0], $0xffff  }
0x246: {  	v40 =	vmovc v48;
	v48 =	vmov v9;
	v9 =	vor.u32 $0x510, v19;
	v2 =	vor.u32 v17, v14;
	[tilespmem:s0+$0x146F0] =	vst v5  }
0x247: {  	s1 =	sor.u32 $0x1, s15;
	v6 =	vld.idx.msk [tilespmem:v7+s19+$0x0], $0xffff;
	v7 =	vor.u32 v29, v60;
	[tilespmem:$0x1F900] =	vst v9  }
0x248: {  	v5 =	vmov s1;
	v9 =	vor.u32 v9, v15;
	[tilespmem:s25+$0x14240] =	vst v3  }
0x249: {  	[tilespmem:s29+$0x14590] =	vst v1;
	v3 =	vperm.xlane v13, v5;
	v5 =	vld.idx.msk [tilespmem:v8+s19+$0x0], $0xffff  }
0x24a: {  	[tilespmem:s28+$0x144A0] =	vst v4  }
0x24b: {  	v2 =	vld.idx.msk [tilespmem:v2+s19+$0x0], $0xffff;
	v8 =	vor.u32 v37, v58;
	[tilespmem:$0x1FB50] =	vst v30  }
0x24c: {  	v25 =	vmovc v59;
	v17 =	vmov v0;
	v0 =	vor.u32 $0x520, v19;
	v59 =	vshll.u32 v3, $0xB;
	v4 =	vld.idx.msk [tilespmem:v7+s19+$0x0], $0xffff;
	[tilespmem:s0+$0x14700] =	vst v6  }
0x24d: {  	v1 =	vor.u32 v19, v59;
	v6 =	vld.idx.msk [tilespmem:v9+s19+$0x0], $0xffff;
	[tilespmem:$0x1F920] =	vst v0  }
0x24e: {  	v3 =	vor.u32 v30, v14;
	[tilespmem:s25+$0x14250] =	vst v5  }
0x24f: {  	v31 =	vld [tilespmem:$0x1FE30]  }
0x250: {  	v7 =	vor.u32 v26, v60;
	v8 =	vld.idx.msk [tilespmem:v8+s19+$0x0], $0xffff  }
0x251: {  	v5 =	vor.u32 v0, v15;
	v33 =	vld [tilespmem:$0x1FD50];
	[tilespmem:s29+$0x145A0] =	vst v2  }
0x252: {  	v1 =	vld.idx.msk [tilespmem:v1+s19+$0x0], $0xffff;
	[tilespmem:s28+$0x144B0] =	vst v4  }
0x253: {  	v3 =	vld.idx.msk [tilespmem:v3+s19+$0x0], $0xffff;
	[tilespmem:$0x1FB70] =	vst v51  }
0x254: {  	[tilespmem:s0+$0x14710] =	vst v6  }
0x255: {  	v13 =	vor.u32 $0x530, v19;
	v6 =	vld.idx.msk [tilespmem:v7+s19+$0x0], $0xffff;
	[tilespmem:s24+$0x14340] =	vst v16  }
0x256: {  	s1 =	sshll.u32 s1, $0xB;
	v5 =	vld.idx.msk [tilespmem:v5+s19+$0x0], $0xffff;
	[tilespmem:$0x1F940] =	vst v13;
	v9 =	vor.u32 v31, v57  }
0x257: {  	s26 =	sand.u32 $0x3FFFF800, s1;
	v2 =	vor.u32 v42, v59;
	[tilespmem:s25+$0x14260] =	vst v8  }
0x258: {  	v22 =	vmov v61;
	v61 =	vmov v10;
	v10 =	vor.u32 v33, v58;
	[tilespmem:s26+$0x14200] =	vst v1  }
0x259: {  	v4 =	vor.u32 v51, v14;
	v47 =	vld [tilespmem:$0x1FD60];
	_ =	sdelay $0x1  }
0x25a: {  	v0 =	vor.u32 v46, v60;
	v7 =	vld.idx.msk [tilespmem:v9+s19+$0x0], $0xffff  }
0x25b: {  	v8 =	vor.u32 v13, v15;
	v1 =	vld.idx.msk [tilespmem:v2+s19+$0x0], $0xffff;
	[tilespmem:s29+$0x145B0] =	vst v3  }
0x25c: {  	[tilespmem:s28+$0x144C0] =	vst v6;
	v9 =	vor.u32 v62, v57;
	v10 =	vld.idx.msk [tilespmem:v10+s19+$0x0], $0xffff  }
0x25d: {  	v4 =	vld.idx.msk [tilespmem:v4+s19+$0x0], $0xffff;
	[tilespmem:$0x1F6E0] =	vst v34;
	v2 =	vor.u32 v47, v58  }
0x25e: {  	[tilespmem:s0+$0x14720] =	vst v5  }
0x25f: {  	v13 =	vor.u32 $0x540, v19;
	v3 =	vor.u32 v56, v59;
	v0 =	vld.idx.msk [tilespmem:v0+s19+$0x0], $0xffff;
	[tilespmem:s24+$0x14350] =	vst v7  }
0x260: {  	v6 =	vor.u32 v34, v14;
	v7 =	vld.idx.msk [tilespmem:v8+s19+$0x0], $0xffff;
	[tilespmem:$0x1F960] =	vst v13  }
0x261: {  	v8 =	vld.idx.msk [tilespmem:v9+s19+$0x0], $0xffff;
	[tilespmem:s25+$0x14270] =	vst v10  }
0x262: {  	v5 =	vor.u32 v17, v60;
	[tilespmem:s26+$0x14210] =	vst v1;
	v2 =	vld.idx.msk [tilespmem:v2+s19+$0x0], $0xffff  }
0x263: {  	v9 =	vor.u32 v13, v15;
	v13 =	vld [tilespmem:$0x1FD70];
	[tilespmem:s29+$0x145C0] =	vst v4  }
0x264: {  	v10 =	vor.u32 v43, v57;
	v1 =	vld.idx.msk [tilespmem:v3+s19+$0x0], $0xffff;
	[tilespmem:s28+$0x144D0] =	vst v0  }
0x265: {  	v4 =	vld.idx.msk [tilespmem:v6+s19+$0x0], $0xffff;
	[tilespmem:$0x1F700] =	vst v53  }
0x266: {  	v0 =	vor.u32 v52, v59;
	[tilespmem:s0+$0x14730] =	vst v7  }
0x267: {  	v16 =	vor.u32 $0x550, v19;
	v5 =	vld.idx.msk [tilespmem:v5+s19+$0x0], $0xffff;
	[tilespmem:s24+$0x14360] =	vst v8  }
0x268: {  	v6 =	vor.u32 v53, v14;
	v8 =	vld.idx.msk [tilespmem:v9+s19+$0x0], $0xffff;
	[tilespmem:$0x1F980] =	vst v16  }
0x269: {  	v3 =	vor.u32 v13, v58;
	v9 =	vld.idx.msk [tilespmem:v10+s19+$0x0], $0xffff;
	[tilespmem:s25+$0x14280] =	vst v2  }
0x26a: {  	v12 =	vmov v63;
	v63 =	vmov v26;
	v26 =	vld [tilespmem:$0x1FE60];
	[tilespmem:s26+$0x14220] =	vst v1  }
0x26b: {  	v7 =	vor.u32 v54, v60;
	v0 =	vld.idx.msk [tilespmem:v0+s19+$0x0], $0xffff  }
0x26c: {  	v2 =	vor.u32 v16, v15;
	v27 =	vld [tilespmem:$0x1FD80];
	[tilespmem:s29+$0x145D0] =	vst v4  }
0x26d: {  	[tilespmem:s28+$0x144E0] =	vst v5;
	v5 =	vld.idx.msk [tilespmem:v6+s19+$0x0], $0xffff  }
0x26e: {  	v3 =	vld.idx.msk [tilespmem:v3+s19+$0x0], $0xffff  }
0x26f: {  	v16 =	vld [tilespmem:$0x1F720];
	[tilespmem:s0+$0x14740] =	vst v8  }
0x270: {  	v4 =	vor.u32 v11, v59;
	v11 =	vor.u32 $0x560, v19;
	v7 =	vld.idx.msk [tilespmem:v7+s19+$0x0], $0xffff;
	[tilespmem:s24+$0x14370] =	vst v9;
	v10 =	vor.u32 v26, v57  }
0x271: {  	v2 =	vld.idx.msk [tilespmem:v2+s19+$0x0], $0xffff;
	[tilespmem:$0x1F9A0] =	vst v11  }
0x272: {  	v1 =	vor.u32 v27, v58;
	[tilespmem:s26+$0x14230] =	vst v0  }
0x273: {  	[tilespmem:s25+$0x14290] =	vst v3  }
0x274: {  	v8 =	vor.u32 v28, v60;
	v29 =	vld [tilespmem:$0x1FD90]  }
0x275: {  	v6 =	vor.u32 v16, v14;
	v9 =	vld.idx.msk [tilespmem:v10+s19+$0x0], $0xffff  }
0x276: {  	v3 =	vor.u32 v11, v15  }
0x277: {  	[tilespmem:s29+$0x145E0] =	vst v5;
	v1 =	vld.idx.msk [tilespmem:v1+s19+$0x0], $0xffff  }
0x278: {  	v0 =	vld.idx.msk [tilespmem:v4+s19+$0x0], $0xffff;
	[tilespmem:s28+$0x144F0] =	vst v7;
	v10 =	vor.u32 v40, v57  }
0x279: {  	[tilespmem:s0+$0x14750] =	vst v2;
	v8 =	vld.idx.msk [tilespmem:v8+s19+$0x0], $0xffff  }
0x27a: {  	v11 =	vor.u32 $0x570, v19;
	v6 =	vld.idx.msk [tilespmem:v6+s19+$0x0], $0xffff;
	v4 =	vor.u32 v29, v58;
	[tilespmem:s24+$0x14380] =	vst v9  }
0x27b: {  	v5 =	vor.u32 v20, v59;
	v3 =	vld.idx.msk [tilespmem:v3+s19+$0x0], $0xffff;
	[tilespmem:$0x1F9C0] =	vst v11  }
0x27c: {  	v7 =	vor.u32 v18, v14;
	[tilespmem:s25+$0x142A0] =	vst v1  }
0x27d: {  	v2 =	vor.u32 v25, v60;
	v9 =	vld.idx.msk [tilespmem:v10+s19+$0x0], $0xffff;
	[tilespmem:s26+$0x14240] =	vst v0  }
0x27e: {  	v1 =	vor.u32 v11, v15;
	v11 =	vld [tilespmem:$0x1FDA0]  }
0x27f: {  	v10 =	vor.u32 v35, v57;
	[tilespmem:s29+$0x145F0] =	vst v6;
	v4 =	vld.idx.msk [tilespmem:v4+s19+$0x0], $0xffff  }
0x280: {  	v0 =	vld.idx.msk [tilespmem:v5+s19+$0x0], $0xffff;
	[tilespmem:s28+$0x14500] =	vst v8  }
0x281: {  	v6 =	vor.u32 v37, v59;
	[tilespmem:s0+$0x14760] =	vst v3;
	v7 =	vld.idx.msk [tilespmem:v7+s19+$0x0], $0xffff  }
0x282: {  	v3 =	vor.u32 v12, v60;
	v12 =	vor.u32 $0x580, v19;
	v2 =	vld.idx.msk [tilespmem:v2+s19+$0x0], $0xffff;
	[tilespmem:s24+$0x14390] =	vst v9  }
0x283: {  	v8 =	vor.u32 v24, v14;
	v1 =	vld.idx.msk [tilespmem:v1+s19+$0x0], $0xffff;
	[tilespmem:$0x1FA10] =	vst v12  }
0x284: {  	v5 =	vor.u32 v11, v58;
	v9 =	vld.idx.msk [tilespmem:v10+s19+$0x0], $0xffff;
	[tilespmem:s25+$0x142B0] =	vst v4  }
0x285: {  	v35 =	vld [tilespmem:$0x1FE90];
	[tilespmem:s26+$0x14250] =	vst v0  }
0x286: {  	v0 =	vld.idx.msk [tilespmem:v6+s19+$0x0], $0xffff  }
0x287: {  	v4 =	vor.u32 v12, v15;
	v18 =	vld [tilespmem:$0x1FDB0];
	[tilespmem:s29+$0x14600] =	vst v7  }
0x288: {  	[tilespmem:s28+$0x14510] =	vst v2;
	v7 =	vld.idx.msk [tilespmem:v8+s19+$0x0], $0xffff  }
0x289: {  	v5 =	vld.idx.msk [tilespmem:v5+s19+$0x0], $0xffff;
	[tilespmem:$0x1F750] =	vst v38  }
0x28a: {  	[tilespmem:s0+$0x14770] =	vst v1  }
0x28b: {  	v12 =	vor.u32 $0x590, v19;
	v3 =	vld.idx.msk [tilespmem:v3+s19+$0x0], $0xffff;
	[tilespmem:s24+$0x143A0] =	vst v9;
	v10 =	vor.u32 v35, v57  }
0x28c: {  	v2 =	vor.u32 v33, v59;
	v4 =	vld.idx.msk [tilespmem:v4+s19+$0x0], $0xffff;
	[tilespmem:$0x1FA60] =	vst v12  }
0x28d: {  	v8 =	vor.u32 v38, v14;
	[tilespmem:s26+$0x14260] =	vst v0  }
0x28e: {  	v6 =	vor.u32 v18, v58;
	[tilespmem:s25+$0x142C0] =	vst v5  }
0x28f: {  	v5 =	vor.u32 v12, v15;
	v12 =	vld [tilespmem:$0x1FDC0]  }
0x290: {  	v1 =	vor.u32 v44, v60;
	v9 =	vld.idx.msk [tilespmem:v10+s19+$0x0], $0xffff  }
0x291: {  	v0 =	vld.idx.msk [tilespmem:v2+s19+$0x0], $0xffff;
	[tilespmem:s29+$0x14610] =	vst v7  }
0x292: {  	[tilespmem:s28+$0x14520] =	vst v3;
	v10 =	vor.u32 v50, v57;
	v7 =	vld.idx.msk [tilespmem:v8+s19+$0x0], $0xffff  }
0x293: {  	v3 =	vor.u32 v47, v59;
	v6 =	vld.idx.msk [tilespmem:v6+s19+$0x0], $0xffff;
	[tilespmem:$0x1F770] =	vst v49  }
0x294: {  	[tilespmem:s0+$0x14780] =	vst v4  }
0x295: {  	v17 =	vor.u32 $0x5A0, v19;
	v1 =	vld.idx.msk [tilespmem:v1+s19+$0x0], $0xffff;
	v2 =	vor.u32 v12, v58;
	[tilespmem:s24+$0x143B0] =	vst v9  }
0x296: {  	v8 =	vor.u32 v49, v14;
	v5 =	vld.idx.msk [tilespmem:v5+s19+$0x0], $0xffff;
	[tilespmem:$0x1FA80] =	vst v17  }
0x297: {  	v9 =	vld.idx.msk [tilespmem:v10+s19+$0x0], $0xffff;
	[tilespmem:s26+$0x14270] =	vst v0  }
0x298: {  	v4 =	vor.u32 v22, v60;
	[tilespmem:s25+$0x142D0] =	vst v6;
	v0 =	vld.idx.msk [tilespmem:v3+s19+$0x0], $0xffff  }
0x299: {  	v6 =	vor.u32 v17, v15;
	v24 =	vld [tilespmem:$0x1FDD0]  }
0x29a: {  	[tilespmem:s29+$0x14620] =	vst v7;
	v2 =	vld.idx.msk [tilespmem:v2+s19+$0x0], $0xffff  }
0x29b: {  	v10 =	vor.u32 v41, v57;
	[tilespmem:s28+$0x14530] =	vst v1;
	v7 =	vld.idx.msk [tilespmem:v8+s19+$0x0], $0xffff  }
0x29c: {  	v44 =	vld [tilespmem:$0x1F790];
	[tilespmem:s0+$0x14790] =	vst v5  }
0x29d: {  	v1 =	vor.u32 v13, v59;
	v13 =	vor.u32 $0x5B0, v19;
	v4 =	vld.idx.msk [tilespmem:v4+s19+$0x0], $0xffff;
	[tilespmem:s24+$0x143C0] =	vst v9  }
0x29e: {  	v6 =	vld.idx.msk [tilespmem:v6+s19+$0x0], $0xffff;
	[tilespmem:$0x1FAA0] =	vst v13  }
0x29f: {  	v3 =	vor.u32 v24, v58;
	[tilespmem:s25+$0x142E0] =	vst v2  }
0x2a0: {  	v5 =	vor.u32 v48, v60;
	v9 =	vld.idx.msk [tilespmem:v10+s19+$0x0], $0xffff;
	[tilespmem:s26+$0x14280] =	vst v0  }
0x2a1: {  	v8 =	vor.u32 v44, v14;
	v50 =	vld [tilespmem:$0x1FDE0];
	[tilespmem:s29+$0x14630] =	vst v7  }
0x2a2: {  	v2 =	vor.u32 v13, v15;
	v0 =	vld.idx.msk [tilespmem:v1+s19+$0x0], $0xffff;
	[tilespmem:s28+$0x14540] =	vst v4  }
0x2a3: {  	v10 =	vor.u32 v32, v57;
	v36 =	vld [tilespmem:$0x1F7B0]  }
0x2a4: {  	v4 =	vor.u32 v27, v59;
	v3 =	vld.idx.msk [tilespmem:v3+s19+$0x0], $0xffff  }
0x2a5: {  	v5 =	vld.idx.msk [tilespmem:v5+s19+$0x0], $0xffff;
	[tilespmem:s0+$0x147A0] =	vst v6  }
0x2a6: {  	v13 =	vor.u32 $0x5C0, v19;
	v7 =	vld.idx.msk [tilespmem:v8+s19+$0x0], $0xffff;
	[tilespmem:s24+$0x143D0] =	vst v9;
	v1 =	vor.u32 v50, v58  }
0x2a7: {  	v2 =	vld.idx.msk [tilespmem:v2+s19+$0x0], $0xffff;
	[tilespmem:$0x1FAC0] =	vst v13  }
0x2a8: {  	v8 =	vor.u32 v36, v14;
	v9 =	vld.idx.msk [tilespmem:v10+s19+$0x0], $0xffff;
	[tilespmem:s26+$0x14290] =	vst v0  }
0x2a9: {  	v4 =	vld.idx.msk [tilespmem:v4+s19+$0x0], $0xffff;
	[tilespmem:s25+$0x142F0] =	vst v3  }
0x2aa: {  	v6 =	vor.u32 v61, v60;
	v3 =	vor.u32 v13, v15;
	v13 =	vld [tilespmem:$0x1FFF0]  }
0x2ab: {  	[tilespmem:s29+$0x14640] =	vst v7;
	v1 =	vld.idx.msk [tilespmem:v1+s19+$0x0], $0xffff  }
0x2ac: {  	v47 =	vld [tilespmem:$0x1FDF0]  }
0x2ad: {  	[tilespmem:s28+$0x14550] =	vst v5;
	v8 =	vld.idx.msk [tilespmem:v8+s19+$0x0], $0xffff  }
0x2ae: {  	v61 =	vld [tilespmem:$0x1F7D0];
	[tilespmem:s0+$0x147B0] =	vst v2  }
0x2af: {  	v6 =	vld.idx.msk [tilespmem:v6+s19+$0x0], $0xffff;
	[tilespmem:s24+$0x143E0] =	vst v9;
	v9 =	vor.u32 $0x5D0, v19  }
0x2b0: {  	v5 =	vor.u32 v29, v59;
	v2 =	vld.idx.msk [tilespmem:v3+s19+$0x0], $0xffff;
	[tilespmem:$0x1FAE0] =	vst v9  }
0x2b1: {  	v0 =	vor.u32 v13, v57;
	[tilespmem:s26+$0x142A0] =	vst v4  }
0x2b2: {  	v7 =	vor.u32 v47, v58;
	[tilespmem:s25+$0x14300] =	vst v1  }
0x2b3: {  	v55 =	vmov v30;
	v30 =	vmov v34;
	v34 =	vmov v53;
	v53 =	vld [tilespmem:$0x1FFD0]  }
0x2b4: {  	v10 =	vor.u32 v61, v14  }
0x2b5: {  	v5 =	vld.idx.msk [tilespmem:v5+s19+$0x0], $0xffff  }
0x2b6: {  	v3 =	vor.u32 v39, v60;
	v0 =	vld.idx.msk [tilespmem:v0+s19+$0x0], $0xffff  }
0x2b7: {  	v1 =	vor.u32 v9, v15;
	v7 =	vld.idx.msk [tilespmem:v7+s19+$0x0], $0xffff;
	[tilespmem:s29+$0x14650] =	vst v8  }
0x2b8: {  	v4 =	vor.u32 v53, v57;
	v52 =	vld [tilespmem:$0x1FE00]  }
0x2b9: {  	[tilespmem:s28+$0x14560] =	vst v6;
	v9 =	vld.idx.msk [tilespmem:v10+s19+$0x0], $0xffff  }
0x2ba: {  	v25 =	vld [tilespmem:$0x1F7F0]  }
0x2bb: {  	[tilespmem:s0+$0x147C0] =	vst v2;
	v2 =	vld.idx.msk [tilespmem:v3+s19+$0x0], $0xffff  }
0x2bc: {  	v6 =	vor.u32 v11, v59;
	v11 =	vor.u32 $0x5E0, v19;
	[tilespmem:s24+$0x143F0] =	vst v0;
	v0 =	vld.idx.msk [tilespmem:v1+s19+$0x0], $0xffff  }
0x2bd: {  	v3 =	vld.idx.msk [tilespmem:v4+s19+$0x0], $0xffff;
	[tilespmem:$0x1FB00] =	vst v11  }
0x2be: {  	[tilespmem:s25+$0x14310] =	vst v7  }
0x2bf: {  	v8 =	vor.u32 v52, v58;
	[tilespmem:s26+$0x142B0] =	vst v5  }
0x2c0: {  	v1 =	vor.u32 v45, v60;
	v56 =	vld [tilespmem:$0x1FFE0]  }
0x2c1: {  	v10 =	vor.u32 v25, v14;
	v6 =	vld.idx.msk [tilespmem:v6+s19+$0x0], $0xffff;
	[tilespmem:s29+$0x14660] =	vst v9  }
0x2c2: {  	v4 =	vor.u32 v11, v15;
	v42 =	vld [tilespmem:$0x1FE10];
	[tilespmem:s28+$0x14570] =	vst v2  }
0x2c3: {  	v45 =	vld [tilespmem:$0x1F810]  }
0x2c4: {  	v7 =	vld.idx.msk [tilespmem:v8+s19+$0x0], $0xffff  }
0x2c5: {  	v1 =	vld.idx.msk [tilespmem:v1+s19+$0x0], $0xffff;
	[tilespmem:s0+$0x147D0] =	vst v0  }
0x2c6: {  	v11 =	vor.u32 $0x5F0, v19;
	[tilespmem:s24+$0x14400] =	vst v3;
	v2 =	vld.idx.msk [tilespmem:v10+s19+$0x0], $0xffff;
	v5 =	vor.u32 v56, v57  }
0x2c7: {  	v0 =	vld.idx.msk [tilespmem:v4+s19+$0x0], $0xffff;
	[tilespmem:$0x1FB20] =	vst v11  }
0x2c8: {  	[tilespmem:s26+$0x142C0] =	vst v6;
	v8 =	vor.u32 v42, v58  }
0x2c9: {  	v9 =	vor.u32 v18, v59;
	[tilespmem:s25+$0x14320] =	vst v7  }
0x2ca: {  	v6 =	vld [tilespmem:$0x1FFB0]  }
0x2cb: {  	v3 =	vor.u32 v23, v60;
	[tilespmem:s29+$0x14670] =	vst v2;
	v4 =	vld.idx.msk [tilespmem:v5+s19+$0x0], $0xffff  }
0x2cc: {  	v10 =	vor.u32 v45, v14;
	v22 =	vld [tilespmem:$0x1FE20]  }
0x2cd: {  	v5 =	vor.u32 v11, v15;
	v7 =	vld.idx.msk [tilespmem:v8+s19+$0x0], $0xffff  }
0x2ce: {  	[tilespmem:s28+$0x14580] =	vst v1;
	v8 =	vld.idx.msk [tilespmem:v9+s19+$0x0], $0xffff  }
0x2cf: {  	v27 =	vld [tilespmem:$0x1F820]  }
0x2d0: {  	v3 =	vld.idx.msk [tilespmem:v3+s19+$0x0], $0xffff;
	[tilespmem:s0+$0x147E0] =	vst v0  }
0x2d1: {  	v11 =	vor.u32 $0x600, v19;
	v1 =	vld.idx.msk [tilespmem:v10+s19+$0x0], $0xffff;
	[tilespmem:s24+$0x14410] =	vst v4  }
0x2d2: {  	v6 =	vor.u32 v6, v57;
	v0 =	vld.idx.msk [tilespmem:v5+s19+$0x0], $0xffff;
	[tilespmem:$0x1FB40] =	vst v11  }
0x2d3: {  	v4 =	vld [tilespmem:$0x1FB30];
	[tilespmem:s25+$0x14330] =	vst v7  }
0x2d4: {  	v2 =	vor.u32 v22, v58;
	[tilespmem:s26+$0x142D0] =	vst v8  }
0x2d5: {  	v9 =	vor.u32 v12, v59;
	v23 =	vld [tilespmem:$0x1FF90]  }
0x2d6: {  	v10 =	vor.u32 v27, v14;
	[tilespmem:s29+$0x14680] =	vst v1  }
0x2d7: {  	[tilespmem:s28+$0x14590] =	vst v3;
	v5 =	vld.idx.msk [tilespmem:v6+s19+$0x0], $0xffff;
	v6 =	vor.u32 v11, v15  }
0x2d8: {  	v39 =	vld [tilespmem:$0x1FBC0];
	v4 =	vor.u32 v4, v60  }
0x2d9: {  	v2 =	vld.idx.msk [tilespmem:v2+s19+$0x0], $0xffff  }
0x2da: {  	v8 =	vld.idx.msk [tilespmem:v9+s19+$0x0], $0xffff;
	v7 =	vor.u32 v23, v57  }
0x2db: {  	[tilespmem:s0+$0x147F0] =	vst v0;
	v3 =	vld.idx.msk [tilespmem:v10+s19+$0x0], $0xffff  }
0x2dc: {  	v1 =	vor.u32 v31, v58;
	v11 =	vor.u32 $0x610, v19;
	[tilespmem:s24+$0x14420] =	vst v5;
	v0 =	vld.idx.msk [tilespmem:v6+s19+$0x0], $0xffff  }
0x2dd: {  	v9 =	vor.u32 v24, v59;
	v4 =	vld.idx.msk [tilespmem:v4+s19+$0x0], $0xffff;
	[tilespmem:$0x1FB60] =	vst v11  }
0x2de: {  	v10 =	vor.u32 v39, v14;
	[tilespmem:s25+$0x14340] =	vst v2  }
0x2df: {  	[tilespmem:s26+$0x142E0] =	vst v8;
	v6 =	vld.idx.msk [tilespmem:v7+s19+$0x0], $0xffff  }
0x2e0: {  	v7 =	vor.u32 v11, v15;
	v24 =	vld [tilespmem:$0x1FF40]  }
0x2e1: {  	v5 =	vor.u32 v55, v60;
	v1 =	vld.idx.msk [tilespmem:v1+s19+$0x0], $0xffff  }
0x2e2: {  	v8 =	vld.idx.msk [tilespmem:v9+s19+$0x0], $0xffff;
	[tilespmem:s29+$0x14690] =	vst v3  }
0x2e3: {  	[tilespmem:s28+$0x145A0] =	vst v4;
	v4 =	vld.idx.msk [tilespmem:v10+s19+$0x0], $0xffff  }
0x2e4: {  	v9 =	vor.u32 v50, v59;
	v50 =	vld [tilespmem:$0x1FC70];
	[tilespmem:s0+$0x14800] =	vst v0  }
0x2e5: {  	[tilespmem:s24+$0x14430] =	vst v6;
	v0 =	vld.idx.msk [tilespmem:v7+s19+$0x0], $0xffff;
	v7 =	vor.u32 $0x620, v19  }
0x2e6: {  	v5 =	vld.idx.msk [tilespmem:v5+s19+$0x0], $0xffff;
	v2 =	vor.u32 v24, v57;
	[tilespmem:$0x1F6C0] =	vst v7  }
0x2e7: {  	v3 =	vor.u32 v62, v58;
	[tilespmem:s25+$0x14350] =	vst v1  }
0x2e8: {  	v21 =	vmov v40;
	[tilespmem:s26+$0x142F0] =	vst v8  }
0x2e9: {  	v29 =	vmov v21;
	v21 =	vld [tilespmem:$0x1FFC0]  }
0x2ea: {  	v6 =	vor.u32 v51, v60  }
0x2eb: {  	v7 =	vor.u32 v7, v15;
	[tilespmem:s29+$0x146A0] =	vst v4;
	v2 =	vld.idx.msk [tilespmem:v2+s19+$0x0], $0xffff  }
0x2ec: {  	v3 =	vld.idx.msk [tilespmem:v3+s19+$0x0], $0xffff;
	v10 =	vor.u32 v50, v14;
	[tilespmem:s28+$0x145B0] =	vst v5  }
0x2ed: {  	v48 =	vmov v32;
	v32 =	vmov v62;
	v62 =	vld [tilespmem:$0x1F840]  }
0x2ee: {  	v8 =	vld.idx.msk [tilespmem:v9+s19+$0x0], $0xffff;
	v1 =	vor.u32 v21, v57  }
0x2ef: {  	v6 =	vld.idx.msk [tilespmem:v6+s19+$0x0], $0xffff;
	[tilespmem:s0+$0x14810] =	vst v0  }
0x2f0: {  	v4 =	vor.u32 v43, v58;
	v0 =	vld.idx.msk [tilespmem:v7+s19+$0x0], $0xffff;
	v7 =	vor.u32 $0x630, v19;
	[tilespmem:s24+$0x14440] =	vst v2  }
0x2f1: {  	v9 =	vor.u32 v47, v59;
	v5 =	vld.idx.msk [tilespmem:v10+s19+$0x0], $0xffff;
	[tilespmem:$0x1F6D0] =	vst v7  }
0x2f2: {  	v10 =	vor.u32 v62, v14;
	[tilespmem:s25+$0x14360] =	vst v3  }
0x2f3: {  	[tilespmem:s26+$0x14300] =	vst v8;
	v1 =	vld.idx.msk [tilespmem:v1+s19+$0x0], $0xffff  }
0x2f4: {  	v2 =	vor.u32 v30, v60;
	v20 =	vld [tilespmem:$0x1FF80]  }
0x2f5: {  	v3 =	vor.u32 v7, v15;
	v4 =	vld.idx.msk [tilespmem:v4+s19+$0x0], $0xffff;
	[tilespmem:s28+$0x145C0] =	vst v6  }
0x2f6: {  	v8 =	vld.idx.msk [tilespmem:v9+s19+$0x0], $0xffff;
	[tilespmem:s29+$0x146B0] =	vst v5  }
0x2f7: {  	[tilespmem:s0+$0x14820] =	vst v0;
	v9 =	vld.idx.msk [tilespmem:v10+s19+$0x0], $0xffff  }
0x2f8: {  	v17 =	vmov v35;
	v35 =	vld [tilespmem:$0x1F860]  }
0x2f9: {  	v2 =	vld.idx.msk [tilespmem:v2+s19+$0x0], $0xffff;
	v10 =	vor.u32 $0x640, v19;
	[tilespmem:s24+$0x14450] =	vst v1  }
0x2fa: {  	v1 =	vld.idx.msk [tilespmem:v3+s19+$0x0], $0xffff;
	[tilespmem:$0x1F6F0] =	vst v10  }
0x2fb: {  	v7 =	vor.u32 v20, v57;
	[tilespmem:s25+$0x14370] =	vst v4  }
0x2fc: {  	v5 =	vor.u32 v26, v58;
	[tilespmem:s26+$0x14310] =	vst v8  }
0x2fd: {  	v6 =	vor.u32 v52, v59;
	v18 =	vld [tilespmem:$0x1FFA0];
	_ =	sdelay $0x1  }
0x2fe: {  	v3 =	vor.u32 v34, v60  }
0x2ff: {  	v0 =	vor.u32 v35, v14;
	[tilespmem:s29+$0x146C0] =	vst v9;
	v4 =	vld.idx.msk [tilespmem:v7+s19+$0x0], $0xffff  }
0x300: {  	v5 =	vld.idx.msk [tilespmem:v5+s19+$0x0], $0xffff;
	[tilespmem:s28+$0x145D0] =	vst v2;
	v7 =	vor.u32 v10, v15  }
0x301: {  	v6 =	vld.idx.msk [tilespmem:v6+s19+$0x0], $0xffff;
	[tilespmem:s0+$0x14830] =	vst v1;
	v8 =	vor.u32 v18, v57  }
0x302: {  	v9 =	vor.u32 v29, v58;
	v34 =	vld [tilespmem:$0x1F880]  }
0x303: {  	v1 =	vld.idx.msk [tilespmem:v3+s19+$0x0], $0xffff  }
0x304: {  	v2 =	vor.u32 v42, v59;
	v10 =	vor.u32 $0x650, v19;
	v0 =	vld.idx.msk [tilespmem:v0+s19+$0x0], $0xffff;
	[tilespmem:s24+$0x14460] =	vst v4  }
0x305: {  	v4 =	vld.idx.msk [tilespmem:v7+s19+$0x0], $0xffff;
	[tilespmem:$0x1F710] =	vst v10  }
0x306: {  	v7 =	vor.u32 v16, v60;
	[tilespmem:s25+$0x14380] =	vst v5;
	v5 =	vld.idx.msk [tilespmem:v8+s19+$0x0], $0xffff  }
0x307: {  	v3 =	vor.u32 v34, v14;
	[tilespmem:s26+$0x14320] =	vst v6;
	v6 =	vld.idx.msk [tilespmem:v9+s19+$0x0], $0xffff  }
0x308: {  	v28 =	vmov v41;
	v41 =	vld [tilespmem:$0x1FF70]  }
0x309: {  	v8 =	vor.u32 v10, v15;
	[tilespmem:s29+$0x146D0] =	vst v0;
	v0 =	vld.idx.msk [tilespmem:v2+s19+$0x0], $0xffff  }
0x30a: {  	v12 =	vld [tilespmem:$0x1FE80];
	[tilespmem:s28+$0x145E0] =	vst v1  }
0x30b: {  	[tilespmem:s0+$0x14840] =	vst v4;
	v4 =	vld.idx.msk [tilespmem:v7+s19+$0x0], $0xffff  }
0x30c: {  	v1 =	vld.idx.msk [tilespmem:v3+s19+$0x0], $0xffff  }
0x30d: {  	v10 =	vor.u32 $0x660, v19;
	v52 =	vld [tilespmem:$0x1F8A0];
	[tilespmem:s24+$0x14470] =	vst v5  }
0x30e: {  	v9 =	vor.u32 v41, v57;
	v5 =	vld.idx.msk [tilespmem:v8+s19+$0x0], $0xffff;
	[tilespmem:$0x1F730] =	vst v10  }
0x30f: {  	v3 =	vor.u32 v22, v59;
	v8 =	vld [tilespmem:$0x1F8B0];
	[tilespmem:s25+$0x14390] =	vst v6  }
0x310: {  	v2 =	vor.u32 v12, v58;
	[tilespmem:s26+$0x14330] =	vst v0  }
0x311: {  	v22 =	vld [tilespmem:$0x1FCC0]  }
0x312: {  	v7 =	vor.u32 v52, v14  }
0x313: {  	[tilespmem:s29+$0x146E0] =	vst v1;
	v6 =	vld.idx.msk [tilespmem:v9+s19+$0x0], $0xffff;
	v9 =	vor.u32 v10, v15  }
0x314: {  	v1 =	vld.idx.msk [tilespmem:v3+s19+$0x0], $0xffff;
	[tilespmem:s28+$0x145F0] =	vst v4;
	v8 =	vor.u32 v8, v60  }
0x315: {  	[tilespmem:s0+$0x14850] =	vst v5;
	v0 =	vld.idx.msk [tilespmem:v2+s19+$0x0], $0xffff  }
0x316: {  	v30 =	vld [tilespmem:$0x1F8D0];
	v2 =	vor.u32 v22, v57  }
0x317: {  	v3 =	vor.u32 v17, v58;
	v4 =	vld.idx.msk [tilespmem:v7+s19+$0x0], $0xffff  }
0x318: {  	[tilespmem:s24+$0x14480] =	vst v6;
	v6 =	vld.idx.msk [tilespmem:v9+s19+$0x0], $0xffff  }
0x319: {  	v10 =	vor.u32 $0x670, v19;
	v7 =	vor.u32 v31, v59;
	v5 =	vld.idx.msk [tilespmem:v8+s19+$0x0], $0xffff  }
0x31a: {  	v9 =	vld [tilespmem:$0x1F8E0];
	[tilespmem:$0x1FBA0] =	vst v10  }
0x31b: {  	v8 =	vor.u32 v30, v14;
	[tilespmem:s25+$0x143A0] =	vst v0;
	v0 =	vld.idx.msk [tilespmem:v2+s19+$0x0], $0xffff  }
0x31c: {  	[tilespmem:s26+$0x14340] =	vst v1;
	v1 =	vld.idx.msk [tilespmem:v3+s19+$0x0], $0xffff  }
0x31d: {  	v55 =	vmov v43;
	v43 =	vld [tilespmem:$0x1FCD0]  }
0x31e: {  	v2 =	vor.u32 v10, v15;
	[tilespmem:s29+$0x146F0] =	vst v4;
	v4 =	vld.idx.msk [tilespmem:v7+s19+$0x0], $0xffff  }
0x31f: {  	v10 =	vld [tilespmem:$0x1FEA0];
	[tilespmem:s0+$0x14860] =	vst v6;
	v9 =	vor.u32 v9, v60  }
0x320: {  	[tilespmem:s28+$0x14600] =	vst v5;
	v5 =	vld.idx.msk [tilespmem:v8+s19+$0x0], $0xffff  }
0x321: {  	v8 =	vor.u32 v32, v59;
	v32 =	vld [tilespmem:$0x1F900];
	_ =	sdelay $0x1  }
0x322: {  	v16 =	vor.u32 $0x680, v19;
	v3 =	vor.u32 v43, v57;
	[tilespmem:s24+$0x14490] =	vst v0;
	v0 =	vld.idx.msk [tilespmem:v2+s19+$0x0], $0xffff  }
0x323: {  	v6 =	vld.idx.msk [tilespmem:v9+s19+$0x0], $0xffff;
	[tilespmem:$0x1F740] =	vst v16  }
0x324: {  	v7 =	vor.u32 v10, v58;
	[tilespmem:s25+$0x143B0] =	vst v1  }
0x325: {  	v9 =	vor.u32 v32, v14;
	[tilespmem:s26+$0x14350] =	vst v4  }
0x326: {  	v54 =	vmov v38;
	v47 =	vmov v29;
	v29 =	vld [tilespmem:$0x1FCE0]  }
0x327: {  	v2 =	vor.u32 v54, v60;
	v1 =	vld.idx.msk [tilespmem:v3+s19+$0x0], $0xffff  }
0x328: {  	v3 =	vor.u32 v16, v15;
	[tilespmem:s29+$0x14700] =	vst v5;
	v5 =	vld.idx.msk [tilespmem:v8+s19+$0x0], $0xffff  }
0x329: {  	[tilespmem:s0+$0x14870] =	vst v0;
	v4 =	vld.idx.msk [tilespmem:v7+s19+$0x0], $0xffff  }
0x32a: {  	[tilespmem:s28+$0x14610] =	vst v6;
	v6 =	vld.idx.msk [tilespmem:v9+s19+$0x0], $0xffff  }
0x32b: {  	v42 =	vld [tilespmem:$0x1F920];
	v7 =	vor.u32 v29, v57  }
0x32c: {  	v8 =	vor.u32 v28, v58;
	v16 =	vor.u32 $0x690, v19;
	v0 =	vld.idx.msk [tilespmem:v2+s19+$0x0], $0xffff;
	[tilespmem:s24+$0x144A0] =	vst v1  }
0x32d: {  	v9 =	vor.u32 v55, v59;
	v1 =	vld.idx.msk [tilespmem:v3+s19+$0x0], $0xffff;
	[tilespmem:$0x1F760] =	vst v16  }
0x32e: {  	[tilespmem:s25+$0x143C0] =	vst v4  }
0x32f: {  	v3 =	vor.u32 v49, v60;
	[tilespmem:s26+$0x14360] =	vst v5  }
0x330: {  	v2 =	vor.u32 v42, v14;
	[tilespmem:s29+$0x14710] =	vst v6;
	v4 =	vld.idx.msk [tilespmem:v7+s19+$0x0], $0xffff  }
0x331: {  	v5 =	vld.idx.msk [tilespmem:v8+s19+$0x0], $0xffff;
	[tilespmem:s28+$0x14620] =	vst v0;
	v7 =	vor.u32 v16, v15  }
0x332: {  	v6 =	vld.idx.msk [tilespmem:v9+s19+$0x0], $0xffff;
	[tilespmem:s0+$0x14880] =	vst v1  }
0x333: {  	v54 =	vmov v63;
	v8 =	vor.u32 v63, v57;
	v63 =	vld [tilespmem:$0x1F940]  }
0x334: {  	v9 =	vor.u32 v48, v58;
	v1 =	vld.idx.msk [tilespmem:v3+s19+$0x0], $0xffff  }
0x335: {  	v11 =	vor.u32 $0x6A0, v19;
	v0 =	vld.idx.msk [tilespmem:v2+s19+$0x0], $0xffff;
	v2 =	vor.u32 v26, v59;
	[tilespmem:s24+$0x144B0] =	vst v4  }
0x336: {  	v4 =	vld.idx.msk [tilespmem:v7+s19+$0x0], $0xffff;
	v7 =	vor.u32 v44, v60;
	[tilespmem:$0x1F780] =	vst v11  }
0x337: {  	[tilespmem:s25+$0x143D0] =	vst v5  }
0x338: {  	v3 =	vor.u32 v63, v14;
	v5 =	vld.idx.msk [tilespmem:v8+s19+$0x0], $0xffff;
	[tilespmem:s26+$0x14370] =	vst v6  }
0x339: {  	v8 =	vor.u32 v11, v15;
	[tilespmem:s28+$0x14630] =	vst v1;
	v6 =	vld.idx.msk [tilespmem:v9+s19+$0x0], $0xffff  }
0x33a: {  	v9 =	vor.u32 v46, v57;
	[tilespmem:s29+$0x14720] =	vst v0;
	v0 =	vld.idx.msk [tilespmem:v2+s19+$0x0], $0xffff  }
0x33b: {  	v2 =	vor.u32 v13, v58;
	[tilespmem:s0+$0x14890] =	vst v4;
	v4 =	vld.idx.msk [tilespmem:v7+s19+$0x0], $0xffff  }
0x33c: {  	v31 =	vmov v20;
	v20 =	vld [tilespmem:$0x1F960]  }
0x33d: {  	v11 =	vor.u32 $0x6B0, v19;
	v1 =	vld.idx.msk [tilespmem:v3+s19+$0x0], $0xffff;
	v3 =	vor.u32 v47, v59;
	[tilespmem:s24+$0x144C0] =	vst v5  }
0x33e: {  	v5 =	vld.idx.msk [tilespmem:v8+s19+$0x0], $0xffff;
	v8 =	vor.u32 v36, v60;
	[tilespmem:$0x1F7A0] =	vst v11  }
0x33f: {  	[tilespmem:s25+$0x143E0] =	vst v6;
	v6 =	vld.idx.msk [tilespmem:v9+s19+$0x0], $0xffff  }
0x340: {  	v9 =	vor.u32 v11, v15;
	[tilespmem:s26+$0x14380] =	vst v0;
	v0 =	vld.idx.msk [tilespmem:v2+s19+$0x0], $0xffff  }
0x341: {  	v16 =	vld [tilespmem:$0x1FF30];
	[tilespmem:s28+$0x14640] =	vst v4;
	v7 =	vor.u32 v20, v14  }
0x342: {  	[tilespmem:s29+$0x14730] =	vst v1;
	v1 =	vld.idx.msk [tilespmem:v3+s19+$0x0], $0xffff  }
0x343: {  	[tilespmem:s0+$0x148A0] =	vst v5;
	v5 =	vld.idx.msk [tilespmem:v8+s19+$0x0], $0xffff  }
0x344: {  	v26 =	vld [tilespmem:$0x1F980]  }
0x345: {  	v11 =	vor.u32 $0x6C0, v19;
	[tilespmem:s24+$0x144D0] =	vst v6;
	v6 =	vld.idx.msk [tilespmem:v9+s19+$0x0], $0xffff  }
0x346: {  	v4 =	vld.idx.msk [tilespmem:v7+s19+$0x0], $0xffff;
	[tilespmem:$0x1F7C0] =	vst v11  }
0x347: {  	v2 =	vor.u32 v16, v57;
	[tilespmem:s25+$0x143F0] =	vst v0  }
0x348: {  	v3 =	vor.u32 v53, v58;
	[tilespmem:s26+$0x14390] =	vst v1  }
0x349: {  	v9 =	vor.u32 v61, v60;
	v13 =	vld [tilespmem:$0x1FF00]  }
0x34a: {  	v7 =	vor.u32 v12, v59;
	_ =	sdelay $0x1  }
0x34b: {  	v8 =	vor.u32 v26, v14;
	v0 =	vld.idx.msk [tilespmem:v2+s19+$0x0], $0xffff  }
0x34c: {  	v1 =	vld.idx.msk [tilespmem:v3+s19+$0x0], $0xffff;
	[tilespmem:s28+$0x14650] =	vst v5;
	v2 =	vor.u32 v11, v15  }
0x34d: {  	[tilespmem:s0+$0x148B0] =	vst v6;
	v6 =	vld.idx.msk [tilespmem:v9+s19+$0x0], $0xffff;
	v3 =	vor.u32 v13, v57  }
0x34e: {  	[tilespmem:s29+$0x14740] =	vst v4;
	v4 =	vld.idx.msk [tilespmem:v7+s19+$0x0], $0xffff;
	v7 =	vor.u32 v56, v58  }
0x34f: {  	v38 =	vld [tilespmem:$0x1F9A0]  }
0x350: {  	v11 =	vor.u32 $0x6D0, v19;
	v5 =	vld.idx.msk [tilespmem:v8+s19+$0x0], $0xffff;
	v8 =	vor.u32 v17, v59;
	[tilespmem:s24+$0x144E0] =	vst v0  }
0x351: {  	v0 =	vld.idx.msk [tilespmem:v2+s19+$0x0], $0xffff;
	[tilespmem:$0x1F7E0] =	vst v11  }
0x352: {  	v2 =	vor.u32 v25, v60;
	[tilespmem:s25+$0x14400] =	vst v1;
	v1 =	vld.idx.msk [tilespmem:v3+s19+$0x0], $0xffff  }
0x353: {  	[tilespmem:s26+$0x143A0] =	vst v4;
	v4 =	vld.idx.msk [tilespmem:v7+s19+$0x0], $0xffff  }
0x354: {  	v9 =	vor.u32 v38, v14;
	v61 =	vld [tilespmem:$0x1FF10]  }
0x355: {  	v3 =	vor.u32 v11, v15;
	[tilespmem:s29+$0x14750] =	vst v5;
	v5 =	vld.idx.msk [tilespmem:v8+s19+$0x0], $0xffff  }
0x356: {  	v11 =	vld [tilespmem:$0x1FFB0];
	[tilespmem:s28+$0x14660] =	vst v6  }
0x357: {  	[tilespmem:s0+$0x148C0] =	vst v0;
	v0 =	vld.idx.msk [tilespmem:v2+s19+$0x0], $0xffff  }
0x358: {  	v25 =	vld [tilespmem:$0x1F9C0]  }
0x359: {  	v6 =	vld.idx.msk [tilespmem:v9+s19+$0x0], $0xffff;
	v9 =	vor.u32 v10, v59;
	v10 =	vor.u32 $0x6E0, v19;
	v7 =	vor.u32 v61, v57;
	[tilespmem:s24+$0x144F0] =	vst v1  }
0x35a: {  	v1 =	vld.idx.msk [tilespmem:v3+s19+$0x0], $0xffff;
	[tilespmem:$0x1F800] =	vst v10  }
0x35b: {  	v8 =	vor.u32 v11, v58;
	[tilespmem:s25+$0x14410] =	vst v4  }
0x35c: {  	v3 =	vor.u32 v45, v60;
	[tilespmem:s26+$0x143B0] =	vst v5  }
0x35d: {  	v12 =	vld [tilespmem:$0x1FF20]  }
0x35e: {  	v2 =	vor.u32 v25, v14;
	v4 =	vld.idx.msk [tilespmem:v7+s19+$0x0], $0xffff  }
0x35f: {  	[tilespmem:s29+$0x14760] =	vst v6;
	v6 =	vld.idx.msk [tilespmem:v9+s19+$0x0], $0xffff;
	v7 =	vor.u32 v10, v15  }
0x360: {  	[tilespmem:s28+$0x14670] =	vst v0;
	v5 =	vld.idx.msk [tilespmem:v8+s19+$0x0], $0xffff  }
0x361: {  	[tilespmem:s0+$0x148D0] =	vst v1;
	v1 =	vld.idx.msk [tilespmem:v3+s19+$0x0], $0xffff  }
0x362: {  	v49 =	vld [tilespmem:$0x1FA10]  }
0x363: {  	v10 =	vor.u32 $0x6F0, v19;
	v8 =	vor.u32 v12, v57;
	v0 =	vld.idx.msk [tilespmem:v2+s19+$0x0], $0xffff;
	[tilespmem:s24+$0x14500] =	vst v4  }
0x364: {  	v9 =	vor.u32 v23, v58;
	v4 =	vld.idx.msk [tilespmem:v7+s19+$0x0], $0xffff;
	[tilespmem:$0x1FA70] =	vst v10  }
0x365: {  	v2 =	vor.u32 v28, v59;
	[tilespmem:s25+$0x14420] =	vst v5  }
0x366: {  	v7 =	vor.u32 v27, v60;
	[tilespmem:s26+$0x143C0] =	vst v6  }
0x367: {  	v17 =	vld [tilespmem:$0x1FEF0]  }
0x368: {  	v3 =	vor.u32 v49, v14;
	v5 =	vld.idx.msk [tilespmem:v8+s19+$0x0], $0xffff  }
0x369: {  	v8 =	vor.u32 v10, v15;
	v6 =	vld.idx.msk [tilespmem:v9+s19+$0x0], $0xffff;
	[tilespmem:s29+$0x14770] =	vst v0  }
0x36a: {  	v0 =	vld.idx.msk [tilespmem:v2+s19+$0x0], $0xffff;
	[tilespmem:s28+$0x14680] =	vst v1  }
0x36b: {  	v2 =	vor.u32 v24, v58;
	[tilespmem:s0+$0x148E0] =	vst v4;
	v4 =	vld.idx.msk [tilespmem:v7+s19+$0x0], $0xffff  }
0x36c: {  	v56 =	vld [tilespmem:$0x1FA60];
	v9 =	vor.u32 v17, v57  }
0x36d: {  	v10 =	vor.u32 $0x700, v19;
	v1 =	vld.idx.msk [tilespmem:v3+s19+$0x0], $0xffff;
	[tilespmem:s24+$0x14510] =	vst v5  }
0x36e: {  	v3 =	vor.u32 v48, v59;
	v5 =	vld.idx.msk [tilespmem:v8+s19+$0x0], $0xffff;
	[tilespmem:$0x1FBF0] =	vst v10  }
0x36f: {  	v8 =	vor.u32 v39, v60;
	[tilespmem:s25+$0x14430] =	vst v6  }
0x370: {  	[tilespmem:s26+$0x143D0] =	vst v0;
	v0 =	vld.idx.msk [tilespmem:v2+s19+$0x0], $0xffff  }
0x371: {  	v7 =	vor.u32 v56, v14;
	v6 =	vld.idx.msk [tilespmem:v9+s19+$0x0], $0xffff  }
0x372: {  	v48 =	vld [tilespmem:$0x1FEE0];
	[tilespmem:s29+$0x14780] =	vst v1  }
0x373: {  	v1 =	vld.idx.msk [tilespmem:v3+s19+$0x0], $0xffff;
	[tilespmem:s28+$0x14690] =	vst v4;
	v9 =	vor.u32 v10, v15  }
0x374: {  	[tilespmem:s0+$0x148F0] =	vst v5;
	v5 =	vld.idx.msk [tilespmem:v8+s19+$0x0], $0xffff  }
0x375: {  	v24 =	vld [tilespmem:$0x1FA80]  }
0x376: {  	v4 =	vld.idx.msk [tilespmem:v7+s19+$0x0], $0xffff;
	[tilespmem:s24+$0x14520] =	vst v6  }
0x377: {  	v3 =	vor.u32 v21, v58;
	v45 =	vld [tilespmem:$0x1F6B0];
	[tilespmem:s25+$0x14440] =	vst v0  }
0x378: {  	v2 =	vor.u32 v48, v57;
	v6 =	vld.idx.msk [tilespmem:v9+s19+$0x0], $0xffff;
	[tilespmem:s26+$0x143E0] =	vst v1  }
0x379: {  	v39 =	vld [tilespmem:$0x1FED0];
	_ =	sdelay $0x1  }
0x37a: {  	v9 =	vor.u32 v50, v60;
	[tilespmem:s28+$0x146A0] =	vst v5  }
0x37b: {  	s7 =	simm.s32 $0x6;
	v28 =	vor.u32 $0x710, v19;
	v7 =	vor.u32 v24, v14;
	v1 =	vld.idx.msk [tilespmem:v3+s19+$0x0], $0xffff;
	[tilespmem:s29+$0x14790] =	vst v4  }
0x37c: {  	v8 =	vmov s7;
	v0 =	vld.idx.msk [tilespmem:v2+s19+$0x0], $0xffff;
	v2 =	vor.u32 v28, v15;
	[tilespmem:s0+$0x14900] =	vst v6  }
0x37d: {  	v8 =	vperm.xlane v45, v8;
	v23 =	vld [tilespmem:$0x1FAA0];
	v3 =	vor.u32 v39, v57;
	_ =	sdelay $0x1  }
0x37e: {  	v6 =	vld.idx.msk [tilespmem:v9+s19+$0x0], $0xffff;
	v36 =	vshll.u32 v8, $0xB  }
0x37f: {  	v5 =	vld.idx.msk [tilespmem:v7+s19+$0x0], $0xffff;
	v4 =	vor.u32 v19, v36  }
0x380: {  	[tilespmem:s24+$0x14530] =	vst v0;
	v0 =	vld.idx.msk [tilespmem:v2+s19+$0x0], $0xffff;
	v2 =	vor.u32 v31, v58  }
0x381: {  	[tilespmem:s25+$0x14450] =	vst v1;
	v7 =	vor.u32 v23, v14;
	v1 =	vld.idx.msk [tilespmem:v3+s19+$0x0], $0xffff  }
0x382: {  	v3 =	vor.u32 v62, v60;
	v62 =	vld [tilespmem:$0x1FA90]  }
0x383: {  	v9 =	vor.u32 $0x720, v19  }
0x384: {  	v4 =	vld.idx.msk [tilespmem:v4+s19+$0x0], $0xffff;
	[tilespmem:$0x1F830] =	vst v9  }
0x385: {  	[tilespmem:s29+$0x147A0] =	vst v5;
	v5 =	vor.u32 v9, v15;
	v2 =	vld.idx.msk [tilespmem:v2+s19+$0x0], $0xffff  }
0x386: {  	v7 =	vld.idx.msk [tilespmem:v7+s19+$0x0], $0xffff  }
0x387: {  	v27 =	vld [tilespmem:$0x1FF60];
	[tilespmem:s28+$0x146B0] =	vst v6;
	v8 =	vor.u32 v62, v57  }
0x388: {  	s15 =	simm.s32 $0x3000;
	v6 =	vld [tilespmem:$0x1FAC0];
	[tilespmem:s24+$0x14540] =	vst v1  }
0x389: {  	s30 =	sand.u32 $0x3FFFF800, s15;
	v1 =	vld.idx.msk [tilespmem:v3+s19+$0x0], $0xffff;
	[tilespmem:s0+$0x14910] =	vst v0  }
0x38a: {  	[tilespmem:s30+$0x14200] =	vst v4;
	v4 =	vld.idx.msk [tilespmem:v5+s19+$0x0], $0xffff  }
0x38b: {  	v10 =	vor.u32 $0x730, v19;
	v3 =	vor.u32 v18, v58;
	v33 =	vld [tilespmem:$0x1FAB0]  }
0x38c: {  	v9 =	vor.u32 v27, v36;
	v0 =	vld.idx.msk [tilespmem:v8+s19+$0x0], $0xffff;
	[tilespmem:$0x1F850] =	vst v10  }
0x38d: {  	[tilespmem:s29+$0x147B0] =	vst v7  }
0x38e: {  	v6 =	vor.u32 v6, v14;
	[tilespmem:s25+$0x14460] =	vst v2  }
0x38f: {  	v8 =	vor.u32 v35, v60;
	v40 =	vld [tilespmem:$0x1FF50]  }
0x390: {  	[tilespmem:s28+$0x146C0] =	vst v1;
	v1 =	vld.idx.msk [tilespmem:v3+s19+$0x0], $0xffff;
	v5 =	vor.u32 v33, v57  }
0x391: {  	v7 =	vld.idx.msk [tilespmem:v9+s19+$0x0], $0xffff;
	v9 =	vor.u32 v10, v15  }
0x392: {  	v37 =	vld [tilespmem:$0x1FAE0]  }
0x393: {  	v2 =	vld.idx.msk [tilespmem:v6+s19+$0x0], $0xffff  }
0x394: {  	[tilespmem:s24+$0x14550] =	vst v0;
	v0 =	vld.idx.msk [tilespmem:v8+s19+$0x0], $0xffff  }
0x395: {  	[tilespmem:s0+$0x14920] =	vst v4;
	v4 =	vld.idx.msk [tilespmem:v5+s19+$0x0], $0xffff  }
0x396: {  	v18 =	vor.u32 $0x740, v19;
	v6 =	vor.u32 v40, v36;
	[tilespmem:s30+$0x14210] =	vst v7;
	v7 =	vld.idx.msk [tilespmem:v9+s19+$0x0], $0xffff  }
0x397: {  	v8 =	vor.u32 v41, v58;
	v5 =	vor.u32 v34, v60;
	v34 =	vld [tilespmem:$0x1FAD0];
	[tilespmem:$0x1F870] =	vst v18  }
0x398: {  	v55 =	vmov v53;
	v53 =	vld [tilespmem:$0x1FDA0];
	[tilespmem:s29+$0x147C0] =	vst v2  }
0x399: {  	v3 =	vor.u32 v37, v14;
	[tilespmem:s25+$0x14470] =	vst v1  }
0x39a: {  	v44 =	vld [tilespmem:$0x1FD10]  }
0x39b: {  	v2 =	vld.idx.msk [tilespmem:v6+s19+$0x0], $0xffff;
	v6 =	vor.u32 v18, v15  }
0x39c: {  	[tilespmem:s28+$0x146D0] =	vst v0;
	v0 =	vld.idx.msk [tilespmem:v8+s19+$0x0], $0xffff  }
0x39d: {  	v8 =	vld [tilespmem:$0x1FB00];
	v9 =	vor.u32 v34, v57  }
0x39e: {  	v1 =	vld.idx.msk [tilespmem:v3+s19+$0x0], $0xffff;
	[tilespmem:s24+$0x14560] =	vst v4  }
0x39f: {  	v4 =	vld.idx.msk [tilespmem:v5+s19+$0x0], $0xffff;
	[tilespmem:s0+$0x14930] =	vst v7;
	v3 =	vor.u32 v44, v36  }
0x3a0: {  	[tilespmem:s30+$0x14220] =	vst v2;
	v2 =	vld.idx.msk [tilespmem:v6+s19+$0x0], $0xffff  }
0x3a1: {  	v10 =	vor.u32 $0x750, v19;
	v5 =	vor.u32 v22, v58;
	v41 =	vld [tilespmem:$0x1FAF0]  }
0x3a2: {  	v8 =	vor.u32 v8, v14;
	v7 =	vld.idx.msk [tilespmem:v9+s19+$0x0], $0xffff;
	[tilespmem:$0x1F890] =	vst v10  }
0x3a3: {  	[tilespmem:s29+$0x147D0] =	vst v1  }
0x3a4: {  	v9 =	vor.u32 v52, v60;
	[tilespmem:s25+$0x14480] =	vst v0;
	v1 =	vld.idx.msk [tilespmem:v3+s19+$0x0], $0xffff  }
0x3a5: {  	v3 =	vor.u32 v10, v15;
	v31 =	vld [tilespmem:$0x1FD20]  }
0x3a6: {  	[tilespmem:s28+$0x146E0] =	vst v4;
	v4 =	vld.idx.msk [tilespmem:v5+s19+$0x0], $0xffff;
	v6 =	vor.u32 v41, v57  }
0x3a7: {  	v0 =	vld.idx.msk [tilespmem:v8+s19+$0x0], $0xffff  }
0x3a8: {  	v47 =	vld [tilespmem:$0x1FB20];
	[tilespmem:s0+$0x14940] =	vst v2  }
0x3a9: {  	[tilespmem:s24+$0x14570] =	vst v7;
	v7 =	vld.idx.msk [tilespmem:v9+s19+$0x0], $0xffff  }
0x3aa: {  	[tilespmem:s30+$0x14230] =	vst v1;
	v1 =	vld.idx.msk [tilespmem:v3+s19+$0x0], $0xffff  }
0x3ab: {  	v10 =	vor.u32 $0x760, v19;
	v8 =	vor.u32 v31, v36;
	v2 =	vld.idx.msk [tilespmem:v6+s19+$0x0], $0xffff  }
0x3ac: {  	v9 =	vor.u32 v43, v58;
	v6 =	vor.u32 v30, v60;
	v30 =	vld [tilespmem:$0x1FB10];
	[tilespmem:$0x1F8C0] =	vst v10  }
0x3ad: {  	[tilespmem:s29+$0x147E0] =	vst v0  }
0x3ae: {  	v5 =	vor.u32 v47, v14;
	[tilespmem:s25+$0x14490] =	vst v4  }
0x3af: {  	v21 =	vld [tilespmem:$0x1FD30]  }
0x3b0: {  	v0 =	vld.idx.msk [tilespmem:v8+s19+$0x0], $0xffff;
	v8 =	vor.u32 v10, v15  }
0x3b1: {  	[tilespmem:s28+$0x146F0] =	vst v7;
	v7 =	vld.idx.msk [tilespmem:v9+s19+$0x0], $0xffff;
	v3 =	vor.u32 v30, v57  }
0x3b2: {  	v51 =	vld [tilespmem:$0x1FB40]  }
0x3b3: {  	[tilespmem:s0+$0x14950] =	vst v1;
	v4 =	vld.idx.msk [tilespmem:v5+s19+$0x0], $0xffff  }
0x3b4: {  	[tilespmem:s24+$0x14580] =	vst v2;
	v2 =	vld.idx.msk [tilespmem:v6+s19+$0x0], $0xffff  }
0x3b5: {  	[tilespmem:s30+$0x14240] =	vst v0;
	v0 =	vld.idx.msk [tilespmem:v8+s19+$0x0], $0xffff  }
0x3b6: {  	v11 =	vor.u32 $0x770, v19;
	v1 =	vld.idx.msk [tilespmem:v3+s19+$0x0], $0xffff  }
0x3b7: {  	v5 =	vor.u32 v21, v36;
	v8 =	vld [tilespmem:$0x1FB30];
	[tilespmem:$0x1F8F0] =	vst v11  }
0x3b8: {  	v6 =	vor.u32 v29, v58;
	v52 =	vld [tilespmem:$0x1FDD0];
	[tilespmem:s29+$0x147F0] =	vst v4  }
0x3b9: {  	v9 =	vor.u32 v51, v14;
	[tilespmem:s25+$0x144A0] =	vst v7  }
0x3ba: {  	v10 =	vor.u32 v32, v60;
	v29 =	vld [tilespmem:$0x1FD40]  }
0x3bb: {  	s1 =	sor.u32 $0x1, s7  }
0x3bc: {  	v3 =	vmov s1;
	v4 =	vld.idx.msk [tilespmem:v5+s19+$0x0], $0xffff;
	v5 =	vor.u32 v11, v15  }
0x3bd: {  	v3 =	vperm.xlane v45, v3;
	[tilespmem:s28+$0x14700] =	vst v2;
	v2 =	vld.idx.msk [tilespmem:v6+s19+$0x0], $0xffff  }
0x3be: {  	v7 =	vld.idx.msk [tilespmem:v9+s19+$0x0], $0xffff;
	v8 =	vor.u32 v8, v57  }
0x3bf: {  	v50 =	vshll.u32 v3, $0xB;
	[tilespmem:s24+$0x14590] =	vst v1;
	v1 =	vld.idx.msk [tilespmem:v10+s19+$0x0], $0xffff;
	v3 =	vor.u32 v29, v36  }
0x3c0: {  	v43 =	vld [tilespmem:$0x1FB60];
	[tilespmem:s0+$0x14960] =	vst v0  }
0x3c1: {  	[tilespmem:s30+$0x14250] =	vst v4;
	v4 =	vld.idx.msk [tilespmem:v5+s19+$0x0], $0xffff  }
0x3c2: {  	v32 =	vld [tilespmem:$0x1FB50]  }
0x3c3: {  	v10 =	vor.u32 $0x780, v19;
	[tilespmem:s29+$0x14800] =	vst v7;
	v0 =	vld.idx.msk [tilespmem:v8+s19+$0x0], $0xffff  }
0x3c4: {  	v6 =	vor.u32 v19, v50;
	v3 =	vld.idx.msk [tilespmem:v3+s19+$0x0], $0xffff;
	[tilespmem:$0x1F910] =	vst v10  }
0x3c5: {  	v8 =	vor.u32 v54, v58;
	[tilespmem:s25+$0x144B0] =	vst v2  }
0x3c6: {  	v9 =	vor.u32 v43, v14;
	[tilespmem:s28+$0x14710] =	vst v1  }
0x3c7: {  	v11 =	vld [tilespmem:$0x1FD50]  }
0x3c8: {  	v7 =	vor.u32 v42, v60  }
0x3c9: {  	v5 =	vor.u32 v32, v57;
	v2 =	vld.idx.msk [tilespmem:v6+s19+$0x0], $0xffff  }
0x3ca: {  	v6 =	vor.u32 v10, v15;
	[tilespmem:s24+$0x145A0] =	vst v0;
	v0 =	vld.idx.msk [tilespmem:v8+s19+$0x0], $0xffff  }
0x3cb: {  	[tilespmem:s0+$0x14970] =	vst v4;
	v1 =	vld.idx.msk [tilespmem:v9+s19+$0x0], $0xffff  }
0x3cc: {  	v54 =	vld [tilespmem:$0x1F6C0];
	v9 =	vor.u32 v11, v36  }
0x3cd: {  	s1 =	sshll.u32 s1, $0xB;
	[tilespmem:s30+$0x14260] =	vst v3;
	v3 =	vld.idx.msk [tilespmem:v7+s19+$0x0], $0xffff  }
0x3ce: {  	s31 =	sand.u32 $0x3FFFF800, s1;
	v4 =	vld.idx.msk [tilespmem:v5+s19+$0x0], $0xffff  }
0x3cf: {  	[tilespmem:s31+$0x14200] =	vst v2;
	v2 =	vld.idx.msk [tilespmem:v6+s19+$0x0], $0xffff  }
0x3d0: {  	v10 =	vor.u32 $0x790, v19;
	v45 =	vld [tilespmem:$0x1FB70];
	[tilespmem:s29+$0x14810] =	vst v1  }
0x3d1: {  	v8 =	vor.u32 v27, v50;
	v1 =	vld.idx.msk [tilespmem:v9+s19+$0x0], $0xffff;
	[tilespmem:$0x1F930] =	vst v10  }
0x3d2: {  	v5 =	vor.u32 v54, v14;
	v22 =	vld [tilespmem:$0x1FDB0];
	[tilespmem:s25+$0x144C0] =	vst v0  }
0x3d3: {  	v7 =	vor.u32 v46, v58;
	[tilespmem:s24+$0x145B0] =	vst v4  }
0x3d4: {  	v27 =	vld [tilespmem:$0x1FD60]  }
0x3d5: {  	v6 =	vor.u32 v45, v57  }
0x3d6: {  	v9 =	vor.u32 v63, v60;
	v0 =	vld.idx.msk [tilespmem:v8+s19+$0x0], $0xffff  }
0x3d7: {  	v8 =	vor.u32 v10, v15;
	v4 =	vld.idx.msk [tilespmem:v5+s19+$0x0], $0xffff;
	[tilespmem:s28+$0x14720] =	vst v3  }
0x3d8: {  	v3 =	vld.idx.msk [tilespmem:v7+s19+$0x0], $0xffff;
	[tilespmem:s0+$0x14980] =	vst v2  }
0x3d9: {  	v46 =	vld [tilespmem:$0x1F6D0];
	v5 =	vor.u32 v27, v36  }
0x3da: {  	v2 =	vld.idx.msk [tilespmem:v6+s19+$0x0], $0xffff  }
0x3db: {  	v7 =	vor.u32 v40, v50;
	[tilespmem:s30+$0x14270] =	vst v1;
	v1 =	vld.idx.msk [tilespmem:v9+s19+$0x0], $0xffff  }
0x3dc: {  	[tilespmem:s31+$0x14210] =	vst v0;
	v0 =	vld.idx.msk [tilespmem:v8+s19+$0x0], $0xffff  }
0x3dd: {  	v10 =	vor.u32 $0x7A0, v19;
	v42 =	vld [tilespmem:$0x1F6E0];
	[tilespmem:s29+$0x14820] =	vst v4  }
0x3de: {  	v4 =	vld.idx.msk [tilespmem:v5+s19+$0x0], $0xffff;
	[tilespmem:$0x1F950] =	vst v10  }
0x3df: {  	v6 =	vor.u32 v46, v14;
	[tilespmem:s25+$0x144D0] =	vst v3  }
0x3e0: {  	v3 =	vld.idx.msk [tilespmem:v7+s19+$0x0], $0xffff;
	[tilespmem:s24+$0x145C0] =	vst v2  }
0x3e1: {  	v9 =	vor.u32 v16, v58;
	v7 =	vor.u32 v10, v15;
	v10 =	vld [tilespmem:$0x1FD70]  }
0x3e2: {  	v5 =	vor.u32 v20, v60  }
0x3e3: {  	[tilespmem:s28+$0x14730] =	vst v1  }
0x3e4: {  	v8 =	vor.u32 v42, v57;
	v2 =	vld.idx.msk [tilespmem:v6+s19+$0x0], $0xffff;
	[tilespmem:s0+$0x14990] =	vst v0  }
0x3e5: {  	v20 =	vld [tilespmem:$0x1F6F0]  }
0x3e6: {  	v1 =	vld.idx.msk [tilespmem:v9+s19+$0x0], $0xffff;
	[tilespmem:s30+$0x14280] =	vst v4;
	v6 =	vor.u32 v10, v36  }
0x3e7: {  	v4 =	vld.idx.msk [tilespmem:v5+s19+$0x0], $0xffff;
	[tilespmem:s31+$0x14220] =	vst v3  }
0x3e8: {  	v5 =	vor.u32 v13, v58;
	v13 =	vld [tilespmem:$0x1F700]  }
0x3e9: {  	v9 =	vor.u32 v44, v50;
	v0 =	vld.idx.msk [tilespmem:v8+s19+$0x0], $0xffff  }
0x3ea: {  	v3 =	vld.idx.msk [tilespmem:v7+s19+$0x0], $0xffff;
	v8 =	vor.u32 v20, v14  }
0x3eb: {  	v16 =	vor.u32 $0x7B0, v19;
	[tilespmem:s29+$0x14830] =	vst v2;
	v2 =	vld.idx.msk [tilespmem:v6+s19+$0x0], $0xffff  }
0x3ec: {  	v6 =	vor.u32 v26, v60;
	v26 =	vld [tilespmem:$0x1FD80];
	[tilespmem:$0x1F970] =	vst v16  }
0x3ed: {  	v7 =	vor.u32 v13, v57;
	[tilespmem:s25+$0x144E0] =	vst v1  }
0x3ee: {  	v1 =	vld.idx.msk [tilespmem:v9+s19+$0x0], $0xffff;
	[tilespmem:s24+$0x145D0] =	vst v0  }
0x3ef: {  	v0 =	vld.idx.msk [tilespmem:v8+s19+$0x0], $0xffff;
	[tilespmem:s28+$0x14740] =	vst v4  }
0x3f0: {  	v9 =	vor.u32 v16, v15;
	[tilespmem:s0+$0x149A0] =	vst v3;
	v4 =	vld.idx.msk [tilespmem:v5+s19+$0x0], $0xffff  }
0x3f1: {  	v16 =	vld [tilespmem:$0x1F710];
	v8 =	vor.u32 v26, v36  }
0x3f2: {  	v3 =	vld.idx.msk [tilespmem:v7+s19+$0x0], $0xffff;
	[tilespmem:s30+$0x14290] =	vst v2  }
0x3f3: {  	v2 =	vld.idx.msk [tilespmem:v6+s19+$0x0], $0xffff;
	[tilespmem:s31+$0x14230] =	vst v1  }
0x3f4: {  	v5 =	vor.u32 v31, v50;
	v44 =	vld [tilespmem:$0x1F720]  }
0x3f5: {  	v6 =	vor.u32 v61, v58;
	v61 =	vmov v10;
	v10 =	vor.u32 $0x7C0, v19;
	v1 =	vld.idx.msk [tilespmem:v9+s19+$0x0], $0xffff;
	[tilespmem:s29+$0x14840] =	vst v0  }
0x3f6: {  	v7 =	vor.u32 v16, v14;
	v0 =	vld.idx.msk [tilespmem:v8+s19+$0x0], $0xffff;
	[tilespmem:$0x1F990] =	vst v10  }
0x3f7: {  	[tilespmem:s25+$0x144F0] =	vst v4  }
0x3f8: {  	[tilespmem:s24+$0x145E0] =	vst v3  }
0x3f9: {  	v9 =	vor.u32 v44, v57;
	v40 =	vld [tilespmem:$0x1FD90]  }
0x3fa: {  	v4 =	vld.idx.msk [tilespmem:v5+s19+$0x0], $0xffff;
	v5 =	vor.u32 v10, v15;
	[tilespmem:s28+$0x14750] =	vst v2  }
0x3fb: {  	v3 =	vld.idx.msk [tilespmem:v7+s19+$0x0], $0xffff;
	[tilespmem:s0+$0x149B0] =	vst v1  }
0x3fc: {  	v8 =	vor.u32 v38, v60;
	v38 =	vld [tilespmem:$0x1F730]  }
0x3fd: {  	v2 =	vld.idx.msk [tilespmem:v6+s19+$0x0], $0xffff  }
0x3fe: {  	v7 =	vor.u32 v40, v36;
	v1 =	vld.idx.msk [tilespmem:v9+s19+$0x0], $0xffff;
	[tilespmem:s30+$0x142A0] =	vst v0  }
0x3ff: {  	[tilespmem:s31+$0x14240] =	vst v4;
	v4 =	vld.idx.msk [tilespmem:v5+s19+$0x0], $0xffff  }
0x400: {  	v6 =	vor.u32 v21, v50;
	v5 =	vld [tilespmem:$0x1F8B0]  }
0x401: {  	v9 =	vor.u32 v38, v14;
	v0 =	vld.idx.msk [tilespmem:v8+s19+$0x0], $0xffff;
	[tilespmem:s29+$0x14850] =	vst v3  }
0x402: {  	v8 =	vor.u32 v12, v58;
	v12 =	vor.u32 $0x7D0, v19;
	v10 =	vld [tilespmem:$0x1FFC0]  }
0x403: {  	v3 =	vld.idx.msk [tilespmem:v7+s19+$0x0], $0xffff;
	[tilespmem:$0x1F9B0] =	vst v12  }
0x404: {  	v35 =	vld [tilespmem:$0x1FFF0];
	v7 =	vor.u32 v25, v60;
	[tilespmem:s25+$0x14500] =	vst v2  }
0x405: {  	v5 =	vor.u32 v5, v57;
	v2 =	vld.idx.msk [tilespmem:v6+s19+$0x0], $0xffff;
	[tilespmem:s24+$0x145F0] =	vst v1  }
0x406: {  	v6 =	vor.u32 v12, v15;
	v1 =	vld.idx.msk [tilespmem:v9+s19+$0x0], $0xffff;
	[tilespmem:s28+$0x14760] =	vst v0  }
0x407: {  	[tilespmem:s0+$0x149C0] =	vst v4;
	v0 =	vld.idx.msk [tilespmem:v8+s19+$0x0], $0xffff  }
0x408: {  	v18 =	vmov v55;
	v55 =	vld [tilespmem:$0x1FBA0]  }
0x409: {  	v9 =	vor.u32 v53, v36;
	[tilespmem:s30+$0x142B0] =	vst v3;
	v3 =	vld.idx.msk [tilespmem:v7+s19+$0x0], $0xffff  }
0x40a: {  	v4 =	vld.idx.msk [tilespmem:v5+s19+$0x0], $0xffff  }
0x40b: {  	[tilespmem:s31+$0x14250] =	vst v2;
	v2 =	vld.idx.msk [tilespmem:v6+s19+$0x0], $0xffff  }
0x40c: {  	v8 =	vor.u32 v29, v50;
	v6 =	vld [tilespmem:$0x1F8E0]  }
0x40d: {  	v7 =	vor.u32 v17, v58;
	v17 =	vor.u32 $0x7E0, v19;
	v5 =	vor.u32 v55, v14;
	[tilespmem:s29+$0x14860] =	vst v1  }
0x40e: {  	v1 =	vld.idx.msk [tilespmem:v9+s19+$0x0], $0xffff;
	[tilespmem:$0x1F9D0] =	vst v17  }
0x40f: {  	[tilespmem:s25+$0x14510] =	vst v0  }
0x410: {  	v9 =	vor.u32 v49, v60;
	[tilespmem:s28+$0x14770] =	vst v3  }
0x411: {  	v0 =	vld.idx.msk [tilespmem:v8+s19+$0x0], $0xffff;
	[tilespmem:s24+$0x14600] =	vst v4;
	v6 =	vor.u32 v6, v57  }
0x412: {  	[tilespmem:s0+$0x149D0] =	vst v2;
	v4 =	vld.idx.msk [tilespmem:v5+s19+$0x0], $0xffff  }
0x413: {  	v8 =	vor.u32 v17, v15;
	v17 =	vld [tilespmem:$0x1F740]  }
0x414: {  	v3 =	vld.idx.msk [tilespmem:v7+s19+$0x0], $0xffff;
	v5 =	vor.u32 v22, v36  }
0x415: {  	[tilespmem:s30+$0x142C0] =	vst v1;
	v1 =	vld.idx.msk [tilespmem:v9+s19+$0x0], $0xffff  }
0x416: {  	v7 =	vor.u32 v11, v50;
	[tilespmem:s31+$0x14260] =	vst v0;
	v2 =	vld.idx.msk [tilespmem:v6+s19+$0x0], $0xffff  }
0x417: {  	v21 =	vld [tilespmem:$0x1F750]  }
0x418: {  	v25 =	vor.u32 $0x7F0, v19;
	v0 =	vld.idx.msk [tilespmem:v8+s19+$0x0], $0xffff;
	v6 =	vor.u32 v17, v14;
	[tilespmem:s29+$0x14870] =	vst v4  }
0x419: {  	v4 =	vld.idx.msk [tilespmem:v5+s19+$0x0], $0xffff;
	[tilespmem:$0x1F9E0] =	vst v25  }
0x41a: {  	v9 =	vor.u32 v48, v58;
	[tilespmem:s25+$0x14520] =	vst v3  }
0x41b: {  	v5 =	vor.u32 v56, v60;
	v3 =	vld.idx.msk [tilespmem:v7+s19+$0x0], $0xffff;
	[tilespmem:s24+$0x14610] =	vst v2  }
0x41c: {  	v8 =	vor.u32 v21, v57;
	v11 =	vld [tilespmem:$0x1FDC0];
	[tilespmem:s28+$0x14780] =	vst v1  }
0x41d: {  	v2 =	vld.idx.msk [tilespmem:v6+s19+$0x0], $0xffff;
	[tilespmem:s0+$0x149E0] =	vst v0  }
0x41e: {  	v56 =	vld [tilespmem:$0x1F760]  }
0x41f: {  	v7 =	vor.u32 v25, v15;
	v1 =	vld.idx.msk [tilespmem:v9+s19+$0x0], $0xffff  }
0x420: {  	v9 =	vor.u32 v27, v50;
	[tilespmem:s30+$0x142D0] =	vst v4;
	v4 =	vld.idx.msk [tilespmem:v5+s19+$0x0], $0xffff  }
0x421: {  	v0 =	vld.idx.msk [tilespmem:v8+s19+$0x0], $0xffff;
	v6 =	vor.u32 v11, v36  }
0x422: {  	[tilespmem:s31+$0x14270] =	vst v3  }
0x423: {  	v15 =	vld [tilespmem:$0x1F770];
	[tilespmem:s29+$0x14880] =	vst v2;
	v8 =	vor.u32 v56, v14  }
0x424: {  	v3 =	vld.idx.msk [tilespmem:v7+s19+$0x0], $0xffff;
	[tilespmem:s25+$0x14530] =	vst v1  }
0x425: {  	v1 =	vld.idx.msk [tilespmem:v9+s19+$0x0], $0xffff;
	[tilespmem:s28+$0x14790] =	vst v4  }
0x426: {  	v5 =	vor.u32 v39, v58;
	[tilespmem:s24+$0x14620] =	vst v0;
	v2 =	vld.idx.msk [tilespmem:v6+s19+$0x0], $0xffff  }
0x427: {  	v31 =	vld [tilespmem:$0x1F780]  }
0x428: {  	v7 =	vor.u32 v15, v57;
	v0 =	vld.idx.msk [tilespmem:v8+s19+$0x0], $0xffff;
	_ =	sdelay $0x1  }
0x429: {  	[tilespmem:s0+$0x149F0] =	vst v3;
	v6 =	vor.u32 v24, v60  }
0x42a: {  	v9 =	vor.u32 v52, v36;
	v4 =	vld.idx.msk [tilespmem:v5+s19+$0x0], $0xffff;
	[tilespmem:s30+$0x142E0] =	vst v2  }
0x42b: {  	v8 =	vor.u32 v61, v50;
	v24 =	vld [tilespmem:$0x1F790];
	[tilespmem:s31+$0x14280] =	vst v1  }
0x42c: {  	v3 =	vld.idx.msk [tilespmem:v7+s19+$0x0], $0xffff;
	v5 =	vor.u32 v31, v14;
	[tilespmem:s29+$0x14890] =	vst v0  }
0x42d: {  	v7 =	vor.u32 v62, v58;
	v39 =	vld [tilespmem:$0x1FDE0]  }
0x42e: {  	v2 =	vld.idx.msk [tilespmem:v6+s19+$0x0], $0xffff  }
0x42f: {  	v1 =	vld.idx.msk [tilespmem:v9+s19+$0x0], $0xffff;
	v9 =	vor.u32 v23, v60  }
0x430: {  	v0 =	vld.idx.msk [tilespmem:v8+s19+$0x0], $0xffff  }
0x431: {  	[tilespmem:s25+$0x14540] =	vst v4;
	v4 =	vld.idx.msk [tilespmem:v5+s19+$0x0], $0xffff;
	v6 =	vor.u32 v24, v57  }
0x432: {  	[tilespmem:s24+$0x14630] =	vst v3;
	v3 =	vld.idx.msk [tilespmem:v7+s19+$0x0], $0xffff;
	v8 =	vor.u32 v39, v36  }
0x433: {  	v29 =	vld [tilespmem:$0x1F7A0];
	[tilespmem:s28+$0x147A0] =	vst v2  }
0x434: {  	[tilespmem:s30+$0x142F0] =	vst v1;
	v1 =	vld.idx.msk [tilespmem:v9+s19+$0x0], $0xffff  }
0x435: {  	v63 =	vld [tilespmem:$0x1F7B0]  }
0x436: {  	v5 =	vor.u32 v26, v50;
	v2 =	vld.idx.msk [tilespmem:v6+s19+$0x0], $0xffff  }
0x437: {  	[tilespmem:s31+$0x14290] =	vst v0;
	v0 =	vld.idx.msk [tilespmem:v8+s19+$0x0], $0xffff  }
0x438: {  	v8 =	vld [tilespmem:$0x1FAC0]  }
0x439: {  	v7 =	vor.u32 v29, v14;
	[tilespmem:s29+$0x148A0] =	vst v4  }
0x43a: {  	v6 =	vor.u32 v33, v58;
	[tilespmem:s25+$0x14550] =	vst v3  }
0x43b: {  	v4 =	vld.idx.msk [tilespmem:v5+s19+$0x0], $0xffff;
	[tilespmem:s24+$0x14640] =	vst v2  }
0x43c: {  	v9 =	vor.u32 v63, v57;
	v61 =	vld [tilespmem:$0x1F7C0];
	[tilespmem:s28+$0x147B0] =	vst v1  }
0x43d: {  	v8 =	vor.u32 v8, v60;
	v25 =	vld [tilespmem:$0x1FDF0]  }
0x43e: {  	v3 =	vld.idx.msk [tilespmem:v7+s19+$0x0], $0xffff  }
0x43f: {  	v5 =	vor.u32 v35, v59;
	v2 =	vld.idx.msk [tilespmem:v6+s19+$0x0], $0xffff;
	[tilespmem:s30+$0x14300] =	vst v0  }
0x440: {  	v7 =	vor.u32 v40, v50;
	v23 =	vld [tilespmem:$0x1F7D0]  }
0x441: {  	v1 =	vld.idx.msk [tilespmem:v9+s19+$0x0], $0xffff;
	v6 =	vor.u32 v61, v14  }
0x442: {  	v0 =	vld.idx.msk [tilespmem:v8+s19+$0x0], $0xffff;
	v9 =	vor.u32 v25, v36  }
0x443: {  	[tilespmem:s31+$0x142A0] =	vst v4  }
0x444: {  	v4 =	vld.idx.msk [tilespmem:v5+s19+$0x0], $0xffff;
	v5 =	vor.u32 v34, v58;
	[tilespmem:s29+$0x148B0] =	vst v3  }
0x445: {  	v3 =	vld.idx.msk [tilespmem:v7+s19+$0x0], $0xffff;
	[tilespmem:s25+$0x14560] =	vst v2;
	v8 =	vor.u32 v23, v57  }
0x446: {  	[tilespmem:s24+$0x14650] =	vst v1;
	v2 =	vld.idx.msk [tilespmem:v6+s19+$0x0], $0xffff  }
0x447: {  	v7 =	vor.u32 v37, v60;
	[tilespmem:s28+$0x147C0] =	vst v0;
	v1 =	vld.idx.msk [tilespmem:v9+s19+$0x0], $0xffff  }
0x448: {  	v49 =	vld [tilespmem:$0x1F7E0]  }
0x449: {  	v6 =	vor.u32 v18, v59;
	[tilespmem:s26+$0x143F0] =	vst v4;
	v4 =	vld.idx.msk [tilespmem:v5+s19+$0x0], $0xffff  }
0x44a: {  	v9 =	vor.u32 v53, v50;
	v0 =	vld.idx.msk [tilespmem:v8+s19+$0x0], $0xffff  }
0x44b: {  	v37 =	vld [tilespmem:$0x1FE00]  }
0x44c: {  	[tilespmem:s31+$0x142B0] =	vst v3;
	v3 =	vld.idx.msk [tilespmem:v7+s19+$0x0], $0xffff  }
0x44d: {  	v40 =	vld [tilespmem:$0x1F7F0]  }
0x44e: {  	[tilespmem:s29+$0x148C0] =	vst v2;
	v2 =	vld.idx.msk [tilespmem:v6+s19+$0x0], $0xffff  }
0x44f: {  	[tilespmem:s30+$0x14310] =	vst v1;
	v1 =	vld.idx.msk [tilespmem:v9+s19+$0x0], $0xffff  }
0x450: {  	v9 =	vld [tilespmem:$0x1FB00];
	[tilespmem:s24+$0x14660] =	vst v0  }
0x451: {  	v8 =	vor.u32 v49, v14;
	v53 =	vld [tilespmem:$0x1FFE0];
	[tilespmem:s25+$0x14570] =	vst v4  }
0x452: {  	v5 =	vor.u32 v37, v36;
	[tilespmem:s28+$0x147D0] =	vst v3  }
0x453: {  	v7 =	vor.u32 v40, v57;
	v62 =	vld [tilespmem:$0x1F800];
	[tilespmem:s26+$0x14400] =	vst v2  }
0x454: {  	v6 =	vor.u32 v41, v58;
	v12 =	vld [tilespmem:$0x1FE10];
	[tilespmem:s31+$0x142C0] =	vst v1  }
0x455: {  	v9 =	vor.u32 v9, v60;
	v26 =	vld [tilespmem:$0x1F810]  }
0x456: {  	v0 =	vld.idx.msk [tilespmem:v8+s19+$0x0], $0xffff;
	v8 =	vor.u32 v53, v59  }
0x457: {  	v4 =	vld.idx.msk [tilespmem:v5+s19+$0x0], $0xffff;
	v5 =	vor.u32 v22, v50  }
0x458: {  	v3 =	vld.idx.msk [tilespmem:v7+s19+$0x0], $0xffff  }
0x459: {  	v2 =	vld.idx.msk [tilespmem:v6+s19+$0x0], $0xffff  }
0x45a: {  	v1 =	vld.idx.msk [tilespmem:v9+s19+$0x0], $0xffff;
	v9 =	vor.u32 v26, v57  }
0x45b: {  	[tilespmem:s29+$0x148D0] =	vst v0;
	v0 =	vld.idx.msk [tilespmem:v8+s19+$0x0], $0xffff  }
0x45c: {  	[tilespmem:s30+$0x14320] =	vst v4;
	v4 =	vld.idx.msk [tilespmem:v5+s19+$0x0], $0xffff  }
0x45d: {  	[tilespmem:s24+$0x14670] =	vst v3  }
0x45e: {  	v7 =	vor.u32 v62, v14;
	v35 =	vld [tilespmem:$0x1FFB0];
	[tilespmem:s25+$0x14580] =	vst v2  }
0x45f: {  	v6 =	vor.u32 v12, v36;
	[tilespmem:s28+$0x147E0] =	vst v1;
	v1 =	vld.idx.msk [tilespmem:v9+s19+$0x0], $0xffff  }
0x460: {  	v9 =	vld [tilespmem:$0x1FA70];
	[tilespmem:s26+$0x14410] =	vst v0  }
0x461: {  	v8 =	vor.u32 v30, v58;
	v48 =	vld [tilespmem:$0x1FE20];
	[tilespmem:s31+$0x142D0] =	vst v4  }
0x462: {  	v5 =	vor.u32 v47, v60;
	v47 =	vld [tilespmem:$0x1F820]  }
0x463: {  	v3 =	vld.idx.msk [tilespmem:v7+s19+$0x0], $0xffff;
	v7 =	vor.u32 v35, v59  }
0x464: {  	v2 =	vld.idx.msk [tilespmem:v6+s19+$0x0], $0xffff  }
0x465: {  	v6 =	vor.u32 v11, v50  }
0x466: {  	v0 =	vld.idx.msk [tilespmem:v8+s19+$0x0], $0xffff  }
0x467: {  	v4 =	vld.idx.msk [tilespmem:v5+s19+$0x0], $0xffff;
	v5 =	vor.u32 v47, v57  }
0x468: {  	[tilespmem:s29+$0x148E0] =	vst v3;
	v3 =	vld.idx.msk [tilespmem:v7+s19+$0x0], $0xffff  }
0x469: {  	v7 =	vld [tilespmem:$0x1FB30];
	[tilespmem:s30+$0x14330] =	vst v2  }
0x46a: {  	v9 =	vor.u32 v9, v14;
	v2 =	vld.idx.msk [tilespmem:v6+s19+$0x0], $0xffff;
	[tilespmem:s24+$0x14680] =	vst v1  }
0x46b: {  	v8 =	vor.u32 v48, v36;
	v34 =	vld [tilespmem:$0x1FF90];
	[tilespmem:s25+$0x14590] =	vst v0  }
0x46c: {  	[tilespmem:s28+$0x147F0] =	vst v4;
	v4 =	vld.idx.msk [tilespmem:v5+s19+$0x0], $0xffff  }
0x46d: {  	v6 =	vor.u32 v51, v60;
	v5 =	vld [tilespmem:$0x1FBF0]  }
0x46e: {  	v7 =	vor.u32 v7, v58  }
0x46f: {  	v1 =	vld.idx.msk [tilespmem:v9+s19+$0x0], $0xffff  }
0x470: {  	v0 =	vld.idx.msk [tilespmem:v8+s19+$0x0], $0xffff;
	v9 =	vor.u32 v34, v59;
	[tilespmem:s26+$0x14420] =	vst v3  }
0x471: {  	v8 =	vor.u32 v52, v50;
	v27 =	vld [tilespmem:$0x1FE30]  }
0x472: {  	[tilespmem:s31+$0x142E0] =	vst v2;
	v2 =	vld.idx.msk [tilespmem:v6+s19+$0x0], $0xffff;
	v5 =	vor.u32 v5, v14  }
0x473: {  	v3 =	vld.idx.msk [tilespmem:v7+s19+$0x0], $0xffff  }
0x474: {  	v6 =	vld [tilespmem:$0x1FBC0]  }
0x475: {  	[tilespmem:s29+$0x148F0] =	vst v1;
	v1 =	vld.idx.msk [tilespmem:v9+s19+$0x0], $0xffff  }
0x476: {  	[tilespmem:s30+$0x14340] =	vst v0;
	v0 =	vld.idx.msk [tilespmem:v8+s19+$0x0], $0xffff  }
0x477: {  	v8 =	vor.u32 v43, v60;
	[tilespmem:s24+$0x14690] =	vst v4;
	v4 =	vld.idx.msk [tilespmem:v5+s19+$0x0], $0xffff  }
0x478: {  	v5 =	vld [tilespmem:$0x1FF40];
	[tilespmem:s25+$0x145A0] =	vst v3  }
0x479: {  	[tilespmem:s28+$0x14800] =	vst v2  }
0x47a: {  	v7 =	vor.u32 v27, v36;
	[tilespmem:s26+$0x14430] =	vst v1  }
0x47b: {  	v9 =	vor.u32 v32, v58;
	v11 =	vld [tilespmem:$0x1FE40]  }
0x47c: {  	v6 =	vor.u32 v6, v57;
	[tilespmem:s31+$0x142F0] =	vst v0;
	v0 =	vld.idx.msk [tilespmem:v8+s19+$0x0], $0xffff  }
0x47d: {  	v8 =	vld [tilespmem:$0x1FC70]  }
0x47e: {  	v5 =	vor.u32 v5, v59  }
0x47f: {  	v3 =	vld.idx.msk [tilespmem:v7+s19+$0x0], $0xffff  }
0x480: {  	v7 =	vor.u32 v39, v50;
	v1 =	vld.idx.msk [tilespmem:v9+s19+$0x0], $0xffff  }
0x481: {  	v2 =	vld.idx.msk [tilespmem:v6+s19+$0x0], $0xffff;
	v9 =	vor.u32 v11, v36  }
0x482: {  	v8 =	vor.u32 v8, v57  }
0x483: {  	[tilespmem:s29+$0x14900] =	vst v4;
	v4 =	vld.idx.msk [tilespmem:v5+s19+$0x0], $0xffff  }
0x484: {  	[tilespmem:s30+$0x14350] =	vst v3  }
0x485: {  	v3 =	vld.idx.msk [tilespmem:v7+s19+$0x0], $0xffff;
	v7 =	vor.u32 v54, v60;
	[tilespmem:s25+$0x145B0] =	vst v1  }
0x486: {  	[tilespmem:s24+$0x146A0] =	vst v2;
	v1 =	vld.idx.msk [tilespmem:v9+s19+$0x0], $0xffff  }
0x487: {  	v6 =	vor.u32 v28, v14;
	[tilespmem:s28+$0x14810] =	vst v0;
	v0 =	vld.idx.msk [tilespmem:v8+s19+$0x0], $0xffff  }
0x488: {  	v8 =	vld [tilespmem:$0x1F830];
	[tilespmem:s26+$0x14440] =	vst v4  }
0x489: {  	v9 =	vor.u32 v25, v50;
	v25 =	vld [tilespmem:$0x1FE50]  }
0x48a: {  	v5 =	vor.u32 v45, v58;
	[tilespmem:s31+$0x14300] =	vst v3;
	v3 =	vld.idx.msk [tilespmem:v7+s19+$0x0], $0xffff  }
0x48b: {  	v7 =	vld [tilespmem:$0x1F840]  }
0x48c: {  	v2 =	vld.idx.msk [tilespmem:v6+s19+$0x0], $0xffff;
	v6 =	vor.u32 v10, v59;
	_ =	sdelay $0x1  }
0x48d: {  	v8 =	vor.u32 v8, v14  }
0x48e: {  	v4 =	vld.idx.msk [tilespmem:v5+s19+$0x0], $0xffff  }
0x48f: {  	v7 =	vor.u32 v7, v57  }
0x490: {  	[tilespmem:s29+$0x14910] =	vst v2;
	v2 =	vld.idx.msk [tilespmem:v6+s19+$0x0], $0xffff  }
0x491: {  	[tilespmem:s30+$0x14360] =	vst v1;
	v1 =	vld.idx.msk [tilespmem:v9+s19+$0x0], $0xffff  }
0x492: {  	v9 =	vor.u32 v46, v60;
	[tilespmem:s24+$0x146B0] =	vst v0;
	v0 =	vld.idx.msk [tilespmem:v8+s19+$0x0], $0xffff  }
0x493: {  	v8 =	vld [tilespmem:$0x1FF80];
	[tilespmem:s25+$0x145C0] =	vst v4  }
0x494: {  	[tilespmem:s28+$0x14820] =	vst v3;
	v3 =	vld.idx.msk [tilespmem:v7+s19+$0x0], $0xffff  }
0x495: {  	v5 =	vor.u32 v25, v36;
	v7 =	vld [tilespmem:$0x1F850];
	[tilespmem:s26+$0x14450] =	vst v2  }
0x496: {  	v18 =	vld [tilespmem:$0x1FE60]  }
0x497: {  	v6 =	vor.u32 v42, v58;
	[tilespmem:s31+$0x14310] =	vst v1;
	v1 =	vld.idx.msk [tilespmem:v9+s19+$0x0], $0xffff  }
0x498: {  	v9 =	vld [tilespmem:$0x1F860]  }
0x499: {  	v8 =	vor.u32 v8, v59  }
0x49a: {  	v4 =	vld.idx.msk [tilespmem:v5+s19+$0x0], $0xffff;
	v5 =	vor.u32 v37, v50  }
0x49b: {  	v7 =	vor.u32 v7, v14  }
0x49c: {  	v2 =	vld.idx.msk [tilespmem:v6+s19+$0x0], $0xffff  }
0x49d: {  	v9 =	vor.u32 v9, v57  }
0x49e: {  	[tilespmem:s29+$0x14920] =	vst v0;
	v0 =	vld.idx.msk [tilespmem:v8+s19+$0x0], $0xffff  }
0x49f: {  	[tilespmem:s30+$0x14370] =	vst v4;
	v4 =	vld.idx.msk [tilespmem:v5+s19+$0x0], $0xffff  }
0x4a0: {  	v5 =	vor.u32 v20, v60;
	[tilespmem:s24+$0x146C0] =	vst v3;
	v3 =	vld.idx.msk [tilespmem:v7+s19+$0x0], $0xffff  }
0x4a1: {  	v7 =	vld [tilespmem:$0x1FFA0];
	[tilespmem:s25+$0x145D0] =	vst v2  }
0x4a2: {  	[tilespmem:s28+$0x14830] =	vst v1;
	v1 =	vld.idx.msk [tilespmem:v9+s19+$0x0], $0xffff  }
0x4a3: {  	v6 =	vor.u32 v18, v36;
	v9 =	vld [tilespmem:$0x1F870];
	[tilespmem:s26+$0x14460] =	vst v0  }
0x4a4: {  	v39 =	vmov v13;
	v8 =	vor.u32 v13, v58;
	v13 =	vld [tilespmem:$0x1FE70]  }
0x4a5: {  	[tilespmem:s31+$0x14320] =	vst v4;
	v4 =	vld.idx.msk [tilespmem:v5+s19+$0x0], $0xffff  }
0x4a6: {  	v5 =	vld [tilespmem:$0x1F880]  }
0x4a7: {  	v7 =	vor.u32 v7, v59  }
0x4a8: {  	v2 =	vld.idx.msk [tilespmem:v6+s19+$0x0], $0xffff;
	v6 =	vor.u32 v12, v50  }
0x4a9: {  	v9 =	vor.u32 v9, v14  }
0x4aa: {  	v0 =	vld.idx.msk [tilespmem:v8+s19+$0x0], $0xffff  }
0x4ab: {  	v5 =	vor.u32 v5, v57  }
0x4ac: {  	[tilespmem:s29+$0x14930] =	vst v3;
	v3 =	vld.idx.msk [tilespmem:v7+s19+$0x0], $0xffff  }
0x4ad: {  	[tilespmem:s30+$0x14380] =	vst v2;
	v2 =	vld.idx.msk [tilespmem:v6+s19+$0x0], $0xffff  }
0x4ae: {  	v6 =	vor.u32 v16, v60;
	[tilespmem:s24+$0x146D0] =	vst v1;
	v1 =	vld.idx.msk [tilespmem:v9+s19+$0x0], $0xffff  }
0x4af: {  	v9 =	vld [tilespmem:$0x1FF70];
	[tilespmem:s25+$0x145E0] =	vst v0  }
0x4b0: {  	[tilespmem:s28+$0x14840] =	vst v4;
	v4 =	vld.idx.msk [tilespmem:v5+s19+$0x0], $0xffff  }
0x4b1: {  	v8 =	vor.u32 v13, v36;
	v5 =	vld [tilespmem:$0x1F890];
	[tilespmem:s26+$0x14470] =	vst v3  }
0x4b2: {  	v12 =	vld [tilespmem:$0x1FE80]  }
0x4b3: {  	v7 =	vor.u32 v44, v58;
	[tilespmem:s31+$0x14330] =	vst v2;
	v2 =	vld.idx.msk [tilespmem:v6+s19+$0x0], $0xffff  }
0x4b4: {  	v6 =	vld [tilespmem:$0x1F8A0]  }
0x4b5: {  	v9 =	vor.u32 v9, v59  }
0x4b6: {  	v0 =	vld.idx.msk [tilespmem:v8+s19+$0x0], $0xffff;
	v8 =	vor.u32 v48, v50  }
0x4b7: {  	v5 =	vor.u32 v5, v14  }
0x4b8: {  	v3 =	vld.idx.msk [tilespmem:v7+s19+$0x0], $0xffff;
	[tilespmem:s29+$0x14940] =	vst v1  }
0x4b9: {  	v33 =	vld [tilespmem:$0x1F8B0];
	v6 =	vor.u32 v6, v57  }
0x4ba: {  	v1 =	vld.idx.msk [tilespmem:v9+s19+$0x0], $0xffff  }
0x4bb: {  	[tilespmem:s30+$0x14390] =	vst v0;
	v0 =	vld.idx.msk [tilespmem:v8+s19+$0x0], $0xffff  }
0x4bc: {  	v8 =	vor.u32 v38, v60;
	[tilespmem:s24+$0x146E0] =	vst v4;
	v4 =	vld.idx.msk [tilespmem:v5+s19+$0x0], $0xffff  }
0x4bd: {  	v5 =	vld [tilespmem:$0x1FCC0];
	[tilespmem:s25+$0x145F0] =	vst v3  }
0x4be: {  	[tilespmem:s28+$0x14850] =	vst v2;
	v2 =	vld.idx.msk [tilespmem:v6+s19+$0x0], $0xffff  }
0x4bf: {  	v7 =	vor.u32 v12, v36;
	v6 =	vld [tilespmem:$0x1F8C0];
	[tilespmem:s26+$0x14480] =	vst v1  }
0x4c0: {  	v10 =	vld [tilespmem:$0x1FE90]  }
0x4c1: {  	v9 =	vor.u32 v33, v58;
	[tilespmem:s31+$0x14340] =	vst v0;
	v0 =	vld.idx.msk [tilespmem:v8+s19+$0x0], $0xffff  }
0x4c2: {  	v8 =	vld [tilespmem:$0x1F8D0]  }
0x4c3: {  	v5 =	vor.u32 v5, v59  }
0x4c4: {  	v3 =	vld.idx.msk [tilespmem:v7+s19+$0x0], $0xffff;
	v7 =	vor.u32 v27, v50  }
0x4c5: {  	v6 =	vor.u32 v6, v14  }
0x4c6: {  	v1 =	vld.idx.msk [tilespmem:v9+s19+$0x0], $0xffff;
	[tilespmem:s29+$0x14950] =	vst v4  }
0x4c7: {  	v27 =	vld [tilespmem:$0x1F8E0];
	v8 =	vor.u32 v8, v57  }
0x4c8: {  	v4 =	vld.idx.msk [tilespmem:v5+s19+$0x0], $0xffff  }
0x4c9: {  	[tilespmem:s30+$0x143A0] =	vst v3;
	v3 =	vld.idx.msk [tilespmem:v7+s19+$0x0], $0xffff  }
0x4ca: {  	v7 =	vor.u32 v55, v60;
	[tilespmem:s24+$0x146F0] =	vst v2;
	v2 =	vld.idx.msk [tilespmem:v6+s19+$0x0], $0xffff  }
0x4cb: {  	v6 =	vld [tilespmem:$0x1FCD0];
	[tilespmem:s25+$0x14600] =	vst v1  }
0x4cc: {  	[tilespmem:s28+$0x14860] =	vst v0;
	v0 =	vld.idx.msk [tilespmem:v8+s19+$0x0], $0xffff  }
0x4cd: {  	v9 =	vor.u32 v10, v36;
	v8 =	vld [tilespmem:$0x1F8F0];
	[tilespmem:s26+$0x14490] =	vst v4  }
0x4ce: {  	v48 =	vld [tilespmem:$0x1FEA0]  }
0x4cf: {  	v5 =	vor.u32 v27, v58;
	[tilespmem:s31+$0x14350] =	vst v3;
	v3 =	vld.idx.msk [tilespmem:v7+s19+$0x0], $0xffff  }
0x4d0: {  	v7 =	vld [tilespmem:$0x1F900]  }
0x4d1: {  	v6 =	vor.u32 v6, v59  }
0x4d2: {  	v1 =	vld.idx.msk [tilespmem:v9+s19+$0x0], $0xffff;
	v9 =	vor.u32 v11, v50  }
0x4d3: {  	v8 =	vor.u32 v8, v14  }
0x4d4: {  	v4 =	vld.idx.msk [tilespmem:v5+s19+$0x0], $0xffff  }
0x4d5: {  	v7 =	vor.u32 v7, v57  }
0x4d6: {  	[tilespmem:s29+$0x14960] =	vst v2;
	v2 =	vld.idx.msk [tilespmem:v6+s19+$0x0], $0xffff  }
0x4d7: {  	[tilespmem:s30+$0x143B0] =	vst v1;
	v1 =	vld.idx.msk [tilespmem:v9+s19+$0x0], $0xffff  }
0x4d8: {  	v9 =	vor.u32 v17, v60;
	[tilespmem:s24+$0x14700] =	vst v0;
	v0 =	vld.idx.msk [tilespmem:v8+s19+$0x0], $0xffff  }
0x4d9: {  	v8 =	vld [tilespmem:$0x1FCE0];
	[tilespmem:s25+$0x14610] =	vst v4  }
0x4da: {  	[tilespmem:s28+$0x14870] =	vst v3;
	v3 =	vld.idx.msk [tilespmem:v7+s19+$0x0], $0xffff  }
0x4db: {  	v5 =	vor.u32 v48, v36;
	v7 =	vld [tilespmem:$0x1F910];
	[tilespmem:s26+$0x144A0] =	vst v2  }
0x4dc: {  	v11 =	vld [tilespmem:$0x1FEB0]  }
0x4dd: {  	v6 =	vor.u32 v21, v58;
	[tilespmem:s31+$0x14360] =	vst v1;
	v1 =	vld.idx.msk [tilespmem:v9+s19+$0x0], $0xffff  }
0x4de: {  	v9 =	vld [tilespmem:$0x1F920]  }
0x4df: {  	v8 =	vor.u32 v8, v59  }
0x4e0: {  	v4 =	vld.idx.msk [tilespmem:v5+s19+$0x0], $0xffff;
	v5 =	vor.u32 v25, v50  }
0x4e1: {  	v7 =	vor.u32 v7, v14  }
0x4e2: {  	v2 =	vld.idx.msk [tilespmem:v6+s19+$0x0], $0xffff  }
0x4e3: {  	v9 =	vor.u32 v9, v57  }
0x4e4: {  	[tilespmem:s29+$0x14970] =	vst v0;
	v0 =	vld.idx.msk [tilespmem:v8+s19+$0x0], $0xffff  }
0x4e5: {  	[tilespmem:s30+$0x143C0] =	vst v4;
	v4 =	vld.idx.msk [tilespmem:v5+s19+$0x0], $0xffff  }
0x4e6: {  	v5 =	vor.u32 v56, v60;
	[tilespmem:s24+$0x14710] =	vst v3;
	v3 =	vld.idx.msk [tilespmem:v7+s19+$0x0], $0xffff  }
0x4e7: {  	v7 =	vld [tilespmem:$0x1FCF0];
	[tilespmem:s25+$0x14620] =	vst v2  }
0x4e8: {  	v6 =	vor.u32 v11, v36;
	[tilespmem:s28+$0x14880] =	vst v1;
	v1 =	vld.idx.msk [tilespmem:v9+s19+$0x0], $0xffff  }
0x4e9: {  	v9 =	vld [tilespmem:$0x1F930];
	[tilespmem:s26+$0x144B0] =	vst v0  }
0x4ea: {  	v32 =	vmov v56;
	v56 =	vld [tilespmem:$0x1FEC0]  }
0x4eb: {  	v8 =	vor.u32 v15, v58;
	[tilespmem:s31+$0x14370] =	vst v4;
	v4 =	vld.idx.msk [tilespmem:v5+s19+$0x0], $0xffff  }
0x4ec: {  	v5 =	vld [tilespmem:$0x1F940]  }
0x4ed: {  	v2 =	vld.idx.msk [tilespmem:v6+s19+$0x0], $0xffff;
	v6 =	vor.u32 v18, v50  }
0x4ee: {  	v7 =	vor.u32 v7, v59  }
0x4ef: {  	v9 =	vor.u32 v9, v14  }
0x4f0: {  	v0 =	vld.idx.msk [tilespmem:v8+s19+$0x0], $0xffff  }
0x4f1: {  	v5 =	vor.u32 v5, v57  }
0x4f2: {  	[tilespmem:s30+$0x143D0] =	vst v2;
	v2 =	vld.idx.msk [tilespmem:v6+s19+$0x0], $0xffff  }
0x4f3: {  	[tilespmem:s29+$0x14980] =	vst v3;
	v3 =	vld.idx.msk [tilespmem:v7+s19+$0x0], $0xffff;
	v7 =	vor.u32 v24, v58  }
0x4f4: {  	[tilespmem:s24+$0x14720] =	vst v1;
	v1 =	vld.idx.msk [tilespmem:v9+s19+$0x0], $0xffff  }
0x4f5: {  	v6 =	vor.u32 v31, v60;
	v9 =	vld [tilespmem:$0x1FD00];
	[tilespmem:s25+$0x14630] =	vst v0  }
0x4f6: {  	[tilespmem:s28+$0x14890] =	vst v4;
	v4 =	vld.idx.msk [tilespmem:v5+s19+$0x0], $0xffff  }
0x4f7: {  	v8 =	vor.u32 v56, v36;
	v5 =	vld [tilespmem:$0x1F950]  }
0x4f8: {  	[tilespmem:s26+$0x144C0] =	vst v3;
	v3 =	vld.idx.msk [tilespmem:v7+s19+$0x0], $0xffff  }
0x4f9: {  	v7 =	vld [tilespmem:$0x1FFF0]  }
0x4fa: {  	[tilespmem:s31+$0x14380] =	vst v2;
	v2 =	vld.idx.msk [tilespmem:v6+s19+$0x0], $0xffff  }
0x4fb: {  	v6 =	vld [tilespmem:$0x1F960]  }
0x4fc: {  	v0 =	vld.idx.msk [tilespmem:v8+s19+$0x0], $0xffff;
	v8 =	vor.u32 v13, v50  }
0x4fd: {  	v9 =	vor.u32 v9, v59  }
0x4fe: {  	v5 =	vor.u32 v5, v14;
	_ =	sdelay $0x1  }
0x4ff: {  	v6 =	vor.u32 v6, v57  }
0x500: {  	[tilespmem:s30+$0x143E0] =	vst v0;
	v0 =	vld.idx.msk [tilespmem:v8+s19+$0x0], $0xffff  }
0x501: {  	[tilespmem:s29+$0x14990] =	vst v1;
	v1 =	vld.idx.msk [tilespmem:v9+s19+$0x0], $0xffff;
	v9 =	vor.u32 v63, v58  }
0x502: {  	[tilespmem:s24+$0x14730] =	vst v4;
	v4 =	vld.idx.msk [tilespmem:v5+s19+$0x0], $0xffff  }
0x503: {  	v8 =	vor.u32 v29, v60;
	v5 =	vld [tilespmem:$0x1FF30];
	[tilespmem:s25+$0x14640] =	vst v3  }
0x504: {  	[tilespmem:s28+$0x148A0] =	vst v2;
	v2 =	vld.idx.msk [tilespmem:v6+s19+$0x0], $0xffff  }
0x505: {  	v6 =	vld [tilespmem:$0x1F970]  }
0x506: {  	v7 =	vor.u32 v7, v36;
	[tilespmem:s26+$0x144D0] =	vst v1;
	v1 =	vld.idx.msk [tilespmem:v9+s19+$0x0], $0xffff  }
0x507: {  	v9 =	vld [tilespmem:$0x1FFD0]  }
0x508: {  	[tilespmem:s31+$0x14390] =	vst v0;
	v0 =	vld.idx.msk [tilespmem:v8+s19+$0x0], $0xffff  }
0x509: {  	v8 =	vld [tilespmem:$0x1F980]  }
0x50a: {  	v5 =	vor.u32 v5, v59  }
0x50b: {  	v3 =	vld.idx.msk [tilespmem:v7+s19+$0x0], $0xffff;
	v7 =	vor.u32 v12, v50  }
0x50c: {  	v6 =	vor.u32 v6, v14;
	_ =	sdelay $0x1  }
0x50d: {  	v8 =	vor.u32 v8, v57  }
0x50e: {  	[tilespmem:s29+$0x149A0] =	vst v4;
	v4 =	vld.idx.msk [tilespmem:v5+s19+$0x0], $0xffff  }
0x50f: {  	[tilespmem:s30+$0x143F0] =	vst v3;
	v3 =	vld.idx.msk [tilespmem:v7+s19+$0x0], $0xffff;
	v7 =	vor.u32 v61, v60  }
0x510: {  	[tilespmem:s24+$0x14740] =	vst v2;
	v2 =	vld.idx.msk [tilespmem:v6+s19+$0x0], $0xffff  }
0x511: {  	v9 =	vor.u32 v9, v36;
	v6 =	vld [tilespmem:$0x1FF00];
	[tilespmem:s25+$0x14650] =	vst v1  }
0x512: {  	[tilespmem:s28+$0x148B0] =	vst v0;
	v0 =	vld.idx.msk [tilespmem:v8+s19+$0x0], $0xffff  }
0x513: {  	v8 =	vld [tilespmem:$0x1F990];
	[tilespmem:s26+$0x144E0] =	vst v4  }
0x514: {  	v5 =	vor.u32 v23, v58;
	[tilespmem:s31+$0x143A0] =	vst v3;
	v3 =	vld.idx.msk [tilespmem:v7+s19+$0x0], $0xffff  }
0x515: {  	v7 =	vld [tilespmem:$0x1F9A0]  }
0x516: {  	v1 =	vld.idx.msk [tilespmem:v9+s19+$0x0], $0xffff;
	v9 =	vor.u32 v10, v50  }
0x517: {  	v6 =	vor.u32 v6, v59  }
0x518: {  	v8 =	vor.u32 v8, v14  }
0x519: {  	v4 =	vld.idx.msk [tilespmem:v5+s19+$0x0], $0xffff  }
0x51a: {  	v7 =	vor.u32 v7, v57  }
0x51b: {  	[tilespmem:s30+$0x14400] =	vst v1;
	v1 =	vld.idx.msk [tilespmem:v9+s19+$0x0], $0xffff  }
0x51c: {  	v5 =	vor.u32 v53, v36;
	[tilespmem:s29+$0x149B0] =	vst v2;
	v2 =	vld.idx.msk [tilespmem:v6+s19+$0x0], $0xffff  }
0x51d: {  	v9 =	vor.u32 v49, v60;
	[tilespmem:s24+$0x14750] =	vst v0;
	v0 =	vld.idx.msk [tilespmem:v8+s19+$0x0], $0xffff  }
0x51e: {  	v8 =	vld [tilespmem:$0x1FF10];
	[tilespmem:s25+$0x14660] =	vst v4  }
0x51f: {  	[tilespmem:s28+$0x148C0] =	vst v3;
	v3 =	vld.idx.msk [tilespmem:v7+s19+$0x0], $0xffff  }
0x520: {  	v7 =	vld [tilespmem:$0x1F9B0]  }
0x521: {  	v4 =	vld.idx.msk [tilespmem:v5+s19+$0x0], $0xffff;
	[tilespmem:s31+$0x143B0] =	vst v1  }
0x522: {  	v6 =	vor.u32 v40, v58;
	v1 =	vld.idx.msk [tilespmem:v9+s19+$0x0], $0xffff;
	[tilespmem:s26+$0x144F0] =	vst v2  }
0x523: {  	v5 =	vor.u32 v48, v50;
	v9 =	vld [tilespmem:$0x1F9C0]  }
0x524: {  	v8 =	vor.u32 v8, v59  }
0x525: {  	v7 =	vor.u32 v7, v14;
	_ =	sdelay $0x1  }
0x526: {  	v2 =	vld.idx.msk [tilespmem:v6+s19+$0x0], $0xffff;
	v6 =	vor.u32 v35, v36  }
0x527: {  	[tilespmem:s30+$0x14410] =	vst v4;
	v4 =	vld.idx.msk [tilespmem:v5+s19+$0x0], $0xffff;
	v9 =	vor.u32 v9, v57  }
0x528: {  	[tilespmem:s29+$0x149C0] =	vst v0;
	v0 =	vld.idx.msk [tilespmem:v8+s19+$0x0], $0xffff  }
0x529: {  	[tilespmem:s24+$0x14760] =	vst v3;
	v8 =	vor.u32 v26, v58;
	v3 =	vld.idx.msk [tilespmem:v7+s19+$0x0], $0xffff  }
0x52a: {  	v7 =	vld [tilespmem:$0x1FF20]  }
0x52b: {  	[tilespmem:s25+$0x14670] =	vst v2;
	v2 =	vld.idx.msk [tilespmem:v6+s19+$0x0], $0xffff  }
0x52c: {  	[tilespmem:s28+$0x148D0] =	vst v1;
	v1 =	vld.idx.msk [tilespmem:v9+s19+$0x0], $0xffff  }
0x52d: {  	v9 =	vld [tilespmem:$0x1F9D0]  }
0x52e: {  	v5 =	vor.u32 v62, v60;
	[tilespmem:s26+$0x14500] =	vst v0;
	v0 =	vld.idx.msk [tilespmem:v8+s19+$0x0], $0xffff  }
0x52f: {  	[tilespmem:s31+$0x143C0] =	vst v4  }
0x530: {  	[tilespmem:s29+$0x149D0] =	vst v3  }
0x531: {  	v7 =	vor.u32 v7, v59;
	[tilespmem:s30+$0x14420] =	vst v2  }
0x532: {  	v6 =	vor.u32 v11, v50;
	[tilespmem:s24+$0x14770] =	vst v1  }
0x533: {  	v4 =	vld.idx.msk [tilespmem:v5+s19+$0x0], $0xffff;
	v9 =	vor.u32 v9, v14;
	[tilespmem:s25+$0x14680] =	vst v0  }
0x534: {  	v8 =	vor.u32 v34, v36;
	v0 =	vld [tilespmem:$0x1F9E0];
	_ =	sdelay $0x1  }
0x535: {  	v3 =	vld.idx.msk [tilespmem:v7+s19+$0x0], $0xffff  }
0x536: {  	v2 =	vld.idx.msk [tilespmem:v6+s19+$0x0], $0xffff  }
0x537: {  	[tilespmem:s28+$0x148E0] =	vst v4;
	v4 =	vor.u32 v28, v57;
	v1 =	vld.idx.msk [tilespmem:v9+s19+$0x0], $0xffff  }
0x538: {  	v9 =	vor.u32 v0, v14;
	v0 =	vld.idx.msk [tilespmem:v8+s19+$0x0], $0xffff;
	[tilespmem:$0x1F9F0] =	vst v4;
	v4 =	vor.u32 v28, v58  }
0x539: {  	[tilespmem:$0x1FA00] =	vst v4  }
0x53a: {  	v4 =	vld [tilespmem:$0x1FA10];
	[tilespmem:s26+$0x14510] =	vst v3;
	v3 =	vor.u32 v28, v59  }
0x53b: {  	[tilespmem:$0x1FA20] =	vst v3;
	v3 =	vor.u32 v28, v36  }
0x53c: {  	[tilespmem:$0x1FA30] =	vst v3  }
0x53d: {  	[tilespmem:s31+$0x143D0] =	vst v2  }
0x53e: {  	v2 =	vor.u32 v28, v50;
	[tilespmem:$0x1FA40] =	vst v28  }
0x53f: {  	[tilespmem:$0x1FA50] =	vst v2;
	v2 =	vld [tilespmem:$0x1FA60]  }
0x540: {  	v34 =	vld [tilespmem:$0x1FA70];
	[tilespmem:s29+$0x149E0] =	vst v1  }
0x541: {  	v1 =	vld [tilespmem:$0x1FA80];
	_ =	sdelay $0x4  }
0x542: {  	v8 =	vor.u32 v1, v57;
	v1 =	vld [tilespmem:$0x1FA90];
	_ =	sdelay $0x4  }
0x543: {  	v10 =	vor.u32 v2, v57;
	v2 =	vor.u32 v1, v59;
	v1 =	vld [tilespmem:$0x1FEF0];
	[tilespmem:s30+$0x14430] =	vst v0  }
0x544: {  	v0 =	vld [tilespmem:$0x1FAA0];
	_ =	sdelay $0x4  }
0x545: {  	v7 =	vor.u32 v0, v57;
	v0 =	vld [tilespmem:$0x1FAB0];
	_ =	sdelay $0x4  }
0x546: {  	v45 =	vmovc v17;
	v17 =	vmov v24;
	v24 =	vmov v63;
	v63 =	vor.u32 v0, v59;
	v0 =	vld [tilespmem:$0x1FAC0];
	_ =	sdelay $0x2  }
0x547: {  	v13 =	vor.u32 v56, v50  }
0x548: {  	v3 =	vor.u32 v47, v58  }
0x549: {  	v6 =	vor.u32 v0, v57;
	v0 =	vld [tilespmem:$0x1FAD0]  }
0x54a: {  	v14 =	vld [tilespmem:$0x1FB50]  }
0x54b: {  	v4 =	vor.u32 v4, v57  }
0x54c: {  	v13 =	vld.idx.msk [tilespmem:v13+s19+$0x0], $0xffff  }
0x54d: {  	v37 =	vmov v16;
	v16 =	vld.idx.msk [tilespmem:v3+s19+$0x0], $0xffff  }
0x54e: {  	v12 =	vor.u32 v1, v59;
	v1 =	vor.u32 v0, v59;
	v0 =	vld [tilespmem:$0x1FAE0]  }
0x54f: {  	v52 =	vor.u32 v14, v59;
	v14 =	vld [tilespmem:$0x1FB60]  }
0x550: {  	v25 =	vmov v15;
	v11 =	vor.u32 v34, v60;
	v15 =	vld.idx.msk [tilespmem:v4+s19+$0x0], $0xffff  }
0x551: {  	v3 =	vld [tilespmem:$0x1FB10]  }
0x552: {  	v4 =	vld [tilespmem:$0x1FB30]  }
0x553: {  	v5 =	vor.u32 v0, v57;
	v0 =	vld [tilespmem:$0x1FAF0]  }
0x554: {  	v30 =	vmov v61;
	v61 =	vor.u32 v14, v57;
	v14 =	vld [tilespmem:$0x1FB70]  }
0x555: {  	v11 =	vld.idx.msk [tilespmem:v11+s19+$0x0], $0xffff  }
0x556: {  	v56 =	vor.u32 v3, v59;
	v3 =	vld [tilespmem:$0x1FB20]  }
0x557: {  	v43 =	vmov v54;
	v54 =	vor.u32 v4, v59;
	v4 =	vld [tilespmem:$0x1FB40]  }
0x558: {  	v41 =	vmov v20;
	v20 =	vmov v62;
	v62 =	vor.u32 v0, v59;
	v0 =	vld [tilespmem:$0x1FB00];
	[tilespmem:s24+$0x14780] =	vst v15  }
0x559: {  	v22 =	vmov v49;
	v49 =	vor.u32 v14, v59;
	v15 =	vor.u32 v33, v59;
	v14 =	vld [tilespmem:$0x1FFC0];
	[tilespmem:s25+$0x14690] =	vst v16  }
0x55a: {  	v12 =	vld.idx.msk [tilespmem:v12+s19+$0x0], $0xffff;
	[tilespmem:$0x1FB80] =	vst v15  }
0x55b: {  	v15 =	vld [tilespmem:$0x1FF40];
	[tilespmem:s28+$0x148F0] =	vst v11;
	v11 =	vor.u32 v27, v59  }
0x55c: {  	[tilespmem:$0x1FB90] =	vst v11;
	v11 =	vld [tilespmem:$0x1FBA0];
	_ =	sdelay $0x4  }
0x55d: {  	v35 =	vor.u32 v28, v60;
	[tilespmem:s26+$0x14520] =	vst v12;
	v28 =	vor.u32 v11, v57;
	v11 =	vor.u32 v21, v59  }
0x55e: {  	[tilespmem:$0x1FBB0] =	vst v11  }
0x55f: {  	v21 =	vld [tilespmem:$0x1FBC0];
	v11 =	vor.u32 v25, v59;
	[tilespmem:s31+$0x143E0] =	vst v13  }
0x560: {  	[tilespmem:$0x1FBD0] =	vst v11;
	v11 =	vor.u32 v32, v57  }
0x561: {  	v27 =	vld [tilespmem:$0x1FBF0];
	[tilespmem:$0x1FBE0] =	vst v11  }
0x562: {  	v11 =	vor.u32 v17, v59;
	v9 =	vld.idx.msk [tilespmem:v9+s19+$0x0], $0xffff  }
0x563: {  	v15 =	vor.u32 v15, v36;
	[tilespmem:$0x1FC00] =	vst v11;
	v11 =	vld [tilespmem:$0x1FEE0];
	_ =	sdelay $0x3  }
0x564: {  	v13 =	vor.u32 v24, v59;
	v12 =	vor.u32 v21, v58;
	v16 =	vor.u32 v27, v60  }
0x565: {  	v17 =	vor.u32 v11, v59;
	v11 =	vld.idx.msk [tilespmem:v15+s19+$0x0], $0xffff;
	[tilespmem:$0x1FC10] =	vst v13;
	v13 =	vor.u32 v23, v59  }
0x566: {  	[tilespmem:$0x1FC20] =	vst v13  }
0x567: {  	v18 =	vmov v47;
	v13 =	vld.idx.msk [tilespmem:v10+s19+$0x0], $0xffff;
	v10 =	vor.u32 v40, v59  }
0x568: {  	v22 =	vor.u32 v22, v57;
	[tilespmem:$0x1FC30] =	vst v10;
	v10 =	vor.u32 v18, v59  }
0x569: {  	v51 =	vor.u32 v41, v57;
	v41 =	vor.u32 v45, v57;
	v12 =	vld.idx.msk [tilespmem:v12+s19+$0x0], $0xffff;
	[tilespmem:$0x1FC40] =	vst v10  }
0x56a: {  	v44 =	vor.u32 v44, v59;
	v55 =	vor.u32 v43, v57;
	v53 =	vor.u32 v46, v57;
	v10 =	vld.idx.msk [tilespmem:v16+s19+$0x0], $0xffff  }
0x56b: {  	v46 =	vor.u32 v39, v59;
	v48 =	vor.u32 v42, v59;
	v16 =	vor.u32 v14, v36;
	v14 =	vld [tilespmem:$0x1FC70]  }
0x56c: {  	v42 =	vor.u32 v38, v57;
	v47 =	vor.u32 v37, v57;
	v37 =	vor.u32 v26, v59  }
0x56d: {  	v26 =	vor.u32 v20, v57;
	v3 =	vor.u32 v3, v57;
	v15 =	vor.u32 v34, v57  }
0x56e: {  	v4 =	vor.u32 v4, v57;
	v0 =	vor.u32 v0, v57;
	[tilespmem:$0x1FC50] =	vst v15;
	v15 =	vor.u32 v27, v57  }
0x56f: {  	v25 =	vor.u32 v31, v57;
	v24 =	vor.u32 v29, v57;
	v39 =	vor.u32 v21, v59;
	[tilespmem:$0x1FC60] =	vst v15  }
0x570: {  	s6 =	simm.s32 $0x8;
	s1 =	sadd.s32 $0x20, s23;
	s0 =	sadd.s32 $0x10, s23;
	v23 =	vor.u32 v30, v57;
	v17 =	vld.idx.msk [tilespmem:v17+s19+$0x0], $0xffff;
	v15 =	vor.u32 v14, v58;
	v21 =	vor.u32 v14, v59  }
.LBB2_3:
0x571: {  	_ =	sdelay $0x1  }
0x572: {  	[tilespmem:s30+$0x14440] =	vst v11  }
0x573: {  	v16 =	vld.idx.msk [tilespmem:v16+s19+$0x0], $0xffff;
	[tilespmem:s25+$0x146A0] =	vst v12  }
0x574: {  	v15 =	vld.idx.msk [tilespmem:v15+s19+$0x0], $0xffff  }
0x575: {  	[tilespmem:s28+$0x14900] =	vst v10;
	v10 =	vld [tilespmem:$0x1FA00]  }
0x576: {  	v14 =	vld [tilespmem:$0x1F6B0];
	_ =	sdelay $0x2  }
0x577: {  	v31 =	vld [tilespmem:$0x1FA40]  }
0x578: {  	v18 =	vmov s6;
	v27 =	vmov v10;
	v10 =	vld [tilespmem:$0x1FA30]  }
0x579: {  	v18 =	vperm.xlane v14, v18;
	_ =	sdelay $0x1  }
0x57a: {  	[tilespmem:s29+$0x149F0] =	vst v9;
	s29 =	smov.u32 s24;
	v20 =	vshll.u32 v18, $0xB  }
0x57b: {  	[tilespmem:s29+$0x14790] =	vst v13;
	v13 =	vor.u32 v31, v20  }
0x57c: {  	v18 =	vmov v10;
	v10 =	vmov v13  }
0x57d: {  	[tilespmem:$0x1FA30] =	vst v10;
	v10 =	vld [tilespmem:$0x1FF80];
	_ =	sdelay $0x1  }
0x57e: {  	v33 =	vld [tilespmem:$0x1FED0];
	_ =	sdelay $0x2  }
0x57f: {  	v13 =	vor.u32 v10, v36;
	v10 =	vld [tilespmem:$0x1F840];
	_ =	sdelay $0x1  }
0x580: {  	v8 =	vld.idx.msk [tilespmem:v8+s19+$0x0], $0xffff;
	v11 =	vor.u32 v33, v59  }
0x581: {  	s24 =	smov.u32 s26  }
0x582: {  	[tilespmem:s24+$0x14530] =	vst v17;
	v17 =	vld.idx.msk [tilespmem:v35+s19+$0x0], $0xffff  }
0x583: {  	v12 =	vor.u32 v19, v20;
	[tilespmem:$0x1FA00] =	vst v18;
	v18 =	vor.u32 v10, v58;
	v10 =	vor.u32 v10, v59  }
0x584: {  	[tilespmem:$0x1F560] =	vst v10;
	v10 =	vld [tilespmem:$0x1F830]  }
0x585: {  	v11 =	vld.idx.msk [tilespmem:v11+s19+$0x0], $0xffff;
	[tilespmem:s29+$0x147A0] =	vst v8  }
0x586: {  	v7 =	vld.idx.msk [tilespmem:v7+s19+$0x0], $0xffff  }
0x587: {  	v35 =	vld [tilespmem:$0x1FF60];
	[tilespmem:s30+$0x14450] =	vst v16  }
0x588: {  	v12 =	vld.idx.msk [tilespmem:v12+s19+$0x0], $0xffff  }
0x589: {  	[tilespmem:s25+$0x146B0] =	vst v15;
	v16 =	vor.u32 v10, v60;
	v8 =	vor.u32 v10, v57;
	v10 =	vld [tilespmem:$0x1FFA0]  }
0x58a: {  	[tilespmem:s24+$0x14540] =	vst v11;
	v11 =	vld [tilespmem:$0x1F860]  }
0x58b: {  	v2 =	vld.idx.msk [tilespmem:v2+s19+$0x0], $0xffff;
	[tilespmem:s29+$0x147B0] =	vst v7  }
0x58c: {  	v6 =	vld.idx.msk [tilespmem:v6+s19+$0x0], $0xffff;
	[tilespmem:$0x1F550] =	vst v8;
	v8 =	vor.u32 v35, v20  }
0x58d: {  	s7 =	smov.u32 s6;
	v13 =	vld.idx.msk [tilespmem:v13+s19+$0x0], $0xffff;
	[tilespmem:s28+$0x14910] =	vst v17  }
0x58e: {  	s7 =	sshll.u32 s7, $0xB;
	v15 =	vld.idx.msk [tilespmem:v18+s19+$0x0], $0xffff;
	v17 =	vor.u32 v10, v36  }
0x58f: {  	s7 =	sand.u32 $0x3FFFF800, s7;
	v18 =	vor.u32 v11, v58;
	v10 =	vor.u32 v11, v59;
	v16 =	vld.idx.msk [tilespmem:v16+s19+$0x0], $0xffff  }
0x590: {  	[tilespmem:s7+$0x14200] =	vst v12;
	v11 =	vld [tilespmem:$0x1F850]  }
0x591: {  	[tilespmem:$0x1F580] =	vst v10;
	v8 =	vld.idx.msk [tilespmem:v8+s19+$0x0], $0xffff  }
0x592: {  	[tilespmem:s30+$0x14460] =	vst v13;
	v10 =	vmov v37;
	v37 =	vld [tilespmem:$0x1FF50]  }
0x593: {  	v13 =	vld.idx.msk [tilespmem:v17+s19+$0x0], $0xffff;
	[tilespmem:s25+$0x146C0] =	vst v15  }
0x594: {  	v15 =	vld.idx.msk [tilespmem:v18+s19+$0x0], $0xffff  }
0x595: {  	v12 =	vor.u32 v11, v60;
	v18 =	vld [tilespmem:$0x1F880]  }
0x596: {  	[tilespmem:s24+$0x14550] =	vst v2;
	v2 =	vld [tilespmem:$0x1FF70]  }
0x597: {  	v7 =	vor.u32 v11, v57;
	v17 =	vld.idx.msk [tilespmem:v63+s19+$0x0], $0xffff;
	[tilespmem:s29+$0x147C0] =	vst v6  }
0x598: {  	v38 =	vld [tilespmem:$0x1FD10];
	[tilespmem:$0x1F570] =	vst v7;
	v7 =	vor.u32 v37, v20  }
0x599: {  	[tilespmem:s28+$0x14920] =	vst v16;
	v5 =	vld.idx.msk [tilespmem:v5+s19+$0x0], $0xffff  }
0x59a: {  	v16 =	vor.u32 v18, v58;
	v11 =	vor.u32 v18, v59;
	v18 =	vld.idx.msk [tilespmem:v12+s19+$0x0], $0xffff  }
0x59b: {  	[tilespmem:s7+$0x14210] =	vst v8;
	v12 =	vld [tilespmem:$0x1F870]  }
0x59c: {  	v2 =	vor.u32 v2, v36;
	[tilespmem:$0x1F590] =	vst v11;
	v11 =	vld [tilespmem:$0x1FCC0]  }
0x59d: {  	v7 =	vld.idx.msk [tilespmem:v7+s19+$0x0], $0xffff  }
0x59e: {  	[tilespmem:s30+$0x14470] =	vst v13;
	v13 =	vld [tilespmem:$0x1F8A0]  }
0x59f: {  	v45 =	vld [tilespmem:$0x1FD20];
	[tilespmem:s24+$0x14560] =	vst v17  }
0x5a0: {  	v1 =	vld.idx.msk [tilespmem:v1+s19+$0x0], $0xffff;
	v8 =	vor.u32 v12, v60  }
0x5a1: {  	v6 =	vor.u32 v38, v20;
	v2 =	vld.idx.msk [tilespmem:v2+s19+$0x0], $0xffff;
	[tilespmem:s25+$0x146D0] =	vst v15  }
0x5a2: {  	[tilespmem:s29+$0x147D0] =	vst v5;
	v15 =	vld.idx.msk [tilespmem:v16+s19+$0x0], $0xffff;
	v16 =	vor.u32 v11, v36  }
0x5a3: {  	v0 =	vld.idx.msk [tilespmem:v0+s19+$0x0], $0xffff;
	v17 =	vor.u32 v13, v58  }
0x5a4: {  	[tilespmem:s28+$0x14930] =	vst v18;
	v11 =	vor.u32 v13, v59;
	v13 =	vld [tilespmem:$0x1F890]  }
0x5a5: {  	v8 =	vld.idx.msk [tilespmem:v8+s19+$0x0], $0xffff;
	[tilespmem:s7+$0x14220] =	vst v7  }
0x5a6: {  	v6 =	vld.idx.msk [tilespmem:v6+s19+$0x0], $0xffff;
	[tilespmem:s30+$0x14480] =	vst v2  }
0x5a7: {  	v5 =	vld.idx.msk [tilespmem:v16+s19+$0x0], $0xffff;
	[tilespmem:s25+$0x146E0] =	vst v15  }
0x5a8: {  	v15 =	vld.idx.msk [tilespmem:v17+s19+$0x0], $0xffff  }
0x5a9: {  	v17 =	vld [tilespmem:$0x1F8D0]  }
0x5aa: {  	[tilespmem:s24+$0x14570] =	vst v1;
	v1 =	vld [tilespmem:$0x1FCD0];
	_ =	sdelay $0x2  }
0x5ab: {  	v7 =	vor.u32 v13, v60  }
0x5ac: {  	v2 =	vor.u32 v45, v20;
	[tilespmem:s28+$0x14940] =	vst v8;
	v8 =	vor.u32 v17, v58;
	v17 =	vor.u32 v17, v59  }
0x5ad: {  	v1 =	vor.u32 v1, v36;
	[tilespmem:$0x1F5C0] =	vst v17;
	v17 =	vld [tilespmem:$0x1F8C0]  }
0x5ae: {  	[tilespmem:$0x1F670] =	vst v27;
	v27 =	vld [tilespmem:$0x1FD30]  }
0x5af: {  	v16 =	vld.idx.msk [tilespmem:v62+s19+$0x0], $0xffff;
	[tilespmem:s29+$0x147E0] =	vst v0  }
0x5b0: {  	v7 =	vld.idx.msk [tilespmem:v7+s19+$0x0], $0xffff;
	[tilespmem:s7+$0x14230] =	vst v6  }
0x5b1: {  	v2 =	vld.idx.msk [tilespmem:v2+s19+$0x0], $0xffff;
	[tilespmem:s30+$0x14490] =	vst v5  }
0x5b2: {  	v1 =	vld.idx.msk [tilespmem:v1+s19+$0x0], $0xffff;
	[tilespmem:s25+$0x146F0] =	vst v15;
	v6 =	vor.u32 v17, v60;
	v0 =	vor.u32 v17, v57  }
0x5b3: {  	[tilespmem:$0x1F5B0] =	vst v0;
	v0 =	vld.idx.msk [tilespmem:v3+s19+$0x0], $0xffff;
	v3 =	vor.u32 v27, v20  }
0x5b4: {  	v5 =	vld.idx.msk [tilespmem:v8+s19+$0x0], $0xffff  }
0x5b5: {  	v8 =	vld [tilespmem:$0x1FCE0];
	[tilespmem:s28+$0x14950] =	vst v7  }
0x5b6: {  	[tilespmem:s24+$0x14580] =	vst v16;
	v16 =	vld [tilespmem:$0x1F900]  }
0x5b7: {  	s15 =	sor.u32 $0x1, s6;
	v6 =	vld.idx.msk [tilespmem:v6+s19+$0x0], $0xffff;
	[tilespmem:s7+$0x14240] =	vst v2  }
0x5b8: {  	v9 =	vmov s15;
	v2 =	vld.idx.msk [tilespmem:v3+s19+$0x0], $0xffff  }
0x5b9: {  	v3 =	vperm.xlane v14, v9;
	v9 =	vld [tilespmem:$0x1F8F0];
	_ =	sdelay $0x1  }
0x5ba: {  	v8 =	vor.u32 v8, v36  }
0x5bb: {  	v15 =	vld.idx.msk [tilespmem:v56+s19+$0x0], $0xffff  }
0x5bc: {  	[tilespmem:s29+$0x147F0] =	vst v0  }
0x5bd: {  	v7 =	vor.u32 v16, v58;
	[tilespmem:s30+$0x144A0] =	vst v1;
	v1 =	vld.idx.msk [tilespmem:v4+s19+$0x0], $0xffff;
	v0 =	vor.u32 v9, v57  }
0x5be: {  	v34 =	vld [tilespmem:$0x1FD40];
	[tilespmem:$0x1F5D0] =	vst v0;
	v0 =	vshll.u32 v3, $0xB  }
0x5bf: {  	v3 =	vld.idx.msk [tilespmem:v8+s19+$0x0], $0xffff;
	[tilespmem:s25+$0x14700] =	vst v5;
	v5 =	vor.u32 v19, v0  }
0x5c0: {  	v16 =	vor.u32 v16, v59;
	v14 =	vld [tilespmem:$0x1F920];
	[tilespmem:s24+$0x14590] =	vst v15  }
0x5c1: {  	[tilespmem:$0x1F5E0] =	vst v16;
	v8 =	vld.idx.msk [tilespmem:v54+s19+$0x0], $0xffff  }
0x5c2: {  	[tilespmem:s29+$0x14800] =	vst v1;
	v7 =	vld.idx.msk [tilespmem:v7+s19+$0x0], $0xffff  }
0x5c3: {  	v16 =	vor.u32 v9, v60;
	[tilespmem:s28+$0x14960] =	vst v6;
	v6 =	vld [tilespmem:$0x1FCF0]  }
0x5c4: {  	v4 =	vor.u32 v34, v20;
	v1 =	vld.idx.msk [tilespmem:v5+s19+$0x0], $0xffff  }
0x5c5: {  	v5 =	vld [tilespmem:$0x1F910]  }
0x5c6: {  	v40 =	vld [tilespmem:$0x1FD50];
	_ =	sdelay $0x1  }
0x5c7: {  	v15 =	vld.idx.msk [tilespmem:v16+s19+$0x0], $0xffff;
	[tilespmem:s7+$0x14250] =	vst v2;
	v6 =	vor.u32 v6, v36  }
0x5c8: {  	v2 =	vld.idx.msk [tilespmem:v4+s19+$0x0], $0xffff;
	v4 =	vor.u32 v14, v58;
	v14 =	vor.u32 v14, v59;
	[tilespmem:s30+$0x144B0] =	vst v3  }
0x5c9: {  	[tilespmem:$0x1F600] =	vst v14;
	v3 =	vor.u32 v5, v60;
	v5 =	vor.u32 v5, v57  }
0x5ca: {  	[tilespmem:$0x1F5F0] =	vst v5;
	v5 =	vor.u32 v40, v20  }
0x5cb: {  	[tilespmem:s25+$0x14710] =	vst v7;
	v14 =	vld [tilespmem:$0x1FD00]  }
0x5cc: {  	v6 =	vld.idx.msk [tilespmem:v6+s19+$0x0], $0xffff;
	[tilespmem:s28+$0x14970] =	vst v15  }
0x5cd: {  	v4 =	vld.idx.msk [tilespmem:v4+s19+$0x0], $0xffff;
	[tilespmem:s7+$0x14260] =	vst v2  }
0x5ce: {  	v2 =	vld.idx.msk [tilespmem:v3+s19+$0x0], $0xffff  }
0x5cf: {  	v3 =	vld.idx.msk [tilespmem:v5+s19+$0x0], $0xffff  }
0x5d0: {  	v5 =	vld [tilespmem:$0x1F940]  }
0x5d1: {  	v32 =	vld [tilespmem:$0x1FD60];
	v15 =	vor.u32 v14, v36  }
0x5d2: {  	s15 =	sshll.u32 s15, $0xB;
	v16 =	vor.u32 v35, v0;
	v7 =	vld.idx.msk [tilespmem:v61+s19+$0x0], $0xffff  }
0x5d3: {  	s26 =	smov.u32 s31;
	s31 =	sand.u32 $0x3FFFF800, s15;
	[tilespmem:s24+$0x145A0] =	vst v8  }
0x5d4: {  	v8 =	vld.idx.msk [tilespmem:v52+s19+$0x0], $0xffff;
	[tilespmem:s31+$0x14200] =	vst v1  }
0x5d5: {  	v14 =	vld [tilespmem:$0x1F930];
	[tilespmem:s30+$0x144C0] =	vst v6;
	v1 =	vor.u32 v5, v58;
	v5 =	vor.u32 v5, v59  }
0x5d6: {  	v15 =	vld.idx.msk [tilespmem:v15+s19+$0x0], $0xffff;
	[tilespmem:$0x1F610] =	vst v5  }
0x5d7: {  	v5 =	vld.idx.msk [tilespmem:v16+s19+$0x0], $0xffff;
	[tilespmem:s29+$0x14810] =	vst v7;
	v7 =	vor.u32 v32, v20  }
0x5d8: {  	[tilespmem:s25+$0x14720] =	vst v4;
	v6 =	vld.idx.msk [tilespmem:v55+s19+$0x0], $0xffff  }
0x5d9: {  	[tilespmem:s24+$0x145B0] =	vst v8;
	v8 =	vld [tilespmem:$0x1FF30]  }
0x5da: {  	v1 =	vld.idx.msk [tilespmem:v1+s19+$0x0], $0xffff;
	[tilespmem:s28+$0x14980] =	vst v2  }
0x5db: {  	[tilespmem:s7+$0x14270] =	vst v3  }
0x5dc: {  	v3 =	vld.idx.msk [tilespmem:v7+s19+$0x0], $0xffff  }
0x5dd: {  	v17 =	vor.u32 v14, v60;
	v7 =	vld [tilespmem:$0x1F960]  }
0x5de: {  	v30 =	vld [tilespmem:$0x1FD70];
	v18 =	vor.u32 v37, v0  }
0x5df: {  	v29 =	vld [tilespmem:$0x1FD80];
	v8 =	vor.u32 v8, v36  }
0x5e0: {  	v16 =	vor.u32 v14, v57;
	v14 =	vld [tilespmem:$0x1F950]  }
0x5e1: {  	v4 =	vld.idx.msk [tilespmem:v49+s19+$0x0], $0xffff;
	[tilespmem:s31+$0x14210] =	vst v5  }
0x5e2: {  	v2 =	vld.idx.msk [tilespmem:v17+s19+$0x0], $0xffff;
	[tilespmem:s30+$0x144D0] =	vst v15;
	v5 =	vor.u32 v7, v58;
	v7 =	vor.u32 v7, v59  }
0x5e3: {  	[tilespmem:$0x1F620] =	vst v7;
	v7 =	vld.idx.msk [tilespmem:v18+s19+$0x0], $0xffff  }
0x5e4: {  	v8 =	vld.idx.msk [tilespmem:v8+s19+$0x0], $0xffff;
	[tilespmem:s29+$0x14820] =	vst v6  }
0x5e5: {  	v15 =	vld.idx.msk [tilespmem:v53+s19+$0x0], $0xffff  }
0x5e6: {  	[tilespmem:s24+$0x145C0] =	vst v4;
	v4 =	vld [tilespmem:$0x1FF00]  }
0x5e7: {  	[tilespmem:s25+$0x14730] =	vst v1;
	v18 =	vor.u32 v14, v60;
	v1 =	vld.idx.msk [tilespmem:v48+s19+$0x0], $0xffff  }
0x5e8: {  	v6 =	vor.u32 v30, v20;
	[tilespmem:s31+$0x14220] =	vst v7;
	v7 =	vld [tilespmem:$0x1F980]  }
0x5e9: {  	v19 =	vor.u32 v38, v0;
	v17 =	vor.u32 v14, v57;
	v14 =	vld [tilespmem:$0x1F970]  }
0x5ea: {  	v5 =	vld.idx.msk [tilespmem:v5+s19+$0x0], $0xffff;
	[tilespmem:s28+$0x14990] =	vst v2  }
0x5eb: {  	v9 =	vor.u32 v31, v0;
	v31 =	vld [tilespmem:$0x1FD90];
	[tilespmem:s7+$0x14280] =	vst v3;
	v4 =	vor.u32 v4, v36  }
0x5ec: {  	v2 =	vld.idx.msk [tilespmem:v18+s19+$0x0], $0xffff  }
0x5ed: {  	v3 =	vld.idx.msk [tilespmem:v6+s19+$0x0], $0xffff;
	v6 =	vor.u32 v7, v58;
	v7 =	vor.u32 v7, v59  }
0x5ee: {  	[tilespmem:$0x1F630] =	vst v7;
	v7 =	vld.idx.msk [tilespmem:v19+s19+$0x0], $0xffff  }
0x5ef: {  	v18 =	vor.u32 v14, v57;
	[tilespmem:s30+$0x144E0] =	vst v8;
	v19 =	vor.u32 v14, v60;
	v14 =	vld [tilespmem:$0x1F9A0]  }
0x5f0: {  	[tilespmem:s29+$0x14830] =	vst v15;
	v4 =	vld.idx.msk [tilespmem:v4+s19+$0x0], $0xffff  }
0x5f1: {  	[tilespmem:s25+$0x14740] =	vst v5;
	v5 =	vld [tilespmem:$0x1FF10]  }
0x5f2: {  	v8 =	vld.idx.msk [tilespmem:v51+s19+$0x0], $0xffff;
	[tilespmem:s24+$0x145D0] =	vst v1  }
0x5f3: {  	v55 =	vor.u32 v45, v0;
	v15 =	vor.u32 v29, v20;
	v6 =	vld.idx.msk [tilespmem:v6+s19+$0x0], $0xffff;
	[tilespmem:s28+$0x149A0] =	vst v2  }
0x5f4: {  	v1 =	vld.idx.msk [tilespmem:v46+s19+$0x0], $0xffff;
	[tilespmem:s31+$0x14230] =	vst v7;
	v7 =	vor.u32 v14, v58;
	v14 =	vor.u32 v14, v59  }
0x5f5: {  	[tilespmem:$0x1F640] =	vst v14;
	v14 =	vld [tilespmem:$0x1F990]  }
0x5f6: {  	[tilespmem:s7+$0x14290] =	vst v3  }
0x5f7: {  	v5 =	vor.u32 v5, v36;
	v2 =	vld.idx.msk [tilespmem:v19+s19+$0x0], $0xffff  }
0x5f8: {  	v3 =	vld.idx.msk [tilespmem:v15+s19+$0x0], $0xffff  }
0x5f9: {  	v15 =	vld.idx.msk [tilespmem:v55+s19+$0x0], $0xffff  }
0x5fa: {  	[tilespmem:s29+$0x14840] =	vst v8;
	v8 =	vor.u32 v31, v20;
	v56 =	vor.u32 v14, v60;
	v19 =	vor.u32 v14, v57;
	v14 =	vld [tilespmem:$0x1F9C0]  }
0x5fb: {  	[tilespmem:s30+$0x144F0] =	vst v4  }
0x5fc: {  	v5 =	vld.idx.msk [tilespmem:v5+s19+$0x0], $0xffff;
	[tilespmem:s25+$0x14750] =	vst v6  }
0x5fd: {  	v7 =	vld.idx.msk [tilespmem:v7+s19+$0x0], $0xffff;
	[tilespmem:s28+$0x149B0] =	vst v2  }
0x5fe: {  	v4 =	vld.idx.msk [tilespmem:v47+s19+$0x0], $0xffff;
	[tilespmem:s7+$0x142A0] =	vst v3  }
0x5ff: {  	v61 =	vor.u32 v27, v0;
	v3 =	vld.idx.msk [tilespmem:v8+s19+$0x0], $0xffff;
	v8 =	vor.u32 v14, v58;
	v14 =	vor.u32 v14, v59  }
0x600: {  	[tilespmem:$0x1F660] =	vst v14;
	v14 =	vld [tilespmem:$0x1F9B0]  }
0x601: {  	[tilespmem:$0x1F5A0] =	vst v11  }
0x602: {  	v27 =	vld [tilespmem:$0x1FDA0];
	[tilespmem:s24+$0x145E0] =	vst v1  }
0x603: {  	v1 =	vld.idx.msk [tilespmem:v44+s19+$0x0], $0xffff;
	[tilespmem:s31+$0x14240] =	vst v15  }
0x604: {  	v15 =	vld.idx.msk [tilespmem:v61+s19+$0x0], $0xffff;
	[tilespmem:s29+$0x14850] =	vst v4  }
0x605: {  	v2 =	vld.idx.msk [tilespmem:v56+s19+$0x0], $0xffff;
	[tilespmem:s30+$0x14500] =	vst v5;
	v4 =	vor.u32 v14, v57  }
0x606: {  	v6 =	vld [tilespmem:$0x1FF20];
	[tilespmem:$0x1F650] =	vst v4  }
0x607: {  	v5 =	vld.idx.msk [tilespmem:v42+s19+$0x0], $0xffff  }
0x608: {  	[tilespmem:s24+$0x145F0] =	vst v1;
	v1 =	vld [tilespmem:$0x1FB80];
	_ =	sdelay $0x5  }
0x609: {  	v6 =	vor.u32 v6, v36;
	_ =	sdelay $0x1  }
0x60a: {  	v1 =	vld.idx.msk [tilespmem:v1+s19+$0x0], $0xffff  }
0x60b: {  	v4 =	vor.u32 v27, v20;
	[tilespmem:s31+$0x14250] =	vst v15;
	v15 =	vld [tilespmem:$0x1FA10]  }
0x60c: {  	v62 =	vor.u32 v14, v60  }
0x60d: {  	v45 =	vor.u32 v34, v0;
	v6 =	vld.idx.msk [tilespmem:v6+s19+$0x0], $0xffff;
	[tilespmem:s25+$0x14760] =	vst v7  }
0x60e: {  	v8 =	vld.idx.msk [tilespmem:v8+s19+$0x0], $0xffff;
	[tilespmem:s28+$0x149C0] =	vst v2  }
0x60f: {  	v14 =	vld [tilespmem:$0x1FEF0];
	[tilespmem:s7+$0x142B0] =	vst v3  }
0x610: {  	v3 =	vld.idx.msk [tilespmem:v4+s19+$0x0], $0xffff;
	v4 =	vor.u32 v15, v58;
	v15 =	vor.u32 v15, v59  }
0x611: {  	v2 =	vld.idx.msk [tilespmem:v62+s19+$0x0], $0xffff;
	[tilespmem:$0x1F690] =	vst v15  }
0x612: {  	v15 =	vld.idx.msk [tilespmem:v45+s19+$0x0], $0xffff;
	[tilespmem:s29+$0x14860] =	vst v5  }
0x613: {  	[tilespmem:s30+$0x14510] =	vst v6;
	v6 =	vld.idx.msk [tilespmem:v28+s19+$0x0], $0xffff  }
0x614: {  	v7 =	vor.u32 v14, v36;
	[tilespmem:s24+$0x14600] =	vst v1;
	v1 =	vld [tilespmem:$0x1FB90]  }
0x615: {  	v63 =	vld [tilespmem:$0x1F9D0]  }
0x616: {  	v47 =	vld [tilespmem:$0x1FDB0];
	_ =	sdelay $0x2  }
0x617: {  	v7 =	vld.idx.msk [tilespmem:v7+s19+$0x0], $0xffff  }
0x618: {  	v34 =	vor.u32 v63, v60;
	[tilespmem:s25+$0x14770] =	vst v8;
	v8 =	vld [tilespmem:$0x1FEE0];
	v5 =	vor.u32 v63, v57  }
0x619: {  	[tilespmem:$0x1F680] =	vst v5;
	v5 =	vor.u32 v47, v20;
	v4 =	vld.idx.msk [tilespmem:v4+s19+$0x0], $0xffff  }
0x61a: {  	v43 =	vor.u32 v40, v0;
	[tilespmem:s28+$0x149D0] =	vst v2;
	v1 =	vld.idx.msk [tilespmem:v1+s19+$0x0], $0xffff  }
0x61b: {  	[tilespmem:s31+$0x14260] =	vst v15;
	v15 =	vld [tilespmem:$0x1FA60]  }
0x61c: {  	[tilespmem:s7+$0x142C0] =	vst v3  }
0x61d: {  	v2 =	vld.idx.msk [tilespmem:v34+s19+$0x0], $0xffff  }
0x61e: {  	v3 =	vld.idx.msk [tilespmem:v5+s19+$0x0], $0xffff  }
0x61f: {  	v8 =	vor.u32 v8, v36;
	v40 =	vld.idx.msk [tilespmem:v43+s19+$0x0], $0xffff  }
0x620: {  	v43 =	vld [tilespmem:$0x1FDC0];
	v5 =	vor.u32 v15, v58;
	v15 =	vor.u32 v15, v59  }
0x621: {  	[tilespmem:$0x1F6A0] =	vst v15;
	v15 =	vld [tilespmem:$0x1F9E0];
	_ =	sdelay $0x1  }
0x622: {  	[tilespmem:s30+$0x14520] =	vst v7  }
0x623: {  	v12 =	vor.u32 v12, v57;
	v38 =	vld.idx.msk [tilespmem:v8+s19+$0x0], $0xffff;
	[tilespmem:s25+$0x14780] =	vst v4  }
0x624: {  	v13 =	vor.u32 v13, v57;
	[tilespmem:s29+$0x14870] =	vst v6;
	v6 =	vor.u32 v43, v20;
	v4 =	vld.idx.msk [tilespmem:v5+s19+$0x0], $0xffff  }
0x625: {  	[tilespmem:s28+$0x149E0] =	vst v2;
	v2 =	vld [tilespmem:$0x1FA80];
	v35 =	vor.u32 v15, v60;
	v15 =	vor.u32 v15, v57;
	v60 =	vmovc v58;
	v58 =	vmov v36  }
0x626: {  	v36 =	vmovc v20;
	v57 =	vmovc v59;
	v20 =	vor.u32 v32, v0;
	v59 =	vmov v50;
	v50 =	vmov v0;
	v0 =	vld [tilespmem:$0x1FBB0];
	_ =	sdelay $0x1  }
0x627: {  	[tilespmem:s7+$0x142D0] =	vst v3  }
0x628: {  	v5 =	vld.idx.msk [tilespmem:v6+s19+$0x0], $0xffff  }
0x629: {  	v6 =	vor.u32 v2, v60;
	v8 =	vor.u32 v2, v57;
	v2 =	vld [tilespmem:$0x1FBE0];
	_ =	sdelay $0x1  }
0x62a: {  	v7 =	vld.idx.msk [tilespmem:v41+s19+$0x0], $0xffff  }
0x62b: {  	[tilespmem:s24+$0x14610] =	vst v1  }
0x62c: {  	v0 =	vld.idx.msk [tilespmem:v0+s19+$0x0], $0xffff;
	_ =	sdelay $0x1  }
0x62d: {  	v45 =	vld [tilespmem:$0x1FDD0];
	[tilespmem:s31+$0x14270] =	vst v40  }
0x62e: {  	v20 =	vld.idx.msk [tilespmem:v20+s19+$0x0], $0xffff;
	[tilespmem:s29+$0x14880] =	vst v7  }
0x62f: {  	v46 =	vld.idx.msk [tilespmem:v2+s19+$0x0], $0xffff  }
0x630: {  	v1 =	vor.u32 v33, v58;
	[tilespmem:s24+$0x14620] =	vst v0;
	v0 =	vld [tilespmem:$0x1FBD0];
	_ =	sdelay $0x1  }
0x631: {  	v3 =	vld.idx.msk [tilespmem:v35+s19+$0x0], $0xffff;
	_ =	sdelay $0x1  }
0x632: {  	v41 =	vld [tilespmem:$0x1FDE0];
	[tilespmem:s30+$0x14530] =	vst v38;
	v7 =	vor.u32 v45, v36  }
0x633: {  	v1 =	vld.idx.msk [tilespmem:v1+s19+$0x0], $0xffff;
	[tilespmem:s25+$0x14790] =	vst v4  }
0x634: {  	v48 =	vor.u32 v30, v50;
	v6 =	vld.idx.msk [tilespmem:v6+s19+$0x0], $0xffff  }
0x635: {  	[tilespmem:s28+$0x149F0] =	vst v3;
	s28 =	smov.u32 s25;
	s25 =	smov.u32 s30;
	s30 =	smov.u32 s7;
	v2 =	vld [tilespmem:$0x1FA90]  }
0x636: {  	[tilespmem:s30+$0x142E0] =	vst v5;
	v0 =	vld.idx.msk [tilespmem:v0+s19+$0x0], $0xffff  }
0x637: {  	v3 =	vld.idx.msk [tilespmem:v7+s19+$0x0], $0xffff  }
0x638: {  	v7 =	vld [tilespmem:$0x1FAA0];
	[tilespmem:s31+$0x14280] =	vst v20  }
0x639: {  	v20 =	vld.idx.msk [tilespmem:v48+s19+$0x0], $0xffff;
	[tilespmem:s29+$0x14890] =	vst v46  }
0x63a: {  	[tilespmem:s25+$0x14540] =	vst v1;
	v4 =	vor.u32 v2, v58;
	v1 =	vld.idx.msk [tilespmem:v25+s19+$0x0], $0xffff  }
0x63b: {  	[tilespmem:s24+$0x14630] =	vst v0;
	v0 =	vld [tilespmem:$0x1FC00];
	_ =	sdelay $0x1  }
0x63c: {  	v5 =	vor.u32 v7, v60;
	_ =	sdelay $0x1  }
0x63d: {  	v49 =	vor.u32 v41, v36;
	v4 =	vld.idx.msk [tilespmem:v4+s19+$0x0], $0xffff  }
0x63e: {  	[tilespmem:s28+$0x147A0] =	vst v6;
	v6 =	vld [tilespmem:$0x1FAB0]  }
0x63f: {  	v51 =	vor.u32 v29, v50;
	v40 =	vld [tilespmem:$0x1FFF0]  }
0x640: {  	v5 =	vld.idx.msk [tilespmem:v5+s19+$0x0], $0xffff  }
0x641: {  	[tilespmem:s30+$0x142F0] =	vst v3;
	v0 =	vld.idx.msk [tilespmem:v0+s19+$0x0], $0xffff  }
0x642: {  	v3 =	vld.idx.msk [tilespmem:v49+s19+$0x0], $0xffff  }
0x643: {  	v52 =	vor.u32 v6, v58;
	v63 =	vor.u32 v6, v59;
	v6 =	vld [tilespmem:$0x1FAC0];
	[tilespmem:s31+$0x14290] =	vst v20  }
0x644: {  	v53 =	vld.idx.msk [tilespmem:v51+s19+$0x0], $0xffff;
	[tilespmem:s29+$0x148A0] =	vst v1  }
0x645: {  	[tilespmem:s25+$0x14550] =	vst v4;
	v4 =	vld.idx.msk [tilespmem:v24+s19+$0x0], $0xffff  }
0x646: {  	[tilespmem:s24+$0x14640] =	vst v0;
	v0 =	vld [tilespmem:$0x1FC10];
	_ =	sdelay $0x1  }
0x647: {  	v46 =	vld [tilespmem:$0x1FDF0];
	v20 =	vor.u32 v6, v60;
	_ =	sdelay $0x1  }
0x648: {  	v33 =	vld.idx.msk [tilespmem:v52+s19+$0x0], $0xffff;
	v1 =	vor.u32 v40, v59  }
0x649: {  	[tilespmem:s28+$0x147B0] =	vst v5;
	v5 =	vld [tilespmem:$0x1FAD0];
	_ =	sdelay $0x1  }
0x64a: {  	v54 =	vor.u32 v31, v50;
	v31 =	vor.u32 v46, v36;
	v20 =	vld.idx.msk [tilespmem:v20+s19+$0x0], $0xffff  }
0x64b: {  	v0 =	vld.idx.msk [tilespmem:v0+s19+$0x0], $0xffff;
	[tilespmem:s31+$0x142A0] =	vst v53  }
0x64c: {  	v35 =	vld.idx.msk [tilespmem:v1+s19+$0x0], $0xffff  }
0x64d: {  	[tilespmem:s30+$0x14300] =	vst v3;
	v3 =	vor.u32 v5, v58;
	v1 =	vor.u32 v5, v59;
	v5 =	vld [tilespmem:$0x1FAE0]  }
0x64e: {  	v44 =	vld [tilespmem:$0x1FE00];
	[tilespmem:s25+$0x14560] =	vst v33  }
0x64f: {  	v31 =	vld.idx.msk [tilespmem:v31+s19+$0x0], $0xffff  }
0x650: {  	v34 =	vld.idx.msk [tilespmem:v54+s19+$0x0], $0xffff;
	[tilespmem:s29+$0x148B0] =	vst v4  }
0x651: {  	v56 =	vld.idx.msk [tilespmem:v23+s19+$0x0], $0xffff  }
0x652: {  	[tilespmem:s24+$0x14650] =	vst v0;
	v0 =	vld [tilespmem:$0x1FC20];
	v55 =	vor.u32 v5, v60  }
0x653: {  	v29 =	vor.u32 v44, v36;
	v38 =	vld [tilespmem:$0x1FFD0];
	[tilespmem:s28+$0x147C0] =	vst v20  }
0x654: {  	v3 =	vld.idx.msk [tilespmem:v3+s19+$0x0], $0xffff;
	_ =	sdelay $0x2  }
0x655: {  	v11 =	vmov v39;
	v39 =	vor.u32 v27, v50;
	v48 =	vld.idx.msk [tilespmem:v55+s19+$0x0], $0xffff;
	[tilespmem:s30+$0x14310] =	vst v31  }
0x656: {  	v29 =	vld.idx.msk [tilespmem:v29+s19+$0x0], $0xffff  }
0x657: {  	v4 =	vor.u32 v38, v59;
	[tilespmem:s25+$0x14570] =	vst v3;
	v3 =	vld [tilespmem:$0x1FC30]  }
0x658: {  	v20 =	vld.idx.msk [tilespmem:v0+s19+$0x0], $0xffff;
	[tilespmem:s26+$0x143F0] =	vst v35  }
0x659: {  	v0 =	vld [tilespmem:$0x1FAF0];
	[tilespmem:s31+$0x142B0] =	vst v34  }
0x65a: {  	v33 =	vld.idx.msk [tilespmem:v39+s19+$0x0], $0xffff  }
0x65b: {  	v39 =	vld [tilespmem:$0x1FFE0]  }
0x65c: {  	v4 =	vld.idx.msk [tilespmem:v4+s19+$0x0], $0xffff  }
0x65d: {  	v37 =	vld [tilespmem:$0x1FFB0]  }
0x65e: {  	v52 =	vor.u32 v47, v50;
	v47 =	vld [tilespmem:$0x1FE10];
	[tilespmem:s29+$0x148C0] =	vst v56  }
0x65f: {  	v30 =	vld.idx.msk [tilespmem:v22+s19+$0x0], $0xffff;
	v49 =	vor.u32 v0, v58  }
0x660: {  	v62 =	vor.u32 v0, v59;
	v0 =	vld [tilespmem:$0x1FB00];
	[tilespmem:s24+$0x14660] =	vst v20;
	v31 =	vor.u32 v39, v59  }
0x661: {  	v20 =	vld.idx.msk [tilespmem:v3+s19+$0x0], $0xffff;
	[tilespmem:s26+$0x14400] =	vst v4  }
0x662: {  	v3 =	vld [tilespmem:$0x1FB10];
	[tilespmem:s31+$0x142C0] =	vst v33  }
0x663: {  	v32 =	vld.idx.msk [tilespmem:v52+s19+$0x0], $0xffff  }
0x664: {  	v34 =	vld.idx.msk [tilespmem:v49+s19+$0x0], $0xffff  }
0x665: {  	v51 =	vor.u32 v0, v60;
	v31 =	vld.idx.msk [tilespmem:v31+s19+$0x0], $0xffff;
	[tilespmem:s29+$0x148D0] =	vst v30  }
0x666: {  	v27 =	vor.u32 v47, v36;
	v28 =	vld.idx.msk [tilespmem:v26+s19+$0x0], $0xffff;
	[tilespmem:s24+$0x14670] =	vst v20  }
0x667: {  	v20 =	vld.idx.msk [tilespmem:v10+s19+$0x0], $0xffff  }
0x668: {  	v53 =	vor.u32 v3, v58;
	v10 =	vld [tilespmem:$0x1FC50]  }
0x669: {  	v42 =	vld [tilespmem:$0x1FE20];
	[tilespmem:s28+$0x147D0] =	vst v48;
	v30 =	vor.u32 v43, v50  }
0x66a: {  	v4 =	vld.idx.msk [tilespmem:v51+s19+$0x0], $0xffff;
	[tilespmem:s30+$0x14320] =	vst v29;
	v29 =	vor.u32 v37, v59  }
0x66b: {  	v27 =	vld.idx.msk [tilespmem:v27+s19+$0x0], $0xffff;
	[tilespmem:s25+$0x14580] =	vst v34  }
0x66c: {  	v56 =	vor.u32 v3, v59;
	v3 =	vld [tilespmem:$0x1FB20];
	[tilespmem:s26+$0x14410] =	vst v31  }
0x66d: {  	v33 =	vld.idx.msk [tilespmem:v53+s19+$0x0], $0xffff;
	[tilespmem:s31+$0x142D0] =	vst v32  }
0x66e: {  	v30 =	vld.idx.msk [tilespmem:v30+s19+$0x0], $0xffff  }
0x66f: {  	v29 =	vld.idx.msk [tilespmem:v29+s19+$0x0], $0xffff;
	[tilespmem:s29+$0x148E0] =	vst v28  }
0x670: {  	v26 =	vld.idx.msk [tilespmem:v10+s19+$0x0], $0xffff  }
0x671: {  	[tilespmem:s24+$0x14680] =	vst v20;
	v20 =	vld [tilespmem:$0x1FC40]  }
0x672: {  	[tilespmem:s28+$0x147E0] =	vst v4;
	v4 =	vld [tilespmem:$0x1FB30]  }
0x673: {  	v35 =	vld [tilespmem:$0x1FF90];
	v55 =	vor.u32 v3, v60  }
0x674: {  	v22 =	vld [tilespmem:$0x1FB50]  }
0x675: {  	v48 =	vld [tilespmem:$0x1FA20]  }
0x676: {  	v28 =	vor.u32 v45, v50;
	v45 =	vld [tilespmem:$0x1FE30]  }
0x677: {  	v25 =	vor.u32 v42, v36;
	v61 =	vor.u32 v4, v58;
	v54 =	vor.u32 v4, v59;
	v4 =	vld [tilespmem:$0x1FB40]  }
0x678: {  	v31 =	vld.idx.msk [tilespmem:v55+s19+$0x0], $0xffff  }
0x679: {  	v20 =	vld.idx.msk [tilespmem:v20+s19+$0x0], $0xffff;
	[tilespmem:s26+$0x14420] =	vst v29  }
0x67a: {  	v52 =	vor.u32 v22, v59;
	[tilespmem:s31+$0x142E0] =	vst v30;
	v30 =	vor.u32 v22, v58;
	v22 =	vld [tilespmem:$0x1FB60]  }
0x67b: {  	v51 =	vld [tilespmem:$0x1FA50];
	[tilespmem:s30+$0x14330] =	vst v27;
	v27 =	vor.u32 v35, v59  }
0x67c: {  	v25 =	vld.idx.msk [tilespmem:v25+s19+$0x0], $0xffff;
	v43 =	vor.u32 v4, v60  }
0x67d: {  	[tilespmem:s25+$0x14590] =	vst v33;
	v33 =	vld [tilespmem:$0x1FF40]  }
0x67e: {  	v32 =	vld.idx.msk [tilespmem:v61+s19+$0x0], $0xffff  }
0x67f: {  	v23 =	vor.u32 v45, v36;
	[tilespmem:s28+$0x147F0] =	vst v31;
	v31 =	vor.u32 v22, v60;
	v61 =	vor.u32 v22, v57;
	v22 =	vld [tilespmem:$0x1FC60]  }
0x680: {  	v27 =	vld.idx.msk [tilespmem:v27+s19+$0x0], $0xffff  }
0x681: {  	v29 =	vld.idx.msk [tilespmem:v43+s19+$0x0], $0xffff  }
0x682: {  	v28 =	vld.idx.msk [tilespmem:v28+s19+$0x0], $0xffff;
	[tilespmem:s29+$0x148F0] =	vst v26  }
0x683: {  	v26 =	vor.u32 v41, v50;
	v41 =	vld [tilespmem:$0x1FE40];
	[tilespmem:s30+$0x14340] =	vst v25  }
0x684: {  	v23 =	vld.idx.msk [tilespmem:v23+s19+$0x0], $0xffff;
	[tilespmem:s25+$0x145A0] =	vst v32  }
0x685: {  	v30 =	vld.idx.msk [tilespmem:v30+s19+$0x0], $0xffff  }
0x686: {  	v25 =	vor.u32 v33, v59;
	[tilespmem:s28+$0x14800] =	vst v29;
	v29 =	vld [tilespmem:$0x1FB70]  }
0x687: {  	v24 =	vld.idx.msk [tilespmem:v22+s19+$0x0], $0xffff;
	[tilespmem:s24+$0x14690] =	vst v20  }
0x688: {  	v20 =	vld.idx.msk [tilespmem:v11+s19+$0x0], $0xffff  }
0x689: {  	[tilespmem:s26+$0x14430] =	vst v27;
	v27 =	vld.idx.msk [tilespmem:v31+s19+$0x0], $0xffff  }
0x68a: {  	v31 =	vld [tilespmem:$0x1F6C0];
	[tilespmem:s31+$0x142F0] =	vst v28  }
0x68b: {  	v25 =	vld.idx.msk [tilespmem:v25+s19+$0x0], $0xffff  }
0x68c: {  	v22 =	vor.u32 v41, v36;
	v26 =	vld.idx.msk [tilespmem:v26+s19+$0x0], $0xffff  }
0x68d: {  	v43 =	vmov v9;
	[tilespmem:s29+$0x14900] =	vst v24;
	v24 =	vld [tilespmem:$0x1F9F0]  }
0x68e: {  	[tilespmem:$0x1FA50] =	vst v43;
	v43 =	vld [tilespmem:$0x1FE50];
	v28 =	vor.u32 v29, v58  }
0x68f: {  	v49 =	vor.u32 v29, v59;
	v29 =	vor.u32 v31, v60;
	v55 =	vor.u32 v31, v57;
	v31 =	vld [tilespmem:$0x1FFC0]  }
0x690: {  	v10 =	vmov v48;
	[tilespmem:s30+$0x14350] =	vst v23;
	v11 =	vld [tilespmem:$0x1F560]  }
0x691: {  	[tilespmem:$0x1F9F0] =	vst v10;
	v9 =	vld.idx.msk [tilespmem:v22+s19+$0x0], $0xffff  }
0x692: {  	[tilespmem:s25+$0x145B0] =	vst v30;
	v10 =	vld [tilespmem:$0x1F550]  }
0x693: {  	v28 =	vld.idx.msk [tilespmem:v28+s19+$0x0], $0xffff  }
0x694: {  	[tilespmem:s28+$0x14810] =	vst v27;
	v27 =	vld [tilespmem:$0x1F6E0];
	v23 =	vor.u32 v31, v59  }
0x695: {  	v22 =	vor.u32 v46, v50;
	v24 =	vld.idx.msk [tilespmem:v24+s19+$0x0], $0xffff;
	[tilespmem:s24+$0x146A0] =	vst v20  }
0x696: {  	v20 =	vld.idx.msk [tilespmem:v21+s19+$0x0], $0xffff;
	[tilespmem:s26+$0x14440] =	vst v25  }
0x697: {  	v25 =	vld.idx.msk [tilespmem:v29+s19+$0x0], $0xffff;
	[tilespmem:s30+$0x14360] =	vst v9  }
0x698: {  	v9 =	vld [tilespmem:$0x1FF80];
	[tilespmem:s31+$0x14300] =	vst v26  }
0x699: {  	v23 =	vld.idx.msk [tilespmem:v23+s19+$0x0], $0xffff  }
0x69a: {  	v22 =	vld.idx.msk [tilespmem:v22+s19+$0x0], $0xffff;
	[tilespmem:s29+$0x14910] =	vst v24  }
0x69b: {  	v21 =	vor.u32 v43, v36;
	v10 =	vld.idx.msk [tilespmem:v10+s19+$0x0], $0xffff;
	[tilespmem:s24+$0x146B0] =	vst v20  }
0x69c: {  	v20 =	vld.idx.msk [tilespmem:v11+s19+$0x0], $0xffff  }
0x69d: {  	v26 =	vor.u32 v27, v58;
	v11 =	vld [tilespmem:$0x1F570]  }
0x69e: {  	v29 =	vld [tilespmem:$0x1F6D0];
	v24 =	vor.u32 v44, v50  }
0x69f: {  	v9 =	vor.u32 v9, v59  }
0x6a0: {  	v21 =	vld.idx.msk [tilespmem:v21+s19+$0x0], $0xffff;
	[tilespmem:s25+$0x145C0] =	vst v28  }
0x6a1: {  	v32 =	vld [tilespmem:$0x1FE60];
	[tilespmem:s26+$0x14450] =	vst v23  }
0x6a2: {  	v26 =	vld.idx.msk [tilespmem:v26+s19+$0x0], $0xffff;
	[tilespmem:s31+$0x14310] =	vst v22  }
0x6a3: {  	v48 =	vor.u32 v27, v59;
	v27 =	vor.u32 v29, v60;
	v24 =	vld.idx.msk [tilespmem:v24+s19+$0x0], $0xffff  }
0x6a4: {  	v9 =	vld.idx.msk [tilespmem:v9+s19+$0x0], $0xffff;
	[tilespmem:s29+$0x14920] =	vst v10  }
0x6a5: {  	v11 =	vld.idx.msk [tilespmem:v11+s19+$0x0], $0xffff  }
0x6a6: {  	[tilespmem:s24+$0x146C0] =	vst v20;
	v20 =	vld [tilespmem:$0x1F580]  }
0x6a7: {  	[tilespmem:s28+$0x14820] =	vst v25;
	v25 =	vld [tilespmem:$0x1F700]  }
0x6a8: {  	v23 =	vld.idx.msk [tilespmem:v27+s19+$0x0], $0xffff  }
0x6a9: {  	v10 =	vld [tilespmem:$0x1FFA0]  }
0x6aa: {  	v27 =	vld [tilespmem:$0x1F6F0];
	_ =	sdelay $0x1  }
0x6ab: {  	v28 =	vor.u32 v32, v36  }
0x6ac: {  	v22 =	vor.u32 v25, v58  }
0x6ad: {  	v53 =	vmov v51;
	v46 =	vor.u32 v25, v59;
	v10 =	vor.u32 v10, v59;
	v20 =	vld.idx.msk [tilespmem:v20+s19+$0x0], $0xffff;
	[tilespmem:s26+$0x14460] =	vst v9  }
0x6ae: {  	v25 =	vor.u32 v27, v60;
	v51 =	vor.u32 v27, v57;
	v27 =	vor.u32 v47, v50;
	[tilespmem:s31+$0x14320] =	vst v24;
	v24 =	vld [tilespmem:$0x1F720]  }
0x6af: {  	v30 =	vld [tilespmem:$0x1FE70];
	[tilespmem:s30+$0x14370] =	vst v21  }
0x6b0: {  	v21 =	vld.idx.msk [tilespmem:v28+s19+$0x0], $0xffff;
	[tilespmem:s25+$0x145D0] =	vst v26  }
0x6b1: {  	v22 =	vld.idx.msk [tilespmem:v22+s19+$0x0], $0xffff  }
0x6b2: {  	[tilespmem:s28+$0x14830] =	vst v23;
	v10 =	vld.idx.msk [tilespmem:v10+s19+$0x0], $0xffff  }
0x6b3: {  	v23 =	vor.u32 v24, v58;
	v44 =	vor.u32 v24, v59;
	v24 =	vld.idx.msk [tilespmem:v27+s19+$0x0], $0xffff;
	[tilespmem:s29+$0x14930] =	vst v11  }
0x6b4: {  	v12 =	vld.idx.msk [tilespmem:v12+s19+$0x0], $0xffff  }
0x6b5: {  	[tilespmem:s24+$0x146D0] =	vst v20;
	v20 =	vld [tilespmem:$0x1F590];
	_ =	sdelay $0x3  }
0x6b6: {  	v11 =	vld [tilespmem:$0x1FF70]  }
0x6b7: {  	v26 =	vor.u32 v30, v36;
	_ =	sdelay $0x1  }
0x6b8: {  	v9 =	vld.idx.msk [tilespmem:v25+s19+$0x0], $0xffff;
	[tilespmem:s30+$0x14380] =	vst v21  }
0x6b9: {  	v20 =	vld.idx.msk [tilespmem:v20+s19+$0x0], $0xffff;
	[tilespmem:s26+$0x14470] =	vst v10  }
0x6ba: {  	v11 =	vor.u32 v11, v59;
	[tilespmem:s31+$0x14330] =	vst v24;
	v24 =	vld [tilespmem:$0x1F8B0]  }
0x6bb: {  	v21 =	vld.idx.msk [tilespmem:v26+s19+$0x0], $0xffff;
	v26 =	vor.u32 v42, v50  }
0x6bc: {  	v27 =	vld [tilespmem:$0x1F710];
	_ =	sdelay $0x1  }
0x6bd: {  	v34 =	vld [tilespmem:$0x1FE80]  }
0x6be: {  	v11 =	vld.idx.msk [tilespmem:v11+s19+$0x0], $0xffff;
	v10 =	vor.u32 v24, v58;
	v24 =	vor.u32 v24, v59  }
0x6bf: {  	[tilespmem:$0x1FB80] =	vst v24;
	v24 =	vld.idx.msk [tilespmem:v26+s19+$0x0], $0xffff  }
0x6c0: {  	v25 =	vor.u32 v27, v60;
	v26 =	vld [tilespmem:$0x1F730];
	[tilespmem:s29+$0x14940] =	vst v12  }
0x6c1: {  	[tilespmem:s25+$0x145E0] =	vst v22;
	v13 =	vld.idx.msk [tilespmem:v13+s19+$0x0], $0xffff  }
0x6c2: {  	v22 =	vor.u32 v34, v36;
	[tilespmem:s24+$0x146E0] =	vst v20;
	v20 =	vld [tilespmem:$0x1F5A0]  }
0x6c3: {  	[tilespmem:$0x1FA20] =	vst v53;
	v23 =	vld.idx.msk [tilespmem:v23+s19+$0x0], $0xffff  }
0x6c4: {  	v53 =	vor.u32 v29, v57;
	v29 =	vld [tilespmem:$0x1FE90];
	[tilespmem:s28+$0x14840] =	vst v9  }
0x6c5: {  	v9 =	vld.idx.msk [tilespmem:v25+s19+$0x0], $0xffff  }
0x6c6: {  	[tilespmem:s30+$0x14390] =	vst v21;
	v25 =	vor.u32 v26, v60  }
0x6c7: {  	v21 =	vld.idx.msk [tilespmem:v22+s19+$0x0], $0xffff  }
0x6c8: {  	[tilespmem:s25+$0x145F0] =	vst v23;
	v12 =	vld [tilespmem:$0x1FCC0]  }
0x6c9: {  	v23 =	vor.u32 v29, v36;
	v10 =	vld.idx.msk [tilespmem:v10+s19+$0x0], $0xffff  }
0x6ca: {  	[tilespmem:s28+$0x14850] =	vst v9;
	v20 =	vld.idx.msk [tilespmem:v20+s19+$0x0], $0xffff  }
0x6cb: {  	[tilespmem:s26+$0x14480] =	vst v11;
	v9 =	vld.idx.msk [tilespmem:v25+s19+$0x0], $0xffff  }
0x6cc: {  	[tilespmem:s31+$0x14340] =	vst v24;
	v24 =	vld [tilespmem:$0x1F8E0]  }
0x6cd: {  	v12 =	vor.u32 v12, v59;
	[tilespmem:s30+$0x143A0] =	vst v21;
	v21 =	vld [tilespmem:$0x1F5B0]  }
0x6ce: {  	v23 =	vld.idx.msk [tilespmem:v23+s19+$0x0], $0xffff  }
0x6cf: {  	v22 =	vor.u32 v45, v50;
	[tilespmem:s25+$0x14600] =	vst v10;
	v10 =	vld [tilespmem:$0x1F5C0]  }
0x6d0: {  	v25 =	vld [tilespmem:$0x1FBA0];
	_ =	sdelay $0x1  }
0x6d1: {  	v12 =	vld.idx.msk [tilespmem:v12+s19+$0x0], $0xffff  }
0x6d2: {  	v11 =	vor.u32 v24, v58  }
0x6d3: {  	v22 =	vld.idx.msk [tilespmem:v22+s19+$0x0], $0xffff;
	[tilespmem:s29+$0x14950] =	vst v13;
	v24 =	vor.u32 v24, v59  }
0x6d4: {  	v13 =	vld [tilespmem:$0x1FCD0];
	[tilespmem:$0x1FB90] =	vst v24;
	v24 =	vor.u32 v25, v60  }
0x6d5: {  	v21 =	vld.idx.msk [tilespmem:v21+s19+$0x0], $0xffff;
	[tilespmem:s24+$0x146F0] =	vst v20  }
0x6d6: {  	v10 =	vld.idx.msk [tilespmem:v10+s19+$0x0], $0xffff;
	[tilespmem:s26+$0x14490] =	vst v12  }
0x6d7: {  	v11 =	vld.idx.msk [tilespmem:v11+s19+$0x0], $0xffff;
	[tilespmem:s28+$0x14860] =	vst v9  }
0x6d8: {  	[tilespmem:s31+$0x14350] =	vst v22;
	v22 =	vld [tilespmem:$0x1F750]  }
0x6d9: {  	v9 =	vld.idx.msk [tilespmem:v24+s19+$0x0], $0xffff  }
0x6da: {  	[tilespmem:s30+$0x143B0] =	vst v23;
	v23 =	vld [tilespmem:$0x1F5D0]  }
0x6db: {  	v13 =	vor.u32 v13, v59  }
0x6dc: {  	v28 =	vor.u32 v25, v57;
	v25 =	vor.u32 v41, v50;
	_ =	sdelay $0x2  }
0x6dd: {  	v12 =	vor.u32 v22, v58;
	v22 =	vor.u32 v22, v59  }
0x6de: {  	v13 =	vld.idx.msk [tilespmem:v13+s19+$0x0], $0xffff;
	[tilespmem:$0x1FBB0] =	vst v22  }
0x6df: {  	v22 =	vld.idx.msk [tilespmem:v25+s19+$0x0], $0xffff;
	[tilespmem:s29+$0x14960] =	vst v21  }
0x6e0: {  	v23 =	vld.idx.msk [tilespmem:v23+s19+$0x0], $0xffff  }
0x6e1: {  	[tilespmem:s24+$0x14700] =	vst v10;
	v10 =	vld [tilespmem:$0x1F5E0];
	_ =	sdelay $0x3  }
0x6e2: {  	v21 =	vld [tilespmem:$0x1FCE0]  }
0x6e3: {  	v25 =	vld [tilespmem:$0x1F740];
	_ =	sdelay $0x2  }
0x6e4: {  	v10 =	vld.idx.msk [tilespmem:v10+s19+$0x0], $0xffff;
	[tilespmem:s26+$0x144A0] =	vst v13  }
0x6e5: {  	v21 =	vor.u32 v21, v59;
	[tilespmem:s31+$0x14360] =	vst v22;
	v22 =	vld [tilespmem:$0x1F770]  }
0x6e6: {  	v24 =	vor.u32 v25, v60;
	v41 =	vor.u32 v25, v57;
	v25 =	vor.u32 v43, v50;
	_ =	sdelay $0x2  }
0x6e7: {  	v42 =	vor.u32 v26, v57;
	v26 =	vld [tilespmem:$0x1FEA0]  }
0x6e8: {  	v21 =	vld.idx.msk [tilespmem:v21+s19+$0x0], $0xffff;
	v13 =	vor.u32 v22, v58;
	v22 =	vor.u32 v22, v59  }
0x6e9: {  	[tilespmem:$0x1FBD0] =	vst v22;
	v22 =	vld.idx.msk [tilespmem:v25+s19+$0x0], $0xffff  }
0x6ea: {  	[tilespmem:s29+$0x14970] =	vst v23;
	v23 =	vld [tilespmem:$0x1F5F0];
	_ =	sdelay $0x1  }
0x6eb: {  	v20 =	vor.u32 v26, v36;
	_ =	sdelay $0x4  }
0x6ec: {  	v20 =	vld.idx.msk [tilespmem:v20+s19+$0x0], $0xffff  }
0x6ed: {  	v23 =	vld.idx.msk [tilespmem:v23+s19+$0x0], $0xffff  }
0x6ee: {  	[tilespmem:s24+$0x14710] =	vst v10;
	v10 =	vld [tilespmem:$0x1F600]  }
0x6ef: {  	v47 =	vor.u32 v27, v57;
	v27 =	vld [tilespmem:$0x1FEB0];
	[tilespmem:s25+$0x14610] =	vst v11  }
0x6f0: {  	v12 =	vld.idx.msk [tilespmem:v12+s19+$0x0], $0xffff;
	[tilespmem:s28+$0x14870] =	vst v9  }
0x6f1: {  	v9 =	vld.idx.msk [tilespmem:v24+s19+$0x0], $0xffff  }
0x6f2: {  	[tilespmem:s30+$0x143C0] =	vst v20;
	v20 =	vld [tilespmem:$0x1FCF0]  }
0x6f3: {  	v25 =	vld [tilespmem:$0x1F760];
	_ =	sdelay $0x2  }
0x6f4: {  	v10 =	vld.idx.msk [tilespmem:v10+s19+$0x0], $0xffff;
	[tilespmem:s26+$0x144B0] =	vst v21  }
0x6f5: {  	v11 =	vor.u32 v27, v36;
	[tilespmem:s31+$0x14370] =	vst v22;
	v22 =	vld [tilespmem:$0x1F790]  }
0x6f6: {  	v20 =	vor.u32 v20, v59;
	v24 =	vor.u32 v25, v60;
	v25 =	vor.u32 v25, v57  }
0x6f7: {  	[tilespmem:$0x1FBE0] =	vst v25;
	v25 =	vor.u32 v32, v50;
	_ =	sdelay $0x1  }
0x6f8: {  	v45 =	vld [tilespmem:$0x1FEC0]  }
0x6f9: {  	v11 =	vld.idx.msk [tilespmem:v11+s19+$0x0], $0xffff;
	v21 =	vor.u32 v22, v58;
	v22 =	vor.u32 v22, v59  }
0x6fa: {  	v20 =	vld.idx.msk [tilespmem:v20+s19+$0x0], $0xffff;
	[tilespmem:$0x1FC00] =	vst v22  }
0x6fb: {  	v22 =	vld.idx.msk [tilespmem:v25+s19+$0x0], $0xffff;
	[tilespmem:s29+$0x14980] =	vst v23  }
0x6fc: {  	v16 =	vld.idx.msk [tilespmem:v16+s19+$0x0], $0xffff  }
0x6fd: {  	[tilespmem:s24+$0x14720] =	vst v10;
	v10 =	vld [tilespmem:$0x1F610]  }
0x6fe: {  	[tilespmem:s25+$0x14620] =	vst v12  }
0x6ff: {  	v12 =	vor.u32 v45, v36;
	v13 =	vld.idx.msk [tilespmem:v13+s19+$0x0], $0xffff  }
0x700: {  	[tilespmem:s28+$0x14880] =	vst v9;
	v25 =	vld [tilespmem:$0x1F780]  }
0x701: {  	v9 =	vld.idx.msk [tilespmem:v24+s19+$0x0], $0xffff  }
0x702: {  	[tilespmem:s30+$0x143D0] =	vst v11;
	v11 =	vld [tilespmem:$0x1FD00];
	_ =	sdelay $0x1  }
0x703: {  	v12 =	vld.idx.msk [tilespmem:v12+s19+$0x0], $0xffff  }
0x704: {  	v24 =	vor.u32 v25, v60;
	v10 =	vld.idx.msk [tilespmem:v10+s19+$0x0], $0xffff;
	[tilespmem:s26+$0x144C0] =	vst v20  }
0x705: {  	[tilespmem:s31+$0x14380] =	vst v22;
	v22 =	vld [tilespmem:$0x1F7B0]  }
0x706: {  	v11 =	vor.u32 v11, v59  }
0x707: {  	[tilespmem:s25+$0x14630] =	vst v13;
	v23 =	vor.u32 v30, v50  }
0x708: {  	v21 =	vld.idx.msk [tilespmem:v21+s19+$0x0], $0xffff;
	[tilespmem:s28+$0x14890] =	vst v9  }
0x709: {  	v9 =	vld.idx.msk [tilespmem:v24+s19+$0x0], $0xffff  }
0x70a: {  	[tilespmem:s30+$0x143E0] =	vst v12;
	v12 =	vld [tilespmem:$0x1FF30];
	v20 =	vor.u32 v22, v58;
	v22 =	vor.u32 v22, v59  }
0x70b: {  	v11 =	vld.idx.msk [tilespmem:v11+s19+$0x0], $0xffff;
	[tilespmem:$0x1FC10] =	vst v22  }
0x70c: {  	v22 =	vld.idx.msk [tilespmem:v23+s19+$0x0], $0xffff;
	[tilespmem:s29+$0x14990] =	vst v16  }
0x70d: {  	v16 =	vld.idx.msk [tilespmem:v17+s19+$0x0], $0xffff  }
0x70e: {  	[tilespmem:s24+$0x14730] =	vst v10;
	v10 =	vld [tilespmem:$0x1F620];
	_ =	sdelay $0x1  }
0x70f: {  	v13 =	vor.u32 v40, v36;
	_ =	sdelay $0x2  }
0x710: {  	v24 =	vld [tilespmem:$0x1F7A0];
	v12 =	vor.u32 v12, v59  }
0x711: {  	v17 =	vor.u32 v34, v50  }
0x712: {  	v13 =	vld.idx.msk [tilespmem:v13+s19+$0x0], $0xffff;
	[tilespmem:s25+$0x14640] =	vst v21  }
0x713: {  	v10 =	vld.idx.msk [tilespmem:v10+s19+$0x0], $0xffff;
	[tilespmem:s26+$0x144D0] =	vst v11  }
0x714: {  	v20 =	vld.idx.msk [tilespmem:v20+s19+$0x0], $0xffff;
	[tilespmem:s31+$0x14390] =	vst v22  }
0x715: {  	v23 =	vor.u32 v24, v60;
	v12 =	vld.idx.msk [tilespmem:v12+s19+$0x0], $0xffff  }
0x716: {  	v17 =	vld.idx.msk [tilespmem:v17+s19+$0x0], $0xffff;
	[tilespmem:s29+$0x149A0] =	vst v16  }
0x717: {  	v16 =	vld.idx.msk [tilespmem:v18+s19+$0x0], $0xffff  }
0x718: {  	[tilespmem:s24+$0x14740] =	vst v10;
	v10 =	vld [tilespmem:$0x1F630]  }
0x719: {  	[tilespmem:s28+$0x148A0] =	vst v9;
	v22 =	vld [tilespmem:$0x1F7D0]  }
0x71a: {  	v9 =	vld.idx.msk [tilespmem:v23+s19+$0x0], $0xffff  }
0x71b: {  	v23 =	vld [tilespmem:$0x1F7C0];
	_ =	sdelay $0x1  }
0x71c: {  	[tilespmem:s30+$0x143F0] =	vst v13;
	v13 =	vld [tilespmem:$0x1FF00]  }
0x71d: {  	v21 =	vor.u32 v38, v36;
	v11 =	vor.u32 v22, v58;
	v22 =	vor.u32 v22, v59  }
0x71e: {  	[tilespmem:$0x1FC20] =	vst v22  }
0x71f: {  	v22 =	vor.u32 v23, v60;
	v10 =	vld.idx.msk [tilespmem:v10+s19+$0x0], $0xffff;
	[tilespmem:s26+$0x144E0] =	vst v12  }
0x720: {  	[tilespmem:s31+$0x143A0] =	vst v17;
	v17 =	vld [tilespmem:$0x1F7F0]  }
0x721: {  	v13 =	vor.u32 v13, v59  }
0x722: {  	v18 =	vld.idx.msk [tilespmem:v21+s19+$0x0], $0xffff;
	v21 =	vor.u32 v29, v50;
	[tilespmem:s25+$0x14650] =	vst v20  }
0x723: {  	v11 =	vld.idx.msk [tilespmem:v11+s19+$0x0], $0xffff;
	[tilespmem:s28+$0x148B0] =	vst v9  }
0x724: {  	v9 =	vld.idx.msk [tilespmem:v22+s19+$0x0], $0xffff  }
0x725: {  	v22 =	vld [tilespmem:$0x1F7E0];
	v12 =	vor.u32 v17, v58;
	v17 =	vor.u32 v17, v59  }
0x726: {  	v20 =	vor.u32 v39, v36;
	v13 =	vld.idx.msk [tilespmem:v13+s19+$0x0], $0xffff;
	[tilespmem:$0x1FC30] =	vst v17  }
0x727: {  	v17 =	vld.idx.msk [tilespmem:v21+s19+$0x0], $0xffff;
	[tilespmem:s29+$0x149B0] =	vst v16  }
0x728: {  	[tilespmem:s30+$0x14400] =	vst v18;
	v18 =	vld.idx.msk [tilespmem:v19+s19+$0x0], $0xffff  }
0x729: {  	[tilespmem:s24+$0x14750] =	vst v10;
	v10 =	vld [tilespmem:$0x1F640]  }
0x72a: {  	v21 =	vor.u32 v22, v60  }
0x72b: {  	v19 =	vld.idx.msk [tilespmem:v20+s19+$0x0], $0xffff  }
0x72c: {  	v16 =	vld [tilespmem:$0x1FF10]  }
0x72d: {  	[tilespmem:s25+$0x14660] =	vst v11  }
0x72e: {  	v12 =	vld.idx.msk [tilespmem:v12+s19+$0x0], $0xffff;
	[tilespmem:s28+$0x148C0] =	vst v9  }
0x72f: {  	v9 =	vld.idx.msk [tilespmem:v21+s19+$0x0], $0xffff  }
0x730: {  	v11 =	vor.u32 v37, v36;
	[tilespmem:s30+$0x14410] =	vst v19;
	v19 =	vld [tilespmem:$0x1F650]  }
0x731: {  	v16 =	vor.u32 v16, v59;
	v10 =	vld.idx.msk [tilespmem:v10+s19+$0x0], $0xffff;
	[tilespmem:s26+$0x144F0] =	vst v13  }
0x732: {  	v20 =	vor.u32 v26, v50;
	[tilespmem:s31+$0x143B0] =	vst v17;
	v17 =	vld [tilespmem:$0x1F810]  }
0x733: {  	v21 =	vld [tilespmem:$0x1F800];
	_ =	sdelay $0x1  }
0x734: {  	v11 =	vld.idx.msk [tilespmem:v11+s19+$0x0], $0xffff  }
0x735: {  	v16 =	vld.idx.msk [tilespmem:v16+s19+$0x0], $0xffff  }
0x736: {  	v13 =	vor.u32 v17, v58;
	v37 =	vor.u32 v17, v59;
	v17 =	vld.idx.msk [tilespmem:v20+s19+$0x0], $0xffff  }
0x737: {  	v20 =	vor.u32 v21, v60;
	[tilespmem:s29+$0x149C0] =	vst v18;
	v18 =	vld [tilespmem:$0x1FF20]  }
0x738: {  	v19 =	vld.idx.msk [tilespmem:v19+s19+$0x0], $0xffff  }
0x739: {  	[tilespmem:s24+$0x14760] =	vst v10;
	v10 =	vld [tilespmem:$0x1F660]  }
0x73a: {  	[tilespmem:s25+$0x14670] =	vst v12  }
0x73b: {  	v13 =	vld.idx.msk [tilespmem:v13+s19+$0x0], $0xffff;
	[tilespmem:s28+$0x148D0] =	vst v9  }
0x73c: {  	v9 =	vld.idx.msk [tilespmem:v20+s19+$0x0], $0xffff  }
0x73d: {  	v20 =	vld [tilespmem:$0x1F820]  }
0x73e: {  	v18 =	vor.u32 v18, v59;
	[tilespmem:s30+$0x14420] =	vst v11;
	v11 =	vor.u32 v14, v59;
	v14 =	vld [tilespmem:$0x1F680];
	_ =	sdelay $0x1  }
0x73f: {  	v26 =	vor.u32 v21, v57;
	v21 =	vor.u32 v27, v50  }
0x740: {  	v10 =	vld.idx.msk [tilespmem:v10+s19+$0x0], $0xffff;
	[tilespmem:s26+$0x14500] =	vst v16  }
0x741: {  	[tilespmem:s31+$0x143C0] =	vst v17  }
0x742: {  	v17 =	vld.idx.msk [tilespmem:v18+s19+$0x0], $0xffff;
	v18 =	vor.u32 v20, v59  }
0x743: {  	v12 =	vor.u32 v35, v36;
	[tilespmem:$0x1FC40] =	vst v18  }
0x744: {  	v16 =	vor.u32 v20, v58;
	v18 =	vld.idx.msk [tilespmem:v21+s19+$0x0], $0xffff;
	[tilespmem:s29+$0x149D0] =	vst v19  }
0x745: {  	v19 =	vld.idx.msk [tilespmem:v14+s19+$0x0], $0xffff  }
0x746: {  	[tilespmem:s24+$0x14770] =	vst v10;
	v10 =	vld [tilespmem:$0x1F690];
	_ =	sdelay $0x1  }
0x747: {  	v12 =	vld.idx.msk [tilespmem:v12+s19+$0x0], $0xffff;
	[tilespmem:s25+$0x14680] =	vst v13  }
0x748: {  	v16 =	vld.idx.msk [tilespmem:v16+s19+$0x0], $0xffff  }
0x749: {  	[tilespmem:s28+$0x148E0] =	vst v9;
	v9 =	vld [tilespmem:$0x1FBC0];
	_ =	sdelay $0x2  }
0x74a: {  	v21 =	vld [tilespmem:$0x1FA70]  }
0x74b: {  	v10 =	vld.idx.msk [tilespmem:v10+s19+$0x0], $0xffff;
	[tilespmem:s26+$0x14510] =	vst v17  }
0x74c: {  	v39 =	vor.u32 v9, v59;
	[tilespmem:s31+$0x143D0] =	vst v18;
	v18 =	vor.u32 v9, v58;
	v9 =	vld [tilespmem:$0x1FBF0];
	_ =	sdelay $0x2  }
0x74d: {  	v20 =	vor.u32 v21, v60  }
0x74e: {  	v21 =	vor.u32 v21, v57  }
0x74f: {  	[tilespmem:$0x1FC50] =	vst v21;
	v21 =	vor.u32 v45, v50;
	v14 =	vor.u32 v9, v60;
	v9 =	vor.u32 v9, v57  }
0x750: {  	[tilespmem:$0x1FC60] =	vst v9;
	v9 =	vld [tilespmem:$0x1FEE0];
	_ =	sdelay $0x1  }
0x751: {  	v17 =	vld.idx.msk [tilespmem:v20+s19+$0x0], $0xffff  }
0x752: {  	v20 =	vld.idx.msk [tilespmem:v11+s19+$0x0], $0xffff  }
0x753: {  	v21 =	vld.idx.msk [tilespmem:v21+s19+$0x0], $0xffff;
	[tilespmem:s29+$0x149E0] =	vst v19  }
0x754: {  	v19 =	vor.u32 v9, v59;
	v9 =	vld.idx.msk [tilespmem:v15+s19+$0x0], $0xffff  }
0x755: {  	[tilespmem:s24+$0x14780] =	vst v10;
	v10 =	vld [tilespmem:$0x1F6A0]  }
0x756: {  	v13 =	vor.u32 v33, v36;
	_ =	sdelay $0x3  }
0x757: {  	[tilespmem:s30+$0x14430] =	vst v12  }
0x758: {  	v11 =	vld.idx.msk [tilespmem:v13+s19+$0x0], $0xffff;
	[tilespmem:s25+$0x14690] =	vst v16  }
0x759: {  	v12 =	vld.idx.msk [tilespmem:v18+s19+$0x0], $0xffff  }
0x75a: {  	[tilespmem:s28+$0x148F0] =	vst v17;
	v13 =	vld.idx.msk [tilespmem:v10+s19+$0x0], $0xffff  }
0x75b: {  	v10 =	vld.idx.msk [tilespmem:v14+s19+$0x0], $0xffff  }
0x75c: {  	p0 =	slt.u32 s6, $0xE;
	v14 =	vld [tilespmem:$0x1FC70]  }
.Ltmp0:
0x75d: {  	v2 =	vor.u32 v2, v59;
	v7 =	vor.u32 v7, v57;
	v6 =	vor.u32 v6, v57;
	(pc) =	sbr.rel @p0 .LBB2_3-.Ltmp0, $4  }
0x75e: {  	v5 =	vor.u32 v5, v57;
	v0 =	vor.u32 v0, v57;
	v3 =	vor.u32 v3, v57  }
0x75f: {  	v4 =	vor.u32 v4, v57;
	v25 =	vor.u32 v25, v57;
	v24 =	vor.u32 v24, v57;
	[tilespmem:s26+$0x14520] =	vst v20  }
0x760: {  	v23 =	vor.u32 v23, v57;
	v22 =	vor.u32 v22, v57;
	v35 =	vld [tilespmem:$0x1F670];
	v16 =	vor.u32 v31, v36;
	[tilespmem:s31+$0x143E0] =	vst v21  }
0x761: {  	s6 =	sadd.s32 $0x2, s6;
	v17 =	vld.idx.msk [tilespmem:v19+s19+$0x0], $0xffff;
	v19 =	vlaneseq.u32;
	v15 =	vor.u32 v14, v58;
	v21 =	vor.u32 v14, v59  }
0x762: {  	_ =	sdelay $0x2  }
0x763: {  	v33 =	vld [tilespmem:$0x1FED0];
	[tilespmem:s24+$0x14790] =	vst v13  }
0x764: {  	v8 =	vld.idx.msk [tilespmem:v8+s19+$0x0], $0xffff;
	_ =	sdelay $0x1  }
0x765: {  	[tilespmem:s30+$0x14440] =	vst v11  }
0x766: {  	[tilespmem:s25+$0x146A0] =	vst v12  }
0x767: {  	[tilespmem:s26+$0x14530] =	vst v17;
	v14 =	vor.u32 v33, v59  }
0x768: {  	v11 =	vld.idx.msk [tilespmem:v16+s19+$0x0], $0xffff;
	[tilespmem:s24+$0x147A0] =	vst v8  }
0x769: {  	v45 =	vld [tilespmem:$0x1FF80]  }
0x76a: {  	v7 =	vld.idx.msk [tilespmem:v7+s19+$0x0], $0xffff  }
0x76b: {  	v20 =	vld [tilespmem:$0x1F840]  }
0x76c: {  	v13 =	vld.idx.msk [tilespmem:v14+s19+$0x0], $0xffff  }
0x76d: {  	v8 =	vld.idx.msk [tilespmem:v15+s19+$0x0], $0xffff;
	_ =	sdelay $0x1  }
0x76e: {  	[tilespmem:s30+$0x14450] =	vst v11  }
0x76f: {  	v12 =	vor.u32 v45, v36;
	[tilespmem:s24+$0x147B0] =	vst v7  }
0x770: {  	v14 =	vor.u32 v20, v58;
	v6 =	vld.idx.msk [tilespmem:v6+s19+$0x0], $0xffff;
	[tilespmem:s26+$0x14540] =	vst v13  }
0x771: {  	[tilespmem:s25+$0x146B0] =	vst v8;
	v2 =	vld.idx.msk [tilespmem:v2+s19+$0x0], $0xffff  }
0x772: {  	v11 =	vld [tilespmem:$0x1FFA0]  }
0x773: {  	v18 =	vld [tilespmem:$0x1F860]  }
0x774: {  	v8 =	vld.idx.msk [tilespmem:v12+s19+$0x0], $0xffff  }
0x775: {  	v7 =	vld.idx.msk [tilespmem:v14+s19+$0x0], $0xffff;
	_ =	sdelay $0x1  }
0x776: {  	[tilespmem:s24+$0x147C0] =	vst v6  }
0x777: {  	v11 =	vor.u32 v11, v36;
	[tilespmem:s26+$0x14550] =	vst v2  }
0x778: {  	v5 =	vld.idx.msk [tilespmem:v5+s19+$0x0], $0xffff;
	v12 =	vor.u32 v18, v58;
	[tilespmem:s30+$0x14460] =	vst v8  }
0x779: {  	v2 =	vld.idx.msk [tilespmem:v63+s19+$0x0], $0xffff;
	[tilespmem:s25+$0x146C0] =	vst v7  }
0x77a: {  	v8 =	vld [tilespmem:$0x1FF70]  }
0x77b: {  	v63 =	vld [tilespmem:$0x1F880]  }
0x77c: {  	v7 =	vld.idx.msk [tilespmem:v11+s19+$0x0], $0xffff  }
0x77d: {  	v6 =	vld.idx.msk [tilespmem:v12+s19+$0x0], $0xffff;
	_ =	sdelay $0x1  }
0x77e: {  	[tilespmem:s24+$0x147D0] =	vst v5  }
0x77f: {  	[tilespmem:s26+$0x14560] =	vst v2;
	v8 =	vor.u32 v8, v36  }
0x780: {  	v0 =	vld.idx.msk [tilespmem:v0+s19+$0x0], $0xffff;
	v11 =	vor.u32 v63, v58;
	[tilespmem:s30+$0x14470] =	vst v7  }
0x781: {  	v1 =	vld.idx.msk [tilespmem:v1+s19+$0x0], $0xffff;
	[tilespmem:s25+$0x146D0] =	vst v6  }
0x782: {  	v14 =	vld [tilespmem:$0x1FCC0]  }
0x783: {  	v16 =	vld [tilespmem:$0x1F8A0]  }
0x784: {  	v31 =	vld.idx.msk [tilespmem:v8+s19+$0x0], $0xffff  }
0x785: {  	v32 =	vld.idx.msk [tilespmem:v11+s19+$0x0], $0xffff;
	_ =	sdelay $0x1  }
0x786: {  	[tilespmem:s24+$0x147E0] =	vst v0  }
0x787: {  	[tilespmem:s26+$0x14570] =	vst v1;
	v6 =	vor.u32 v14, v36  }
0x788: {  	v3 =	vld.idx.msk [tilespmem:v3+s19+$0x0], $0xffff;
	v7 =	vor.u32 v16, v58;
	[tilespmem:s30+$0x14480] =	vst v31  }
0x789: {  	v1 =	vld.idx.msk [tilespmem:v62+s19+$0x0], $0xffff;
	[tilespmem:s25+$0x146E0] =	vst v32  }
0x78a: {  	v5 =	vld [tilespmem:$0x1FCD0]  }
0x78b: {  	v62 =	vld [tilespmem:$0x1F8D0]  }
0x78c: {  	v2 =	vld.idx.msk [tilespmem:v6+s19+$0x0], $0xffff  }
0x78d: {  	v34 =	vld.idx.msk [tilespmem:v7+s19+$0x0], $0xffff;
	_ =	sdelay $0x1  }
0x78e: {  	[tilespmem:s26+$0x14580] =	vst v1  }
0x78f: {  	[tilespmem:s24+$0x147F0] =	vst v3;
	v5 =	vor.u32 v5, v36  }
0x790: {  	v1 =	vld.idx.msk [tilespmem:v56+s19+$0x0], $0xffff;
	v6 =	vor.u32 v62, v58;
	[tilespmem:s30+$0x14490] =	vst v2  }
0x791: {  	v4 =	vld.idx.msk [tilespmem:v4+s19+$0x0], $0xffff;
	[tilespmem:s25+$0x146F0] =	vst v34  }
0x792: {  	v3 =	vld [tilespmem:$0x1FCE0]  }
0x793: {  	v56 =	vld [tilespmem:$0x1F900]  }
0x794: {  	v38 =	vld.idx.msk [tilespmem:v5+s19+$0x0], $0xffff  }
0x795: {  	v40 =	vld.idx.msk [tilespmem:v6+s19+$0x0], $0xffff;
	_ =	sdelay $0x1  }
0x796: {  	[tilespmem:s26+$0x14590] =	vst v1  }
0x797: {  	[tilespmem:s24+$0x14800] =	vst v4;
	v3 =	vor.u32 v3, v36  }
0x798: {  	v1 =	vld.idx.msk [tilespmem:v54+s19+$0x0], $0xffff;
	v43 =	vor.u32 v56, v58;
	[tilespmem:s30+$0x144A0] =	vst v38  }
0x799: {  	v4 =	vld.idx.msk [tilespmem:v61+s19+$0x0], $0xffff;
	[tilespmem:s25+$0x14700] =	vst v40  }
0x79a: {  	v27 =	vld [tilespmem:$0x1FCF0]  }
0x79b: {  	v54 =	vld [tilespmem:$0x1F920]  }
0x79c: {  	v0 =	vld.idx.msk [tilespmem:v3+s19+$0x0], $0xffff  }
0x79d: {  	v2 =	vld.idx.msk [tilespmem:v43+s19+$0x0], $0xffff;
	_ =	sdelay $0x1  }
0x79e: {  	[tilespmem:s26+$0x145A0] =	vst v1  }
0x79f: {  	[tilespmem:s24+$0x14810] =	vst v4;
	v3 =	vor.u32 v27, v36  }
0x7a0: {  	v1 =	vld.idx.msk [tilespmem:v52+s19+$0x0], $0xffff;
	v29 =	vor.u32 v54, v58;
	[tilespmem:s30+$0x144B0] =	vst v0  }
0x7a1: {  	v4 =	vld.idx.msk [tilespmem:v55+s19+$0x0], $0xffff;
	[tilespmem:s25+$0x14710] =	vst v2  }
0x7a2: {  	v30 =	vld [tilespmem:$0x1FD00]  }
0x7a3: {  	v52 =	vld [tilespmem:$0x1F940]  }
0x7a4: {  	v0 =	vld.idx.msk [tilespmem:v3+s19+$0x0], $0xffff  }
0x7a5: {  	v2 =	vld.idx.msk [tilespmem:v29+s19+$0x0], $0xffff;
	_ =	sdelay $0x1  }
0x7a6: {  	[tilespmem:s26+$0x145B0] =	vst v1  }
0x7a7: {  	[tilespmem:s24+$0x14820] =	vst v4;
	v3 =	vor.u32 v30, v36  }
0x7a8: {  	v1 =	vld.idx.msk [tilespmem:v49+s19+$0x0], $0xffff;
	v31 =	vor.u32 v52, v58;
	[tilespmem:s30+$0x144C0] =	vst v0  }
0x7a9: {  	v4 =	vld.idx.msk [tilespmem:v53+s19+$0x0], $0xffff;
	[tilespmem:s25+$0x14720] =	vst v2  }
0x7aa: {  	v12 =	vld [tilespmem:$0x1FF30]  }
0x7ab: {  	v53 =	vld [tilespmem:$0x1F960]  }
0x7ac: {  	v0 =	vld.idx.msk [tilespmem:v3+s19+$0x0], $0xffff  }
0x7ad: {  	v2 =	vld.idx.msk [tilespmem:v31+s19+$0x0], $0xffff;
	_ =	sdelay $0x1  }
0x7ae: {  	[tilespmem:s26+$0x145C0] =	vst v1;
	v32 =	vor.u32 v12, v36  }
0x7af: {  	[tilespmem:s24+$0x14830] =	vst v4;
	v34 =	vor.u32 v53, v58  }
0x7b0: {  	v1 =	vld.idx.msk [tilespmem:v48+s19+$0x0], $0xffff;
	[tilespmem:s30+$0x144D0] =	vst v0  }
0x7b1: {  	v4 =	vld.idx.msk [tilespmem:v51+s19+$0x0], $0xffff;
	[tilespmem:s25+$0x14730] =	vst v2  }
0x7b2: {  	v38 =	vld [tilespmem:$0x1FF00]  }
0x7b3: {  	v0 =	vld.idx.msk [tilespmem:v32+s19+$0x0], $0xffff  }
0x7b4: {  	[tilespmem:s28+$0x14900] =	vst v10;
	v2 =	vld.idx.msk [tilespmem:v34+s19+$0x0], $0xffff  }
0x7b5: {  	v48 =	vld [tilespmem:$0x1F980];
	[tilespmem:s26+$0x145D0] =	vst v1  }
0x7b6: {  	v51 =	vld [tilespmem:$0x1F830]  }
0x7b7: {  	v43 =	vld.idx.msk [tilespmem:v35+s19+$0x0], $0xffff;
	_ =	sdelay $0x1  }
0x7b8: {  	[tilespmem:s24+$0x14840] =	vst v4;
	v3 =	vor.u32 v38, v36  }
0x7b9: {  	v6 =	vld.idx.msk [tilespmem:v46+s19+$0x0], $0xffff;
	v40 =	vor.u32 v48, v58;
	[tilespmem:s30+$0x144E0] =	vst v0  }
0x7ba: {  	v55 =	vld.idx.msk [tilespmem:v47+s19+$0x0], $0xffff;
	[tilespmem:s25+$0x14740] =	vst v2;
	v7 =	vor.u32 v51, v60  }
0x7bb: {  	v11 =	vld [tilespmem:$0x1FF10];
	[tilespmem:s28+$0x14910] =	vst v43  }
0x7bc: {  	v46 =	vld [tilespmem:$0x1F9A0]  }
0x7bd: {  	v0 =	vld.idx.msk [tilespmem:v3+s19+$0x0], $0xffff  }
0x7be: {  	v2 =	vld.idx.msk [tilespmem:v40+s19+$0x0], $0xffff  }
0x7bf: {  	[tilespmem:s26+$0x145E0] =	vst v6;
	v27 =	vld.idx.msk [tilespmem:v7+s19+$0x0], $0xffff  }
0x7c0: {  	v6 =	vld.idx.msk [tilespmem:v44+s19+$0x0], $0xffff  }
0x7c1: {  	v47 =	vld [tilespmem:$0x1F850];
	[tilespmem:s24+$0x14850] =	vst v55  }
0x7c2: {  	[tilespmem:s30+$0x144F0] =	vst v0  }
0x7c3: {  	[tilespmem:s25+$0x14750] =	vst v2  }
0x7c4: {  	v10 =	vld [tilespmem:$0x1FF20];
	[tilespmem:s28+$0x14920] =	vst v27  }
0x7c5: {  	v44 =	vld [tilespmem:$0x1F9C0];
	[tilespmem:s26+$0x145F0] =	vst v6  }
0x7c6: {  	v49 =	vor.u32 v11, v36;
	v6 =	vld [tilespmem:$0x1FB80]  }
0x7c7: {  	v61 =	vor.u32 v46, v58  }
0x7c8: {  	v7 =	vor.u32 v47, v60;
	_ =	sdelay $0x1  }
0x7c9: {  	v31 =	vld.idx.msk [tilespmem:v42+s19+$0x0], $0xffff  }
0x7ca: {  	v0 =	vld.idx.msk [tilespmem:v49+s19+$0x0], $0xffff  }
0x7cb: {  	v29 =	vld.idx.msk [tilespmem:v61+s19+$0x0], $0xffff  }
0x7cc: {  	v5 =	vld.idx.msk [tilespmem:v7+s19+$0x0], $0xffff  }
0x7cd: {  	v6 =	vld.idx.msk [tilespmem:v6+s19+$0x0], $0xffff  }
0x7ce: {  	v49 =	vld [tilespmem:$0x1F870];
	[tilespmem:s24+$0x14860] =	vst v31  }
0x7cf: {  	[tilespmem:s30+$0x14500] =	vst v0  }
0x7d0: {  	[tilespmem:s25+$0x14760] =	vst v29  }
0x7d1: {  	v43 =	vld [tilespmem:$0x1FEF0];
	[tilespmem:s28+$0x14930] =	vst v5  }
0x7d2: {  	v30 =	vor.u32 v10, v36;
	v42 =	vld [tilespmem:$0x1FA10];
	[tilespmem:s26+$0x14600] =	vst v6  }
0x7d3: {  	v32 =	vor.u32 v44, v58;
	v6 =	vld [tilespmem:$0x1FB90]  }
0x7d4: {  	v7 =	vor.u32 v49, v60;
	_ =	sdelay $0x1  }
0x7d5: {  	v3 =	vld.idx.msk [tilespmem:v28+s19+$0x0], $0xffff  }
0x7d6: {  	v0 =	vld.idx.msk [tilespmem:v30+s19+$0x0], $0xffff  }
0x7d7: {  	v1 =	vld.idx.msk [tilespmem:v32+s19+$0x0], $0xffff  }
0x7d8: {  	v5 =	vld.idx.msk [tilespmem:v7+s19+$0x0], $0xffff  }
0x7d9: {  	v55 =	vld [tilespmem:$0x1F890]  }
0x7da: {  	v6 =	vld.idx.msk [tilespmem:v6+s19+$0x0], $0xffff  }
0x7db: {  	[tilespmem:s30+$0x14510] =	vst v0  }
0x7dc: {  	v34 =	vor.u32 v43, v36;
	[tilespmem:s25+$0x14770] =	vst v1  }
0x7dd: {  	v35 =	vor.u32 v42, v58;
	[tilespmem:s24+$0x14870] =	vst v3  }
0x7de: {  	v15 =	vld [tilespmem:$0x1FEE0];
	[tilespmem:s28+$0x14940] =	vst v5  }
0x7df: {  	v40 =	vld [tilespmem:$0x1FA60];
	v7 =	vor.u32 v55, v60;
	[tilespmem:s26+$0x14610] =	vst v6  }
0x7e0: {  	v6 =	vld [tilespmem:$0x1FBB0]  }
0x7e1: {  	v0 =	vld.idx.msk [tilespmem:v34+s19+$0x0], $0xffff  }
0x7e2: {  	v1 =	vld.idx.msk [tilespmem:v35+s19+$0x0], $0xffff  }
0x7e3: {  	v3 =	vld.idx.msk [tilespmem:v41+s19+$0x0], $0xffff  }
0x7e4: {  	v5 =	vld.idx.msk [tilespmem:v7+s19+$0x0], $0xffff;
	_ =	sdelay $0x1  }
0x7e5: {  	v7 =	vld [tilespmem:$0x1F8C0];
	[tilespmem:s30+$0x14520] =	vst v0  }
0x7e6: {  	v38 =	vor.u32 v15, v36;
	[tilespmem:s25+$0x14780] =	vst v1  }
0x7e7: {  	[tilespmem:s24+$0x14880] =	vst v3;
	v6 =	vld.idx.msk [tilespmem:v6+s19+$0x0], $0xffff  }
0x7e8: {  	[tilespmem:s28+$0x14950] =	vst v5  }
0x7e9: {  	v3 =	vld [tilespmem:$0x1FBE0];
	_ =	sdelay $0x1  }
0x7ea: {  	v41 =	vor.u32 v40, v58;
	v0 =	vld.idx.msk [tilespmem:v38+s19+$0x0], $0xffff  }
0x7eb: {  	v38 =	vld [tilespmem:$0x1FA80];
	[tilespmem:s26+$0x14620] =	vst v6  }
0x7ec: {  	v7 =	vor.u32 v7, v60;
	v6 =	vld [tilespmem:$0x1FBD0];
	_ =	sdelay $0x2  }
0x7ed: {  	v1 =	vld.idx.msk [tilespmem:v41+s19+$0x0], $0xffff  }
0x7ee: {  	v3 =	vld.idx.msk [tilespmem:v3+s19+$0x0], $0xffff  }
0x7ef: {  	v5 =	vld.idx.msk [tilespmem:v7+s19+$0x0], $0xffff  }
0x7f0: {  	v7 =	vld [tilespmem:$0x1F8F0];
	_ =	sdelay $0x1  }
0x7f1: {  	v6 =	vld.idx.msk [tilespmem:v6+s19+$0x0], $0xffff  }
0x7f2: {  	[tilespmem:s30+$0x14530] =	vst v0  }
0x7f3: {  	v61 =	vor.u32 v33, v36;
	[tilespmem:s25+$0x14790] =	vst v1  }
0x7f4: {  	[tilespmem:s24+$0x14890] =	vst v3;
	v7 =	vor.u32 v7, v60  }
0x7f5: {  	v17 =	vld [tilespmem:$0x1FA90];
	[tilespmem:s28+$0x14960] =	vst v5  }
0x7f6: {  	v27 =	vor.u32 v38, v58;
	v35 =	vld [tilespmem:$0x1FAA0];
	[tilespmem:s26+$0x14630] =	vst v6  }
0x7f7: {  	v6 =	vld [tilespmem:$0x1FC00]  }
0x7f8: {  	v0 =	vld.idx.msk [tilespmem:v61+s19+$0x0], $0xffff  }
0x7f9: {  	v5 =	vld.idx.msk [tilespmem:v7+s19+$0x0], $0xffff  }
0x7fa: {  	v7 =	vld [tilespmem:$0x1F910]  }
0x7fb: {  	v1 =	vld.idx.msk [tilespmem:v27+s19+$0x0], $0xffff;
	v28 =	vor.u32 v17, v36  }
0x7fc: {  	v3 =	vld.idx.msk [tilespmem:v25+s19+$0x0], $0xffff;
	_ =	sdelay $0x2  }
0x7fd: {  	[tilespmem:s30+$0x14540] =	vst v0;
	v7 =	vor.u32 v7, v60;
	v6 =	vld.idx.msk [tilespmem:v6+s19+$0x0], $0xffff  }
0x7fe: {  	[tilespmem:s25+$0x147A0] =	vst v1;
	v0 =	vld.idx.msk [tilespmem:v28+s19+$0x0], $0xffff  }
0x7ff: {  	v29 =	vor.u32 v35, v58;
	v1 =	vld [tilespmem:$0x1FFF0];
	[tilespmem:s24+$0x148A0] =	vst v3  }
0x800: {  	v13 =	vld [tilespmem:$0x1FAB0];
	[tilespmem:s28+$0x14970] =	vst v5  }
0x801: {  	v34 =	vld [tilespmem:$0x1FAC0];
	[tilespmem:s29+$0x149F0] =	vst v9  }
0x802: {  	[tilespmem:s26+$0x14640] =	vst v6;
	v6 =	vld.idx.msk [tilespmem:v7+s19+$0x0], $0xffff  }
0x803: {  	v7 =	vld [tilespmem:$0x1FC10]  }
0x804: {  	v30 =	vld.idx.msk [tilespmem:v29+s19+$0x0], $0xffff;
	v1 =	vor.u32 v1, v50;
	_ =	sdelay $0x2  }
0x805: {  	v41 =	vld.idx.msk [tilespmem:v24+s19+$0x0], $0xffff  }
0x806: {  	v31 =	vor.u32 v13, v36;
	v8 =	vld [tilespmem:$0x1F930];
	[tilespmem:s30+$0x14550] =	vst v0  }
0x807: {  	v24 =	vld.idx.msk [tilespmem:v1+s19+$0x0], $0xffff;
	[tilespmem:s25+$0x147B0] =	vst v30  }
0x808: {  	v2 =	vld [tilespmem:$0x1FFD0]  }
0x809: {  	v7 =	vld.idx.msk [tilespmem:v7+s19+$0x0], $0xffff;
	_ =	sdelay $0x1  }
0x80a: {  	v25 =	vld.idx.msk [tilespmem:v31+s19+$0x0], $0xffff;
	[tilespmem:s24+$0x148B0] =	vst v41  }
0x80b: {  	v61 =	vor.u32 v34, v58;
	v31 =	vld [tilespmem:$0x1FAD0];
	[tilespmem:s28+$0x14980] =	vst v6  }
0x80c: {  	v32 =	vld [tilespmem:$0x1FAE0];
	[tilespmem:s31+$0x143F0] =	vst v24  }
0x80d: {  	v2 =	vor.u32 v2, v50;
	[tilespmem:s26+$0x14650] =	vst v7  }
0x80e: {  	v8 =	vor.u32 v8, v60;
	v0 =	vld [tilespmem:$0x1FC20];
	_ =	sdelay $0x1  }
0x80f: {  	v27 =	vld.idx.msk [tilespmem:v61+s19+$0x0], $0xffff;
	v29 =	vor.u32 v31, v36  }
0x810: {  	v41 =	vld.idx.msk [tilespmem:v23+s19+$0x0], $0xffff  }
0x811: {  	v61 =	vld.idx.msk [tilespmem:v2+s19+$0x0], $0xffff  }
0x812: {  	v7 =	vld.idx.msk [tilespmem:v8+s19+$0x0], $0xffff  }
0x813: {  	v8 =	vld [tilespmem:$0x1F950];
	[tilespmem:s30+$0x14560] =	vst v25  }
0x814: {  	v24 =	vld.idx.msk [tilespmem:v29+s19+$0x0], $0xffff  }
0x815: {  	[tilespmem:s25+$0x147C0] =	vst v27;
	v0 =	vld.idx.msk [tilespmem:v0+s19+$0x0], $0xffff  }
0x816: {  	v3 =	vld [tilespmem:$0x1FFE0];
	[tilespmem:s24+$0x148C0] =	vst v41  }
0x817: {  	v6 =	vor.u32 v32, v58;
	v29 =	vld [tilespmem:$0x1FAF0]  }
0x818: {  	[tilespmem:s28+$0x14990] =	vst v7;
	v8 =	vor.u32 v8, v60  }
0x819: {  	v30 =	vld [tilespmem:$0x1FB00];
	[tilespmem:s31+$0x14400] =	vst v61  }
0x81a: {  	[tilespmem:s26+$0x14660] =	vst v0  }
0x81b: {  	v3 =	vor.u32 v3, v50;
	v1 =	vld [tilespmem:$0x1FC30]  }
0x81c: {  	v25 =	vld.idx.msk [tilespmem:v6+s19+$0x0], $0xffff;
	v27 =	vor.u32 v29, v36  }
0x81d: {  	v0 =	vld.idx.msk [tilespmem:v8+s19+$0x0], $0xffff  }
0x81e: {  	v8 =	vld [tilespmem:$0x1F970]  }
0x81f: {  	v6 =	vld.idx.msk [tilespmem:v22+s19+$0x0], $0xffff;
	v7 =	vor.u32 v30, v58  }
0x820: {  	v41 =	vld.idx.msk [tilespmem:v3+s19+$0x0], $0xffff;
	[tilespmem:s30+$0x14570] =	vst v24  }
0x821: {  	[tilespmem:s25+$0x147D0] =	vst v25;
	v3 =	vld.idx.msk [tilespmem:v27+s19+$0x0], $0xffff  }
0x822: {  	v4 =	vld [tilespmem:$0x1FFB0]  }
0x823: {  	v8 =	vor.u32 v8, v60;
	v1 =	vld.idx.msk [tilespmem:v1+s19+$0x0], $0xffff  }
0x824: {  	[tilespmem:s24+$0x148D0] =	vst v6;
	v61 =	vld.idx.msk [tilespmem:v7+s19+$0x0], $0xffff  }
0x825: {  	v27 =	vld [tilespmem:$0x1FB10]  }
0x826: {  	v26 =	vld.idx.msk [tilespmem:v26+s19+$0x0], $0xffff;
	[tilespmem:s28+$0x149A0] =	vst v0  }
0x827: {  	v28 =	vld [tilespmem:$0x1FB20]  }
0x828: {  	[tilespmem:s26+$0x14670] =	vst v1;
	v1 =	vld.idx.msk [tilespmem:v8+s19+$0x0], $0xffff  }
0x829: {  	[tilespmem:s31+$0x14410] =	vst v41  }
0x82a: {  	v8 =	vld [tilespmem:$0x1F990];
	[tilespmem:s30+$0x14580] =	vst v3  }
0x82b: {  	[tilespmem:s25+$0x147E0] =	vst v61  }
0x82c: {  	v5 =	vld [tilespmem:$0x1FF90];
	[tilespmem:s24+$0x148E0] =	vst v26  }
0x82d: {  	v4 =	vor.u32 v4, v50;
	v25 =	vld [tilespmem:$0x1FB30];
	[tilespmem:s28+$0x149B0] =	vst v1  }
0x82e: {  	v6 =	vor.u32 v27, v36;
	v1 =	vld [tilespmem:$0x1FC50]  }
0x82f: {  	v7 =	vor.u32 v28, v58;
	_ =	sdelay $0x1  }
0x830: {  	v41 =	vld.idx.msk [tilespmem:v37+s19+$0x0], $0xffff  }
0x831: {  	v3 =	vld.idx.msk [tilespmem:v4+s19+$0x0], $0xffff;
	v8 =	vor.u32 v8, v60  }
0x832: {  	v61 =	vld.idx.msk [tilespmem:v6+s19+$0x0], $0xffff  }
0x833: {  	v0 =	vld.idx.msk [tilespmem:v7+s19+$0x0], $0xffff  }
0x834: {  	v37 =	vld [tilespmem:$0x1FB40]  }
0x835: {  	[tilespmem:s26+$0x14680] =	vst v41;
	v1 =	vld.idx.msk [tilespmem:v1+s19+$0x0], $0xffff  }
0x836: {  	[tilespmem:s31+$0x14420] =	vst v3;
	v41 =	vld.idx.msk [tilespmem:v8+s19+$0x0], $0xffff  }
0x837: {  	v3 =	vld [tilespmem:$0x1FC40]  }
0x838: {  	v8 =	vld [tilespmem:$0x1F9B0];
	[tilespmem:s30+$0x14590] =	vst v61  }
0x839: {  	[tilespmem:s25+$0x147F0] =	vst v0  }
0x83a: {  	v5 =	vor.u32 v5, v50;
	v26 =	vld [tilespmem:$0x1FF40];
	[tilespmem:s24+$0x148F0] =	vst v1  }
0x83b: {  	v22 =	vld [tilespmem:$0x1FB50];
	[tilespmem:s28+$0x149C0] =	vst v41  }
0x83c: {  	v6 =	vor.u32 v25, v36;
	v2 =	vld [tilespmem:$0x1FC60]  }
0x83d: {  	v7 =	vor.u32 v37, v58;
	_ =	sdelay $0x1  }
0x83e: {  	v61 =	vld.idx.msk [tilespmem:v5+s19+$0x0], $0xffff  }
0x83f: {  	v3 =	vld.idx.msk [tilespmem:v3+s19+$0x0], $0xffff;
	v8 =	vor.u32 v8, v60  }
0x840: {  	v0 =	vld.idx.msk [tilespmem:v6+s19+$0x0], $0xffff  }
0x841: {  	v1 =	vld.idx.msk [tilespmem:v7+s19+$0x0], $0xffff  }
0x842: {  	v24 =	vld [tilespmem:$0x1FB60]  }
0x843: {  	v2 =	vld.idx.msk [tilespmem:v2+s19+$0x0], $0xffff  }
0x844: {  	[tilespmem:s26+$0x14690] =	vst v3;
	v41 =	vld.idx.msk [tilespmem:v8+s19+$0x0], $0xffff  }
0x845: {  	[tilespmem:s31+$0x14430] =	vst v61  }
0x846: {  	v5 =	vor.u32 v26, v50;
	v61 =	vld [tilespmem:$0x1F9D0];
	[tilespmem:s30+$0x145A0] =	vst v0  }
0x847: {  	v4 =	vld.idx.msk [tilespmem:v39+s19+$0x0], $0xffff;
	[tilespmem:s25+$0x14800] =	vst v1  }
0x848: {  	v39 =	vld [tilespmem:$0x1FFC0];
	[tilespmem:s24+$0x14900] =	vst v2  }
0x849: {  	v23 =	vld [tilespmem:$0x1FB70];
	[tilespmem:s28+$0x149D0] =	vst v41  }
0x84a: {  	v6 =	vor.u32 v22, v36;
	v3 =	vld [tilespmem:$0x1F9F0]  }
0x84b: {  	v26 =	vld.idx.msk [tilespmem:v5+s19+$0x0], $0xffff;
	v7 =	vor.u32 v24, v58;
	_ =	sdelay $0x1  }
0x84c: {  	v5 =	vor.u32 v39, v50;
	v39 =	vld [tilespmem:$0x1F6C0]  }
0x84d: {  	v8 =	vor.u32 v61, v60  }
0x84e: {  	v1 =	vld.idx.msk [tilespmem:v6+s19+$0x0], $0xffff;
	[tilespmem:s26+$0x146A0] =	vst v4  }
0x84f: {  	v2 =	vld.idx.msk [tilespmem:v7+s19+$0x0], $0xffff;
	[tilespmem:s31+$0x14440] =	vst v26  }
0x850: {  	v26 =	vld [tilespmem:$0x1F9E0];
	v6 =	vor.u32 v23, v36  }
0x851: {  	v7 =	vor.u32 v39, v58;
	v3 =	vld.idx.msk [tilespmem:v3+s19+$0x0], $0xffff  }
0x852: {  	v41 =	vld.idx.msk [tilespmem:v8+s19+$0x0], $0xffff  }
0x853: {  	v8 =	vor.u32 v51, v57;
	v9 =	vld.idx.msk [tilespmem:v21+s19+$0x0], $0xffff  }
0x854: {  	[tilespmem:s30+$0x145B0] =	vst v1;
	v1 =	vld.idx.msk [tilespmem:v5+s19+$0x0], $0xffff  }
0x855: {  	[tilespmem:s25+$0x14810] =	vst v2;
	v0 =	vor.u32 v26, v60;
	v60 =	vld.idx.msk [tilespmem:v6+s19+$0x0], $0xffff  }
0x856: {  	v5 =	vor.u32 v20, v59;
	[tilespmem:s24+$0x14910] =	vst v3;
	v3 =	vld.idx.msk [tilespmem:v7+s19+$0x0], $0xffff  }
0x857: {  	v6 =	vor.u32 v45, v50;
	v21 =	vld [tilespmem:$0x1F6E0]  }
0x858: {  	[tilespmem:s28+$0x149E0] =	vst v41;
	v45 =	vld.idx.msk [tilespmem:v8+s19+$0x0], $0xffff  }
0x859: {  	v41 =	vld [tilespmem:$0x1F6D0];
	[tilespmem:s26+$0x146B0] =	vst v9  }
0x85a: {  	v0 =	vld.idx.msk [tilespmem:v0+s19+$0x0], $0xffff;
	[tilespmem:s31+$0x14450] =	vst v1  }
0x85b: {  	[tilespmem:s30+$0x145C0] =	vst v60;
	v5 =	vld.idx.msk [tilespmem:v5+s19+$0x0], $0xffff  }
0x85c: {  	v60 =	vld.idx.msk [tilespmem:v6+s19+$0x0], $0xffff;
	[tilespmem:s25+$0x14820] =	vst v3  }
0x85d: {  	v1 =	vld [tilespmem:$0x1FFA0];
	_ =	sdelay $0x1  }
0x85e: {  	[tilespmem:s24+$0x14920] =	vst v45  }
0x85f: {  	[tilespmem:s28+$0x149F0] =	vst v0  }
0x860: {  	[tilespmem:s26+$0x146C0] =	vst v5  }
0x861: {  	[tilespmem:s31+$0x14460] =	vst v60;
	v6 =	vor.u32 v1, v50  }
0x862: {  	v60 =	vld [tilespmem:$0x1FF70];
	_ =	sdelay $0x3  }
0x863: {  	v2 =	vld.idx.msk [tilespmem:v6+s19+$0x0], $0xffff  }
0x864: {  	v45 =	vor.u32 v60, v50;
	_ =	sdelay $0x3  }
0x865: {  	[tilespmem:s31+$0x14470] =	vst v2  }
0x866: {  	v2 =	vld.idx.msk [tilespmem:v45+s19+$0x0], $0xffff  }
0x867: {  	v45 =	vor.u32 v14, v50;
	_ =	sdelay $0x3  }
0x868: {  	[tilespmem:s31+$0x14480] =	vst v2  }
0x869: {  	v2 =	vld.idx.msk [tilespmem:v45+s19+$0x0], $0xffff  }
0x86a: {  	v45 =	vld [tilespmem:$0x1FCD0];
	_ =	sdelay $0x4  }
0x86b: {  	v4 =	vor.u32 v45, v50;
	[tilespmem:s31+$0x14490] =	vst v2  }
0x86c: {  	v45 =	vld [tilespmem:$0x1FCE0];
	_ =	sdelay $0x3  }
0x86d: {  	v2 =	vld.idx.msk [tilespmem:v4+s19+$0x0], $0xffff  }
0x86e: {  	v4 =	vor.u32 v45, v50;
	_ =	sdelay $0x3  }
0x86f: {  	[tilespmem:s31+$0x144A0] =	vst v2  }
0x870: {  	v2 =	vld.idx.msk [tilespmem:v4+s19+$0x0], $0xffff  }
0x871: {  	v45 =	vld [tilespmem:$0x1FCF0];
	_ =	sdelay $0x4  }
0x872: {  	v4 =	vor.u32 v45, v50;
	[tilespmem:s31+$0x144B0] =	vst v2  }
0x873: {  	v45 =	vld [tilespmem:$0x1FD00];
	_ =	sdelay $0x3  }
0x874: {  	v2 =	vld.idx.msk [tilespmem:v4+s19+$0x0], $0xffff  }
0x875: {  	v4 =	vor.u32 v45, v50;
	_ =	sdelay $0x3  }
0x876: {  	[tilespmem:s31+$0x144C0] =	vst v2  }
0x877: {  	v2 =	vld.idx.msk [tilespmem:v4+s19+$0x0], $0xffff;
	_ =	sdelay $0x4  }
0x878: {  	v45 =	vor.u32 v12, v50;
	[tilespmem:s31+$0x144D0] =	vst v2  }
0x879: {  	v14 =	vmov v12;
	v12 =	vld [tilespmem:$0x1FF00];
	_ =	sdelay $0x3  }
0x87a: {  	v2 =	vld.idx.msk [tilespmem:v45+s19+$0x0], $0xffff  }
0x87b: {  	v45 =	vor.u32 v12, v50;
	_ =	sdelay $0x3  }
0x87c: {  	[tilespmem:s31+$0x144E0] =	vst v2  }
0x87d: {  	v2 =	vld.idx.msk [tilespmem:v45+s19+$0x0], $0xffff  }
0x87e: {  	v45 =	vor.u32 v11, v50;
	_ =	sdelay $0x3  }
0x87f: {  	[tilespmem:s31+$0x144F0] =	vst v2  }
0x880: {  	v2 =	vld.idx.msk [tilespmem:v45+s19+$0x0], $0xffff  }
0x881: {  	v45 =	vor.u32 v10, v50;
	_ =	sdelay $0x3  }
0x882: {  	[tilespmem:s31+$0x14500] =	vst v2  }
0x883: {  	v2 =	vld.idx.msk [tilespmem:v45+s19+$0x0], $0xffff  }
0x884: {  	v45 =	vor.u32 v43, v50;
	_ =	sdelay $0x3  }
0x885: {  	[tilespmem:s31+$0x14510] =	vst v2  }
0x886: {  	v2 =	vld.idx.msk [tilespmem:v45+s19+$0x0], $0xffff  }
0x887: {  	v45 =	vor.u32 v15, v50;
	_ =	sdelay $0x3  }
0x888: {  	[tilespmem:s31+$0x14520] =	vst v2  }
0x889: {  	v2 =	vld.idx.msk [tilespmem:v45+s19+$0x0], $0xffff  }
0x88a: {  	v33 =	vor.u32 v33, v50;
	_ =	sdelay $0x3  }
0x88b: {  	[tilespmem:s31+$0x14530] =	vst v2  }
0x88c: {  	v2 =	vld.idx.msk [tilespmem:v33+s19+$0x0], $0xffff  }
0x88d: {  	v45 =	vor.u32 v17, v50;
	_ =	sdelay $0x3  }
0x88e: {  	[tilespmem:s31+$0x14540] =	vst v2  }
0x88f: {  	v2 =	vld.idx.msk [tilespmem:v45+s19+$0x0], $0xffff  }
0x890: {  	v33 =	vor.u32 v13, v50;
	_ =	sdelay $0x3  }
0x891: {  	[tilespmem:s31+$0x14550] =	vst v2  }
0x892: {  	v2 =	vld.idx.msk [tilespmem:v33+s19+$0x0], $0xffff  }
0x893: {  	v45 =	vor.u32 v31, v50;
	_ =	sdelay $0x3  }
0x894: {  	[tilespmem:s31+$0x14560] =	vst v2  }
0x895: {  	v2 =	vld.idx.msk [tilespmem:v45+s19+$0x0], $0xffff  }
0x896: {  	v29 =	vor.u32 v29, v50;
	_ =	sdelay $0x3  }
0x897: {  	[tilespmem:s31+$0x14570] =	vst v2  }
0x898: {  	v2 =	vld.idx.msk [tilespmem:v29+s19+$0x0], $0xffff  }
0x899: {  	v31 =	vor.u32 v27, v50;
	_ =	sdelay $0x3  }
0x89a: {  	[tilespmem:s31+$0x14580] =	vst v2  }
0x89b: {  	v2 =	vld.idx.msk [tilespmem:v31+s19+$0x0], $0xffff  }
0x89c: {  	v33 =	vor.u32 v25, v50;
	_ =	sdelay $0x3  }
0x89d: {  	[tilespmem:s31+$0x14590] =	vst v2  }
0x89e: {  	v2 =	vld.idx.msk [tilespmem:v33+s19+$0x0], $0xffff  }
0x89f: {  	v45 =	vor.u32 v22, v50;
	_ =	sdelay $0x3  }
0x8a0: {  	[tilespmem:s31+$0x145A0] =	vst v2  }
0x8a1: {  	v2 =	vld.idx.msk [tilespmem:v45+s19+$0x0], $0xffff  }
0x8a2: {  	v25 =	vor.u32 v23, v50;
	_ =	sdelay $0x3  }
0x8a3: {  	[tilespmem:s31+$0x145B0] =	vst v2  }
0x8a4: {  	v7 =	vor.u32 v21, v36;
	v2 =	vld.idx.msk [tilespmem:v25+s19+$0x0], $0xffff  }
0x8a5: {  	v27 =	vor.u32 v21, v50;
	_ =	sdelay $0x3  }
0x8a6: {  	v3 =	vld.idx.msk [tilespmem:v7+s19+$0x0], $0xffff;
	[tilespmem:s31+$0x145C0] =	vst v2  }
0x8a7: {  	v9 =	vor.u32 v47, v57;
	v2 =	vld.idx.msk [tilespmem:v27+s19+$0x0], $0xffff  }
0x8a8: {  	v8 =	vor.u32 v41, v58;
	v5 =	vld [tilespmem:$0x1F700];
	_ =	sdelay $0x3  }
0x8a9: {  	v0 =	vld.idx.msk [tilespmem:v9+s19+$0x0], $0xffff;
	[tilespmem:s30+$0x145D0] =	vst v3  }
0x8aa: {  	v1 =	vld.idx.msk [tilespmem:v8+s19+$0x0], $0xffff;
	v29 =	vor.u32 v5, v36;
	[tilespmem:s31+$0x145D0] =	vst v2  }
0x8ab: {  	v5 =	vor.u32 v5, v50;
	v33 =	vld [tilespmem:$0x1F720];
	_ =	sdelay $0x3  }
0x8ac: {  	v2 =	vld.idx.msk [tilespmem:v29+s19+$0x0], $0xffff  }
0x8ad: {  	v31 =	vld.idx.msk [tilespmem:v5+s19+$0x0], $0xffff;
	v45 =	vor.u32 v33, v36  }
0x8ae: {  	v5 =	vor.u32 v33, v50;
	_ =	sdelay $0x2  }
0x8af: {  	[tilespmem:s30+$0x145E0] =	vst v2  }
0x8b0: {  	[tilespmem:s31+$0x145E0] =	vst v31;
	v2 =	vld.idx.msk [tilespmem:v45+s19+$0x0], $0xffff  }
0x8b1: {  	v3 =	vld.idx.msk [tilespmem:v5+s19+$0x0], $0xffff  }
0x8b2: {  	v25 =	vld [tilespmem:$0x1F8B0];
	_ =	sdelay $0x3  }
0x8b3: {  	[tilespmem:s30+$0x145F0] =	vst v2  }
0x8b4: {  	v27 =	vor.u32 v25, v36;
	[tilespmem:s31+$0x145F0] =	vst v3  }
0x8b5: {  	v5 =	vor.u32 v25, v50;
	v29 =	vld [tilespmem:$0x1F8E0];
	_ =	sdelay $0x3  }
0x8b6: {  	v2 =	vld.idx.msk [tilespmem:v27+s19+$0x0], $0xffff  }
0x8b7: {  	v3 =	vld.idx.msk [tilespmem:v5+s19+$0x0], $0xffff;
	v31 =	vor.u32 v29, v36  }
0x8b8: {  	v5 =	vor.u32 v29, v50;
	_ =	sdelay $0x2  }
0x8b9: {  	[tilespmem:s30+$0x14600] =	vst v2  }
0x8ba: {  	[tilespmem:s31+$0x14600] =	vst v3;
	v2 =	vld.idx.msk [tilespmem:v31+s19+$0x0], $0xffff  }
0x8bb: {  	v3 =	vld.idx.msk [tilespmem:v5+s19+$0x0], $0xffff  }
0x8bc: {  	v33 =	vld [tilespmem:$0x1F750];
	_ =	sdelay $0x3  }
0x8bd: {  	[tilespmem:s30+$0x14610] =	vst v2  }
0x8be: {  	v45 =	vor.u32 v33, v36;
	[tilespmem:s31+$0x14610] =	vst v3  }
0x8bf: {  	v5 =	vor.u32 v33, v50;
	v25 =	vld [tilespmem:$0x1F770];
	_ =	sdelay $0x3  }
0x8c0: {  	v2 =	vld.idx.msk [tilespmem:v45+s19+$0x0], $0xffff  }
0x8c1: {  	v3 =	vld.idx.msk [tilespmem:v5+s19+$0x0], $0xffff;
	v27 =	vor.u32 v25, v36  }
0x8c2: {  	v5 =	vor.u32 v25, v50;
	_ =	sdelay $0x2  }
0x8c3: {  	[tilespmem:s30+$0x14620] =	vst v2  }
0x8c4: {  	[tilespmem:s31+$0x14620] =	vst v3;
	v2 =	vld.idx.msk [tilespmem:v27+s19+$0x0], $0xffff  }
0x8c5: {  	v3 =	vld.idx.msk [tilespmem:v5+s19+$0x0], $0xffff  }
0x8c6: {  	v29 =	vld [tilespmem:$0x1F790];
	_ =	sdelay $0x3  }
0x8c7: {  	[tilespmem:s30+$0x14630] =	vst v2  }
0x8c8: {  	v31 =	vor.u32 v29, v36;
	[tilespmem:s31+$0x14630] =	vst v3  }
0x8c9: {  	v5 =	vor.u32 v29, v50;
	v33 =	vld [tilespmem:$0x1F7B0];
	_ =	sdelay $0x3  }
0x8ca: {  	v2 =	vld.idx.msk [tilespmem:v31+s19+$0x0], $0xffff  }
0x8cb: {  	v3 =	vld.idx.msk [tilespmem:v5+s19+$0x0], $0xffff;
	v45 =	vor.u32 v33, v36  }
0x8cc: {  	v5 =	vor.u32 v33, v50;
	_ =	sdelay $0x2  }
0x8cd: {  	[tilespmem:s30+$0x14640] =	vst v2  }
0x8ce: {  	[tilespmem:s31+$0x14640] =	vst v3;
	v2 =	vld.idx.msk [tilespmem:v45+s19+$0x0], $0xffff  }
0x8cf: {  	v3 =	vld.idx.msk [tilespmem:v5+s19+$0x0], $0xffff  }
0x8d0: {  	v25 =	vld [tilespmem:$0x1F7D0];
	_ =	sdelay $0x3  }
0x8d1: {  	[tilespmem:s30+$0x14650] =	vst v2  }
0x8d2: {  	v27 =	vor.u32 v25, v36;
	[tilespmem:s31+$0x14650] =	vst v3  }
0x8d3: {  	v5 =	vor.u32 v25, v50;
	v29 =	vld [tilespmem:$0x1F7F0];
	_ =	sdelay $0x3  }
0x8d4: {  	v2 =	vld.idx.msk [tilespmem:v27+s19+$0x0], $0xffff  }
0x8d5: {  	v3 =	vld.idx.msk [tilespmem:v5+s19+$0x0], $0xffff;
	v31 =	vor.u32 v29, v36  }
0x8d6: {  	v5 =	vor.u32 v29, v50;
	_ =	sdelay $0x2  }
0x8d7: {  	[tilespmem:s30+$0x14660] =	vst v2  }
0x8d8: {  	[tilespmem:s31+$0x14660] =	vst v3;
	v2 =	vld.idx.msk [tilespmem:v31+s19+$0x0], $0xffff  }
0x8d9: {  	v3 =	vld.idx.msk [tilespmem:v5+s19+$0x0], $0xffff  }
0x8da: {  	v33 =	vld [tilespmem:$0x1F810];
	_ =	sdelay $0x3  }
0x8db: {  	[tilespmem:s30+$0x14670] =	vst v2  }
0x8dc: {  	v45 =	vor.u32 v33, v36;
	[tilespmem:s31+$0x14670] =	vst v3  }
0x8dd: {  	v5 =	vor.u32 v33, v50;
	v25 =	vld [tilespmem:$0x1F820];
	_ =	sdelay $0x3  }
0x8de: {  	v2 =	vld.idx.msk [tilespmem:v45+s19+$0x0], $0xffff  }
0x8df: {  	v3 =	vld.idx.msk [tilespmem:v5+s19+$0x0], $0xffff;
	v27 =	vor.u32 v25, v36  }
0x8e0: {  	v5 =	vor.u32 v25, v50;
	_ =	sdelay $0x2  }
0x8e1: {  	[tilespmem:s30+$0x14680] =	vst v2  }
0x8e2: {  	[tilespmem:s31+$0x14680] =	vst v3;
	v2 =	vld.idx.msk [tilespmem:v27+s19+$0x0], $0xffff  }
0x8e3: {  	v3 =	vld.idx.msk [tilespmem:v5+s19+$0x0], $0xffff  }
0x8e4: {  	v29 =	vld [tilespmem:$0x1FBC0];
	_ =	sdelay $0x3  }
0x8e5: {  	[tilespmem:s30+$0x14690] =	vst v2  }
0x8e6: {  	v31 =	vor.u32 v29, v36;
	[tilespmem:s31+$0x14690] =	vst v3  }
0x8e7: {  	v5 =	vor.u32 v29, v50;
	v33 =	vld [tilespmem:$0x1FC70];
	_ =	sdelay $0x3  }
0x8e8: {  	v2 =	vld.idx.msk [tilespmem:v31+s19+$0x0], $0xffff  }
0x8e9: {  	v3 =	vld.idx.msk [tilespmem:v5+s19+$0x0], $0xffff;
	v45 =	vor.u32 v33, v36  }
0x8ea: {  	v5 =	vor.u32 v33, v50;
	_ =	sdelay $0x2  }
0x8eb: {  	[tilespmem:s30+$0x146A0] =	vst v2  }
0x8ec: {  	v29 =	vor.u32 v18, v59;
	[tilespmem:s31+$0x146A0] =	vst v3;
	v2 =	vld.idx.msk [tilespmem:v45+s19+$0x0], $0xffff  }
0x8ed: {  	v25 =	vor.u32 v20, v36;
	v3 =	vld.idx.msk [tilespmem:v5+s19+$0x0], $0xffff  }
0x8ee: {  	v27 =	vor.u32 v20, v50;
	_ =	sdelay $0x2  }
0x8ef: {  	[tilespmem:s30+$0x146B0] =	vst v2;
	v2 =	vld.idx.msk [tilespmem:v29+s19+$0x0], $0xffff  }
0x8f0: {  	[tilespmem:s31+$0x146B0] =	vst v3;
	v31 =	vld.idx.msk [tilespmem:v25+s19+$0x0], $0xffff;
	v25 =	vor.u32 v63, v59  }
0x8f1: {  	v45 =	vor.u32 v18, v36;
	v33 =	vld.idx.msk [tilespmem:v27+s19+$0x0], $0xffff  }
0x8f2: {  	v6 =	vor.u32 v18, v50;
	_ =	sdelay $0x1  }
0x8f3: {  	[tilespmem:s26+$0x146D0] =	vst v2  }
0x8f4: {  	[tilespmem:s30+$0x146C0] =	vst v31;
	v2 =	vld.idx.msk [tilespmem:v25+s19+$0x0], $0xffff  }
0x8f5: {  	[tilespmem:s31+$0x146C0] =	vst v33;
	v31 =	vor.u32 v16, v59;
	v27 =	vld.idx.msk [tilespmem:v45+s19+$0x0], $0xffff  }
0x8f6: {  	v29 =	vld.idx.msk [tilespmem:v6+s19+$0x0], $0xffff;
	v6 =	vor.u32 v63, v36  }
0x8f7: {  	v7 =	vor.u32 v63, v50;
	_ =	sdelay $0x1  }
0x8f8: {  	[tilespmem:s26+$0x146E0] =	vst v2  }
0x8f9: {  	[tilespmem:s30+$0x146D0] =	vst v27;
	v2 =	vld.idx.msk [tilespmem:v31+s19+$0x0], $0xffff  }
0x8fa: {  	v45 =	vor.u32 v62, v59;
	[tilespmem:s31+$0x146D0] =	vst v29;
	v4 =	vld.idx.msk [tilespmem:v6+s19+$0x0], $0xffff  }
0x8fb: {  	v33 =	vor.u32 v16, v36;
	v6 =	vld.idx.msk [tilespmem:v7+s19+$0x0], $0xffff  }
0x8fc: {  	v7 =	vor.u32 v16, v50;
	_ =	sdelay $0x1  }
0x8fd: {  	[tilespmem:s26+$0x146F0] =	vst v2  }
0x8fe: {  	[tilespmem:s30+$0x146E0] =	vst v4;
	v2 =	vld.idx.msk [tilespmem:v45+s19+$0x0], $0xffff  }
0x8ff: {  	v25 =	vor.u32 v56, v59;
	[tilespmem:s31+$0x146E0] =	vst v6;
	v4 =	vld.idx.msk [tilespmem:v33+s19+$0x0], $0xffff  }
0x900: {  	v63 =	vor.u32 v62, v36;
	v6 =	vld.idx.msk [tilespmem:v7+s19+$0x0], $0xffff  }
0x901: {  	v7 =	vor.u32 v62, v50;
	_ =	sdelay $0x1  }
0x902: {  	[tilespmem:s26+$0x14700] =	vst v2  }
0x903: {  	[tilespmem:s30+$0x146F0] =	vst v4;
	v2 =	vld.idx.msk [tilespmem:v25+s19+$0x0], $0xffff  }
0x904: {  	v29 =	vor.u32 v54, v59;
	[tilespmem:s31+$0x146F0] =	vst v6;
	v4 =	vld.idx.msk [tilespmem:v63+s19+$0x0], $0xffff  }
0x905: {  	v27 =	vor.u32 v56, v36;
	v6 =	vld.idx.msk [tilespmem:v7+s19+$0x0], $0xffff  }
0x906: {  	v7 =	vor.u32 v56, v50;
	_ =	sdelay $0x1  }
0x907: {  	[tilespmem:s26+$0x14710] =	vst v2  }
0x908: {  	[tilespmem:s30+$0x14700] =	vst v4;
	v2 =	vld.idx.msk [tilespmem:v29+s19+$0x0], $0xffff  }
0x909: {  	v33 =	vor.u32 v52, v59;
	[tilespmem:s31+$0x14700] =	vst v6;
	v4 =	vld.idx.msk [tilespmem:v27+s19+$0x0], $0xffff  }
0x90a: {  	v31 =	vor.u32 v54, v36;
	v6 =	vld.idx.msk [tilespmem:v7+s19+$0x0], $0xffff  }
0x90b: {  	v7 =	vor.u32 v54, v50;
	_ =	sdelay $0x1  }
0x90c: {  	[tilespmem:s26+$0x14720] =	vst v2  }
0x90d: {  	[tilespmem:s30+$0x14710] =	vst v4;
	v2 =	vld.idx.msk [tilespmem:v33+s19+$0x0], $0xffff  }
0x90e: {  	[tilespmem:s31+$0x14710] =	vst v6;
	v4 =	vld.idx.msk [tilespmem:v31+s19+$0x0], $0xffff  }
0x90f: {  	v45 =	vor.u32 v52, v36;
	v6 =	vld.idx.msk [tilespmem:v7+s19+$0x0], $0xffff;
	v7 =	vor.u32 v52, v50;
	v52 =	vor.u32 v53, v59;
	_ =	sdelay $0x3  }
0x910: {  	[tilespmem:s26+$0x14730] =	vst v2  }
0x911: {  	[tilespmem:s30+$0x14720] =	vst v4;
	v2 =	vld.idx.msk [tilespmem:v52+s19+$0x0], $0xffff  }
0x912: {  	v56 =	vor.u32 v48, v59;
	[tilespmem:s31+$0x14720] =	vst v6;
	v4 =	vld.idx.msk [tilespmem:v45+s19+$0x0], $0xffff  }
0x913: {  	v54 =	vor.u32 v53, v36;
	v6 =	vld.idx.msk [tilespmem:v7+s19+$0x0], $0xffff  }
0x914: {  	v7 =	vor.u32 v53, v50;
	_ =	sdelay $0x1  }
0x915: {  	[tilespmem:s26+$0x14740] =	vst v2  }
0x916: {  	[tilespmem:s30+$0x14730] =	vst v4;
	v2 =	vld.idx.msk [tilespmem:v56+s19+$0x0], $0xffff  }
0x917: {  	v63 =	vor.u32 v46, v59;
	[tilespmem:s31+$0x14730] =	vst v6;
	v4 =	vld.idx.msk [tilespmem:v54+s19+$0x0], $0xffff  }
0x918: {  	v62 =	vor.u32 v48, v36;
	v6 =	vld.idx.msk [tilespmem:v7+s19+$0x0], $0xffff  }
0x919: {  	v7 =	vor.u32 v48, v50;
	_ =	sdelay $0x1  }
0x91a: {  	[tilespmem:s26+$0x14750] =	vst v2  }
0x91b: {  	[tilespmem:s30+$0x14740] =	vst v4;
	v2 =	vld.idx.msk [tilespmem:v63+s19+$0x0], $0xffff  }
0x91c: {  	v27 =	vor.u32 v44, v59;
	[tilespmem:s31+$0x14740] =	vst v6;
	v4 =	vld.idx.msk [tilespmem:v62+s19+$0x0], $0xffff  }
0x91d: {  	v25 =	vor.u32 v46, v36;
	v6 =	vld.idx.msk [tilespmem:v7+s19+$0x0], $0xffff  }
0x91e: {  	v7 =	vor.u32 v46, v50;
	_ =	sdelay $0x1  }
0x91f: {  	[tilespmem:s26+$0x14760] =	vst v2  }
0x920: {  	[tilespmem:s30+$0x14750] =	vst v4;
	v2 =	vld.idx.msk [tilespmem:v27+s19+$0x0], $0xffff  }
0x921: {  	v31 =	vor.u32 v42, v59;
	[tilespmem:s31+$0x14750] =	vst v6;
	v4 =	vld.idx.msk [tilespmem:v25+s19+$0x0], $0xffff  }
0x922: {  	v29 =	vor.u32 v44, v36;
	v6 =	vld.idx.msk [tilespmem:v7+s19+$0x0], $0xffff  }
0x923: {  	v7 =	vor.u32 v44, v50;
	_ =	sdelay $0x1  }
0x924: {  	[tilespmem:s26+$0x14770] =	vst v2  }
0x925: {  	[tilespmem:s30+$0x14760] =	vst v4;
	v2 =	vld.idx.msk [tilespmem:v31+s19+$0x0], $0xffff  }
0x926: {  	[tilespmem:s31+$0x14760] =	vst v6;
	v4 =	vld.idx.msk [tilespmem:v29+s19+$0x0], $0xffff  }
0x927: {  	v33 =	vor.u32 v42, v36;
	v6 =	vld.idx.msk [tilespmem:v7+s19+$0x0], $0xffff;
	v7 =	vor.u32 v42, v50;
	v42 =	vor.u32 v40, v59;
	_ =	sdelay $0x3  }
0x928: {  	[tilespmem:s26+$0x14780] =	vst v2  }
0x929: {  	[tilespmem:s30+$0x14770] =	vst v4;
	v2 =	vld.idx.msk [tilespmem:v42+s19+$0x0], $0xffff  }
0x92a: {  	v45 =	vor.u32 v38, v59;
	[tilespmem:s31+$0x14770] =	vst v6;
	v4 =	vld.idx.msk [tilespmem:v33+s19+$0x0], $0xffff  }
0x92b: {  	v44 =	vor.u32 v40, v36;
	v6 =	vld.idx.msk [tilespmem:v7+s19+$0x0], $0xffff  }
0x92c: {  	v7 =	vor.u32 v40, v50;
	_ =	sdelay $0x1  }
0x92d: {  	[tilespmem:s26+$0x14790] =	vst v2  }
0x92e: {  	[tilespmem:s30+$0x14780] =	vst v4;
	v2 =	vld.idx.msk [tilespmem:v45+s19+$0x0], $0xffff  }
0x92f: {  	v48 =	vor.u32 v35, v59;
	[tilespmem:s31+$0x14780] =	vst v6;
	v4 =	vld.idx.msk [tilespmem:v44+s19+$0x0], $0xffff  }
0x930: {  	v46 =	vor.u32 v38, v36;
	v6 =	vld.idx.msk [tilespmem:v7+s19+$0x0], $0xffff  }
0x931: {  	v7 =	vor.u32 v38, v50;
	_ =	sdelay $0x1  }
0x932: {  	[tilespmem:s26+$0x147A0] =	vst v2  }
0x933: {  	[tilespmem:s30+$0x14790] =	vst v4;
	v2 =	vld.idx.msk [tilespmem:v48+s19+$0x0], $0xffff  }
0x934: {  	v53 =	vor.u32 v34, v59;
	[tilespmem:s31+$0x14790] =	vst v6;
	v4 =	vld.idx.msk [tilespmem:v46+s19+$0x0], $0xffff  }
0x935: {  	v52 =	vor.u32 v35, v36;
	v6 =	vld.idx.msk [tilespmem:v7+s19+$0x0], $0xffff  }
0x936: {  	v7 =	vor.u32 v35, v50;
	_ =	sdelay $0x1  }
0x937: {  	[tilespmem:s26+$0x147B0] =	vst v2  }
0x938: {  	[tilespmem:s30+$0x147A0] =	vst v4;
	v2 =	vld.idx.msk [tilespmem:v53+s19+$0x0], $0xffff  }
0x939: {  	v56 =	vor.u32 v32, v59;
	[tilespmem:s31+$0x147A0] =	vst v6;
	v4 =	vld.idx.msk [tilespmem:v52+s19+$0x0], $0xffff  }
0x93a: {  	v54 =	vor.u32 v34, v36;
	v6 =	vld.idx.msk [tilespmem:v7+s19+$0x0], $0xffff  }
0x93b: {  	v7 =	vor.u32 v34, v50;
	_ =	sdelay $0x1  }
0x93c: {  	[tilespmem:s26+$0x147C0] =	vst v2  }
0x93d: {  	[tilespmem:s30+$0x147B0] =	vst v4;
	v2 =	vld.idx.msk [tilespmem:v56+s19+$0x0], $0xffff  }
0x93e: {  	v63 =	vor.u32 v30, v59;
	[tilespmem:s31+$0x147B0] =	vst v6;
	v4 =	vld.idx.msk [tilespmem:v54+s19+$0x0], $0xffff  }
0x93f: {  	v62 =	vor.u32 v32, v36;
	v6 =	vld.idx.msk [tilespmem:v7+s19+$0x0], $0xffff  }
0x940: {  	v7 =	vor.u32 v32, v50;
	_ =	sdelay $0x1  }
0x941: {  	[tilespmem:s26+$0x147D0] =	vst v2  }
0x942: {  	[tilespmem:s30+$0x147C0] =	vst v4;
	v2 =	vld.idx.msk [tilespmem:v63+s19+$0x0], $0xffff  }
0x943: {  	v27 =	vor.u32 v28, v59;
	[tilespmem:s31+$0x147C0] =	vst v6;
	v4 =	vld.idx.msk [tilespmem:v62+s19+$0x0], $0xffff  }
0x944: {  	v25 =	vor.u32 v30, v36;
	v6 =	vld.idx.msk [tilespmem:v7+s19+$0x0], $0xffff  }
0x945: {  	v7 =	vor.u32 v30, v50;
	_ =	sdelay $0x1  }
0x946: {  	[tilespmem:s26+$0x147E0] =	vst v2  }
0x947: {  	[tilespmem:s30+$0x147D0] =	vst v4;
	v2 =	vld.idx.msk [tilespmem:v27+s19+$0x0], $0xffff  }
0x948: {  	v30 =	vor.u32 v37, v59;
	[tilespmem:s31+$0x147D0] =	vst v6;
	v4 =	vld.idx.msk [tilespmem:v25+s19+$0x0], $0xffff  }
0x949: {  	v29 =	vor.u32 v28, v36;
	v6 =	vld.idx.msk [tilespmem:v7+s19+$0x0], $0xffff  }
0x94a: {  	v7 =	vor.u32 v28, v50;
	_ =	sdelay $0x1  }
0x94b: {  	[tilespmem:s26+$0x147F0] =	vst v2  }
0x94c: {  	[tilespmem:s30+$0x147E0] =	vst v4;
	v2 =	vld.idx.msk [tilespmem:v30+s19+$0x0], $0xffff  }
0x94d: {  	v32 =	vor.u32 v24, v59;
	[tilespmem:s31+$0x147E0] =	vst v6;
	v4 =	vld.idx.msk [tilespmem:v29+s19+$0x0], $0xffff  }
0x94e: {  	v31 =	vor.u32 v37, v36;
	v6 =	vld.idx.msk [tilespmem:v7+s19+$0x0], $0xffff  }
0x94f: {  	v7 =	vor.u32 v37, v50;
	_ =	sdelay $0x1  }
0x950: {  	[tilespmem:s26+$0x14800] =	vst v2  }
0x951: {  	[tilespmem:s30+$0x147F0] =	vst v4;
	v2 =	vld.idx.msk [tilespmem:v32+s19+$0x0], $0xffff  }
0x952: {  	v34 =	vor.u32 v39, v59;
	[tilespmem:s31+$0x147F0] =	vst v6;
	v4 =	vld.idx.msk [tilespmem:v31+s19+$0x0], $0xffff  }
0x953: {  	v33 =	vor.u32 v24, v36;
	v6 =	vld.idx.msk [tilespmem:v7+s19+$0x0], $0xffff  }
0x954: {  	v7 =	vor.u32 v24, v50;
	_ =	sdelay $0x1  }
0x955: {  	[tilespmem:s26+$0x14810] =	vst v2  }
0x956: {  	[tilespmem:s30+$0x14800] =	vst v4;
	v2 =	vld.idx.msk [tilespmem:v34+s19+$0x0], $0xffff  }
0x957: {  	[tilespmem:s31+$0x14800] =	vst v6;
	v4 =	vld.idx.msk [tilespmem:v33+s19+$0x0], $0xffff  }
0x958: {  	v6 =	vld.idx.msk [tilespmem:v7+s19+$0x0], $0xffff;
	_ =	sdelay $0x1  }
0x959: {  	v35 =	vor.u32 v39, v36  }
0x95a: {  	v7 =	vor.u32 v39, v50;
	[tilespmem:s26+$0x14820] =	vst v2  }
0x95b: {  	v37 =	vor.u32 v41, v59;
	[tilespmem:s30+$0x14810] =	vst v4  }
0x95c: {  	[tilespmem:s31+$0x14810] =	vst v6  }
0x95d: {  	v8 =	vld [tilespmem:$0x1F6F0]  }
0x95e: {  	v4 =	vld.idx.msk [tilespmem:v35+s19+$0x0], $0xffff  }
0x95f: {  	v38 =	vor.u32 v41, v36;
	v6 =	vld.idx.msk [tilespmem:v7+s19+$0x0], $0xffff  }
0x960: {  	v3 =	vld.idx.msk [tilespmem:v37+s19+$0x0], $0xffff;
	v7 =	vor.u32 v41, v50;
	_ =	sdelay $0x1  }
0x961: {  	[tilespmem:s25+$0x14830] =	vst v1;
	v39 =	vor.u32 v8, v58  }
0x962: {  	[tilespmem:s30+$0x14820] =	vst v4;
	v40 =	vor.u32 v8, v59  }
0x963: {  	[tilespmem:s31+$0x14820] =	vst v6;
	v5 =	vld.idx.msk [tilespmem:v38+s19+$0x0], $0xffff  }
0x964: {  	[tilespmem:s26+$0x14830] =	vst v3;
	v7 =	vld.idx.msk [tilespmem:v7+s19+$0x0], $0xffff  }
0x965: {  	v9 =	vld [tilespmem:$0x1F710]  }
0x966: {  	v6 =	vor.u32 v8, v36;
	v1 =	vld.idx.msk [tilespmem:v39+s19+$0x0], $0xffff  }
0x967: {  	v8 =	vor.u32 v8, v50;
	v3 =	vld.idx.msk [tilespmem:v40+s19+$0x0], $0xffff;
	_ =	sdelay $0x1  }
0x968: {  	[tilespmem:s30+$0x14830] =	vst v5  }
0x969: {  	v41 =	vor.u32 v9, v58;
	[tilespmem:s31+$0x14830] =	vst v7  }
0x96a: {  	v42 =	vor.u32 v9, v59;
	v5 =	vld.idx.msk [tilespmem:v6+s19+$0x0], $0xffff;
	[tilespmem:s25+$0x14840] =	vst v1  }
0x96b: {  	v7 =	vld.idx.msk [tilespmem:v8+s19+$0x0], $0xffff;
	[tilespmem:s26+$0x14840] =	vst v3  }
0x96c: {  	v6 =	vor.u32 v9, v36;
	v8 =	vor.u32 v9, v50;
	v9 =	vld [tilespmem:$0x1F730];
	_ =	sdelay $0x1  }
0x96d: {  	v1 =	vld.idx.msk [tilespmem:v41+s19+$0x0], $0xffff  }
0x96e: {  	v3 =	vld.idx.msk [tilespmem:v42+s19+$0x0], $0xffff;
	_ =	sdelay $0x1  }
0x96f: {  	[tilespmem:s30+$0x14840] =	vst v5;
	v44 =	vor.u32 v9, v58  }
0x970: {  	[tilespmem:s31+$0x14840] =	vst v7;
	v45 =	vor.u32 v9, v59  }
0x971: {  	v5 =	vld.idx.msk [tilespmem:v6+s19+$0x0], $0xffff;
	[tilespmem:s25+$0x14850] =	vst v1  }
0x972: {  	v7 =	vld.idx.msk [tilespmem:v8+s19+$0x0], $0xffff;
	[tilespmem:s26+$0x14850] =	vst v3  }
0x973: {  	v6 =	vor.u32 v9, v36;
	v8 =	vor.u32 v9, v50;
	v9 =	vld [tilespmem:$0x1FBA0]  }
0x974: {  	v1 =	vld.idx.msk [tilespmem:v44+s19+$0x0], $0xffff  }
0x975: {  	v3 =	vld.idx.msk [tilespmem:v45+s19+$0x0], $0xffff;
	_ =	sdelay $0x1  }
0x976: {  	[tilespmem:s30+$0x14850] =	vst v5  }
0x977: {  	[tilespmem:s31+$0x14850] =	vst v7;
	v46 =	vor.u32 v9, v58  }
0x978: {  	v5 =	vld.idx.msk [tilespmem:v6+s19+$0x0], $0xffff;
	v48 =	vor.u32 v9, v59;
	[tilespmem:s25+$0x14860] =	vst v1  }
0x979: {  	v7 =	vld.idx.msk [tilespmem:v8+s19+$0x0], $0xffff;
	[tilespmem:s26+$0x14860] =	vst v3  }
0x97a: {  	v6 =	vor.u32 v9, v36;
	v8 =	vor.u32 v9, v50;
	v9 =	vld [tilespmem:$0x1F740];
	_ =	sdelay $0x1  }
0x97b: {  	v1 =	vld.idx.msk [tilespmem:v46+s19+$0x0], $0xffff  }
0x97c: {  	v3 =	vld.idx.msk [tilespmem:v48+s19+$0x0], $0xffff;
	_ =	sdelay $0x1  }
0x97d: {  	[tilespmem:s30+$0x14860] =	vst v5;
	v52 =	vor.u32 v9, v58  }
0x97e: {  	[tilespmem:s31+$0x14860] =	vst v7;
	v53 =	vor.u32 v9, v59  }
0x97f: {  	v5 =	vld.idx.msk [tilespmem:v6+s19+$0x0], $0xffff;
	[tilespmem:s25+$0x14870] =	vst v1  }
0x980: {  	v7 =	vld.idx.msk [tilespmem:v8+s19+$0x0], $0xffff;
	[tilespmem:s26+$0x14870] =	vst v3  }
0x981: {  	v6 =	vor.u32 v9, v36;
	v8 =	vor.u32 v9, v50;
	v9 =	vld [tilespmem:$0x1F760]  }
0x982: {  	v1 =	vld.idx.msk [tilespmem:v52+s19+$0x0], $0xffff  }
0x983: {  	v3 =	vld.idx.msk [tilespmem:v53+s19+$0x0], $0xffff;
	_ =	sdelay $0x1  }
0x984: {  	[tilespmem:s30+$0x14870] =	vst v5  }
0x985: {  	[tilespmem:s31+$0x14870] =	vst v7;
	v54 =	vor.u32 v9, v58  }
0x986: {  	v5 =	vld.idx.msk [tilespmem:v6+s19+$0x0], $0xffff;
	v56 =	vor.u32 v9, v59;
	[tilespmem:s25+$0x14880] =	vst v1  }
0x987: {  	v7 =	vld.idx.msk [tilespmem:v8+s19+$0x0], $0xffff;
	[tilespmem:s26+$0x14880] =	vst v3  }
0x988: {  	v6 =	vor.u32 v9, v36;
	v8 =	vor.u32 v9, v50;
	v9 =	vld [tilespmem:$0x1F780];
	_ =	sdelay $0x1  }
0x989: {  	v1 =	vld.idx.msk [tilespmem:v54+s19+$0x0], $0xffff  }
0x98a: {  	v3 =	vld.idx.msk [tilespmem:v56+s19+$0x0], $0xffff;
	_ =	sdelay $0x1  }
0x98b: {  	[tilespmem:s30+$0x14880] =	vst v5;
	v62 =	vor.u32 v9, v58  }
0x98c: {  	[tilespmem:s31+$0x14880] =	vst v7;
	v63 =	vor.u32 v9, v59  }
0x98d: {  	v5 =	vld.idx.msk [tilespmem:v6+s19+$0x0], $0xffff;
	[tilespmem:s25+$0x14890] =	vst v1  }
0x98e: {  	v7 =	vld.idx.msk [tilespmem:v8+s19+$0x0], $0xffff;
	[tilespmem:s26+$0x14890] =	vst v3  }
0x98f: {  	v6 =	vor.u32 v9, v36;
	v8 =	vor.u32 v9, v50;
	v9 =	vld [tilespmem:$0x1F7A0]  }
0x990: {  	v1 =	vld.idx.msk [tilespmem:v62+s19+$0x0], $0xffff  }
0x991: {  	v3 =	vld.idx.msk [tilespmem:v63+s19+$0x0], $0xffff;
	_ =	sdelay $0x1  }
0x992: {  	[tilespmem:s30+$0x14890] =	vst v5  }
0x993: {  	[tilespmem:s31+$0x14890] =	vst v7;
	v24 =	vor.u32 v9, v58  }
0x994: {  	v5 =	vld.idx.msk [tilespmem:v6+s19+$0x0], $0xffff;
	v25 =	vor.u32 v9, v59;
	[tilespmem:s25+$0x148A0] =	vst v1  }
0x995: {  	v7 =	vld.idx.msk [tilespmem:v8+s19+$0x0], $0xffff;
	[tilespmem:s26+$0x148A0] =	vst v3  }
0x996: {  	v6 =	vor.u32 v9, v36;
	v8 =	vor.u32 v9, v50;
	v9 =	vld [tilespmem:$0x1F7C0];
	_ =	sdelay $0x1  }
0x997: {  	v1 =	vld.idx.msk [tilespmem:v24+s19+$0x0], $0xffff  }
0x998: {  	v3 =	vld.idx.msk [tilespmem:v25+s19+$0x0], $0xffff;
	_ =	sdelay $0x1  }
0x999: {  	[tilespmem:s30+$0x148A0] =	vst v5;
	v27 =	vor.u32 v9, v58  }
0x99a: {  	[tilespmem:s31+$0x148A0] =	vst v7;
	v28 =	vor.u32 v9, v59  }
0x99b: {  	v5 =	vld.idx.msk [tilespmem:v6+s19+$0x0], $0xffff;
	[tilespmem:s25+$0x148B0] =	vst v1  }
0x99c: {  	v7 =	vld.idx.msk [tilespmem:v8+s19+$0x0], $0xffff;
	[tilespmem:s26+$0x148B0] =	vst v3  }
0x99d: {  	v6 =	vor.u32 v9, v36;
	v8 =	vor.u32 v9, v50;
	v9 =	vld [tilespmem:$0x1F7E0]  }
0x99e: {  	v1 =	vld.idx.msk [tilespmem:v27+s19+$0x0], $0xffff  }
0x99f: {  	v3 =	vld.idx.msk [tilespmem:v28+s19+$0x0], $0xffff;
	_ =	sdelay $0x1  }
0x9a0: {  	[tilespmem:s30+$0x148B0] =	vst v5  }
0x9a1: {  	[tilespmem:s31+$0x148B0] =	vst v7;
	v29 =	vor.u32 v9, v58  }
0x9a2: {  	v5 =	vld.idx.msk [tilespmem:v6+s19+$0x0], $0xffff;
	v30 =	vor.u32 v9, v59;
	[tilespmem:s25+$0x148C0] =	vst v1  }
0x9a3: {  	v7 =	vld.idx.msk [tilespmem:v8+s19+$0x0], $0xffff;
	[tilespmem:s26+$0x148C0] =	vst v3  }
0x9a4: {  	v6 =	vor.u32 v9, v36;
	v8 =	vor.u32 v9, v50;
	v9 =	vld [tilespmem:$0x1F800];
	_ =	sdelay $0x1  }
0x9a5: {  	v1 =	vld.idx.msk [tilespmem:v29+s19+$0x0], $0xffff  }
0x9a6: {  	v3 =	vld.idx.msk [tilespmem:v30+s19+$0x0], $0xffff;
	_ =	sdelay $0x1  }
0x9a7: {  	[tilespmem:s30+$0x148C0] =	vst v5;
	v31 =	vor.u32 v9, v58  }
0x9a8: {  	[tilespmem:s31+$0x148C0] =	vst v7;
	v32 =	vor.u32 v9, v59  }
0x9a9: {  	v5 =	vld.idx.msk [tilespmem:v6+s19+$0x0], $0xffff;
	[tilespmem:s25+$0x148D0] =	vst v1  }
0x9aa: {  	v7 =	vld.idx.msk [tilespmem:v8+s19+$0x0], $0xffff;
	[tilespmem:s26+$0x148D0] =	vst v3  }
0x9ab: {  	v6 =	vor.u32 v9, v36;
	v8 =	vor.u32 v9, v50;
	v9 =	vld [tilespmem:$0x1FA70]  }
0x9ac: {  	v1 =	vld.idx.msk [tilespmem:v31+s19+$0x0], $0xffff  }
0x9ad: {  	v3 =	vld.idx.msk [tilespmem:v32+s19+$0x0], $0xffff;
	_ =	sdelay $0x1  }
0x9ae: {  	[tilespmem:s30+$0x148D0] =	vst v5  }
0x9af: {  	[tilespmem:s31+$0x148D0] =	vst v7  }
0x9b0: {  	v5 =	vld.idx.msk [tilespmem:v6+s19+$0x0], $0xffff;
	[tilespmem:s25+$0x148E0] =	vst v1  }
0x9b1: {  	v7 =	vld.idx.msk [tilespmem:v8+s19+$0x0], $0xffff;
	v33 =	vor.u32 v9, v58;
	[tilespmem:s26+$0x148E0] =	vst v3  }
0x9b2: {  	v34 =	vor.u32 v9, v59;
	v6 =	vor.u32 v9, v36;
	v8 =	vor.u32 v9, v50;
	v9 =	vld [tilespmem:$0x1FBF0];
	_ =	sdelay $0x3  }
0x9b3: {  	v1 =	vld.idx.msk [tilespmem:v33+s19+$0x0], $0xffff  }
0x9b4: {  	v35 =	vor.u32 v9, v58  }
0x9b5: {  	v3 =	vld.idx.msk [tilespmem:v34+s19+$0x0], $0xffff;
	[tilespmem:s30+$0x148E0] =	vst v5  }
0x9b6: {  	v5 =	vld.idx.msk [tilespmem:v6+s19+$0x0], $0xffff;
	v37 =	vor.u32 v9, v59  }
0x9b7: {  	[tilespmem:s31+$0x148E0] =	vst v7;
	v6 =	vor.u32 v9, v36  }
0x9b8: {  	v7 =	vld.idx.msk [tilespmem:v8+s19+$0x0], $0xffff;
	[tilespmem:s25+$0x148F0] =	vst v1  }
0x9b9: {  	v8 =	vor.u32 v9, v50;
	v1 =	vld.idx.msk [tilespmem:v35+s19+$0x0], $0xffff  }
0x9ba: {  	[tilespmem:s26+$0x148F0] =	vst v3  }
0x9bb: {  	[tilespmem:s30+$0x148F0] =	vst v5;
	v38 =	vld.idx.msk [tilespmem:v37+s19+$0x0], $0xffff  }
0x9bc: {  	v39 =	vld.idx.msk [tilespmem:v6+s19+$0x0], $0xffff  }
0x9bd: {  	[tilespmem:s31+$0x148F0] =	vst v7  }
0x9be: {  	v40 =	vld.idx.msk [tilespmem:v8+s19+$0x0], $0xffff;
	[tilespmem:s25+$0x14900] =	vst v1  }
0x9bf: {  	v1 =	vld [tilespmem:$0x1FA00]  }
0x9c0: {  	[tilespmem:s26+$0x14900] =	vst v38  }
0x9c1: {  	v5 =	vld [tilespmem:$0x1FA20];
	[tilespmem:s30+$0x14900] =	vst v39  }
0x9c2: {  	v6 =	vld [tilespmem:$0x1FA30]  }
0x9c3: {  	[tilespmem:s31+$0x14900] =	vst v40  }
0x9c4: {  	v7 =	vld [tilespmem:$0x1FA50];
	_ =	sdelay $0x2  }
0x9c5: {  	v1 =	vld.idx.msk [tilespmem:v1+s19+$0x0], $0xffff  }
0x9c6: {  	v41 =	vor.u32 v51, v58  }
0x9c7: {  	v5 =	vld.idx.msk [tilespmem:v5+s19+$0x0], $0xffff  }
0x9c8: {  	v42 =	vor.u32 v51, v59;
	v6 =	vld.idx.msk [tilespmem:v6+s19+$0x0], $0xffff  }
0x9c9: {  	v44 =	vor.u32 v51, v36  }
0x9ca: {  	v7 =	vld.idx.msk [tilespmem:v7+s19+$0x0], $0xffff;
	[tilespmem:s25+$0x14910] =	vst v1  }
0x9cb: {  	v8 =	vor.u32 v51, v50;
	v1 =	vld.idx.msk [tilespmem:v41+s19+$0x0], $0xffff  }
0x9cc: {  	v45 =	vor.u32 v47, v58;
	[tilespmem:s26+$0x14910] =	vst v5  }
0x9cd: {  	v3 =	vld.idx.msk [tilespmem:v42+s19+$0x0], $0xffff;
	[tilespmem:s30+$0x14910] =	vst v6  }
0x9ce: {  	v46 =	vor.u32 v47, v59;
	v4 =	vld.idx.msk [tilespmem:v44+s19+$0x0], $0xffff  }
0x9cf: {  	v6 =	vor.u32 v47, v36;
	[tilespmem:s31+$0x14910] =	vst v7  }
0x9d0: {  	v7 =	vld.idx.msk [tilespmem:v8+s19+$0x0], $0xffff;
	v8 =	vor.u32 v47, v50;
	v47 =	vor.u32 v49, v57;
	[tilespmem:s25+$0x14920] =	vst v1  }
0x9d1: {  	v2 =	vld.idx.msk [tilespmem:v45+s19+$0x0], $0xffff  }
0x9d2: {  	v48 =	vor.u32 v49, v58;
	[tilespmem:s26+$0x14920] =	vst v3  }
0x9d3: {  	v5 =	vld.idx.msk [tilespmem:v46+s19+$0x0], $0xffff;
	[tilespmem:s30+$0x14920] =	vst v4  }
0x9d4: {  	v51 =	vor.u32 v49, v59;
	[tilespmem:s24+$0x14930] =	vst v0;
	v6 =	vld.idx.msk [tilespmem:v6+s19+$0x0], $0xffff  }
0x9d5: {  	[tilespmem:s31+$0x14920] =	vst v7;
	v7 =	vor.u32 v49, v36;
	v1 =	vld.idx.msk [tilespmem:v47+s19+$0x0], $0xffff  }
0x9d6: {  	v53 =	vor.u32 v55, v57;
	v8 =	vld.idx.msk [tilespmem:v8+s19+$0x0], $0xffff;
	[tilespmem:s25+$0x14930] =	vst v2  }
0x9d7: {  	v52 =	vor.u32 v49, v50;
	v3 =	vld.idx.msk [tilespmem:v48+s19+$0x0], $0xffff  }
0x9d8: {  	[tilespmem:s26+$0x14930] =	vst v5  }
0x9d9: {  	v54 =	vor.u32 v55, v58;
	v4 =	vld.idx.msk [tilespmem:v51+s19+$0x0], $0xffff;
	[tilespmem:s30+$0x14930] =	vst v6  }
0x9da: {  	[tilespmem:s24+$0x14940] =	vst v1;
	v7 =	vld.idx.msk [tilespmem:v7+s19+$0x0], $0xffff  }
0x9db: {  	[tilespmem:s31+$0x14930] =	vst v8;
	v2 =	vld.idx.msk [tilespmem:v53+s19+$0x0], $0xffff  }
0x9dc: {  	v0 =	vld.idx.msk [tilespmem:v52+s19+$0x0], $0xffff;
	[tilespmem:s25+$0x14940] =	vst v3  }
0x9dd: {  	v9 =	vld [tilespmem:$0x1F8C0]  }
0x9de: {  	v5 =	vld.idx.msk [tilespmem:v54+s19+$0x0], $0xffff  }
0x9df: {  	[tilespmem:s26+$0x14940] =	vst v4  }
0x9e0: {  	v6 =	vor.u32 v55, v59;
	[tilespmem:s30+$0x14940] =	vst v7  }
0x9e1: {  	v8 =	vor.u32 v55, v36;
	[tilespmem:s24+$0x14950] =	vst v2  }
0x9e2: {  	v56 =	vor.u32 v55, v50;
	[tilespmem:s31+$0x14940] =	vst v0  }
0x9e3: {  	v62 =	vor.u32 v9, v57;
	v63 =	vor.u32 v9, v58;
	[tilespmem:s25+$0x14950] =	vst v5  }
0x9e4: {  	v7 =	vor.u32 v9, v59;
	v24 =	vor.u32 v9, v36;
	v25 =	vor.u32 v9, v50;
	v9 =	vld [tilespmem:$0x1F8F0]  }
0x9e5: {  	v6 =	vld.idx.msk [tilespmem:v6+s19+$0x0], $0xffff  }
0x9e6: {  	v8 =	vld.idx.msk [tilespmem:v8+s19+$0x0], $0xffff  }
0x9e7: {  	v1 =	vld.idx.msk [tilespmem:v56+s19+$0x0], $0xffff  }
0x9e8: {  	v3 =	vld.idx.msk [tilespmem:v62+s19+$0x0], $0xffff  }
0x9e9: {  	v4 =	vld.idx.msk [tilespmem:v63+s19+$0x0], $0xffff;
	v27 =	vor.u32 v9, v57  }
0x9ea: {  	[tilespmem:s26+$0x14950] =	vst v6  }
0x9eb: {  	[tilespmem:s30+$0x14950] =	vst v8;
	v7 =	vld.idx.msk [tilespmem:v7+s19+$0x0], $0xffff;
	v6 =	vor.u32 v9, v58  }
0x9ec: {  	[tilespmem:s31+$0x14950] =	vst v1;
	v0 =	vld.idx.msk [tilespmem:v24+s19+$0x0], $0xffff  }
0x9ed: {  	v2 =	vld.idx.msk [tilespmem:v25+s19+$0x0], $0xffff;
	[tilespmem:s24+$0x14960] =	vst v3  }
0x9ee: {  	[tilespmem:s25+$0x14960] =	vst v4;
	v5 =	vld.idx.msk [tilespmem:v27+s19+$0x0], $0xffff  }
0x9ef: {  	v8 =	vor.u32 v9, v59;
	v28 =	vor.u32 v9, v36;
	v29 =	vor.u32 v9, v50;
	v9 =	vld [tilespmem:$0x1F910]  }
0x9f0: {  	v6 =	vld.idx.msk [tilespmem:v6+s19+$0x0], $0xffff  }
0x9f1: {  	[tilespmem:s26+$0x14960] =	vst v7  }
0x9f2: {  	[tilespmem:s30+$0x14960] =	vst v0  }
0x9f3: {  	[tilespmem:s31+$0x14960] =	vst v2  }
0x9f4: {  	[tilespmem:s24+$0x14970] =	vst v5  }
0x9f5: {  	v30 =	vor.u32 v9, v57;
	v7 =	vor.u32 v9, v58;
	[tilespmem:s25+$0x14970] =	vst v6  }
0x9f6: {  	v31 =	vor.u32 v9, v59;
	v32 =	vor.u32 v9, v36;
	v33 =	vor.u32 v9, v50;
	v9 =	vld [tilespmem:$0x1F930]  }
0x9f7: {  	v8 =	vld.idx.msk [tilespmem:v8+s19+$0x0], $0xffff  }
0x9f8: {  	v1 =	vld.idx.msk [tilespmem:v28+s19+$0x0], $0xffff  }
0x9f9: {  	v3 =	vld.idx.msk [tilespmem:v29+s19+$0x0], $0xffff  }
0x9fa: {  	v4 =	vld.idx.msk [tilespmem:v30+s19+$0x0], $0xffff  }
0x9fb: {  	v7 =	vld.idx.msk [tilespmem:v7+s19+$0x0], $0xffff;
	v6 =	vor.u32 v9, v57  }
0x9fc: {  	[tilespmem:s26+$0x14970] =	vst v8  }
0x9fd: {  	[tilespmem:s30+$0x14970] =	vst v1;
	v0 =	vld.idx.msk [tilespmem:v31+s19+$0x0], $0xffff;
	v8 =	vor.u32 v9, v58  }
0x9fe: {  	[tilespmem:s31+$0x14970] =	vst v3;
	v2 =	vld.idx.msk [tilespmem:v32+s19+$0x0], $0xffff  }
0x9ff: {  	v5 =	vld.idx.msk [tilespmem:v33+s19+$0x0], $0xffff;
	[tilespmem:s24+$0x14980] =	vst v4  }
0xa00: {  	[tilespmem:s25+$0x14980] =	vst v7;
	v6 =	vld.idx.msk [tilespmem:v6+s19+$0x0], $0xffff  }
0xa01: {  	v34 =	vor.u32 v9, v59;
	v35 =	vor.u32 v9, v36;
	v37 =	vor.u32 v9, v50;
	v9 =	vld [tilespmem:$0x1F950]  }
0xa02: {  	v8 =	vld.idx.msk [tilespmem:v8+s19+$0x0], $0xffff  }
0xa03: {  	[tilespmem:s26+$0x14980] =	vst v0  }
0xa04: {  	[tilespmem:s30+$0x14980] =	vst v2  }
0xa05: {  	[tilespmem:s31+$0x14980] =	vst v5  }
0xa06: {  	[tilespmem:s24+$0x14990] =	vst v6  }
0xa07: {  	v7 =	vor.u32 v9, v57;
	v38 =	vor.u32 v9, v58;
	[tilespmem:s25+$0x14990] =	vst v8  }
0xa08: {  	v39 =	vor.u32 v9, v59;
	v40 =	vor.u32 v9, v36;
	v6 =	vor.u32 v9, v50;
	v9 =	vld [tilespmem:$0x1F970]  }
0xa09: {  	v1 =	vld.idx.msk [tilespmem:v34+s19+$0x0], $0xffff  }
0xa0a: {  	v3 =	vld.idx.msk [tilespmem:v35+s19+$0x0], $0xffff  }
0xa0b: {  	v4 =	vld.idx.msk [tilespmem:v37+s19+$0x0], $0xffff  }
0xa0c: {  	v7 =	vld.idx.msk [tilespmem:v7+s19+$0x0], $0xffff  }
0xa0d: {  	v0 =	vld.idx.msk [tilespmem:v38+s19+$0x0], $0xffff;
	v8 =	vor.u32 v9, v57  }
0xa0e: {  	[tilespmem:s26+$0x14990] =	vst v1  }
0xa0f: {  	[tilespmem:s30+$0x14990] =	vst v3;
	v2 =	vld.idx.msk [tilespmem:v39+s19+$0x0], $0xffff;
	v41 =	vor.u32 v9, v58  }
0xa10: {  	[tilespmem:s31+$0x14990] =	vst v4;
	v5 =	vld.idx.msk [tilespmem:v40+s19+$0x0], $0xffff  }
0xa11: {  	v6 =	vld.idx.msk [tilespmem:v6+s19+$0x0], $0xffff;
	[tilespmem:s24+$0x149A0] =	vst v7  }
0xa12: {  	[tilespmem:s25+$0x149A0] =	vst v0;
	v8 =	vld.idx.msk [tilespmem:v8+s19+$0x0], $0xffff  }
0xa13: {  	v42 =	vor.u32 v9, v59;
	v44 =	vor.u32 v9, v36;
	v7 =	vor.u32 v9, v50;
	v9 =	vld [tilespmem:$0x1F990]  }
0xa14: {  	v1 =	vld.idx.msk [tilespmem:v41+s19+$0x0], $0xffff  }
0xa15: {  	[tilespmem:s26+$0x149A0] =	vst v2  }
0xa16: {  	[tilespmem:s30+$0x149A0] =	vst v5  }
0xa17: {  	[tilespmem:s31+$0x149A0] =	vst v6  }
0xa18: {  	[tilespmem:s24+$0x149B0] =	vst v8  }
0xa19: {  	v3 =	vld.idx.msk [tilespmem:v42+s19+$0x0], $0xffff;
	v45 =	vor.u32 v9, v57;
	v46 =	vor.u32 v9, v58;
	[tilespmem:s25+$0x149B0] =	vst v1  }
0xa1a: {  	v47 =	vor.u32 v9, v59;
	v6 =	vor.u32 v9, v36;
	v8 =	vor.u32 v9, v50;
	v9 =	vld [tilespmem:$0x1F9B0]  }
0xa1b: {  	v4 =	vld.idx.msk [tilespmem:v44+s19+$0x0], $0xffff  }
0xa1c: {  	v7 =	vld.idx.msk [tilespmem:v7+s19+$0x0], $0xffff;
	_ =	sdelay $0x1  }
0xa1d: {  	v0 =	vld.idx.msk [tilespmem:v45+s19+$0x0], $0xffff  }
0xa1e: {  	[tilespmem:s26+$0x149B0] =	vst v3;
	v2 =	vld.idx.msk [tilespmem:v46+s19+$0x0], $0xffff;
	v48 =	vor.u32 v9, v57  }
0xa1f: {  	[tilespmem:s30+$0x149B0] =	vst v4;
	v5 =	vld.idx.msk [tilespmem:v47+s19+$0x0], $0xffff;
	v49 =	vor.u32 v9, v58  }
0xa20: {  	[tilespmem:s31+$0x149B0] =	vst v7;
	v6 =	vld.idx.msk [tilespmem:v6+s19+$0x0], $0xffff;
	v51 =	vor.u32 v9, v59  }
0xa21: {  	v8 =	vld.idx.msk [tilespmem:v8+s19+$0x0], $0xffff;
	v7 =	vor.u32 v9, v36  }
0xa22: {  	v52 =	vor.u32 v9, v50;
	[tilespmem:s24+$0x149C0] =	vst v0  }
0xa23: {  	[tilespmem:s25+$0x149C0] =	vst v2;
	v1 =	vld.idx.msk [tilespmem:v48+s19+$0x0], $0xffff  }
0xa24: {  	v53 =	vor.u32 v61, v57;
	[tilespmem:s26+$0x149C0] =	vst v5;
	v3 =	vld.idx.msk [tilespmem:v49+s19+$0x0], $0xffff  }
0xa25: {  	v54 =	vor.u32 v61, v58;
	[tilespmem:s30+$0x149C0] =	vst v6;
	v4 =	vld.idx.msk [tilespmem:v51+s19+$0x0], $0xffff  }
0xa26: {  	v6 =	vor.u32 v61, v59;
	[tilespmem:s31+$0x149C0] =	vst v8;
	v7 =	vld.idx.msk [tilespmem:v7+s19+$0x0], $0xffff  }
0xa27: {  	v8 =	vor.u32 v61, v36;
	v0 =	vld.idx.msk [tilespmem:v52+s19+$0x0], $0xffff  }
0xa28: {  	v55 =	vor.u32 v61, v50;
	[tilespmem:s24+$0x149D0] =	vst v1  }
0xa29: {  	[tilespmem:s25+$0x149D0] =	vst v3;
	v2 =	vld.idx.msk [tilespmem:v53+s19+$0x0], $0xffff  }
0xa2a: {  	v56 =	vor.u32 v26, v57;
	[tilespmem:s26+$0x149D0] =	vst v4;
	v57 =	vld.idx.msk [tilespmem:v54+s19+$0x0], $0xffff  }
0xa2b: {  	v58 =	vor.u32 v26, v58;
	[tilespmem:s30+$0x149D0] =	vst v7;
	v6 =	vld.idx.msk [tilespmem:v6+s19+$0x0], $0xffff  }
0xa2c: {  	v61 =	vor.u32 v26, v59;
	[tilespmem:s31+$0x149D0] =	vst v0;
	v7 =	vld.idx.msk [tilespmem:v8+s19+$0x0], $0xffff  }
0xa2d: {  	v8 =	vor.u32 v26, v36;
	v1 =	vld.idx.msk [tilespmem:v55+s19+$0x0], $0xffff  }
0xa2e: {  	v62 =	vor.u32 v26, v50;
	[tilespmem:s24+$0x149E0] =	vst v2  }
0xa2f: {  	[tilespmem:s25+$0x149E0] =	vst v57;
	v3 =	vld.idx.msk [tilespmem:v56+s19+$0x0], $0xffff  }
0xa30: {  	[tilespmem:s26+$0x149E0] =	vst v6;
	v4 =	vld.idx.msk [tilespmem:v58+s19+$0x0], $0xffff  }
0xa31: {  	[tilespmem:s30+$0x149E0] =	vst v7;
	v0 =	vld.idx.msk [tilespmem:v61+s19+$0x0], $0xffff  }
0xa32: {  	[tilespmem:s31+$0x149E0] =	vst v1;
	v63 =	vld.idx.msk [tilespmem:v8+s19+$0x0], $0xffff  }
0xa33: {  	v2 =	vld.idx.msk [tilespmem:v62+s19+$0x0], $0xffff  }
0xa34: {  	[tilespmem:s24+$0x149F0] =	vst v3  }
0xa35: {  	s1 =	sadd.s32 s5, s1;
	[tilespmem:s25+$0x149F0] =	vst v4  }
0xa36: {  	s1 =	sshll.u32 s1, $0x8;
	[tilespmem:s26+$0x149F0] =	vst v0  }
0xa37: {  	s1 =	sand.u32 $0x1FFFF000, s1;
	[tilespmem:s30+$0x149F0] =	vst v63  }
0xa38: {  	s6 =	simm.s32 $0x0;
	s7 =	simm.s32 $0x14200;
	s1 =	sadd.s32 s2, s1;
	[tilespmem:s31+$0x149F0] =	vst v2  }
0xa39: {  	[hbm4b:s1+s6] =	stream.linear.scatter [tilespmem:s7], [sflag:$0x5], $0x8000, $0x38;
	[tilespmem:$0x1C200] =	vst v63  }
0xa3a: {  	_ =	swait.ge [sflag:s17], $0x8000  }
0xa3b: {  	v51 =	vld [tilespmem:$0x1FFF0]  }
0xa3c: {  	v45 =	vld [tilespmem:$0x1FFD0]  }
0xa3d: {  	v13 =	vld [tilespmem:$0x1FFE0]  }
0xa3e: {  	v58 =	vld [tilespmem:$0x1FFB0]  }
0xa3f: {  	v61 =	vld [tilespmem:$0x1FF90]  }
0xa40: {  	v36 =	vld [tilespmem:$0x1FF40]  }
0xa41: {  	v50 =	vld [tilespmem:$0x1FFC0]  }
0xa42: {  	s31 =	sadd.s32 s5, s23;
	v9 =	vld [tilespmem:$0x1FF80]  }
0xa43: {  	s1 =	sshll.u32 s31, $0x8;
	[sflag:s17] =	ssyncset.done $0x0;
	v54 =	vld [tilespmem:$0x1FFA0]  }
0xa44: {  	p0 =	por $0x1, $0x1;
	v10 =	vmovc v60;
	v21 =	vmovc v14;
	v14 =	vmov v43;
	v59 =	vmov v11;
	v56 =	vmov v12;
	s1 =	sadd.s32 s2, s1;
	v8 =	vld [tilespmem:$0x1FF20];
	[sflag:s17] =	ssyncadd.s32 $0xFFFF8000  }
.LBB2_5:
0xa45: {  	s7 =	sshll.u32 s6, $0xE  }
0xa46: {  	s28 =	sshll.u32 s6, $0xB;
	s7 =	sand.u32 $0x3FFFC000, s7  }
0xa47: {  	s6 =	sadd.s32 s28, s1;
	s15 =	sadd.s32 $0x4200, s7  }
0xa48: {  	[hbm4b:s6+s18] =	stream.strided.scatter [tilespmem:s15], [sflag:$0x3], $0x400, s20, s18, $0x38;
	[tilespmem:$0x1C200] =	vst v63  }
0xa49: {  	s29 =	sadd.s32 $0x4600, s7;
	s23 =	sadd.s32 $0x10, s6  }
0xa4a: {  	[hbm4b:s23+s18] =	stream.strided.scatter [tilespmem:s29], [sflag:$0x3], $0x400, s20, s18, $0x38;
	[tilespmem:$0x1C200] =	vst v63  }
0xa4b: {  	s30 =	sadd.s32 $0x4A00, s7;
	s31 =	sadd.s32 $0x20, s6  }
0xa4c: {  	[hbm4b:s31+s18] =	stream.strided.scatter [tilespmem:s30], [sflag:$0x3], $0x400, s20, s18, $0x38;
	[tilespmem:$0x1C200] =	vst v63  }
0xa4d: {  	s24 =	sadd.s32 $0x30, s6;
	s23 =	sadd.s32 $0x4E00, s7  }
0xa4e: {  	[hbm4b:s24+s18] =	stream.strided.scatter [tilespmem:s23], [sflag:$0x3], $0x400, s20, s18, $0x38;
	[tilespmem:$0x1C200] =	vst v63  }
0xa4f: {  	s25 =	sadd.s32 $0x5200, s7;
	s26 =	sadd.s32 $0x40, s6  }
0xa50: {  	[hbm4b:s26+s18] =	stream.strided.scatter [tilespmem:s25], [sflag:$0x3], $0x400, s20, s18, $0x38;
	[tilespmem:$0x1C200] =	vst v63  }
0xa51: {  	s28 =	sadd.s32 $0x5600, s7;
	s29 =	sadd.s32 $0x50, s6  }
0xa52: {  	[hbm4b:s29+s18] =	stream.strided.scatter [tilespmem:s28], [sflag:$0x3], $0x400, s20, s18, $0x38;
	[tilespmem:$0x1C200] =	vst v63  }
0xa53: {  	s30 =	sadd.s32 $0x5A00, s7;
	s31 =	sadd.s32 $0x60, s6  }
0xa54: {  	[hbm4b:s31+s18] =	stream.strided.scatter [tilespmem:s30], [sflag:$0x3], $0x400, s20, s18, $0x38;
	[tilespmem:$0x1C200] =	vst v63  }
0xa55: {  	s23 =	sadd.s32 $0x5E00, s7;
	s24 =	sadd.s32 $0x70, s6  }
0xa56: {  	[hbm4b:s24+s18] =	stream.strided.scatter [tilespmem:s23], [sflag:$0x3], $0x400, s20, s18, $0x38;
	[tilespmem:$0x1C200] =	vst v63  }
0xa57: {  	s25 =	sadd.s32 $0x6200, s7;
	s26 =	sadd.s32 $0x80, s6  }
0xa58: {  	[hbm4b:s26+s18] =	stream.strided.scatter [tilespmem:s25], [sflag:$0x3], $0x400, s20, s18, $0x38;
	[tilespmem:$0x1C200] =	vst v63  }
0xa59: {  	s28 =	sadd.s32 $0x6600, s7;
	s29 =	sadd.s32 $0x90, s6  }
0xa5a: {  	[hbm4b:s29+s18] =	stream.strided.scatter [tilespmem:s28], [sflag:$0x3], $0x400, s20, s18, $0x38;
	[tilespmem:$0x1C200] =	vst v63  }
0xa5b: {  	s30 =	sadd.s32 $0x6A00, s7;
	s31 =	sadd.s32 $0xA0, s6  }
0xa5c: {  	[hbm4b:s31+s18] =	stream.strided.scatter [tilespmem:s30], [sflag:$0x3], $0x400, s20, s18, $0x38;
	[tilespmem:$0x1C200] =	vst v63  }
0xa5d: {  	s23 =	sadd.s32 $0x6E00, s7;
	s24 =	sadd.s32 $0xB0, s6  }
0xa5e: {  	[hbm4b:s24+s18] =	stream.strided.scatter [tilespmem:s23], [sflag:$0x3], $0x400, s20, s18, $0x38;
	[tilespmem:$0x1C200] =	vst v63  }
0xa5f: {  	s25 =	sadd.s32 $0x7200, s7;
	s26 =	sadd.s32 $0xC0, s6  }
0xa60: {  	[hbm4b:s26+s18] =	stream.strided.scatter [tilespmem:s25], [sflag:$0x3], $0x400, s20, s18, $0x38;
	[tilespmem:$0x1C200] =	vst v63  }
0xa61: {  	p1 =	por p0, p0;
	s28 =	sadd.s32 $0x7600, s7;
	s29 =	sadd.s32 $0xD0, s6  }
0xa62: {  	[hbm4b:s29+s18] =	stream.strided.scatter [tilespmem:s28], [sflag:$0x3], $0x400, s20, s18, $0x38;
	[tilespmem:$0x1C200] =	vst v63  }
.Ltmp1:
0xa63: {  	s30 =	sadd.s32 $0x7A00, s7;
	s31 =	sadd.s32 $0xE0, s6;
	(pc) =	sbr.rel @p1 .LBB2_5-.Ltmp1, $4  }
0xa64: {  	[hbm4b:s31+s18] =	stream.strided.scatter [tilespmem:s30], [sflag:$0x3], $0x400, s20, s18, $0x38;
	[tilespmem:$0x1C200] =	vst v63  }
0xa65: {  	s7 =	sadd.s32 $0x7E00, s7;
	s6 =	sadd.s32 $0xF0, s6  }
0xa66: {  	[hbm4b:s6+s18] =	stream.strided.scatter [tilespmem:s7], [sflag:$0x3], $0x400, s20, s18, $0x38;
	[tilespmem:$0x1C200] =	vst v63  }
0xa67: {  	p0 =	por $0x0, $0x0;
	s6 =	simm.s32 $0x1  }
0xa68: {  	_ =	swait.ge [sflag:s21], $0x8000  }
0xa69: {  	v42 =	vld [tilespmem:$0x1FF60]  }
0xa6a: {  	v44 =	vld [tilespmem:$0x1FF50]  }
0xa6b: {  	v52 =	vld [tilespmem:$0x1FD10]  }
0xa6c: {  	v11 =	vld [tilespmem:$0x1FD20]  }
0xa6d: {  	v20 =	vld [tilespmem:$0x1FD30]  }
0xa6e: {  	v28 =	vld [tilespmem:$0x1FD60]  }
0xa6f: {  	v29 =	vld [tilespmem:$0x1FD70]  }
0xa70: {  	v23 =	vld [tilespmem:$0x1FD80]  }
0xa71: {  	v17 =	vld [tilespmem:$0x1FD90]  }
0xa72: {  	v47 =	vld [tilespmem:$0x1FDA0]  }
0xa73: {  	v18 =	vld [tilespmem:$0x1FDB0]  }
0xa74: {  	v16 =	vld [tilespmem:$0x1FDC0]  }
0xa75: {  	v40 =	vld [tilespmem:$0x1FDD0]  }
0xa76: {  	v12 =	vld [tilespmem:$0x1FDE0]  }
0xa77: {  	v33 =	vld [tilespmem:$0x1FDF0]  }
0xa78: {  	v22 =	vld [tilespmem:$0x1FE00]  }
0xa79: {  	v55 =	vld [tilespmem:$0x1FE10]  }
0xa7a: {  	v24 =	vld [tilespmem:$0x1FE20]  }
0xa7b: {  	v30 =	vld [tilespmem:$0x1FE30]  }
0xa7c: {  	v62 =	vld [tilespmem:$0x1FE40]  }
0xa7d: {  	v43 =	vld [tilespmem:$0x1FE50]  }
0xa7e: {  	v26 =	vld [tilespmem:$0x1FE60]  }
0xa7f: {  	v48 =	vld [tilespmem:$0x1FE70]  }
0xa80: {  	v35 =	vld [tilespmem:$0x1FE80]  }
0xa81: {  	s0 =	sadd.s32 s5, s0;
	v27 =	vld [tilespmem:$0x1FE90]  }
0xa82: {  	s0 =	sshll.u32 s0, $0x8;
	v57 =	vld [tilespmem:$0x1FEA0]  }
0xa83: {  	s1 =	simm.s32 $0x0;
	[sflag:s21] =	ssyncset.done $0x0;
	v41 =	vld [tilespmem:$0x1FEB0];
	s0 =	sand.u32 $0x1FFFF000, s0  }
0xa84: {  	p0 =	por $0x1, $0x1;
	v32 =	vld [tilespmem:$0x1FEC0];
	[sflag:s21] =	ssyncadd.s32 $0xFFFF8000;
	s0 =	sadd.s32 s2, s0  }
.LBB2_7:
0xa85: {  	s6 =	sshll.u32 s1, $0xE  }
0xa86: {  	s28 =	sshll.u32 s1, $0xB;
	s6 =	sand.u32 $0x3FFFC000, s6  }
0xa87: {  	s1 =	sadd.s32 s28, s0;
	s7 =	sadd.s32 $0xC200, s6  }
0xa88: {  	[hbm4b:s1+s18] =	stream.strided.scatter [tilespmem:s7], [sflag:$0x4], $0x400, s20, s18, $0x38;
	[tilespmem:$0x1C200] =	vst v63  }
0xa89: {  	s29 =	sadd.s32 $0xC600, s6;
	s15 =	sadd.s32 $0x10, s1  }
0xa8a: {  	[hbm4b:s15+s18] =	stream.strided.scatter [tilespmem:s29], [sflag:$0x4], $0x400, s20, s18, $0x38;
	[tilespmem:$0x1C200] =	vst v63  }
0xa8b: {  	s30 =	sadd.s32 $0xCA00, s6;
	s31 =	sadd.s32 $0x20, s1  }
0xa8c: {  	[hbm4b:s31+s18] =	stream.strided.scatter [tilespmem:s30], [sflag:$0x4], $0x400, s20, s18, $0x38;
	[tilespmem:$0x1C200] =	vst v63  }
0xa8d: {  	s23 =	sadd.s32 $0xCE00, s6;
	s24 =	sadd.s32 $0x30, s1  }
0xa8e: {  	[hbm4b:s24+s18] =	stream.strided.scatter [tilespmem:s23], [sflag:$0x4], $0x400, s20, s18, $0x38;
	[tilespmem:$0x1C200] =	vst v63  }
0xa8f: {  	s25 =	sadd.s32 $0xD200, s6;
	s26 =	sadd.s32 $0x40, s1  }
0xa90: {  	[hbm4b:s26+s18] =	stream.strided.scatter [tilespmem:s25], [sflag:$0x4], $0x400, s20, s18, $0x38;
	[tilespmem:$0x1C200] =	vst v63  }
0xa91: {  	s28 =	sadd.s32 $0xD600, s6;
	s29 =	sadd.s32 $0x50, s1  }
0xa92: {  	[hbm4b:s29+s18] =	stream.strided.scatter [tilespmem:s28], [sflag:$0x4], $0x400, s20, s18, $0x38;
	[tilespmem:$0x1C200] =	vst v63  }
0xa93: {  	s30 =	sadd.s32 $0xDA00, s6;
	s31 =	sadd.s32 $0x60, s1  }
0xa94: {  	[hbm4b:s31+s18] =	stream.strided.scatter [tilespmem:s30], [sflag:$0x4], $0x400, s20, s18, $0x38;
	[tilespmem:$0x1C200] =	vst v63  }
0xa95: {  	s23 =	sadd.s32 $0xDE00, s6;
	s24 =	sadd.s32 $0x70, s1  }
0xa96: {  	[hbm4b:s24+s18] =	stream.strided.scatter [tilespmem:s23], [sflag:$0x4], $0x400, s20, s18, $0x38;
	[tilespmem:$0x1C200] =	vst v63  }
0xa97: {  	s25 =	sadd.s32 $0xE200, s6;
	s26 =	sadd.s32 $0x80, s1  }
0xa98: {  	[hbm4b:s26+s18] =	stream.strided.scatter [tilespmem:s25], [sflag:$0x4], $0x400, s20, s18, $0x38;
	[tilespmem:$0x1C200] =	vst v63  }
0xa99: {  	s28 =	sadd.s32 $0xE600, s6;
	s29 =	sadd.s32 $0x90, s1  }
0xa9a: {  	[hbm4b:s29+s18] =	stream.strided.scatter [tilespmem:s28], [sflag:$0x4], $0x400, s20, s18, $0x38;
	[tilespmem:$0x1C200] =	vst v63  }
0xa9b: {  	s30 =	sadd.s32 $0xEA00, s6;
	s31 =	sadd.s32 $0xA0, s1  }
0xa9c: {  	[hbm4b:s31+s18] =	stream.strided.scatter [tilespmem:s30], [sflag:$0x4], $0x400, s20, s18, $0x38;
	[tilespmem:$0x1C200] =	vst v63  }
0xa9d: {  	s23 =	sadd.s32 $0xEE00, s6;
	s24 =	sadd.s32 $0xB0, s1  }
0xa9e: {  	[hbm4b:s24+s18] =	stream.strided.scatter [tilespmem:s23], [sflag:$0x4], $0x400, s20, s18, $0x38;
	[tilespmem:$0x1C200] =	vst v63  }
0xa9f: {  	s25 =	sadd.s32 $0xF200, s6;
	s26 =	sadd.s32 $0xC0, s1  }
0xaa0: {  	[hbm4b:s26+s18] =	stream.strided.scatter [tilespmem:s25], [sflag:$0x4], $0x400, s20, s18, $0x38;
	[tilespmem:$0x1C200] =	vst v63  }
0xaa1: {  	p1 =	por p0, p0;
	s28 =	sadd.s32 $0xF600, s6;
	s29 =	sadd.s32 $0xD0, s1  }
0xaa2: {  	[hbm4b:s29+s18] =	stream.strided.scatter [tilespmem:s28], [sflag:$0x4], $0x400, s20, s18, $0x38;
	[tilespmem:$0x1C200] =	vst v63  }
.Ltmp2:
0xaa3: {  	s30 =	sadd.s32 $0xFA00, s6;
	s31 =	sadd.s32 $0xE0, s1;
	(pc) =	sbr.rel @p1 .LBB2_7-.Ltmp2, $4  }
0xaa4: {  	[hbm4b:s31+s18] =	stream.strided.scatter [tilespmem:s30], [sflag:$0x4], $0x400, s20, s18, $0x38;
	[tilespmem:$0x1C200] =	vst v63  }
0xaa5: {  	s6 =	sadd.s32 $0xFE00, s6;
	s1 =	sadd.s32 $0xF0, s1  }
0xaa6: {  	[hbm4b:s1+s18] =	stream.strided.scatter [tilespmem:s6], [sflag:$0x4], $0x400, s20, s18, $0x38;
	[tilespmem:$0x1C200] =	vst v63  }
0xaa7: {  	p0 =	por $0x0, $0x0;
	s1 =	simm.s32 $0x1  }
0xaa8: {  	s22 =	sadd.s32 $0x1, s22  }
0xaa9: {  	p0 =	sne.s32 s22, $0xA  }
.Ltmp3:
0xaaa: {  	_ = 	snop;
	(pc) =	sbr.rel @p0 .LBB2_2-.Ltmp3, $3  }
0xaab: {  	_ =	sdelay $0x1  }
0xaac: {  	v31 =	vld [tilespmem:$0x1FD40]  }
0xaad: {  	v25 =	vld [tilespmem:$0x1FD50]  }
0xaae: {  	s15 =	simm.s32 $0x3  }
0xaaf: {  	_ =	swait.ge [sflag:s15], $0x8000  }
0xab0: {  	[sflag:s15] =	ssyncset.done $0x0  }
0xab1: {  	v2 =	vld [tilespmem:$0x1FC80];
	[sflag:s15] =	ssyncadd.s32 $0xFFFF8000  }
0xab2: {  	v0 =	vld [tilespmem:$0x1E0];
	_ =	sdelay $0x3  }
0xab3: {  	v3 =	vld [tilespmem:$0x1FC90]  }
0xab4: {  	v1 =	vadd.s32 v2, v0  }
0xab5: {  	v4 =	vld [tilespmem:$0x1FCA0];
	v1 =	vshll.u32 v1, $0x4  }
0xab6: {  	v0 =	vand.u32 $0x7, v0;
	v1 =	vand.u32 $0xFFFFFF80, v1  }
0xab7: {  	v0 =	vor.u32 v0, v1  }
0xab8: {  	v1 =	vperm.xlane v0, v3;
	_ =	sdelay $0x1  }
0xab9: {  	v1 =	vadd.s32 v4, v1;
	_ =	sdelay $0x3  }
0xaba: {  	s0 =	simm.s32 $0x0;
	s1 =	simm.s32 $0x4200  }
0xabb: {  	[tilespmem:s1], [sflag:$0x1] =	stream.indirect_vreg.gather [hbm4b:s4+s0], $0x80, v1, vm0, $0xb8;
	[tilespmem:$0x1C200] =	vst v63  }
0xabc: {  	s7 =	simm.s32 $0x4A00  }
0xabd: {  	[tilespmem:s7], [sflag:$0x1] =	stream.indirect_vreg.gather [hbm4b:s8+s0], $0x80, v1, vm0, $0xb8;
	[tilespmem:$0x1C200] =	vst v63  }
0xabe: {  	s22 =	simm.s32 $0x5200  }
0xabf: {  	v5 =	vld [tilespmem:$0x1FCB0];
	[tilespmem:s22], [sflag:$0x1] =	stream.indirect_vreg.gather [hbm4b:s9+s0], $0x80, v1, vm0, $0xb8  }
0xac0: {  	s23 =	simm.s32 $0x5A00  }
0xac1: {  	[tilespmem:s23], [sflag:$0x1] =	stream.indirect_vreg.gather [hbm4b:s10+s0], $0x80, v1, vm0, $0xb8;
	[tilespmem:$0x1C200] =	vst v63  }
0xac2: {  	s24 =	simm.s32 $0x6200  }
0xac3: {  	[tilespmem:s24], [sflag:$0x1] =	stream.indirect_vreg.gather [hbm4b:s11+s0], $0x80, v1, vm0, $0xb8;
	[tilespmem:$0x1C200] =	vst v63  }
0xac4: {  	s25 =	simm.s32 $0x6A00;
	v0 =	vperm.xlane v0, v5  }
0xac5: {  	[tilespmem:s25], [sflag:$0x1] =	stream.indirect_vreg.gather [hbm4b:s12+s0], $0x80, v1, vm0, $0xb8;
	[tilespmem:$0x1C200] =	vst v63  }
0xac6: {  	s26 =	simm.s32 $0x7200;
	v0 =	vadd.s32 v4, v0  }
0xac7: {  	[tilespmem:s26], [sflag:$0x1] =	stream.indirect_vreg.gather [hbm4b:s13+s0], $0x80, v1, vm0, $0xb8;
	[tilespmem:$0x1C200] =	vst v63  }
0xac8: {  	s28 =	simm.s32 $0x7A00  }
0xac9: {  	[tilespmem:s28], [sflag:$0x1] =	stream.indirect_vreg.gather [hbm4b:s14+s0], $0x80, v1, vm0, $0xb8;
	[tilespmem:$0x1C200] =	vst v63  }
0xaca: {  	s29 =	simm.s32 $0x8200  }
0xacb: {  	[tilespmem:s29], [sflag:$0x1] =	stream.indirect_vreg.gather [hbm4b:s4+s0], $0x80, v0, vm0, $0xb8;
	[tilespmem:$0x1C200] =	vst v63  }
0xacc: {  	s30 =	simm.s32 $0x8A00  }
0xacd: {  	[tilespmem:s30], [sflag:$0x1] =	stream.indirect_vreg.gather [hbm4b:s8+s0], $0x80, v0, vm0, $0xb8;
	[tilespmem:$0x1C200] =	vst v63  }
0xace: {  	s31 =	simm.s32 $0x9200  }
0xacf: {  	[tilespmem:s31], [sflag:$0x1] =	stream.indirect_vreg.gather [hbm4b:s9+s0], $0x80, v0, vm0, $0xb8;
	[tilespmem:$0x1C200] =	vst v63  }
0xad0: {  	s6 =	simm.s32 $0x9A00  }
0xad1: {  	[tilespmem:s6], [sflag:$0x1] =	stream.indirect_vreg.gather [hbm4b:s10+s0], $0x80, v0, vm0, $0xb8;
	[tilespmem:$0x1C200] =	vst v63  }
0xad2: {  	s7 =	simm.s32 $0xA200  }
0xad3: {  	[tilespmem:s7], [sflag:$0x1] =	stream.indirect_vreg.gather [hbm4b:s11+s0], $0x80, v0, vm0, $0xb8;
	[tilespmem:$0x1C200] =	vst v63  }
0xad4: {  	s22 =	simm.s32 $0xAA00  }
0xad5: {  	[tilespmem:s22], [sflag:$0x1] =	stream.indirect_vreg.gather [hbm4b:s12+s0], $0x80, v0, vm0, $0xb8;
	[tilespmem:$0x1C200] =	vst v63  }
0xad6: {  	s23 =	simm.s32 $0xB200  }
0xad7: {  	[tilespmem:s23], [sflag:$0x1] =	stream.indirect_vreg.gather [hbm4b:s13+s0], $0x80, v0, vm0, $0xb8;
	[tilespmem:$0x1C200] =	vst v63  }
0xad8: {  	s24 =	simm.s32 $0xBA00;
	s23 =	simm.s32 $0x4  }
0xad9: {  	[tilespmem:s24], [sflag:$0x1] =	stream.indirect_vreg.gather [hbm4b:s14+s0], $0x80, v0, vm0, $0xb8;
	[tilespmem:$0x1C200] =	vst v63  }
0xada: {  	_ =	swait.ge [sflag:s23], $0x8000  }
0xadb: {  	[sflag:s23] =	ssyncset.done $0x0  }
0xadc: {  	[sflag:s23] =	ssyncadd.s32 $0xFFFF8000  }
0xadd: {  	v60 =	vld [tilespmem:$0x1F0];
	_ =	sdelay $0x4  }
0xade: {  	v63 =	vadd.s32 v2, v60  }
0xadf: {  	v1 =	vshll.u32 v63, $0x4  }
0xae0: {  	v0 =	vand.u32 $0x7, v60;
	v1 =	vand.u32 $0xFFFFFF80, v1  }
0xae1: {  	v0 =	vor.u32 v0, v1  }
0xae2: {  	v1 =	vperm.xlane v0, v3;
	_ =	sdelay $0x1  }
0xae3: {  	v1 =	vadd.s32 v4, v1;
	_ =	sdelay $0x3  }
0xae4: {  	s25 =	simm.s32 $0xC200  }
0xae5: {  	[tilespmem:s25], [sflag:$0x2] =	stream.indirect_vreg.gather [hbm4b:s4+s0], $0x80, v1, vm0, $0xb8;
	[tilespmem:$0x1C200] =	vst v63  }
0xae6: {  	s26 =	simm.s32 $0xCA00  }
0xae7: {  	[tilespmem:s26], [sflag:$0x2] =	stream.indirect_vreg.gather [hbm4b:s8+s0], $0x80, v1, vm0, $0xb8;
	[tilespmem:$0x1C200] =	vst v63  }
0xae8: {  	s28 =	simm.s32 $0xD200  }
0xae9: {  	[tilespmem:s28], [sflag:$0x2] =	stream.indirect_vreg.gather [hbm4b:s9+s0], $0x80, v1, vm0, $0xb8;
	[tilespmem:$0x1C200] =	vst v63  }
0xaea: {  	s29 =	simm.s32 $0xDA00  }
0xaeb: {  	[tilespmem:s29], [sflag:$0x2] =	stream.indirect_vreg.gather [hbm4b:s10+s0], $0x80, v1, vm0, $0xb8;
	[tilespmem:$0x1C200] =	vst v63  }
0xaec: {  	s30 =	simm.s32 $0xE200  }
0xaed: {  	[tilespmem:s30], [sflag:$0x2] =	stream.indirect_vreg.gather [hbm4b:s11+s0], $0x80, v1, vm0, $0xb8;
	[tilespmem:$0x1C200] =	vst v63  }
0xaee: {  	s31 =	simm.s32 $0xEA00;
	v0 =	vperm.xlane v0, v5  }
0xaef: {  	[tilespmem:s31], [sflag:$0x2] =	stream.indirect_vreg.gather [hbm4b:s12+s0], $0x80, v1, vm0, $0xb8;
	[tilespmem:$0x1C200] =	vst v63  }
0xaf0: {  	s6 =	simm.s32 $0xF200;
	v0 =	vadd.s32 v4, v0  }
0xaf1: {  	[tilespmem:s6], [sflag:$0x2] =	stream.indirect_vreg.gather [hbm4b:s13+s0], $0x80, v1, vm0, $0xb8;
	[tilespmem:$0x1C200] =	vst v63  }
0xaf2: {  	s7 =	simm.s32 $0xFA00  }
0xaf3: {  	[tilespmem:s7], [sflag:$0x2] =	stream.indirect_vreg.gather [hbm4b:s14+s0], $0x80, v1, vm0, $0xb8;
	[tilespmem:$0x1C200] =	vst v63  }
0xaf4: {  	s22 =	simm.s32 $0x10200  }
0xaf5: {  	[tilespmem:s22], [sflag:$0x2] =	stream.indirect_vreg.gather [hbm4b:s4+s0], $0x80, v0, vm0, $0xb8;
	[tilespmem:$0x1C200] =	vst v63  }
0xaf6: {  	s24 =	simm.s32 $0x10A00  }
0xaf7: {  	[tilespmem:s24], [sflag:$0x2] =	stream.indirect_vreg.gather [hbm4b:s8+s0], $0x80, v0, vm0, $0xb8;
	[tilespmem:$0x1C200] =	vst v63  }
0xaf8: {  	s25 =	simm.s32 $0x11200  }
0xaf9: {  	[tilespmem:s25], [sflag:$0x2] =	stream.indirect_vreg.gather [hbm4b:s9+s0], $0x80, v0, vm0, $0xb8;
	[tilespmem:$0x1C200] =	vst v63  }
0xafa: {  	s26 =	simm.s32 $0x11A00  }
0xafb: {  	[tilespmem:s26], [sflag:$0x2] =	stream.indirect_vreg.gather [hbm4b:s10+s0], $0x80, v0, vm0, $0xb8;
	[tilespmem:$0x1C200] =	vst v63  }
0xafc: {  	s28 =	simm.s32 $0x12200  }
0xafd: {  	[tilespmem:s28], [sflag:$0x2] =	stream.indirect_vreg.gather [hbm4b:s11+s0], $0x80, v0, vm0, $0xb8;
	[tilespmem:$0x1C200] =	vst v63  }
0xafe: {  	s29 =	simm.s32 $0x12A00  }
0xaff: {  	[tilespmem:s29], [sflag:$0x2] =	stream.indirect_vreg.gather [hbm4b:s12+s0], $0x80, v0, vm0, $0xb8;
	[tilespmem:$0x1C200] =	vst v63  }
0xb00: {  	s30 =	simm.s32 $0x13200  }
0xb01: {  	[tilespmem:s30], [sflag:$0x2] =	stream.indirect_vreg.gather [hbm4b:s13+s0], $0x80, v0, vm0, $0xb8;
	[tilespmem:$0x1C200] =	vst v63  }
0xb02: {  	s31 =	simm.s32 $0x13A00  }
0xb03: {  	[tilespmem:s31], [sflag:$0x2] =	stream.indirect_vreg.gather [hbm4b:s14+s0], $0x80, v0, vm0, $0xb8;
	[tilespmem:$0x1C200] =	vst v63  }
0xb04: {  	_ =	swait.ge [sflag:s17], $0x8000  }
0xb05: {  	[sflag:s17] =	ssyncset.done $0x0  }
0xb06: {  	p0 =	por $0x1, $0x1;
	s22 =	rddreg [dreg:$0x6];
	[sflag:s17] =	ssyncadd.s32 $0xFFFF8000  }
.LBB2_10:
0xb07: {  	s1 =	sshll.u32 s0, $0xE  }
0xb08: {  	s28 =	sshll.u32 s0, $0xB;
	s1 =	sand.u32 $0x3FFFC000, s1  }
0xb09: {  	s0 =	sadd.s32 s28, s22;
	s6 =	sadd.s32 $0x4200, s1  }
0xb0a: {  	[hbm4b:s0+s18] =	stream.strided.scatter [tilespmem:s6], [sflag:$0x3], $0x400, s20, s18, $0x38;
	[tilespmem:$0x1C200] =	vst v63  }
0xb0b: {  	s29 =	sadd.s32 $0x4600, s1;
	s7 =	sadd.s32 $0x10, s0  }
0xb0c: {  	[hbm4b:s7+s18] =	stream.strided.scatter [tilespmem:s29], [sflag:$0x3], $0x400, s20, s18, $0x38;
	[tilespmem:$0x1C200] =	vst v63  }
0xb0d: {  	s30 =	sadd.s32 $0x4A00, s1;
	s31 =	sadd.s32 $0x20, s0  }
0xb0e: {  	[hbm4b:s31+s18] =	stream.strided.scatter [tilespmem:s30], [sflag:$0x3], $0x400, s20, s18, $0x38;
	[tilespmem:$0x1C200] =	vst v63  }
0xb0f: {  	s24 =	sadd.s32 $0x30, s0;
	s7 =	sadd.s32 $0x4E00, s1  }
0xb10: {  	[hbm4b:s24+s18] =	stream.strided.scatter [tilespmem:s7], [sflag:$0x3], $0x400, s20, s18, $0x38;
	[tilespmem:$0x1C200] =	vst v63  }
0xb11: {  	s25 =	sadd.s32 $0x5200, s1;
	s26 =	sadd.s32 $0x40, s0  }
0xb12: {  	[hbm4b:s26+s18] =	stream.strided.scatter [tilespmem:s25], [sflag:$0x3], $0x400, s20, s18, $0x38;
	[tilespmem:$0x1C200] =	vst v63  }
0xb13: {  	s28 =	sadd.s32 $0x5600, s1;
	s29 =	sadd.s32 $0x50, s0  }
0xb14: {  	[hbm4b:s29+s18] =	stream.strided.scatter [tilespmem:s28], [sflag:$0x3], $0x400, s20, s18, $0x38;
	[tilespmem:$0x1C200] =	vst v63  }
0xb15: {  	s30 =	sadd.s32 $0x5A00, s1;
	s31 =	sadd.s32 $0x60, s0  }
0xb16: {  	[hbm4b:s31+s18] =	stream.strided.scatter [tilespmem:s30], [sflag:$0x3], $0x400, s20, s18, $0x38;
	[tilespmem:$0x1C200] =	vst v63  }
0xb17: {  	s7 =	sadd.s32 $0x5E00, s1;
	s24 =	sadd.s32 $0x70, s0  }
0xb18: {  	[hbm4b:s24+s18] =	stream.strided.scatter [tilespmem:s7], [sflag:$0x3], $0x400, s20, s18, $0x38;
	[tilespmem:$0x1C200] =	vst v63  }
0xb19: {  	s25 =	sadd.s32 $0x6200, s1;
	s26 =	sadd.s32 $0x80, s0  }
0xb1a: {  	[hbm4b:s26+s18] =	stream.strided.scatter [tilespmem:s25], [sflag:$0x3], $0x400, s20, s18, $0x38;
	[tilespmem:$0x1C200] =	vst v63  }
0xb1b: {  	s28 =	sadd.s32 $0x6600, s1;
	s29 =	sadd.s32 $0x90, s0  }
0xb1c: {  	[hbm4b:s29+s18] =	stream.strided.scatter [tilespmem:s28], [sflag:$0x3], $0x400, s20, s18, $0x38;
	[tilespmem:$0x1C200] =	vst v63  }
0xb1d: {  	s30 =	sadd.s32 $0x6A00, s1;
	s31 =	sadd.s32 $0xA0, s0  }
0xb1e: {  	[hbm4b:s31+s18] =	stream.strided.scatter [tilespmem:s30], [sflag:$0x3], $0x400, s20, s18, $0x38;
	[tilespmem:$0x1C200] =	vst v63  }
0xb1f: {  	s7 =	sadd.s32 $0x6E00, s1;
	s24 =	sadd.s32 $0xB0, s0  }
0xb20: {  	[hbm4b:s24+s18] =	stream.strided.scatter [tilespmem:s7], [sflag:$0x3], $0x400, s20, s18, $0x38;
	[tilespmem:$0x1C200] =	vst v63  }
0xb21: {  	s25 =	sadd.s32 $0x7200, s1;
	s26 =	sadd.s32 $0xC0, s0  }
0xb22: {  	[hbm4b:s26+s18] =	stream.strided.scatter [tilespmem:s25], [sflag:$0x3], $0x400, s20, s18, $0x38;
	[tilespmem:$0x1C200] =	vst v63  }
0xb23: {  	p1 =	por p0, p0;
	s28 =	sadd.s32 $0x7600, s1;
	s29 =	sadd.s32 $0xD0, s0  }
0xb24: {  	[hbm4b:s29+s18] =	stream.strided.scatter [tilespmem:s28], [sflag:$0x3], $0x400, s20, s18, $0x38;
	[tilespmem:$0x1C200] =	vst v63  }
.Ltmp4:
0xb25: {  	s30 =	sadd.s32 $0x7A00, s1;
	s31 =	sadd.s32 $0xE0, s0;
	(pc) =	sbr.rel @p1 .LBB2_10-.Ltmp4, $4  }
0xb26: {  	[hbm4b:s31+s18] =	stream.strided.scatter [tilespmem:s30], [sflag:$0x3], $0x400, s20, s18, $0x38;
	[tilespmem:$0x1C200] =	vst v63  }
0xb27: {  	s1 =	sadd.s32 $0x7E00, s1;
	s0 =	sadd.s32 $0xF0, s0  }
0xb28: {  	[hbm4b:s0+s18] =	stream.strided.scatter [tilespmem:s1], [sflag:$0x3], $0x400, s20, s18, $0x38;
	[tilespmem:$0x1C200] =	vst v63  }
0xb29: {  	p0 =	por $0x0, $0x0;
	s0 =	simm.s32 $0x1  }
0xb2a: {  	_ =	swait.ge [sflag:s21], $0x8000  }
0xb2b: {  	[sflag:s21] =	ssyncset.done $0x0  }
0xb2c: {  	s0 =	simm.s32 $0x0;
	p0 =	por $0x1, $0x1;
	[sflag:s21] =	ssyncadd.s32 $0xFFFF8000  }
.LBB2_12:
0xb2d: {  	s1 =	sshll.u32 s0, $0xE  }
0xb2e: {  	s28 =	sshll.u32 s0, $0xB;
	s1 =	sand.u32 $0x3FFFC000, s1  }
0xb2f: {  	s0 =	sadd.s32 s28, s16;
	s6 =	sadd.s32 $0xC200, s1  }
0xb30: {  	[hbm4b:s0+s18] =	stream.strided.scatter [tilespmem:s6], [sflag:$0x4], $0x400, s20, s18, $0x38;
	[tilespmem:$0x1C200] =	vst v63  }
0xb31: {  	s29 =	sadd.s32 $0xC600, s1;
	s7 =	sadd.s32 $0x10, s0  }
0xb32: {  	[hbm4b:s7+s18] =	stream.strided.scatter [tilespmem:s29], [sflag:$0x4], $0x400, s20, s18, $0x38;
	[tilespmem:$0x1C200] =	vst v63  }
0xb33: {  	s30 =	sadd.s32 $0xCA00, s1;
	s31 =	sadd.s32 $0x20, s0  }
0xb34: {  	[hbm4b:s31+s18] =	stream.strided.scatter [tilespmem:s30], [sflag:$0x4], $0x400, s20, s18, $0x38;
	[tilespmem:$0x1C200] =	vst v63  }
0xb35: {  	s22 =	sadd.s32 $0xCE00, s1;
	s24 =	sadd.s32 $0x30, s0  }
0xb36: {  	[hbm4b:s24+s18] =	stream.strided.scatter [tilespmem:s22], [sflag:$0x4], $0x400, s20, s18, $0x38;
	[tilespmem:$0x1C200] =	vst v63  }
0xb37: {  	s25 =	sadd.s32 $0xD200, s1;
	s26 =	sadd.s32 $0x40, s0  }
0xb38: {  	[hbm4b:s26+s18] =	stream.strided.scatter [tilespmem:s25], [sflag:$0x4], $0x400, s20, s18, $0x38;
	[tilespmem:$0x1C200] =	vst v63  }
0xb39: {  	s28 =	sadd.s32 $0xD600, s1;
	s29 =	sadd.s32 $0x50, s0  }
0xb3a: {  	[hbm4b:s29+s18] =	stream.strided.scatter [tilespmem:s28], [sflag:$0x4], $0x400, s20, s18, $0x38;
	[tilespmem:$0x1C200] =	vst v63  }
0xb3b: {  	s30 =	sadd.s32 $0xDA00, s1;
	s31 =	sadd.s32 $0x60, s0  }
0xb3c: {  	[hbm4b:s31+s18] =	stream.strided.scatter [tilespmem:s30], [sflag:$0x4], $0x400, s20, s18, $0x38;
	[tilespmem:$0x1C200] =	vst v63  }
0xb3d: {  	s22 =	sadd.s32 $0xDE00, s1;
	s24 =	sadd.s32 $0x70, s0  }
0xb3e: {  	[hbm4b:s24+s18] =	stream.strided.scatter [tilespmem:s22], [sflag:$0x4], $0x400, s20, s18, $0x38;
	[tilespmem:$0x1C200] =	vst v63  }
0xb3f: {  	s25 =	sadd.s32 $0xE200, s1;
	s26 =	sadd.s32 $0x80, s0  }
0xb40: {  	[hbm4b:s26+s18] =	stream.strided.scatter [tilespmem:s25], [sflag:$0x4], $0x400, s20, s18, $0x38;
	[tilespmem:$0x1C200] =	vst v63  }
0xb41: {  	s28 =	sadd.s32 $0xE600, s1;
	s29 =	sadd.s32 $0x90, s0  }
0xb42: {  	[hbm4b:s29+s18] =	stream.strided.scatter [tilespmem:s28], [sflag:$0x4], $0x400, s20, s18, $0x38;
	[tilespmem:$0x1C200] =	vst v63  }
0xb43: {  	s30 =	sadd.s32 $0xEA00, s1;
	s31 =	sadd.s32 $0xA0, s0  }
0xb44: {  	[hbm4b:s31+s18] =	stream.strided.scatter [tilespmem:s30], [sflag:$0x4], $0x400, s20, s18, $0x38;
	[tilespmem:$0x1C200] =	vst v63  }
0xb45: {  	s22 =	sadd.s32 $0xEE00, s1;
	s24 =	sadd.s32 $0xB0, s0  }
0xb46: {  	[hbm4b:s24+s18] =	stream.strided.scatter [tilespmem:s22], [sflag:$0x4], $0x400, s20, s18, $0x38;
	[tilespmem:$0x1C200] =	vst v63  }
0xb47: {  	s25 =	sadd.s32 $0xF200, s1;
	s26 =	sadd.s32 $0xC0, s0  }
0xb48: {  	[hbm4b:s26+s18] =	stream.strided.scatter [tilespmem:s25], [sflag:$0x4], $0x400, s20, s18, $0x38;
	[tilespmem:$0x1C200] =	vst v63  }
0xb49: {  	p1 =	por p0, p0;
	s28 =	sadd.s32 $0xF600, s1;
	s29 =	sadd.s32 $0xD0, s0  }
0xb4a: {  	[hbm4b:s29+s18] =	stream.strided.scatter [tilespmem:s28], [sflag:$0x4], $0x400, s20, s18, $0x38;
	[tilespmem:$0x1C200] =	vst v63  }
.Ltmp5:
0xb4b: {  	s30 =	sadd.s32 $0xFA00, s1;
	s31 =	sadd.s32 $0xE0, s0;
	(pc) =	sbr.rel @p1 .LBB2_12-.Ltmp5, $4  }
0xb4c: {  	[hbm4b:s31+s18] =	stream.strided.scatter [tilespmem:s30], [sflag:$0x4], $0x400, s20, s18, $0x38;
	[tilespmem:$0x1C200] =	vst v63  }
0xb4d: {  	s1 =	sadd.s32 $0xFE00, s1;
	s0 =	sadd.s32 $0xF0, s0  }
0xb4e: {  	[hbm4b:s0+s18] =	stream.strided.scatter [tilespmem:s1], [sflag:$0x4], $0x400, s20, s18, $0x38;
	[tilespmem:$0x1C200] =	vst v63  }
0xb4f: {  	p0 =	por $0x0, $0x0;
	s0 =	simm.s32 $0x1  }
0xb50: {  	_ =	swait.ge [sflag:s15], $0x8000  }
0xb51: {  	[sflag:s15] =	ssyncset.done $0x0  }
0xb52: {  	[sflag:s15] =	ssyncadd.s32 $0xFFFF8000  }
0xb53: {  	_ =	swait.ge [sflag:s23], $0x8000  }
0xb54: {  	[sflag:s23] =	ssyncset.done $0x0  }
0xb55: {  	s1 =	simm.s32 $0x5;
	[sflag:s23] =	ssyncadd.s32 $0xFFFF8000  }
0xb56: {  	_ =	swait.ge [sflag:s1], $0x8000  }
0xb57: {  	s6 =	rddreg [dreg:$0x8]  }
0xb58: {  	s0 =	rddreg [dreg:$0x7];
	s6 =	sadd.s32 $0x1, s6  }
0xb59: {  	p0 =	sne.s32 s6, s0  }
.Ltmp6:
0xb5a: {  	_ = 	snop;
	(pc) =	sbr.rel @p0 .LBB2_1-.Ltmp6, $3  }
0xb5b: {  	_ =	sdelay $0x1  }
0xb5c: {  	[sflag:s1] =	ssyncset.done $0x0  }
0xb5d: {  	[sflag:s1] =	ssyncadd.s32 $0xFFFF8000  }
0xb5e: {  	_ =	sfence.sel $0x180000  }
0xb5f: {  	[bflag:$0x0] =	sbarrier.arrive $0xFFFF  }
0xb60: {  	_ =	strace $0x90000047  }
0xb61: {  	s0 =	stileid.u32;
	[bflag:$0x2] =	sbarrier.arrive $0xFFFF  }
0xb62: {  	p0 =	sne.s32 s0, $0x0;
	s0 =	rddreg [dreg:$0x3]  }
0xb63: {  	s0 =	sadd.s32 @!p0 $0x100000, s0  }
0xb64: {  	[sflag:s0] =	ssyncadd.tile.s32 @!p0 $0x1;
	_ =	shalt  }
.Lfunc_end2:
_tile_overlayer_lowered:
.L_overlay_start_2:
0xb65: {  	(tag) =	ssettag $0x2  }
0xb66: {  	s0 =	rddreg [dreg:$0x0];
	s2 =	stileid.u32  }
0xb67: {  	s1 =	rddreg [dreg:$0x1];
	p0 =	sne.s32 s2, $0x0  }
0xb68: {  	s3 =	rddreg [dreg:$0x2];
	[bflag:$0x3] =	sbarrier.arrive $0xFFFF;
	s2 =	simm.s32 @!p0 $0x1C06  }
0xb69: {  	[timem:s3], [sflag:s2] =	dma.local @!p0 [hbm:s0], s1  }
0xb6a: {  	s0 =	simm.s32 @!p0 $0x6  }
0xb6b: {  	_ =	swait.ge @!p0 [sflag:s0], s1  }
0xb6c: {  	s1 =	ssub.s32 @!p0 $0x0, s1;
	[sflag:s0] =	ssyncset.done @!p0 $0x0  }
0xb6d: {  	[sflag:s0] =	ssyncadd.s32 @!p0 s1  }
0xb6e: {  	[bflag:$0x3] =	sbarrier.arrive $0xFFFF  }
0xb6f: {  	_ =	shalt  }

</sc_bundles>
